<compile_context>
chip_gen: v7x
topology: tpu7x:2x2x1
jax: 0.10.2.dev20260603
libtpu: 0.0.44.dev20260713+nightly
codegen_flags: <defaults>
</compile_context>

<pallas_src>
import functools

import jax
import jax.numpy as jnp
from jax import lax
from jax.experimental import pallas as pl
from jax.experimental.pallas import tpu as pltpu
from jax.experimental.pallas import tpu_sc as plsc

_NC = 2
_NS = 16
_L = 16
_NW = _NC * _NS
_G = 128


def _partials_body(num_classes, rpw, yp_hbm, yt_hbm, tci_hbm, out_hbm,
                   tci_v, idx_v, yt_v, bufs, acc_v, sem0, sem1):
    c = lax.axis_index("c")
    s = lax.axis_index("s")
    wid = s * _NC + c
    ngrp = rpw // _G
    nch = ngrp * 4

    pltpu.sync_copy(tci_hbm.at[wid], tci_v)
    pltpu.sync_copy(yt_hbm.at[wid], yt_v)

    lanes = lax.iota(jnp.int32, _L)
    sems = [sem0, sem1]

    def build(i, carry):
        g = i // 8
        i8 = i % 8
        t16 = tci_v[pl.ds(i * _L, _L)]
        base16 = (((wid * num_classes + t16) * ngrp + g) * 4) * 8 + i8
        for j in range(4):
            idx_v[g * 4 + j, pl.ds(i8 * _L, _L)] = base16 + j * 8
        return carry

    lax.fori_loop(0, rpw // _L, build, 0)

    def fire(k):
        pltpu.async_copy(yp_hbm.at[idx_v.at[k]], bufs.at[k % 2],
                         sems[k % 2])

    def drain(k):
        pltpu.make_async_copy(yp_hbm.at[idx_v.at[k]], bufs.at[k % 2],
                              sems[k % 2]).wait()

    fire(0)
    lacc = jnp.zeros((_L,), jnp.float32)
    cacc = jnp.zeros((_L,), jnp.float32)
    for k in range(nch):
        if k + 1 < nch:
            fire(k + 1)
        drain(k)
        buf = bufs.at[k % 2]
        g, j = k // 4, k % 4

        def step(i, carry, g=g, j=j, buf=buf):
            la, ca = carry
            r16 = i * _L + lanes
            pb16 = plsc.load_gather(buf, [r16, lanes])
            tb16 = yt_v[j, pl.ds(g * _G + i * _L, _L)]
            t16 = tci_v[pl.ds(g * _G + i * _L, _L)]
            diff = jnp.abs(tb16 - pb16)
            loss = jnp.where(diff < 1.0, 0.5 * diff * diff, diff - 0.5)
            m = t16 > 0
            la = la + jnp.where(m, loss, 0.0)
            ca = ca + jnp.where(m, 1.0, 0.0)
            return la, ca

        lacc, cacc = lax.fori_loop(0, _G // _L, step, (lacc, cacc))

    acc_v[0, :] = lacc
    acc_v[1, :] = cacc
    pltpu.sync_copy(acc_v, out_hbm.at[wid])


def _reduce_body(parts_hbm, out_hbm, parts_v, res_v):
    c = lax.axis_index("c")
    s = lax.axis_index("s")

    @pl.when(jnp.logical_and(s == 0, c == 0))
    def _():
        pltpu.sync_copy(parts_hbm, parts_v)
        zero = jnp.zeros((_L,), jnp.float32)

        def red(i, carry):
            ls, cs = carry
            return ls + parts_v[i, 0, :], cs + parts_v[i, 1, :]

        ls, cs = lax.fori_loop(0, _NW, red, (zero, zero))
        tv = zero + jnp.sum(ls)
        cv = zero + jnp.sum(cs)
        mean = tv / jnp.maximum(cv, 1.0)
        res_v[:] = jnp.where(cv > 0.0, mean, zero)
        pltpu.sync_copy(res_v, out_hbm)


@functools.partial(jax.jit, static_argnums=(3, 4))
def _sc_loss(yp, yt, tci, num_rows, num_classes):
    rpw = num_rows // _NW
    mesh = plsc.VectorSubcoreMesh(
        core_axis_name="c", subcore_axis_name="s",
        num_cores=_NC, num_subcores=_NS)
    cp = pltpu.CompilerParams(
        needs_layout_passes=False, use_tc_tiling_on_sc=False)
    parts = pl.kernel(
        functools.partial(_partials_body, num_classes, rpw),
        out_type=jax.ShapeDtypeStruct((_NW, 2, _L), jnp.float32),
        mesh=mesh,
        compiler_params=cp,
        scratch_types=[
            pltpu.VMEM((rpw,), jnp.int32),
            pltpu.VMEM((rpw // _G * 4, _G), jnp.int32),
            pltpu.VMEM((4, rpw), jnp.float32),
            pltpu.VMEM((2, _G, _L), jnp.float32),
            pltpu.VMEM((2, _L), jnp.float32),
            pltpu.SemaphoreType.DMA,
            pltpu.SemaphoreType.DMA,
        ],
    )(yp, yt, tci)
    res = pl.kernel(
        _reduce_body,
        out_type=jax.ShapeDtypeStruct((_L,), jnp.float32),
        mesh=mesh,
        compiler_params=cp,
        scratch_types=[
            pltpu.VMEM((_NW, 2, _L), jnp.float32),
            pltpu.VMEM((_L,), jnp.float32),
        ],
    )(parts)
    return res[0]


def kernel(y_true, y_pred, target_class_ids):
    B, R, C, _ = y_pred.shape
    N = B * R
    yp = (y_pred.reshape(B, R // 128, 128, C, 4)
          .transpose(0, 3, 1, 4, 2)
          .reshape(B * C * (R // 128) * 4 * 8, 16))
    yt = y_true.transpose(0, 2, 1)
    return _sc_loss(yp, yt, target_class_ids, N, C)

# --- scband reference (transcript-rebuilt; emitter-appended) ---
"""Pipeline reference for scband-bbox-loss-62577673503900 (READ-ONLY COPY).

The authoritative reference and input builder live on the scoring server;
editing this copy changes nothing except your own understanding.
"""

import jax, jax.numpy as jnp
import numpy as np


def setup_inputs(seed: int = 0) -> dict:
    key = jax.random.key(seed)
    k1, k2, k3 = jax.random.split(key, 3)
    B, R, C = 32, 1024, 91
    y_true = jax.random.normal(k1, (B, R, 4), dtype=jnp.float32)
    y_pred = jax.random.normal(k2, (B, R, C, 4), dtype=jnp.float32)
    target_class_ids = jax.random.randint(k3, (B, R), 0, C, dtype=jnp.int32)
    return {"y_true": y_true, "y_pred": y_pred, "target_class_ids": target_class_ids}


def reference(y_true, y_pred, target_class_ids):
    # Flatten as in the Keras layer
    tci = target_class_ids.reshape(-1)
    target_boxes = y_true.reshape(-1, 4)
    num_classes = y_pred.shape[2]
    predicted_boxes = y_pred.reshape(-1, num_classes, 4)
    # positive ROI selection (fixed-shape masked equivalent)
    mask = tci > 0
    rows = jnp.arange(tci.shape[0])
    tb = target_boxes
    pb = predicted_boxes[rows, tci]  # gather_nd equivalent
    # smooth L1
    diff = jnp.abs(tb - pb)
    less_than_one = (diff < 1.0).astype(jnp.float32)
    loss = less_than_one * 0.5 * diff ** 2 + (1.0 - less_than_one) * (diff - 0.5)
    loss = jnp.where(mask[:, None], loss, 0.0)
    count = jnp.sum(mask.astype(jnp.float32))
    total = jnp.sum(loss)
    mean = total / jnp.maximum(count * 4.0, 1.0)
    return jnp.where(count > 0, mean, jnp.zeros((), dtype=jnp.float32))

if __name__ == "__main__":
    import jax
    _d = setup_inputs()
    print(jax.jit(kernel)(*tuple(_d.values())))

</pallas_src>

<mosaic_0001>
#map = affine_map<(d0, d1) -> (0, 0, 0)>
#map1 = affine_map<(d0, d1) -> (0)>
module attributes {stable_mosaic.version = 14 : i64} {
  func.func @_reduce_body(%arg0: i32, %arg1: i32, %arg2: memref<32x2x16xf32, #tpu.memory_space<hbm>>, %arg3: memref<16xf32, #tpu.memory_space<hbm>>, %arg4: memref<32x2x16xf32, #tpu.memory_space<vmem>>, %arg5: memref<16xf32, #tpu.memory_space<vmem>>) attributes {dimension_semantics = [#tpu.dimension_semantics<core_parallel>, #tpu.dimension_semantics<subcore_parallel>], iteration_bounds = array<i64: 2, 16>, scalar_prefetch = 0 : i64, scratch_operands = 2 : i64, tpu.core_type = #tpu.core_type<sc_vector_subcore>, window_params = [{transform_indices = #map}, {transform_indices = #map1}]} {
    %eq3A = arith.constant 0 : i32
    %eq3A_0 = arith.cmpi eq, %arg1, %eq3A : i32
    %eq3A_1 = arith.constant 0 : i32
    %eq3A_2 = arith.cmpi eq, %arg0, %eq3A_1 : i32
    %and3A = arith.andi %eq3A_0, %eq3A_2 : i1
    %convert_element_type3A = arith.extui %and3A : i1 to i32
    %cond3A = arith.constant 0 : i32
    %cond3A_3 = arith.cmpi ne, %convert_element_type3A, %cond3A : i32
    scf.if %cond3A_3 {
      "tpu.region"() ({
        %run_scoped3A = tpu.sem_alloc : memref<!tpu.dma_semaphore, #tpu.memory_space<semaphore_mem>>
        tpu.enqueue_dma source(%arg2 : memref<32x2x16xf32, #tpu.memory_space<hbm>>) target(%arg4 : memref<32x2x16xf32, #tpu.memory_space<vmem>>) target_semaphore(%run_scoped3A : memref<!tpu.dma_semaphore, #tpu.memory_space<semaphore_mem>>)
        tpu.wait_dma2 semaphore(%run_scoped3A : memref<!tpu.dma_semaphore, #tpu.memory_space<semaphore_mem>>) src(%arg2 : memref<32x2x16xf32, #tpu.memory_space<hbm>>) dst(%arg4 : memref<32x2x16xf32, #tpu.memory_space<vmem>>)
        tpu.yield
      }) : () -> ()
      %broadcast_in_dim3A = arith.constant 0.000000e+00 : f32
      %broadcast_in_dim3A_4 = vector.broadcast %broadcast_in_dim3A : f32 to vector<16xf32>
      %scan3A = arith.constant 0 : i32
      %scan3A_5 = arith.constant 32 : i32
      %scan3A_6 = arith.addi %scan3A, %scan3A_5 : i32
      %scan3A_7 = arith.constant 1 : i32
      %scan3A_8:2 = scf.for %scan3A_25 = %scan3A to %scan3A_6 step %scan3A_7 iter_args(%scan3A_26 = %broadcast_in_dim3A_4, %scan3A_27 = %broadcast_in_dim3A_4) -> (vector<16xf32>, vector<16xf32>)  : i32 {
        %get3A = arith.constant 0 : i32
        %get3A_28 = arith.index_cast %scan3A_25 : i32 to index
        %get3A_29 = arith.index_cast %get3A : i32 to index
        %get3A_30 = arith.constant 0 : index
        %get3A_31 = tpu.vector_load %arg4[%get3A_28, %get3A_29, %get3A_30] {strides = array<i32>} : memref<32x2x16xf32, #tpu.memory_space<vmem>>, vector<16xf32>,
        %add3A_32 = arith.addf %scan3A_26, %get3A_31 : vector<16xf32>
        %get3A_33 = arith.constant 1 : i32
        %get3A_34 = arith.index_cast %scan3A_25 : i32 to index
        %get3A_35 = arith.index_cast %get3A_33 : i32 to index
        %get3A_36 = arith.constant 0 : index
        %get3A_37 = tpu.vector_load %arg4[%get3A_34, %get3A_35, %get3A_36] {strides = array<i32>} : memref<32x2x16xf32, #tpu.memory_space<vmem>>, vector<16xf32>,
        %add3A_38 = arith.addf %scan3A_27, %get3A_37 : vector<16xf32>
        scf.yield %add3A_32, %add3A_38 : vector<16xf32>, vector<16xf32>
      }
      %scan3A_9 = arith.constant 32 : i32
      %reduce_sum3A = arith.constant true
      %reduce_sum3A_10 = vector.broadcast %reduce_sum3A : i1 to vector<16xi1>
      %reduce_sum3A_11 = tpu.scan <sum>, %scan3A_8#0 masked %reduce_sum3A_10 : vector<16xf32>, vector<16xi1> -> vector<16xf32>
      %reduce_sum3A_12 = vector.extract %reduce_sum3A_11[15] : f32 from vector<16xf32>
      %add3A = vector.broadcast %reduce_sum3A_12 : f32 to vector<16xf32>
      %add3A_13 = arith.addf %broadcast_in_dim3A_4, %add3A : vector<16xf32>
      %reduce_sum3A_14 = arith.constant true
      %reduce_sum3A_15 = vector.broadcast %reduce_sum3A_14 : i1 to vector<16xi1>
      %reduce_sum3A_16 = tpu.scan <sum>, %scan3A_8#1 masked %reduce_sum3A_15 : vector<16xf32>, vector<16xi1> -> vector<16xf32>
      %reduce_sum3A_17 = vector.extract %reduce_sum3A_16[15] : f32 from vector<16xf32>
      %add3A_18 = vector.broadcast %reduce_sum3A_17 : f32 to vector<16xf32>
      %add3A_19 = arith.addf %broadcast_in_dim3A_4, %add3A_18 : vector<16xf32>
      %max3A = arith.constant 1.000000e+00 : f32
      %max3A_20 = vector.broadcast %max3A : f32 to vector<16xf32>
      %max3A_21 = arith.maximumf %add3A_19, %max3A_20 : vector<16xf32>
      %div3A = arith.divf %add3A_13, %max3A_21 : vector<16xf32>
      %gt3A = arith.constant 0.000000e+00 : f32
      %gt3A_22 = vector.broadcast %gt3A : f32 to vector<16xf32>
      %gt3A_23 = arith.cmpf ogt, %add3A_19, %gt3A_22 : vector<16xf32>
      %select_n3A = arith.select %gt3A_23, %div3A, %broadcast_in_dim3A_4 : vector<16xi1>, vector<16xf32>
      %swap3A = arith.constant 0 : index
      %swap3A_24 = tpu.vector_load %arg5[%swap3A] {strides = array<i32>} : memref<16xf32, #tpu.memory_space<vmem>>, vector<16xf32>,
      tpu.vector_store %arg5[%swap3A], %select_n3A {strides = array<i32>} : memref<16xf32, #tpu.memory_space<vmem>>, vector<16xf32>,
      "tpu.region"() ({
        %run_scoped3A = tpu.sem_alloc : memref<!tpu.dma_semaphore, #tpu.memory_space<semaphore_mem>>
        tpu.enqueue_dma source(%arg5 : memref<16xf32, #tpu.memory_space<vmem>>) target(%arg3 : memref<16xf32, #tpu.memory_space<hbm>>) target_semaphore(%run_scoped3A : memref<!tpu.dma_semaphore, #tpu.memory_space<semaphore_mem>>)
        tpu.wait_dma2 semaphore(%run_scoped3A : memref<!tpu.dma_semaphore, #tpu.memory_space<semaphore_mem>>) src(%arg5 : memref<16xf32, #tpu.memory_space<vmem>>) dst(%arg3 : memref<16xf32, #tpu.memory_space<hbm>>)
        tpu.yield
      }) : () -> ()
    } else {
    }
    return
  }
}

#map = affine_map<(d0, d1) -> (0, 0)>
#map1 = affine_map<(d0, d1) -> (0, 0, 0)>
module attributes {stable_mosaic.version = 14 : i64} {
  func.func @_partials_body(%arg0: i32, %arg1: i32, %arg2: memref<745472x16xf32, #tpu.memory_space<hbm>>, %arg3: memref<32x4x1024xf32, #tpu.memory_space<hbm>>, %arg4: memref<32x1024xi32, #tpu.memory_space<hbm>>, %arg5: memref<32x2x16xf32, #tpu.memory_space<hbm>>, %arg6: memref<1024xi32, #tpu.memory_space<vmem>>, %arg7: memref<32x128xi32, #tpu.memory_space<vmem>>, %arg8: memref<4x1024xf32, #tpu.memory_space<vmem>>, %arg9: memref<2x128x16xf32, #tpu.memory_space<vmem>>, %arg10: memref<2x16xf32, #tpu.memory_space<vmem>>, %arg11: memref<!tpu.dma_semaphore, #tpu.memory_space<semaphore_mem>>, %arg12: memref<!tpu.dma_semaphore, #tpu.memory_space<semaphore_mem>>) attributes {dimension_semantics = [#tpu.dimension_semantics<core_parallel>, #tpu.dimension_semantics<subcore_parallel>], iteration_bounds = array<i64: 2, 16>, scalar_prefetch = 0 : i64, scratch_operands = 7 : i64, tpu.core_type = #tpu.core_type<sc_vector_subcore>, window_params = [{transform_indices = #map}, {transform_indices = #map1}, {transform_indices = #map}, {transform_indices = #map1}]} {
    %mul3A = arith.constant 2 : i32
    %mul3A_0 = arith.muli %arg1, %mul3A : i32
    %add3A = arith.addi %mul3A_0, %arg0 : i32
    "tpu.region"() ({
      %run_scoped3A = tpu.sem_alloc : memref<!tpu.dma_semaphore, #tpu.memory_space<semaphore_mem>>
      %dma_start3A_1006 = arith.constant 0 : i32
      %dma_start3A_1007 = tpu.memref_slice %arg4[%add3A, %dma_start3A_1006] : memref<32x1024xi32, #tpu.memory_space<hbm>> -> memref<1x1024xi32, #tpu.memory_space<hbm>>
      %dma_start3A_1008 = tpu.memref_squeeze %dma_start3A_1007 : memref<1x1024xi32, #tpu.memory_space<hbm>> -> memref<1024xi32, #tpu.memory_space<hbm>>
      %dma_start3A_1009 = arith.constant 0 : i32
      %dma_start3A_1010 = tpu.memref_slice %arg4[%add3A, %dma_start3A_1009] : memref<32x1024xi32, #tpu.memory_space<hbm>> -> memref<1x1024xi32, #tpu.memory_space<hbm>>
      %dma_start3A_1011 = tpu.memref_squeeze %dma_start3A_1010 : memref<1x1024xi32, #tpu.memory_space<hbm>> -> memref<1024xi32, #tpu.memory_space<hbm>>
      tpu.enqueue_dma source(%dma_start3A_1011 : memref<1024xi32, #tpu.memory_space<hbm>>) target(%arg6 : memref<1024xi32, #tpu.memory_space<vmem>>) target_semaphore(%run_scoped3A : memref<!tpu.dma_semaphore, #tpu.memory_space<semaphore_mem>>)
      %dma_wait3A_1012 = arith.constant 0 : i32
      %dma_wait3A_1013 = tpu.memref_slice %arg4[%add3A, %dma_wait3A_1012] : memref<32x1024xi32, #tpu.memory_space<hbm>> -> memref<1x1024xi32, #tpu.memory_space<hbm>>
      %dma_wait3A_1014 = tpu.memref_squeeze %dma_wait3A_1013 : memref<1x1024xi32, #tpu.memory_space<hbm>> -> memref<1024xi32, #tpu.memory_space<hbm>>
      %dma_wait3A_1015 = arith.constant 0 : i32
      %dma_wait3A_1016 = tpu.memref_slice %arg4[%add3A, %dma_wait3A_1015] : memref<32x1024xi32, #tpu.memory_space<hbm>> -> memref<1x1024xi32, #tpu.memory_space<hbm>>
      %dma_wait3A_1017 = tpu.memref_squeeze %dma_wait3A_1016 : memref<1x1024xi32, #tpu.memory_space<hbm>> -> memref<1024xi32, #tpu.memory_space<hbm>>
      tpu.wait_dma2 semaphore(%run_scoped3A : memref<!tpu.dma_semaphore, #tpu.memory_space<semaphore_mem>>) src(%dma_wait3A_1017 : memref<1024xi32, #tpu.memory_space<hbm>>) dst(%arg6 : memref<1024xi32, #tpu.memory_space<vmem>>)
      tpu.yield
    }) : () -> ()
    "tpu.region"() ({
      %run_scoped3A = tpu.sem_alloc : memref<!tpu.dma_semaphore, #tpu.memory_space<semaphore_mem>>
      %dma_start3A_1006 = arith.constant 0 : i32
      %dma_start3A_1007 = arith.constant 0 : i32
      %dma_start3A_1008 = tpu.memref_slice %arg3[%add3A, %dma_start3A_1006, %dma_start3A_1007] : memref<32x4x1024xf32, #tpu.memory_space<hbm>> -> memref<1x4x1024xf32, #tpu.memory_space<hbm>>
      %dma_start3A_1009 = tpu.memref_squeeze %dma_start3A_1008 : memref<1x4x1024xf32, #tpu.memory_space<hbm>> -> memref<4x1024xf32, #tpu.memory_space<hbm>>
      %dma_start3A_1010 = arith.constant 0 : i32
      %dma_start3A_1011 = arith.constant 0 : i32
      %dma_start3A_1012 = tpu.memref_slice %arg3[%add3A, %dma_start3A_1010, %dma_start3A_1011] : memref<32x4x1024xf32, #tpu.memory_space<hbm>> -> memref<1x4x1024xf32, #tpu.memory_space<hbm>>
      %dma_start3A_1013 = tpu.memref_squeeze %dma_start3A_1012 : memref<1x4x1024xf32, #tpu.memory_space<hbm>> -> memref<4x1024xf32, #tpu.memory_space<hbm>>
      tpu.enqueue_dma source(%dma_start3A_1013 : memref<4x1024xf32, #tpu.memory_space<hbm>>) target(%arg8 : memref<4x1024xf32, #tpu.memory_space<vmem>>) target_semaphore(%run_scoped3A : memref<!tpu.dma_semaphore, #tpu.memory_space<semaphore_mem>>)
      %dma_wait3A_1014 = arith.constant 0 : i32
      %dma_wait3A_1015 = arith.constant 0 : i32
      %dma_wait3A_1016 = tpu.memref_slice %arg3[%add3A, %dma_wait3A_1014, %dma_wait3A_1015] : memref<32x4x1024xf32, #tpu.memory_space<hbm>> -> memref<1x4x1024xf32, #tpu.memory_space<hbm>>
      %dma_wait3A_1017 = tpu.memref_squeeze %dma_wait3A_1016 : memref<1x4x1024xf32, #tpu.memory_space<hbm>> -> memref<4x1024xf32, #tpu.memory_space<hbm>>
      %dma_wait3A_1018 = arith.constant 0 : i32
      %dma_wait3A_1019 = arith.constant 0 : i32
      %dma_wait3A_1020 = tpu.memref_slice %arg3[%add3A, %dma_wait3A_1018, %dma_wait3A_1019] : memref<32x4x1024xf32, #tpu.memory_space<hbm>> -> memref<1x4x1024xf32, #tpu.memory_space<hbm>>
      %dma_wait3A_1021 = tpu.memref_squeeze %dma_wait3A_1020 : memref<1x4x1024xf32, #tpu.memory_space<hbm>> -> memref<4x1024xf32, #tpu.memory_space<hbm>>
      tpu.wait_dma2 semaphore(%run_scoped3A : memref<!tpu.dma_semaphore, #tpu.memory_space<semaphore_mem>>) src(%dma_wait3A_1021 : memref<4x1024xf32, #tpu.memory_space<hbm>>) dst(%arg8 : memref<4x1024xf32, #tpu.memory_space<vmem>>)
      tpu.yield
    }) : () -> ()
    %iota3A = tpu.iota {dimensions = array<i32: 0>} : vector<16xi32>
    %scan3A = arith.constant 0 : i32
    %scan3A_1 = arith.constant 0 : i32
    %scan3A_2 = arith.constant 64 : i32
    %scan3A_3 = arith.addi %scan3A_1, %scan3A_2 : i32
    %scan3A_4 = arith.constant 1 : i32
    scf.for %scan3A_1006 = %scan3A_1 to %scan3A_3 step %scan3A_4  : i32 {
      %jit3A = arith.constant 8 : i32
      %div3A = arith.divsi %scan3A_1006, %jit3A : i32
      %sign3A = arith.constant 0 : i32
      %sign3A_1007 = arith.cmpi sgt, %scan3A_1006, %sign3A : i32
      %sign3A_1008 = arith.extui %sign3A_1007 : i1 to i32
      %sign3A_1009 = arith.constant 0 : i32
      %sign3A_1010 = arith.cmpi slt, %scan3A_1006, %sign3A_1009 : i32
      %sign3A_1011 = arith.extui %sign3A_1010 : i1 to i32
      %sign3A_1012 = arith.subi %sign3A_1008, %sign3A_1011 : i32
      %sign3A_1013 = arith.constant 0 : i32
      %sign3A_1014 = arith.cmpi sgt, %jit3A, %sign3A_1013 : i32
      %sign3A_1015 = arith.extui %sign3A_1014 : i1 to i32
      %sign3A_1016 = arith.constant 0 : i32
      %sign3A_1017 = arith.cmpi slt, %jit3A, %sign3A_1016 : i32
      %sign3A_1018 = arith.extui %sign3A_1017 : i1 to i32
      %sign3A_1019 = arith.subi %sign3A_1015, %sign3A_1018 : i32
      %ne3A = arith.cmpi ne, %sign3A_1012, %sign3A_1019 : i32
      %rem3A = arith.remsi %scan3A_1006, %jit3A : i32
      %ne3A_1020 = arith.constant 0 : i32
      %ne3A_1021 = arith.cmpi ne, %rem3A, %ne3A_1020 : i32
      %and3A = arith.andi %ne3A, %ne3A_1021 : i1
      %sub3A = arith.constant 1 : i32
      %sub3A_1022 = arith.subi %div3A, %sub3A : i32
      %select_n3A = arith.select %and3A, %sub3A_1022, %div3A : i32
      %jit3A_1023 = arith.constant 8 : i32
      %eq3A = arith.constant 0 : i32
      %eq3A_1024 = arith.cmpi eq, %jit3A_1023, %eq3A : i32
      %jit3A_1025 = arith.constant 1 : i32
      %select_n3A_1026 = arith.select %eq3A_1024, %jit3A_1025, %jit3A_1023 : i32
      %rem3A_1027 = arith.remsi %scan3A_1006, %select_n3A_1026 : i32
      %ne3A_1028 = arith.constant 0 : i32
      %ne3A_1029 = arith.cmpi ne, %rem3A_1027, %ne3A_1028 : i32
      %lt3A = arith.constant 0 : i32
      %lt3A_1030 = arith.cmpi slt, %rem3A_1027, %lt3A : i32
      %lt3A_1031 = arith.constant 0 : i32
      %lt3A_1032 = arith.cmpi slt, %select_n3A_1026, %lt3A_1031 : i32
      %ne3A_1033 = arith.xori %lt3A_1030, %lt3A_1032 : i1
      %and3A_1034 = arith.andi %ne3A_1033, %ne3A_1029 : i1
      %add3A_1035 = arith.addi %rem3A_1027, %select_n3A_1026 : i32
      %select_n3A_1036 = arith.select %and3A_1034, %add3A_1035, %rem3A_1027 : i32
      %mul3A_1037 = arith.constant 16 : i32
      %mul3A_1038 = arith.muli %scan3A_1006, %mul3A_1037 : i32
      %get3A = arith.index_cast %mul3A_1038 : i32 to index
      %get3A_1039 = tpu.vector_load %arg6[%get3A] {strides = array<i32>} : memref<1024xi32, #tpu.memory_space<vmem>>, vector<16xi32>,
      %mul3A_1040 = arith.constant 91 : i32
      %mul3A_1041 = arith.muli %add3A, %mul3A_1040 : i32
      %add3A_1042 = vector.broadcast %mul3A_1041 : i32 to vector<16xi32>
      %add3A_1043 = arith.addi %add3A_1042, %get3A_1039 : vector<16xi32>
      %mul3A_1044 = arith.constant 8 : i32
      %mul3A_1045 = vector.broadcast %mul3A_1044 : i32 to vector<16xi32>
      %mul3A_1046 = arith.muli %add3A_1043, %mul3A_1045 : vector<16xi32>
      %add3A_1047 = vector.broadcast %select_n3A : i32 to vector<16xi32>
      %add3A_1048 = arith.addi %mul3A_1046, %add3A_1047 : vector<16xi32>
      %mul3A_1049 = arith.constant 4 : i32
      %mul3A_1050 = vector.broadcast %mul3A_1049 : i32 to vector<16xi32>
      %mul3A_1051 = arith.muli %add3A_1048, %mul3A_1050 : vector<16xi32>
      %mul3A_1052 = arith.constant 8 : i32
      %mul3A_1053 = vector.broadcast %mul3A_1052 : i32 to vector<16xi32>
      %mul3A_1054 = arith.muli %mul3A_1051, %mul3A_1053 : vector<16xi32>
      %add3A_1055 = vector.broadcast %select_n3A_1036 : i32 to vector<16xi32>
      %add3A_1056 = arith.addi %mul3A_1054, %add3A_1055 : vector<16xi32>
      %add3A_1057 = arith.constant 0 : i32
      %add3A_1058 = vector.broadcast %add3A_1057 : i32 to vector<16xi32>
      %add3A_1059 = arith.addi %add3A_1056, %add3A_1058 : vector<16xi32>
      %mul3A_1060 = arith.constant 4 : i32
      %mul3A_1061 = arith.muli %select_n3A, %mul3A_1060 : i32
      %add3A_1062 = arith.constant 0 : i32
      %add3A_1063 = arith.addi %mul3A_1061, %add3A_1062 : i32
      %mul3A_1064 = arith.constant 16 : i32
      %mul3A_1065 = arith.muli %select_n3A_1036, %mul3A_1064 : i32
      %swap3A_1066 = arith.index_cast %add3A_1063 : i32 to index
      %swap3A_1067 = arith.index_cast %mul3A_1065 : i32 to index
      %swap3A_1068 = tpu.vector_load %arg7[%swap3A_1066, %swap3A_1067] {strides = array<i32>} : memref<32x128xi32, #tpu.memory_space<vmem>>, vector<16xi32>,
      tpu.vector_store %arg7[%swap3A_1066, %swap3A_1067], %add3A_1059 {strides = array<i32>} : memref<32x128xi32, #tpu.memory_space<vmem>>, vector<16xi32>,
      %add3A_1069 = arith.constant 8 : i32
      %add3A_1070 = vector.broadcast %add3A_1069 : i32 to vector<16xi32>
      %add3A_1071 = arith.addi %add3A_1056, %add3A_1070 : vector<16xi32>
      %mul3A_1072 = arith.constant 4 : i32
      %mul3A_1073 = arith.muli %select_n3A, %mul3A_1072 : i32
      %add3A_1074 = arith.constant 1 : i32
      %add3A_1075 = arith.addi %mul3A_1073, %add3A_1074 : i32
      %mul3A_1076 = arith.constant 16 : i32
      %mul3A_1077 = arith.muli %select_n3A_1036, %mul3A_1076 : i32
      %swap3A_1078 = arith.index_cast %add3A_1075 : i32 to index
      %swap3A_1079 = arith.index_cast %mul3A_1077 : i32 to index
      %swap3A_1080 = tpu.vector_load %arg7[%swap3A_1078, %swap3A_1079] {strides = array<i32>} : memref<32x128xi32, #tpu.memory_space<vmem>>, vector<16xi32>,
      tpu.vector_store %arg7[%swap3A_1078, %swap3A_1079], %add3A_1071 {strides = array<i32>} : memref<32x128xi32, #tpu.memory_space<vmem>>, vector<16xi32>,
      %add3A_1081 = arith.constant 16 : i32
      %add3A_1082 = vector.broadcast %add3A_1081 : i32 to vector<16xi32>
      %add3A_1083 = arith.addi %add3A_1056, %add3A_1082 : vector<16xi32>
      %mul3A_1084 = arith.constant 4 : i32
      %mul3A_1085 = arith.muli %select_n3A, %mul3A_1084 : i32
      %add3A_1086 = arith.constant 2 : i32
      %add3A_1087 = arith.addi %mul3A_1085, %add3A_1086 : i32
      %mul3A_1088 = arith.constant 16 : i32
      %mul3A_1089 = arith.muli %select_n3A_1036, %mul3A_1088 : i32
      %swap3A_1090 = arith.index_cast %add3A_1087 : i32 to index
      %swap3A_1091 = arith.index_cast %mul3A_1089 : i32 to index
      %swap3A_1092 = tpu.vector_load %arg7[%swap3A_1090, %swap3A_1091] {strides = array<i32>} : memref<32x128xi32, #tpu.memory_space<vmem>>, vector<16xi32>,
      tpu.vector_store %arg7[%swap3A_1090, %swap3A_1091], %add3A_1083 {strides = array<i32>} : memref<32x128xi32, #tpu.memory_space<vmem>>, vector<16xi32>,
      %add3A_1093 = arith.constant 24 : i32
      %add3A_1094 = vector.broadcast %add3A_1093 : i32 to vector<16xi32>
      %add3A_1095 = arith.addi %add3A_1056, %add3A_1094 : vector<16xi32>
      %mul3A_1096 = arith.constant 4 : i32
      %mul3A_1097 = arith.muli %select_n3A, %mul3A_1096 : i32
      %add3A_1098 = arith.constant 3 : i32
      %add3A_1099 = arith.addi %mul3A_1097, %add3A_1098 : i32
      %mul3A_1100 = arith.constant 16 : i32
      %mul3A_1101 = arith.muli %select_n3A_1036, %mul3A_1100 : i32
      %swap3A_1102 = arith.index_cast %add3A_1099 : i32 to index
      %swap3A_1103 = arith.index_cast %mul3A_1101 : i32 to index
      %swap3A_1104 = tpu.vector_load %arg7[%swap3A_1102, %swap3A_1103] {strides = array<i32>} : memref<32x128xi32, #tpu.memory_space<vmem>>, vector<16xi32>,
      tpu.vector_store %arg7[%swap3A_1102, %swap3A_1103], %add3A_1095 {strides = array<i32>} : memref<32x128xi32, #tpu.memory_space<vmem>>, vector<16xi32>,
    }
    %scan3A_5 = arith.constant 64 : i32
    %dma_start3A = arith.constant 0 : i32
    %dma_start3A_6 = arith.constant 0 : i32
    %dma_start3A_7 = arith.constant 0 : i32
    %dma_start3A_8 = arith.constant 0 : i32
    %dma_start3A_9 = tpu.memref_slice %arg9[%dma_start3A_6, %dma_start3A_7, %dma_start3A_8] : memref<2x128x16xf32, #tpu.memory_space<vmem>> -> memref<1x128x16xf32, #tpu.memory_space<vmem>>
    %dma_start3A_10 = tpu.memref_squeeze %dma_start3A_9 : memref<1x128x16xf32, #tpu.memory_space<vmem>> -> memref<128x16xf32, #tpu.memory_space<vmem>>
    %dma_start3A_11 = arith.constant 0 : i32
    %dma_start3A_12 = tpu.memref_slice %arg7[%dma_start3A, %dma_start3A_11] : memref<32x128xi32, #tpu.memory_space<vmem>> -> memref<1x128xi32, #tpu.memory_space<vmem>>
    %dma_start3A_13 = tpu.memref_squeeze %dma_start3A_12 : memref<1x128xi32, #tpu.memory_space<vmem>> -> memref<128xi32, #tpu.memory_space<vmem>>
    %dma_start3A_14 = arith.constant 0 : i32
    %dma_start3A_15 = arith.constant 0 : i32
    %dma_start3A_16 = tpu.memref_slice %arg2[%dma_start3A_14, %dma_start3A_15] : memref<745472x16xf32, #tpu.memory_space<hbm>> -> memref<745472x16xf32, #tpu.memory_space<hbm>>
    tpu.enqueue_indirect_dma source(%dma_start3A_16 : memref<745472x16xf32, #tpu.memory_space<hbm>>) target(%dma_start3A_10 : memref<128x16xf32, #tpu.memory_space<vmem>>) offsets(%dma_start3A_13 : memref<128xi32, #tpu.memory_space<vmem>>) semaphore(%arg11 : memref<!tpu.dma_semaphore, #tpu.memory_space<semaphore_mem>>)
    %broadcast_in_dim3A = arith.constant 0.000000e+00 : f32
    %broadcast_in_dim3A_17 = vector.broadcast %broadcast_in_dim3A : f32 to vector<16xf32>
    %broadcast_in_dim3A_18 = arith.constant 0.000000e+00 : f32
    %broadcast_in_dim3A_19 = vector.broadcast %broadcast_in_dim3A_18 : f32 to vector<16xf32>
    %dma_start3A_20 = arith.constant 1 : i32
    %dma_start3A_21 = arith.constant 1 : i32
    %dma_start3A_22 = arith.constant 0 : i32
    %dma_start3A_23 = arith.constant 0 : i32
    %dma_start3A_24 = tpu.memref_slice %arg9[%dma_start3A_21, %dma_start3A_22, %dma_start3A_23] : memref<2x128x16xf32, #tpu.memory_space<vmem>> -> memref<1x128x16xf32, #tpu.memory_space<vmem>>
    %dma_start3A_25 = tpu.memref_squeeze %dma_start3A_24 : memref<1x128x16xf32, #tpu.memory_space<vmem>> -> memref<128x16xf32, #tpu.memory_space<vmem>>
    %dma_start3A_26 = arith.constant 0 : i32
    %dma_start3A_27 = tpu.memref_slice %arg7[%dma_start3A_20, %dma_start3A_26] : memref<32x128xi32, #tpu.memory_space<vmem>> -> memref<1x128xi32, #tpu.memory_space<vmem>>
    %dma_start3A_28 = tpu.memref_squeeze %dma_start3A_27 : memref<1x128xi32, #tpu.memory_space<vmem>> -> memref<128xi32, #tpu.memory_space<vmem>>
    %dma_start3A_29 = arith.constant 0 : i32
    %dma_start3A_30 = arith.constant 0 : i32
    %dma_start3A_31 = tpu.memref_slice %arg2[%dma_start3A_29, %dma_start3A_30] : memref<745472x16xf32, #tpu.memory_space<hbm>> -> memref<745472x16xf32, #tpu.memory_space<hbm>>
    tpu.enqueue_indirect_dma source(%dma_start3A_31 : memref<745472x16xf32, #tpu.memory_space<hbm>>) target(%dma_start3A_25 : memref<128x16xf32, #tpu.memory_space<vmem>>) offsets(%dma_start3A_28 : memref<128xi32, #tpu.memory_space<vmem>>) semaphore(%arg12 : memref<!tpu.dma_semaphore, #tpu.memory_space<semaphore_mem>>)
    %dma_wait3A = arith.constant 0 : i32
    %dma_wait3A_32 = arith.constant 0 : i32
    %dma_wait3A_33 = arith.constant 0 : i32
    %dma_wait3A_34 = arith.constant 0 : i32
    %dma_wait3A_35 = tpu.memref_slice %arg9[%dma_wait3A_32, %dma_wait3A_33, %dma_wait3A_34] : memref<2x128x16xf32, #tpu.memory_space<vmem>> -> memref<1x128x16xf32, #tpu.memory_space<vmem>>
    %dma_wait3A_36 = tpu.memref_squeeze %dma_wait3A_35 : memref<1x128x16xf32, #tpu.memory_space<vmem>> -> memref<128x16xf32, #tpu.memory_space<vmem>>
    %dma_wait3A_37 = arith.constant 0 : i32
    %dma_wait3A_38 = tpu.memref_slice %arg7[%dma_wait3A, %dma_wait3A_37] : memref<32x128xi32, #tpu.memory_space<vmem>> -> memref<1x128xi32, #tpu.memory_space<vmem>>
    %dma_wait3A_39 = tpu.memref_squeeze %dma_wait3A_38 : memref<1x128xi32, #tpu.memory_space<vmem>> -> memref<128xi32, #tpu.memory_space<vmem>>
    %dma_wait3A_40 = arith.constant 0 : i32
    %dma_wait3A_41 = arith.constant 0 : i32
    %dma_wait3A_42 = tpu.memref_slice %arg2[%dma_wait3A_40, %dma_wait3A_41] : memref<745472x16xf32, #tpu.memory_space<hbm>> -> memref<745472x16xf32, #tpu.memory_space<hbm>>
    tpu.wait_indirect_dma semaphore(%arg11 : memref<!tpu.dma_semaphore, #tpu.memory_space<semaphore_mem>>) src(%dma_wait3A_42 : memref<745472x16xf32, #tpu.memory_space<hbm>>) dst(%dma_wait3A_36 : memref<128x16xf32, #tpu.memory_space<vmem>>)
    %scan3A_43 = arith.constant 0 : i32
    %scan3A_44 = arith.constant 0 : i32
    %scan3A_45 = arith.constant 8 : i32
    %scan3A_46 = arith.addi %scan3A_44, %scan3A_45 : i32
    %scan3A_47 = arith.constant 1 : i32
    %scan3A_48:2 = scf.for %scan3A_1006 = %scan3A_44 to %scan3A_46 step %scan3A_47 iter_args(%scan3A_1007 = %broadcast_in_dim3A_17, %scan3A_1008 = %broadcast_in_dim3A_19) -> (vector<16xf32>, vector<16xf32>)  : i32 {
      %mul3A_1009 = arith.constant 16 : i32
      %mul3A_1010 = arith.muli %scan3A_1006, %mul3A_1009 : i32
      %add3A_1011 = vector.broadcast %mul3A_1010 : i32 to vector<16xi32>
      %add3A_1012 = arith.addi %add3A_1011, %iota3A : vector<16xi32>
      %gather3A = arith.constant 0 : i32
      %gather3A_1013 = arith.constant 0 : i32
      %gather3A_1014 = tpu.memref_slice %arg9[%scan3A_43, %gather3A, %gather3A_1013] : memref<2x128x16xf32, #tpu.memory_space<vmem>> -> memref<1x128x16xf32, #tpu.memory_space<vmem>>
      %gather3A_1015 = tpu.memref_squeeze %gather3A_1014 : memref<1x128x16xf32, #tpu.memory_space<vmem>> -> memref<128x16xf32, #tpu.memory_space<vmem>>
      %gather3A_1016 = tpu.vector_load_idx %gather3A_1015[%add3A_1012, %iota3A] : memref<128x16xf32, #tpu.memory_space<vmem>>[vector<16xi32>, vector<16xi32>], vector<16xf32>,
      %mul3A_1017 = arith.constant 16 : i32
      %mul3A_1018 = arith.muli %scan3A_1006, %mul3A_1017 : i32
      %add3A_1019 = arith.constant 0 : i32
      %add3A_1020 = arith.addi %add3A_1019, %mul3A_1018 : i32
      %get3A = arith.constant 0 : i32
      %get3A_1021 = arith.index_cast %get3A : i32 to index
      %get3A_1022 = arith.index_cast %add3A_1020 : i32 to index
      %get3A_1023 = tpu.vector_load %arg8[%get3A_1021, %get3A_1022] {strides = array<i32>} : memref<4x1024xf32, #tpu.memory_space<vmem>>, vector<16xf32>,
      %mul3A_1024 = arith.constant 16 : i32
      %mul3A_1025 = arith.muli %scan3A_1006, %mul3A_1024 : i32
      %add3A_1026 = arith.constant 0 : i32
      %add3A_1027 = arith.addi %add3A_1026, %mul3A_1025 : i32
      %get3A_1028 = arith.index_cast %add3A_1027 : i32 to index
      %get3A_1029 = tpu.vector_load %arg6[%get3A_1028] {strides = array<i32>} : memref<1024xi32, #tpu.memory_space<vmem>>, vector<16xi32>,
      %sub3A = arith.subf %get3A_1023, %gather3A_1016 : vector<16xf32>
      %abs3A = math.absf %sub3A : vector<16xf32>
      %lt3A = arith.constant 1.000000e+00 : f32
      %lt3A_1030 = vector.broadcast %lt3A : f32 to vector<16xf32>
      %lt3A_1031 = arith.cmpf olt, %abs3A, %lt3A_1030 : vector<16xf32>
      %mul3A_1032 = arith.constant 5.000000e-01 : f32
      %mul3A_1033 = vector.broadcast %mul3A_1032 : f32 to vector<16xf32>
      %mul3A_1034 = arith.mulf %mul3A_1033, %abs3A : vector<16xf32>
      %mul3A_1035 = arith.mulf %mul3A_1034, %abs3A : vector<16xf32>
      %sub3A_1036 = arith.constant 5.000000e-01 : f32
      %sub3A_1037 = vector.broadcast %sub3A_1036 : f32 to vector<16xf32>
      %sub3A_1038 = arith.subf %abs3A, %sub3A_1037 : vector<16xf32>
      %select_n3A = arith.select %lt3A_1031, %mul3A_1035, %sub3A_1038 : vector<16xi1>, vector<16xf32>
      %gt3A = arith.constant 0 : i32
      %gt3A_1039 = vector.broadcast %gt3A : i32 to vector<16xi32>
      %gt3A_1040 = arith.cmpi sgt, %get3A_1029, %gt3A_1039 : vector<16xi32>
      %jit3A = arith.constant 0.000000e+00 : f32
      %broadcast_in_dim3A_1041 = vector.broadcast %jit3A : f32 to vector<16xf32>
      %select_n3A_1042 = arith.select %gt3A_1040, %select_n3A, %broadcast_in_dim3A_1041 : vector<16xi1>, vector<16xf32>
      %add3A_1043 = arith.addf %scan3A_1007, %select_n3A_1042 : vector<16xf32>
      %jit3A_1044 = arith.constant 1.000000e+00 : f32
      %jit3A_1045 = arith.constant 0.000000e+00 : f32
      %broadcast_in_dim3A_1046 = vector.broadcast %jit3A_1044 : f32 to vector<16xf32>
      %broadcast_in_dim3A_1047 = vector.broadcast %jit3A_1045 : f32 to vector<16xf32>
      %select_n3A_1048 = arith.select %gt3A_1040, %broadcast_in_dim3A_1046, %broadcast_in_dim3A_1047 : vector<16xi1>, vector<16xf32>
      %add3A_1049 = arith.addf %scan3A_1008, %select_n3A_1048 : vector<16xf32>
      scf.yield %add3A_1043, %add3A_1049 : vector<16xf32>, vector<16xf32>
    }
    %scan3A_49 = arith.constant 8 : i32
    %dma_start3A_50 = arith.constant 2 : i32
    %dma_start3A_51 = arith.constant 0 : i32
    %dma_start3A_52 = arith.constant 0 : i32
    %dma_start3A_53 = arith.constant 0 : i32
    %dma_start3A_54 = tpu.memref_slice %arg9[%dma_start3A_51, %dma_start3A_52, %dma_start3A_53] : memref<2x128x16xf32, #tpu.memory_space<vmem>> -> memref<1x128x16xf32, #tpu.memory_space<vmem>>
    %dma_start3A_55 = tpu.memref_squeeze %dma_start3A_54 : memref<1x128x16xf32, #tpu.memory_space<vmem>> -> memref<128x16xf32, #tpu.memory_space<vmem>>
    %dma_start3A_56 = arith.constant 0 : i32
    %dma_start3A_57 = tpu.memref_slice %arg7[%dma_start3A_50, %dma_start3A_56] : memref<32x128xi32, #tpu.memory_space<vmem>> -> memref<1x128xi32, #tpu.memory_space<vmem>>
    %dma_start3A_58 = tpu.memref_squeeze %dma_start3A_57 : memref<1x128xi32, #tpu.memory_space<vmem>> -> memref<128xi32, #tpu.memory_space<vmem>>
    %dma_start3A_59 = arith.constant 0 : i32
    %dma_start3A_60 = arith.constant 0 : i32
    %dma_start3A_61 = tpu.memref_slice %arg2[%dma_start3A_59, %dma_start3A_60] : memref<745472x16xf32, #tpu.memory_space<hbm>> -> memref<745472x16xf32, #tpu.memory_space<hbm>>
    tpu.enqueue_indirect_dma source(%dma_start3A_61 : memref<745472x16xf32, #tpu.memory_space<hbm>>) target(%dma_start3A_55 : memref<128x16xf32, #tpu.memory_space<vmem>>) offsets(%dma_start3A_58 : memref<128xi32, #tpu.memory_space<vmem>>) semaphore(%arg11 : memref<!tpu.dma_semaphore, #tpu.memory_space<semaphore_mem>>)
    %dma_wait3A_62 = arith.constant 1 : i32
    %dma_wait3A_63 = arith.constant 1 : i32
    %dma_wait3A_64 = arith.constant 0 : i32
    %dma_wait3A_65 = arith.constant 0 : i32
    %dma_wait3A_66 = tpu.memref_slice %arg9[%dma_wait3A_63, %dma_wait3A_64, %dma_wait3A_65] : memref<2x128x16xf32, #tpu.memory_space<vmem>> -> memref<1x128x16xf32, #tpu.memory_space<vmem>>
    %dma_wait3A_67 = tpu.memref_squeeze %dma_wait3A_66 : memref<1x128x16xf32, #tpu.memory_space<vmem>> -> memref<128x16xf32, #tpu.memory_space<vmem>>
    %dma_wait3A_68 = arith.constant 0 : i32
    %dma_wait3A_69 = tpu.memref_slice %arg7[%dma_wait3A_62, %dma_wait3A_68] : memref<32x128xi32, #tpu.memory_space<vmem>> -> memref<1x128xi32, #tpu.memory_space<vmem>>
    %dma_wait3A_70 = tpu.memref_squeeze %dma_wait3A_69 : memref<1x128xi32, #tpu.memory_space<vmem>> -> memref<128xi32, #tpu.memory_space<vmem>>
    %dma_wait3A_71 = arith.constant 0 : i32
    %dma_wait3A_72 = arith.constant 0 : i32
    %dma_wait3A_73 = tpu.memref_slice %arg2[%dma_wait3A_71, %dma_wait3A_72] : memref<745472x16xf32, #tpu.memory_space<hbm>> -> memref<745472x16xf32, #tpu.memory_space<hbm>>
    tpu.wait_indirect_dma semaphore(%arg12 : memref<!tpu.dma_semaphore, #tpu.memory_space<semaphore_mem>>) src(%dma_wait3A_73 : memref<745472x16xf32, #tpu.memory_space<hbm>>) dst(%dma_wait3A_67 : memref<128x16xf32, #tpu.memory_space<vmem>>)
    %scan3A_74 = arith.constant 1 : i32
    %scan3A_75 = arith.constant 0 : i32
    %scan3A_76 = arith.constant 8 : i32
    %scan3A_77 = arith.addi %scan3A_75, %scan3A_76 : i32
    %scan3A_78 = arith.constant 1 : i32
    %scan3A_79:2 = scf.for %scan3A_1006 = %scan3A_75 to %scan3A_77 step %scan3A_78 iter_args(%scan3A_1007 = %scan3A_48#0, %scan3A_1008 = %scan3A_48#1) -> (vector<16xf32>, vector<16xf32>)  : i32 {
      %mul3A_1009 = arith.constant 16 : i32
      %mul3A_1010 = arith.muli %scan3A_1006, %mul3A_1009 : i32
      %add3A_1011 = vector.broadcast %mul3A_1010 : i32 to vector<16xi32>
      %add3A_1012 = arith.addi %add3A_1011, %iota3A : vector<16xi32>
      %gather3A = arith.constant 0 : i32
      %gather3A_1013 = arith.constant 0 : i32
      %gather3A_1014 = tpu.memref_slice %arg9[%scan3A_74, %gather3A, %gather3A_1013] : memref<2x128x16xf32, #tpu.memory_space<vmem>> -> memref<1x128x16xf32, #tpu.memory_space<vmem>>
      %gather3A_1015 = tpu.memref_squeeze %gather3A_1014 : memref<1x128x16xf32, #tpu.memory_space<vmem>> -> memref<128x16xf32, #tpu.memory_space<vmem>>
      %gather3A_1016 = tpu.vector_load_idx %gather3A_1015[%add3A_1012, %iota3A] : memref<128x16xf32, #tpu.memory_space<vmem>>[vector<16xi32>, vector<16xi32>], vector<16xf32>,
      %mul3A_1017 = arith.constant 16 : i32
      %mul3A_1018 = arith.muli %scan3A_1006, %mul3A_1017 : i32
      %add3A_1019 = arith.constant 0 : i32
      %add3A_1020 = arith.addi %add3A_1019, %mul3A_1018 : i32
      %get3A = arith.constant 1 : i32
      %get3A_1021 = arith.index_cast %get3A : i32 to index
      %get3A_1022 = arith.index_cast %add3A_1020 : i32 to index
      %get3A_1023 = tpu.vector_load %arg8[%get3A_1021, %get3A_1022] {strides = array<i32>} : memref<4x1024xf32, #tpu.memory_space<vmem>>, vector<16xf32>,
      %mul3A_1024 = arith.constant 16 : i32
      %mul3A_1025 = arith.muli %scan3A_1006, %mul3A_1024 : i32
      %add3A_1026 = arith.constant 0 : i32
      %add3A_1027 = arith.addi %add3A_1026, %mul3A_1025 : i32
      %get3A_1028 = arith.index_cast %add3A_1027 : i32 to index
      %get3A_1029 = tpu.vector_load %arg6[%get3A_1028] {strides = array<i32>} : memref<1024xi32, #tpu.memory_space<vmem>>, vector<16xi32>,
      %sub3A = arith.subf %get3A_1023, %gather3A_1016 : vector<16xf32>
      %abs3A = math.absf %sub3A : vector<16xf32>
      %lt3A = arith.constant 1.000000e+00 : f32
      %lt3A_1030 = vector.broadcast %lt3A : f32 to vector<16xf32>
      %lt3A_1031 = arith.cmpf olt, %abs3A, %lt3A_1030 : vector<16xf32>
      %mul3A_1032 = arith.constant 5.000000e-01 : f32
      %mul3A_1033 = vector.broadcast %mul3A_1032 : f32 to vector<16xf32>
      %mul3A_1034 = arith.mulf %mul3A_1033, %abs3A : vector<16xf32>
      %mul3A_1035 = arith.mulf %mul3A_1034, %abs3A : vector<16xf32>
      %sub3A_1036 = arith.constant 5.000000e-01 : f32
      %sub3A_1037 = vector.broadcast %sub3A_1036 : f32 to vector<16xf32>
      %sub3A_1038 = arith.subf %abs3A, %sub3A_1037 : vector<16xf32>
      %select_n3A = arith.select %lt3A_1031, %mul3A_1035, %sub3A_1038 : vector<16xi1>, vector<16xf32>
      %gt3A = arith.constant 0 : i32
      %gt3A_1039 = vector.broadcast %gt3A : i32 to vector<16xi32>
      %gt3A_1040 = arith.cmpi sgt, %get3A_1029, %gt3A_1039 : vector<16xi32>
      %jit3A = arith.constant 0.000000e+00 : f32
      %broadcast_in_dim3A_1041 = vector.broadcast %jit3A : f32 to vector<16xf32>
      %select_n3A_1042 = arith.select %gt3A_1040, %select_n3A, %broadcast_in_dim3A_1041 : vector<16xi1>, vector<16xf32>
      %add3A_1043 = arith.addf %scan3A_1007, %select_n3A_1042 : vector<16xf32>
      %jit3A_1044 = arith.constant 1.000000e+00 : f32
      %jit3A_1045 = arith.constant 0.000000e+00 : f32
      %broadcast_in_dim3A_1046 = vector.broadcast %jit3A_1044 : f32 to vector<16xf32>
      %broadcast_in_dim3A_1047 = vector.broadcast %jit3A_1045 : f32 to vector<16xf32>
      %select_n3A_1048 = arith.select %gt3A_1040, %broadcast_in_dim3A_1046, %broadcast_in_dim3A_1047 : vector<16xi1>, vector<16xf32>
      %add3A_1049 = arith.addf %scan3A_1008, %select_n3A_1048 : vector<16xf32>
      scf.yield %add3A_1043, %add3A_1049 : vector<16xf32>, vector<16xf32>
    }
    %scan3A_80 = arith.constant 8 : i32
    %dma_start3A_81 = arith.constant 3 : i32
    %dma_start3A_82 = arith.constant 1 : i32
    %dma_start3A_83 = arith.constant 0 : i32
    %dma_start3A_84 = arith.constant 0 : i32
    %dma_start3A_85 = tpu.memref_slice %arg9[%dma_start3A_82, %dma_start3A_83, %dma_start3A_84] : memref<2x128x16xf32, #tpu.memory_space<vmem>> -> memref<1x128x16xf32, #tpu.memory_space<vmem>>
    %dma_start3A_86 = tpu.memref_squeeze %dma_start3A_85 : memref<1x128x16xf32, #tpu.memory_space<vmem>> -> memref<128x16xf32, #tpu.memory_space<vmem>>
    %dma_start3A_87 = arith.constant 0 : i32
    %dma_start3A_88 = tpu.memref_slice %arg7[%dma_start3A_81, %dma_start3A_87] : memref<32x128xi32, #tpu.memory_space<vmem>> -> memref<1x128xi32, #tpu.memory_space<vmem>>
    %dma_start3A_89 = tpu.memref_squeeze %dma_start3A_88 : memref<1x128xi32, #tpu.memory_space<vmem>> -> memref<128xi32, #tpu.memory_space<vmem>>
    %dma_start3A_90 = arith.constant 0 : i32
    %dma_start3A_91 = arith.constant 0 : i32
    %dma_start3A_92 = tpu.memref_slice %arg2[%dma_start3A_90, %dma_start3A_91] : memref<745472x16xf32, #tpu.memory_space<hbm>> -> memref<745472x16xf32, #tpu.memory_space<hbm>>
    tpu.enqueue_indirect_dma source(%dma_start3A_92 : memref<745472x16xf32, #tpu.memory_space<hbm>>) target(%dma_start3A_86 : memref<128x16xf32, #tpu.memory_space<vmem>>) offsets(%dma_start3A_89 : memref<128xi32, #tpu.memory_space<vmem>>) semaphore(%arg12 : memref<!tpu.dma_semaphore, #tpu.memory_space<semaphore_mem>>)
    %dma_wait3A_93 = arith.constant 2 : i32
    %dma_wait3A_94 = arith.constant 0 : i32
    %dma_wait3A_95 = arith.constant 0 : i32
    %dma_wait3A_96 = arith.constant 0 : i32
    %dma_wait3A_97 = tpu.memref_slice %arg9[%dma_wait3A_94, %dma_wait3A_95, %dma_wait3A_96] : memref<2x128x16xf32, #tpu.memory_space<vmem>> -> memref<1x128x16xf32, #tpu.memory_space<vmem>>
    %dma_wait3A_98 = tpu.memref_squeeze %dma_wait3A_97 : memref<1x128x16xf32, #tpu.memory_space<vmem>> -> memref<128x16xf32, #tpu.memory_space<vmem>>
    %dma_wait3A_99 = arith.constant 0 : i32
    %dma_wait3A_100 = tpu.memref_slice %arg7[%dma_wait3A_93, %dma_wait3A_99] : memref<32x128xi32, #tpu.memory_space<vmem>> -> memref<1x128xi32, #tpu.memory_space<vmem>>
    %dma_wait3A_101 = tpu.memref_squeeze %dma_wait3A_100 : memref<1x128xi32, #tpu.memory_space<vmem>> -> memref<128xi32, #tpu.memory_space<vmem>>
    %dma_wait3A_102 = arith.constant 0 : i32
    %dma_wait3A_103 = arith.constant 0 : i32
    %dma_wait3A_104 = tpu.memref_slice %arg2[%dma_wait3A_102, %dma_wait3A_103] : memref<745472x16xf32, #tpu.memory_space<hbm>> -> memref<745472x16xf32, #tpu.memory_space<hbm>>
    tpu.wait_indirect_dma semaphore(%arg11 : memref<!tpu.dma_semaphore, #tpu.memory_space<semaphore_mem>>) src(%dma_wait3A_104 : memref<745472x16xf32, #tpu.memory_space<hbm>>) dst(%dma_wait3A_98 : memref<128x16xf32, #tpu.memory_space<vmem>>)
    %scan3A_105 = arith.constant 0 : i32
    %scan3A_106 = arith.constant 0 : i32
    %scan3A_107 = arith.constant 8 : i32
    %scan3A_108 = arith.addi %scan3A_106, %scan3A_107 : i32
    %scan3A_109 = arith.constant 1 : i32
    %scan3A_110:2 = scf.for %scan3A_1006 = %scan3A_106 to %scan3A_108 step %scan3A_109 iter_args(%scan3A_1007 = %scan3A_79#0, %scan3A_1008 = %scan3A_79#1) -> (vector<16xf32>, vector<16xf32>)  : i32 {
      %mul3A_1009 = arith.constant 16 : i32
      %mul3A_1010 = arith.muli %scan3A_1006, %mul3A_1009 : i32
      %add3A_1011 = vector.broadcast %mul3A_1010 : i32 to vector<16xi32>
      %add3A_1012 = arith.addi %add3A_1011, %iota3A : vector<16xi32>
      %gather3A = arith.constant 0 : i32
      %gather3A_1013 = arith.constant 0 : i32
      %gather3A_1014 = tpu.memref_slice %arg9[%scan3A_105, %gather3A, %gather3A_1013] : memref<2x128x16xf32, #tpu.memory_space<vmem>> -> memref<1x128x16xf32, #tpu.memory_space<vmem>>
      %gather3A_1015 = tpu.memref_squeeze %gather3A_1014 : memref<1x128x16xf32, #tpu.memory_space<vmem>> -> memref<128x16xf32, #tpu.memory_space<vmem>>
      %gather3A_1016 = tpu.vector_load_idx %gather3A_1015[%add3A_1012, %iota3A] : memref<128x16xf32, #tpu.memory_space<vmem>>[vector<16xi32>, vector<16xi32>], vector<16xf32>,
      %mul3A_1017 = arith.constant 16 : i32
      %mul3A_1018 = arith.muli %scan3A_1006, %mul3A_1017 : i32
      %add3A_1019 = arith.constant 0 : i32
      %add3A_1020 = arith.addi %add3A_1019, %mul3A_1018 : i32
      %get3A = arith.constant 2 : i32
      %get3A_1021 = arith.index_cast %get3A : i32 to index
      %get3A_1022 = arith.index_cast %add3A_1020 : i32 to index
      %get3A_1023 = tpu.vector_load %arg8[%get3A_1021, %get3A_1022] {strides = array<i32>} : memref<4x1024xf32, #tpu.memory_space<vmem>>, vector<16xf32>,
      %mul3A_1024 = arith.constant 16 : i32
      %mul3A_1025 = arith.muli %scan3A_1006, %mul3A_1024 : i32
      %add3A_1026 = arith.constant 0 : i32
      %add3A_1027 = arith.addi %add3A_1026, %mul3A_1025 : i32
      %get3A_1028 = arith.index_cast %add3A_1027 : i32 to index
      %get3A_1029 = tpu.vector_load %arg6[%get3A_1028] {strides = array<i32>} : memref<1024xi32, #tpu.memory_space<vmem>>, vector<16xi32>,
      %sub3A = arith.subf %get3A_1023, %gather3A_1016 : vector<16xf32>
      %abs3A = math.absf %sub3A : vector<16xf32>
      %lt3A = arith.constant 1.000000e+00 : f32
      %lt3A_1030 = vector.broadcast %lt3A : f32 to vector<16xf32>
      %lt3A_1031 = arith.cmpf olt, %abs3A, %lt3A_1030 : vector<16xf32>
      %mul3A_1032 = arith.constant 5.000000e-01 : f32
      %mul3A_1033 = vector.broadcast %mul3A_1032 : f32 to vector<16xf32>
      %mul3A_1034 = arith.mulf %mul3A_1033, %abs3A : vector<16xf32>
      %mul3A_1035 = arith.mulf %mul3A_1034, %abs3A : vector<16xf32>
      %sub3A_1036 = arith.constant 5.000000e-01 : f32
      %sub3A_1037 = vector.broadcast %sub3A_1036 : f32 to vector<16xf32>
      %sub3A_1038 = arith.subf %abs3A, %sub3A_1037 : vector<16xf32>
      %select_n3A = arith.select %lt3A_1031, %mul3A_1035, %sub3A_1038 : vector<16xi1>, vector<16xf32>
      %gt3A = arith.constant 0 : i32
      %gt3A_1039 = vector.broadcast %gt3A : i32 to vector<16xi32>
      %gt3A_1040 = arith.cmpi sgt, %get3A_1029, %gt3A_1039 : vector<16xi32>
      %jit3A = arith.constant 0.000000e+00 : f32
      %broadcast_in_dim3A_1041 = vector.broadcast %jit3A : f32 to vector<16xf32>
      %select_n3A_1042 = arith.select %gt3A_1040, %select_n3A, %broadcast_in_dim3A_1041 : vector<16xi1>, vector<16xf32>
      %add3A_1043 = arith.addf %scan3A_1007, %select_n3A_1042 : vector<16xf32>
      %jit3A_1044 = arith.constant 1.000000e+00 : f32
      %jit3A_1045 = arith.constant 0.000000e+00 : f32
      %broadcast_in_dim3A_1046 = vector.broadcast %jit3A_1044 : f32 to vector<16xf32>
      %broadcast_in_dim3A_1047 = vector.broadcast %jit3A_1045 : f32 to vector<16xf32>
      %select_n3A_1048 = arith.select %gt3A_1040, %broadcast_in_dim3A_1046, %broadcast_in_dim3A_1047 : vector<16xi1>, vector<16xf32>
      %add3A_1049 = arith.addf %scan3A_1008, %select_n3A_1048 : vector<16xf32>
      scf.yield %add3A_1043, %add3A_1049 : vector<16xf32>, vector<16xf32>
    }
    %scan3A_111 = arith.constant 8 : i32
    %dma_start3A_112 = arith.constant 4 : i32
    %dma_start3A_113 = arith.constant 0 : i32
    %dma_start3A_114 = arith.constant 0 : i32
    %dma_start3A_115 = arith.constant 0 : i32
    %dma_start3A_116 = tpu.memref_slice %arg9[%dma_start3A_113, %dma_start3A_114, %dma_start3A_115] : memref<2x128x16xf32, #tpu.memory_space<vmem>> -> memref<1x128x16xf32, #tpu.memory_space<vmem>>
    %dma_start3A_117 = tpu.memref_squeeze %dma_start3A_116 : memref<1x128x16xf32, #tpu.memory_space<vmem>> -> memref<128x16xf32, #tpu.memory_space<vmem>>
    %dma_start3A_118 = arith.constant 0 : i32
    %dma_start3A_119 = tpu.memref_slice %arg7[%dma_start3A_112, %dma_start3A_118] : memref<32x128xi32, #tpu.memory_space<vmem>> -> memref<1x128xi32, #tpu.memory_space<vmem>>
    %dma_start3A_120 = tpu.memref_squeeze %dma_start3A_119 : memref<1x128xi32, #tpu.memory_space<vmem>> -> memref<128xi32, #tpu.memory_space<vmem>>
    %dma_start3A_121 = arith.constant 0 : i32
    %dma_start3A_122 = arith.constant 0 : i32
    %dma_start3A_123 = tpu.memref_slice %arg2[%dma_start3A_121, %dma_start3A_122] : memref<745472x16xf32, #tpu.memory_space<hbm>> -> memref<745472x16xf32, #tpu.memory_space<hbm>>
    tpu.enqueue_indirect_dma source(%dma_start3A_123 : memref<745472x16xf32, #tpu.memory_space<hbm>>) target(%dma_start3A_117 : memref<128x16xf32, #tpu.memory_space<vmem>>) offsets(%dma_start3A_120 : memref<128xi32, #tpu.memory_space<vmem>>) semaphore(%arg11 : memref<!tpu.dma_semaphore, #tpu.memory_space<semaphore_mem>>)
    %dma_wait3A_124 = arith.constant 3 : i32
    %dma_wait3A_125 = arith.constant 1 : i32
    %dma_wait3A_126 = arith.constant 0 : i32
    %dma_wait3A_127 = arith.constant 0 : i32
    %dma_wait3A_128 = tpu.memref_slice %arg9[%dma_wait3A_125, %dma_wait3A_126, %dma_wait3A_127] : memref<2x128x16xf32, #tpu.memory_space<vmem>> -> memref<1x128x16xf32, #tpu.memory_space<vmem>>
    %dma_wait3A_129 = tpu.memref_squeeze %dma_wait3A_128 : memref<1x128x16xf32, #tpu.memory_space<vmem>> -> memref<128x16xf32, #tpu.memory_space<vmem>>
    %dma_wait3A_130 = arith.constant 0 : i32
    %dma_wait3A_131 = tpu.memref_slice %arg7[%dma_wait3A_124, %dma_wait3A_130] : memref<32x128xi32, #tpu.memory_space<vmem>> -> memref<1x128xi32, #tpu.memory_space<vmem>>
    %dma_wait3A_132 = tpu.memref_squeeze %dma_wait3A_131 : memref<1x128xi32, #tpu.memory_space<vmem>> -> memref<128xi32, #tpu.memory_space<vmem>>
    %dma_wait3A_133 = arith.constant 0 : i32
    %dma_wait3A_134 = arith.constant 0 : i32
    %dma_wait3A_135 = tpu.memref_slice %arg2[%dma_wait3A_133, %dma_wait3A_134] : memref<745472x16xf32, #tpu.memory_space<hbm>> -> memref<745472x16xf32, #tpu.memory_space<hbm>>
    tpu.wait_indirect_dma semaphore(%arg12 : memref<!tpu.dma_semaphore, #tpu.memory_space<semaphore_mem>>) src(%dma_wait3A_135 : memref<745472x16xf32, #tpu.memory_space<hbm>>) dst(%dma_wait3A_129 : memref<128x16xf32, #tpu.memory_space<vmem>>)
    %scan3A_136 = arith.constant 1 : i32
    %scan3A_137 = arith.constant 0 : i32
    %scan3A_138 = arith.constant 8 : i32
    %scan3A_139 = arith.addi %scan3A_137, %scan3A_138 : i32
    %scan3A_140 = arith.constant 1 : i32
    %scan3A_141:2 = scf.for %scan3A_1006 = %scan3A_137 to %scan3A_139 step %scan3A_140 iter_args(%scan3A_1007 = %scan3A_110#0, %scan3A_1008 = %scan3A_110#1) -> (vector<16xf32>, vector<16xf32>)  : i32 {
      %mul3A_1009 = arith.constant 16 : i32
      %mul3A_1010 = arith.muli %scan3A_1006, %mul3A_1009 : i32
      %add3A_1011 = vector.broadcast %mul3A_1010 : i32 to vector<16xi32>
      %add3A_1012 = arith.addi %add3A_1011, %iota3A : vector<16xi32>
      %gather3A = arith.constant 0 : i32
      %gather3A_1013 = arith.constant 0 : i32
      %gather3A_1014 = tpu.memref_slice %arg9[%scan3A_136, %gather3A, %gather3A_1013] : memref<2x128x16xf32, #tpu.memory_space<vmem>> -> memref<1x128x16xf32, #tpu.memory_space<vmem>>
      %gather3A_1015 = tpu.memref_squeeze %gather3A_1014 : memref<1x128x16xf32, #tpu.memory_space<vmem>> -> memref<128x16xf32, #tpu.memory_space<vmem>>
      %gather3A_1016 = tpu.vector_load_idx %gather3A_1015[%add3A_1012, %iota3A] : memref<128x16xf32, #tpu.memory_space<vmem>>[vector<16xi32>, vector<16xi32>], vector<16xf32>,
      %mul3A_1017 = arith.constant 16 : i32
      %mul3A_1018 = arith.muli %scan3A_1006, %mul3A_1017 : i32
      %add3A_1019 = arith.constant 0 : i32
      %add3A_1020 = arith.addi %add3A_1019, %mul3A_1018 : i32
      %get3A = arith.constant 3 : i32
      %get3A_1021 = arith.index_cast %get3A : i32 to index
      %get3A_1022 = arith.index_cast %add3A_1020 : i32 to index
      %get3A_1023 = tpu.vector_load %arg8[%get3A_1021, %get3A_1022] {strides = array<i32>} : memref<4x1024xf32, #tpu.memory_space<vmem>>, vector<16xf32>,
      %mul3A_1024 = arith.constant 16 : i32
      %mul3A_1025 = arith.muli %scan3A_1006, %mul3A_1024 : i32
      %add3A_1026 = arith.constant 0 : i32
      %add3A_1027 = arith.addi %add3A_1026, %mul3A_1025 : i32
      %get3A_1028 = arith.index_cast %add3A_1027 : i32 to index
      %get3A_1029 = tpu.vector_load %arg6[%get3A_1028] {strides = array<i32>} : memref<1024xi32, #tpu.memory_space<vmem>>, vector<16xi32>,
      %sub3A = arith.subf %get3A_1023, %gather3A_1016 : vector<16xf32>
      %abs3A = math.absf %sub3A : vector<16xf32>
      %lt3A = arith.constant 1.000000e+00 : f32
      %lt3A_1030 = vector.broadcast %lt3A : f32 to vector<16xf32>
      %lt3A_1031 = arith.cmpf olt, %abs3A, %lt3A_1030 : vector<16xf32>
      %mul3A_1032 = arith.constant 5.000000e-01 : f32
      %mul3A_1033 = vector.broadcast %mul3A_1032 : f32 to vector<16xf32>
      %mul3A_1034 = arith.mulf %mul3A_1033, %abs3A : vector<16xf32>
      %mul3A_1035 = arith.mulf %mul3A_1034, %abs3A : vector<16xf32>
      %sub3A_1036 = arith.constant 5.000000e-01 : f32
      %sub3A_1037 = vector.broadcast %sub3A_1036 : f32 to vector<16xf32>
      %sub3A_1038 = arith.subf %abs3A, %sub3A_1037 : vector<16xf32>
      %select_n3A = arith.select %lt3A_1031, %mul3A_1035, %sub3A_1038 : vector<16xi1>, vector<16xf32>
      %gt3A = arith.constant 0 : i32
      %gt3A_1039 = vector.broadcast %gt3A : i32 to vector<16xi32>
      %gt3A_1040 = arith.cmpi sgt, %get3A_1029, %gt3A_1039 : vector<16xi32>
      %jit3A = arith.constant 0.000000e+00 : f32
      %broadcast_in_dim3A_1041 = vector.broadcast %jit3A : f32 to vector<16xf32>
      %select_n3A_1042 = arith.select %gt3A_1040, %select_n3A, %broadcast_in_dim3A_1041 : vector<16xi1>, vector<16xf32>
      %add3A_1043 = arith.addf %scan3A_1007, %select_n3A_1042 : vector<16xf32>
      %jit3A_1044 = arith.constant 1.000000e+00 : f32
      %jit3A_1045 = arith.constant 0.000000e+00 : f32
      %broadcast_in_dim3A_1046 = vector.broadcast %jit3A_1044 : f32 to vector<16xf32>
      %broadcast_in_dim3A_1047 = vector.broadcast %jit3A_1045 : f32 to vector<16xf32>
      %select_n3A_1048 = arith.select %gt3A_1040, %broadcast_in_dim3A_1046, %broadcast_in_dim3A_1047 : vector<16xi1>, vector<16xf32>
      %add3A_1049 = arith.addf %scan3A_1008, %select_n3A_1048 : vector<16xf32>
      scf.yield %add3A_1043, %add3A_1049 : vector<16xf32>, vector<16xf32>
    }
    %scan3A_142 = arith.constant 8 : i32
    %dma_start3A_143 = arith.constant 5 : i32
    %dma_start3A_144 = arith.constant 1 : i32
    %dma_start3A_145 = arith.constant 0 : i32
    %dma_start3A_146 = arith.constant 0 : i32
    %dma_start3A_147 = tpu.memref_slice %arg9[%dma_start3A_144, %dma_start3A_145, %dma_start3A_146] : memref<2x128x16xf32, #tpu.memory_space<vmem>> -> memref<1x128x16xf32, #tpu.memory_space<vmem>>
    %dma_start3A_148 = tpu.memref_squeeze %dma_start3A_147 : memref<1x128x16xf32, #tpu.memory_space<vmem>> -> memref<128x16xf32, #tpu.memory_space<vmem>>
    %dma_start3A_149 = arith.constant 0 : i32
    %dma_start3A_150 = tpu.memref_slice %arg7[%dma_start3A_143, %dma_start3A_149] : memref<32x128xi32, #tpu.memory_space<vmem>> -> memref<1x128xi32, #tpu.memory_space<vmem>>
    %dma_start3A_151 = tpu.memref_squeeze %dma_start3A_150 : memref<1x128xi32, #tpu.memory_space<vmem>> -> memref<128xi32, #tpu.memory_space<vmem>>
    %dma_start3A_152 = arith.constant 0 : i32
    %dma_start3A_153 = arith.constant 0 : i32
    %dma_start3A_154 = tpu.memref_slice %arg2[%dma_start3A_152, %dma_start3A_153] : memref<745472x16xf32, #tpu.memory_space<hbm>> -> memref<745472x16xf32, #tpu.memory_space<hbm>>
    tpu.enqueue_indirect_dma source(%dma_start3A_154 : memref<745472x16xf32, #tpu.memory_space<hbm>>) target(%dma_start3A_148 : memref<128x16xf32, #tpu.memory_space<vmem>>) offsets(%dma_start3A_151 : memref<128xi32, #tpu.memory_space<vmem>>) semaphore(%arg12 : memref<!tpu.dma_semaphore, #tpu.memory_space<semaphore_mem>>)
    %dma_wait3A_155 = arith.constant 4 : i32
    %dma_wait3A_156 = arith.constant 0 : i32
    %dma_wait3A_157 = arith.constant 0 : i32
    %dma_wait3A_158 = arith.constant 0 : i32
    %dma_wait3A_159 = tpu.memref_slice %arg9[%dma_wait3A_156, %dma_wait3A_157, %dma_wait3A_158] : memref<2x128x16xf32, #tpu.memory_space<vmem>> -> memref<1x128x16xf32, #tpu.memory_space<vmem>>
    %dma_wait3A_160 = tpu.memref_squeeze %dma_wait3A_159 : memref<1x128x16xf32, #tpu.memory_space<vmem>> -> memref<128x16xf32, #tpu.memory_space<vmem>>
    %dma_wait3A_161 = arith.constant 0 : i32
    %dma_wait3A_162 = tpu.memref_slice %arg7[%dma_wait3A_155, %dma_wait3A_161] : memref<32x128xi32, #tpu.memory_space<vmem>> -> memref<1x128xi32, #tpu.memory_space<vmem>>
    %dma_wait3A_163 = tpu.memref_squeeze %dma_wait3A_162 : memref<1x128xi32, #tpu.memory_space<vmem>> -> memref<128xi32, #tpu.memory_space<vmem>>
    %dma_wait3A_164 = arith.constant 0 : i32
    %dma_wait3A_165 = arith.constant 0 : i32
    %dma_wait3A_166 = tpu.memref_slice %arg2[%dma_wait3A_164, %dma_wait3A_165] : memref<745472x16xf32, #tpu.memory_space<hbm>> -> memref<745472x16xf32, #tpu.memory_space<hbm>>
    tpu.wait_indirect_dma semaphore(%arg11 : memref<!tpu.dma_semaphore, #tpu.memory_space<semaphore_mem>>) src(%dma_wait3A_166 : memref<745472x16xf32, #tpu.memory_space<hbm>>) dst(%dma_wait3A_160 : memref<128x16xf32, #tpu.memory_space<vmem>>)
    %scan3A_167 = arith.constant 0 : i32
    %scan3A_168 = arith.constant 0 : i32
    %scan3A_169 = arith.constant 8 : i32
    %scan3A_170 = arith.addi %scan3A_168, %scan3A_169 : i32
    %scan3A_171 = arith.constant 1 : i32
    %scan3A_172:2 = scf.for %scan3A_1006 = %scan3A_168 to %scan3A_170 step %scan3A_171 iter_args(%scan3A_1007 = %scan3A_141#0, %scan3A_1008 = %scan3A_141#1) -> (vector<16xf32>, vector<16xf32>)  : i32 {
      %mul3A_1009 = arith.constant 16 : i32
      %mul3A_1010 = arith.muli %scan3A_1006, %mul3A_1009 : i32
      %add3A_1011 = vector.broadcast %mul3A_1010 : i32 to vector<16xi32>
      %add3A_1012 = arith.addi %add3A_1011, %iota3A : vector<16xi32>
      %gather3A = arith.constant 0 : i32
      %gather3A_1013 = arith.constant 0 : i32
      %gather3A_1014 = tpu.memref_slice %arg9[%scan3A_167, %gather3A, %gather3A_1013] : memref<2x128x16xf32, #tpu.memory_space<vmem>> -> memref<1x128x16xf32, #tpu.memory_space<vmem>>
      %gather3A_1015 = tpu.memref_squeeze %gather3A_1014 : memref<1x128x16xf32, #tpu.memory_space<vmem>> -> memref<128x16xf32, #tpu.memory_space<vmem>>
      %gather3A_1016 = tpu.vector_load_idx %gather3A_1015[%add3A_1012, %iota3A] : memref<128x16xf32, #tpu.memory_space<vmem>>[vector<16xi32>, vector<16xi32>], vector<16xf32>,
      %mul3A_1017 = arith.constant 16 : i32
      %mul3A_1018 = arith.muli %scan3A_1006, %mul3A_1017 : i32
      %add3A_1019 = arith.constant 128 : i32
      %add3A_1020 = arith.addi %add3A_1019, %mul3A_1018 : i32
      %get3A = arith.constant 0 : i32
      %get3A_1021 = arith.index_cast %get3A : i32 to index
      %get3A_1022 = arith.index_cast %add3A_1020 : i32 to index
      %get3A_1023 = tpu.vector_load %arg8[%get3A_1021, %get3A_1022] {strides = array<i32>} : memref<4x1024xf32, #tpu.memory_space<vmem>>, vector<16xf32>,
      %mul3A_1024 = arith.constant 16 : i32
      %mul3A_1025 = arith.muli %scan3A_1006, %mul3A_1024 : i32
      %add3A_1026 = arith.constant 128 : i32
      %add3A_1027 = arith.addi %add3A_1026, %mul3A_1025 : i32
      %get3A_1028 = arith.index_cast %add3A_1027 : i32 to index
      %get3A_1029 = tpu.vector_load %arg6[%get3A_1028] {strides = array<i32>} : memref<1024xi32, #tpu.memory_space<vmem>>, vector<16xi32>,
      %sub3A = arith.subf %get3A_1023, %gather3A_1016 : vector<16xf32>
      %abs3A = math.absf %sub3A : vector<16xf32>
      %lt3A = arith.constant 1.000000e+00 : f32
      %lt3A_1030 = vector.broadcast %lt3A : f32 to vector<16xf32>
      %lt3A_1031 = arith.cmpf olt, %abs3A, %lt3A_1030 : vector<16xf32>
      %mul3A_1032 = arith.constant 5.000000e-01 : f32
      %mul3A_1033 = vector.broadcast %mul3A_1032 : f32 to vector<16xf32>
      %mul3A_1034 = arith.mulf %mul3A_1033, %abs3A : vector<16xf32>
      %mul3A_1035 = arith.mulf %mul3A_1034, %abs3A : vector<16xf32>
      %sub3A_1036 = arith.constant 5.000000e-01 : f32
      %sub3A_1037 = vector.broadcast %sub3A_1036 : f32 to vector<16xf32>
      %sub3A_1038 = arith.subf %abs3A, %sub3A_1037 : vector<16xf32>
      %select_n3A = arith.select %lt3A_1031, %mul3A_1035, %sub3A_1038 : vector<16xi1>, vector<16xf32>
      %gt3A = arith.constant 0 : i32
      %gt3A_1039 = vector.broadcast %gt3A : i32 to vector<16xi32>
      %gt3A_1040 = arith.cmpi sgt, %get3A_1029, %gt3A_1039 : vector<16xi32>
      %jit3A = arith.constant 0.000000e+00 : f32
      %broadcast_in_dim3A_1041 = vector.broadcast %jit3A : f32 to vector<16xf32>
      %select_n3A_1042 = arith.select %gt3A_1040, %select_n3A, %broadcast_in_dim3A_1041 : vector<16xi1>, vector<16xf32>
      %add3A_1043 = arith.addf %scan3A_1007, %select_n3A_1042 : vector<16xf32>
      %jit3A_1044 = arith.constant 1.000000e+00 : f32
      %jit3A_1045 = arith.constant 0.000000e+00 : f32
      %broadcast_in_dim3A_1046 = vector.broadcast %jit3A_1044 : f32 to vector<16xf32>
      %broadcast_in_dim3A_1047 = vector.broadcast %jit3A_1045 : f32 to vector<16xf32>
      %select_n3A_1048 = arith.select %gt3A_1040, %broadcast_in_dim3A_1046, %broadcast_in_dim3A_1047 : vector<16xi1>, vector<16xf32>
      %add3A_1049 = arith.addf %scan3A_1008, %select_n3A_1048 : vector<16xf32>
      scf.yield %add3A_1043, %add3A_1049 : vector<16xf32>, vector<16xf32>
    }
    %scan3A_173 = arith.constant 8 : i32
    %dma_start3A_174 = arith.constant 6 : i32
    %dma_start3A_175 = arith.constant 0 : i32
    %dma_start3A_176 = arith.constant 0 : i32
    %dma_start3A_177 = arith.constant 0 : i32
    %dma_start3A_178 = tpu.memref_slice %arg9[%dma_start3A_175, %dma_start3A_176, %dma_start3A_177] : memref<2x128x16xf32, #tpu.memory_space<vmem>> -> memref<1x128x16xf32, #tpu.memory_space<vmem>>
    %dma_start3A_179 = tpu.memref_squeeze %dma_start3A_178 : memref<1x128x16xf32, #tpu.memory_space<vmem>> -> memref<128x16xf32, #tpu.memory_space<vmem>>
    %dma_start3A_180 = arith.constant 0 : i32
    %dma_start3A_181 = tpu.memref_slice %arg7[%dma_start3A_174, %dma_start3A_180] : memref<32x128xi32, #tpu.memory_space<vmem>> -> memref<1x128xi32, #tpu.memory_space<vmem>>
    %dma_start3A_182 = tpu.memref_squeeze %dma_start3A_181 : memref<1x128xi32, #tpu.memory_space<vmem>> -> memref<128xi32, #tpu.memory_space<vmem>>
    %dma_start3A_183 = arith.constant 0 : i32
    %dma_start3A_184 = arith.constant 0 : i32
    %dma_start3A_185 = tpu.memref_slice %arg2[%dma_start3A_183, %dma_start3A_184] : memref<745472x16xf32, #tpu.memory_space<hbm>> -> memref<745472x16xf32, #tpu.memory_space<hbm>>
    tpu.enqueue_indirect_dma source(%dma_start3A_185 : memref<745472x16xf32, #tpu.memory_space<hbm>>) target(%dma_start3A_179 : memref<128x16xf32, #tpu.memory_space<vmem>>) offsets(%dma_start3A_182 : memref<128xi32, #tpu.memory_space<vmem>>) semaphore(%arg11 : memref<!tpu.dma_semaphore, #tpu.memory_space<semaphore_mem>>)
    %dma_wait3A_186 = arith.constant 5 : i32
    %dma_wait3A_187 = arith.constant 1 : i32
    %dma_wait3A_188 = arith.constant 0 : i32
    %dma_wait3A_189 = arith.constant 0 : i32
    %dma_wait3A_190 = tpu.memref_slice %arg9[%dma_wait3A_187, %dma_wait3A_188, %dma_wait3A_189] : memref<2x128x16xf32, #tpu.memory_space<vmem>> -> memref<1x128x16xf32, #tpu.memory_space<vmem>>
    %dma_wait3A_191 = tpu.memref_squeeze %dma_wait3A_190 : memref<1x128x16xf32, #tpu.memory_space<vmem>> -> memref<128x16xf32, #tpu.memory_space<vmem>>
    %dma_wait3A_192 = arith.constant 0 : i32
    %dma_wait3A_193 = tpu.memref_slice %arg7[%dma_wait3A_186, %dma_wait3A_192] : memref<32x128xi32, #tpu.memory_space<vmem>> -> memref<1x128xi32, #tpu.memory_space<vmem>>
    %dma_wait3A_194 = tpu.memref_squeeze %dma_wait3A_193 : memref<1x128xi32, #tpu.memory_space<vmem>> -> memref<128xi32, #tpu.memory_space<vmem>>
    %dma_wait3A_195 = arith.constant 0 : i32
    %dma_wait3A_196 = arith.constant 0 : i32
    %dma_wait3A_197 = tpu.memref_slice %arg2[%dma_wait3A_195, %dma_wait3A_196] : memref<745472x16xf32, #tpu.memory_space<hbm>> -> memref<745472x16xf32, #tpu.memory_space<hbm>>
    tpu.wait_indirect_dma semaphore(%arg12 : memref<!tpu.dma_semaphore, #tpu.memory_space<semaphore_mem>>) src(%dma_wait3A_197 : memref<745472x16xf32, #tpu.memory_space<hbm>>) dst(%dma_wait3A_191 : memref<128x16xf32, #tpu.memory_space<vmem>>)
    %scan3A_198 = arith.constant 1 : i32
    %scan3A_199 = arith.constant 0 : i32
    %scan3A_200 = arith.constant 8 : i32
    %scan3A_201 = arith.addi %scan3A_199, %scan3A_200 : i32
    %scan3A_202 = arith.constant 1 : i32
    %scan3A_203:2 = scf.for %scan3A_1006 = %scan3A_199 to %scan3A_201 step %scan3A_202 iter_args(%scan3A_1007 = %scan3A_172#0, %scan3A_1008 = %scan3A_172#1) -> (vector<16xf32>, vector<16xf32>)  : i32 {
      %mul3A_1009 = arith.constant 16 : i32
      %mul3A_1010 = arith.muli %scan3A_1006, %mul3A_1009 : i32
      %add3A_1011 = vector.broadcast %mul3A_1010 : i32 to vector<16xi32>
      %add3A_1012 = arith.addi %add3A_1011, %iota3A : vector<16xi32>
      %gather3A = arith.constant 0 : i32
      %gather3A_1013 = arith.constant 0 : i32
      %gather3A_1014 = tpu.memref_slice %arg9[%scan3A_198, %gather3A, %gather3A_1013] : memref<2x128x16xf32, #tpu.memory_space<vmem>> -> memref<1x128x16xf32, #tpu.memory_space<vmem>>
      %gather3A_1015 = tpu.memref_squeeze %gather3A_1014 : memref<1x128x16xf32, #tpu.memory_space<vmem>> -> memref<128x16xf32, #tpu.memory_space<vmem>>
      %gather3A_1016 = tpu.vector_load_idx %gather3A_1015[%add3A_1012, %iota3A] : memref<128x16xf32, #tpu.memory_space<vmem>>[vector<16xi32>, vector<16xi32>], vector<16xf32>,
      %mul3A_1017 = arith.constant 16 : i32
      %mul3A_1018 = arith.muli %scan3A_1006, %mul3A_1017 : i32
      %add3A_1019 = arith.constant 128 : i32
      %add3A_1020 = arith.addi %add3A_1019, %mul3A_1018 : i32
      %get3A = arith.constant 1 : i32
      %get3A_1021 = arith.index_cast %get3A : i32 to index
      %get3A_1022 = arith.index_cast %add3A_1020 : i32 to index
      %get3A_1023 = tpu.vector_load %arg8[%get3A_1021, %get3A_1022] {strides = array<i32>} : memref<4x1024xf32, #tpu.memory_space<vmem>>, vector<16xf32>,
      %mul3A_1024 = arith.constant 16 : i32
      %mul3A_1025 = arith.muli %scan3A_1006, %mul3A_1024 : i32
      %add3A_1026 = arith.constant 128 : i32
      %add3A_1027 = arith.addi %add3A_1026, %mul3A_1025 : i32
      %get3A_1028 = arith.index_cast %add3A_1027 : i32 to index
      %get3A_1029 = tpu.vector_load %arg6[%get3A_1028] {strides = array<i32>} : memref<1024xi32, #tpu.memory_space<vmem>>, vector<16xi32>,
      %sub3A = arith.subf %get3A_1023, %gather3A_1016 : vector<16xf32>
      %abs3A = math.absf %sub3A : vector<16xf32>
      %lt3A = arith.constant 1.000000e+00 : f32
      %lt3A_1030 = vector.broadcast %lt3A : f32 to vector<16xf32>
      %lt3A_1031 = arith.cmpf olt, %abs3A, %lt3A_1030 : vector<16xf32>
      %mul3A_1032 = arith.constant 5.000000e-01 : f32
      %mul3A_1033 = vector.broadcast %mul3A_1032 : f32 to vector<16xf32>
      %mul3A_1034 = arith.mulf %mul3A_1033, %abs3A : vector<16xf32>
      %mul3A_1035 = arith.mulf %mul3A_1034, %abs3A : vector<16xf32>
      %sub3A_1036 = arith.constant 5.000000e-01 : f32
      %sub3A_1037 = vector.broadcast %sub3A_1036 : f32 to vector<16xf32>
      %sub3A_1038 = arith.subf %abs3A, %sub3A_1037 : vector<16xf32>
      %select_n3A = arith.select %lt3A_1031, %mul3A_1035, %sub3A_1038 : vector<16xi1>, vector<16xf32>
      %gt3A = arith.constant 0 : i32
      %gt3A_1039 = vector.broadcast %gt3A : i32 to vector<16xi32>
      %gt3A_1040 = arith.cmpi sgt, %get3A_1029, %gt3A_1039 : vector<16xi32>
      %jit3A = arith.constant 0.000000e+00 : f32
      %broadcast_in_dim3A_1041 = vector.broadcast %jit3A : f32 to vector<16xf32>
      %select_n3A_1042 = arith.select %gt3A_1040, %select_n3A, %broadcast_in_dim3A_1041 : vector<16xi1>, vector<16xf32>
      %add3A_1043 = arith.addf %scan3A_1007, %select_n3A_1042 : vector<16xf32>
      %jit3A_1044 = arith.constant 1.000000e+00 : f32
      %jit3A_1045 = arith.constant 0.000000e+00 : f32
      %broadcast_in_dim3A_1046 = vector.broadcast %jit3A_1044 : f32 to vector<16xf32>
      %broadcast_in_dim3A_1047 = vector.broadcast %jit3A_1045 : f32 to vector<16xf32>
      %select_n3A_1048 = arith.select %gt3A_1040, %broadcast_in_dim3A_1046, %broadcast_in_dim3A_1047 : vector<16xi1>, vector<16xf32>
      %add3A_1049 = arith.addf %scan3A_1008, %select_n3A_1048 : vector<16xf32>
      scf.yield %add3A_1043, %add3A_1049 : vector<16xf32>, vector<16xf32>
    }
    %scan3A_204 = arith.constant 8 : i32
    %dma_start3A_205 = arith.constant 7 : i32
    %dma_start3A_206 = arith.constant 1 : i32
    %dma_start3A_207 = arith.constant 0 : i32
    %dma_start3A_208 = arith.constant 0 : i32
    %dma_start3A_209 = tpu.memref_slice %arg9[%dma_start3A_206, %dma_start3A_207, %dma_start3A_208] : memref<2x128x16xf32, #tpu.memory_space<vmem>> -> memref<1x128x16xf32, #tpu.memory_space<vmem>>
    %dma_start3A_210 = tpu.memref_squeeze %dma_start3A_209 : memref<1x128x16xf32, #tpu.memory_space<vmem>> -> memref<128x16xf32, #tpu.memory_space<vmem>>
    %dma_start3A_211 = arith.constant 0 : i32
    %dma_start3A_212 = tpu.memref_slice %arg7[%dma_start3A_205, %dma_start3A_211] : memref<32x128xi32, #tpu.memory_space<vmem>> -> memref<1x128xi32, #tpu.memory_space<vmem>>
    %dma_start3A_213 = tpu.memref_squeeze %dma_start3A_212 : memref<1x128xi32, #tpu.memory_space<vmem>> -> memref<128xi32, #tpu.memory_space<vmem>>
    %dma_start3A_214 = arith.constant 0 : i32
    %dma_start3A_215 = arith.constant 0 : i32
    %dma_start3A_216 = tpu.memref_slice %arg2[%dma_start3A_214, %dma_start3A_215] : memref<745472x16xf32, #tpu.memory_space<hbm>> -> memref<745472x16xf32, #tpu.memory_space<hbm>>
    tpu.enqueue_indirect_dma source(%dma_start3A_216 : memref<745472x16xf32, #tpu.memory_space<hbm>>) target(%dma_start3A_210 : memref<128x16xf32, #tpu.memory_space<vmem>>) offsets(%dma_start3A_213 : memref<128xi32, #tpu.memory_space<vmem>>) semaphore(%arg12 : memref<!tpu.dma_semaphore, #tpu.memory_space<semaphore_mem>>)
    %dma_wait3A_217 = arith.constant 6 : i32
    %dma_wait3A_218 = arith.constant 0 : i32
    %dma_wait3A_219 = arith.constant 0 : i32
    %dma_wait3A_220 = arith.constant 0 : i32
    %dma_wait3A_221 = tpu.memref_slice %arg9[%dma_wait3A_218, %dma_wait3A_219, %dma_wait3A_220] : memref<2x128x16xf32, #tpu.memory_space<vmem>> -> memref<1x128x16xf32, #tpu.memory_space<vmem>>
    %dma_wait3A_222 = tpu.memref_squeeze %dma_wait3A_221 : memref<1x128x16xf32, #tpu.memory_space<vmem>> -> memref<128x16xf32, #tpu.memory_space<vmem>>
    %dma_wait3A_223 = arith.constant 0 : i32
    %dma_wait3A_224 = tpu.memref_slice %arg7[%dma_wait3A_217, %dma_wait3A_223] : memref<32x128xi32, #tpu.memory_space<vmem>> -> memref<1x128xi32, #tpu.memory_space<vmem>>
    %dma_wait3A_225 = tpu.memref_squeeze %dma_wait3A_224 : memref<1x128xi32, #tpu.memory_space<vmem>> -> memref<128xi32, #tpu.memory_space<vmem>>
    %dma_wait3A_226 = arith.constant 0 : i32
    %dma_wait3A_227 = arith.constant 0 : i32
    %dma_wait3A_228 = tpu.memref_slice %arg2[%dma_wait3A_226, %dma_wait3A_227] : memref<745472x16xf32, #tpu.memory_space<hbm>> -> memref<745472x16xf32, #tpu.memory_space<hbm>>
    tpu.wait_indirect_dma semaphore(%arg11 : memref<!tpu.dma_semaphore, #tpu.memory_space<semaphore_mem>>) src(%dma_wait3A_228 : memref<745472x16xf32, #tpu.memory_space<hbm>>) dst(%dma_wait3A_222 : memref<128x16xf32, #tpu.memory_space<vmem>>)
    %scan3A_229 = arith.constant 0 : i32
    %scan3A_230 = arith.constant 0 : i32
    %scan3A_231 = arith.constant 8 : i32
    %scan3A_232 = arith.addi %scan3A_230, %scan3A_231 : i32
    %scan3A_233 = arith.constant 1 : i32
    %scan3A_234:2 = scf.for %scan3A_1006 = %scan3A_230 to %scan3A_232 step %scan3A_233 iter_args(%scan3A_1007 = %scan3A_203#0, %scan3A_1008 = %scan3A_203#1) -> (vector<16xf32>, vector<16xf32>)  : i32 {
      %mul3A_1009 = arith.constant 16 : i32
      %mul3A_1010 = arith.muli %scan3A_1006, %mul3A_1009 : i32
      %add3A_1011 = vector.broadcast %mul3A_1010 : i32 to vector<16xi32>
      %add3A_1012 = arith.addi %add3A_1011, %iota3A : vector<16xi32>
      %gather3A = arith.constant 0 : i32
      %gather3A_1013 = arith.constant 0 : i32
      %gather3A_1014 = tpu.memref_slice %arg9[%scan3A_229, %gather3A, %gather3A_1013] : memref<2x128x16xf32, #tpu.memory_space<vmem>> -> memref<1x128x16xf32, #tpu.memory_space<vmem>>
      %gather3A_1015 = tpu.memref_squeeze %gather3A_1014 : memref<1x128x16xf32, #tpu.memory_space<vmem>> -> memref<128x16xf32, #tpu.memory_space<vmem>>
      %gather3A_1016 = tpu.vector_load_idx %gather3A_1015[%add3A_1012, %iota3A] : memref<128x16xf32, #tpu.memory_space<vmem>>[vector<16xi32>, vector<16xi32>], vector<16xf32>,
      %mul3A_1017 = arith.constant 16 : i32
      %mul3A_1018 = arith.muli %scan3A_1006, %mul3A_1017 : i32
      %add3A_1019 = arith.constant 128 : i32
      %add3A_1020 = arith.addi %add3A_1019, %mul3A_1018 : i32
      %get3A = arith.constant 2 : i32
      %get3A_1021 = arith.index_cast %get3A : i32 to index
      %get3A_1022 = arith.index_cast %add3A_1020 : i32 to index
      %get3A_1023 = tpu.vector_load %arg8[%get3A_1021, %get3A_1022] {strides = array<i32>} : memref<4x1024xf32, #tpu.memory_space<vmem>>, vector<16xf32>,
      %mul3A_1024 = arith.constant 16 : i32
      %mul3A_1025 = arith.muli %scan3A_1006, %mul3A_1024 : i32
      %add3A_1026 = arith.constant 128 : i32
      %add3A_1027 = arith.addi %add3A_1026, %mul3A_1025 : i32
      %get3A_1028 = arith.index_cast %add3A_1027 : i32 to index
      %get3A_1029 = tpu.vector_load %arg6[%get3A_1028] {strides = array<i32>} : memref<1024xi32, #tpu.memory_space<vmem>>, vector<16xi32>,
      %sub3A = arith.subf %get3A_1023, %gather3A_1016 : vector<16xf32>
      %abs3A = math.absf %sub3A : vector<16xf32>
      %lt3A = arith.constant 1.000000e+00 : f32
      %lt3A_1030 = vector.broadcast %lt3A : f32 to vector<16xf32>
      %lt3A_1031 = arith.cmpf olt, %abs3A, %lt3A_1030 : vector<16xf32>
      %mul3A_1032 = arith.constant 5.000000e-01 : f32
      %mul3A_1033 = vector.broadcast %mul3A_1032 : f32 to vector<16xf32>
      %mul3A_1034 = arith.mulf %mul3A_1033, %abs3A : vector<16xf32>
      %mul3A_1035 = arith.mulf %mul3A_1034, %abs3A : vector<16xf32>
      %sub3A_1036 = arith.constant 5.000000e-01 : f32
      %sub3A_1037 = vector.broadcast %sub3A_1036 : f32 to vector<16xf32>
      %sub3A_1038 = arith.subf %abs3A, %sub3A_1037 : vector<16xf32>
      %select_n3A = arith.select %lt3A_1031, %mul3A_1035, %sub3A_1038 : vector<16xi1>, vector<16xf32>
      %gt3A = arith.constant 0 : i32
      %gt3A_1039 = vector.broadcast %gt3A : i32 to vector<16xi32>
      %gt3A_1040 = arith.cmpi sgt, %get3A_1029, %gt3A_1039 : vector<16xi32>
      %jit3A = arith.constant 0.000000e+00 : f32
      %broadcast_in_dim3A_1041 = vector.broadcast %jit3A : f32 to vector<16xf32>
      %select_n3A_1042 = arith.select %gt3A_1040, %select_n3A, %broadcast_in_dim3A_1041 : vector<16xi1>, vector<16xf32>
      %add3A_1043 = arith.addf %scan3A_1007, %select_n3A_1042 : vector<16xf32>
      %jit3A_1044 = arith.constant 1.000000e+00 : f32
      %jit3A_1045 = arith.constant 0.000000e+00 : f32
      %broadcast_in_dim3A_1046 = vector.broadcast %jit3A_1044 : f32 to vector<16xf32>
      %broadcast_in_dim3A_1047 = vector.broadcast %jit3A_1045 : f32 to vector<16xf32>
      %select_n3A_1048 = arith.select %gt3A_1040, %broadcast_in_dim3A_1046, %broadcast_in_dim3A_1047 : vector<16xi1>, vector<16xf32>
      %add3A_1049 = arith.addf %scan3A_1008, %select_n3A_1048 : vector<16xf32>
      scf.yield %add3A_1043, %add3A_1049 : vector<16xf32>, vector<16xf32>
    }
    %scan3A_235 = arith.constant 8 : i32
    %dma_start3A_236 = arith.constant 8 : i32
    %dma_start3A_237 = arith.constant 0 : i32
    %dma_start3A_238 = arith.constant 0 : i32
    %dma_start3A_239 = arith.constant 0 : i32
    %dma_start3A_240 = tpu.memref_slice %arg9[%dma_start3A_237, %dma_start3A_238, %dma_start3A_239] : memref<2x128x16xf32, #tpu.memory_space<vmem>> -> memref<1x128x16xf32, #tpu.memory_space<vmem>>
    %dma_start3A_241 = tpu.memref_squeeze %dma_start3A_240 : memref<1x128x16xf32, #tpu.memory_space<vmem>> -> memref<128x16xf32, #tpu.memory_space<vmem>>
    %dma_start3A_242 = arith.constant 0 : i32
    %dma_start3A_243 = tpu.memref_slice %arg7[%dma_start3A_236, %dma_start3A_242] : memref<32x128xi32, #tpu.memory_space<vmem>> -> memref<1x128xi32, #tpu.memory_space<vmem>>
    %dma_start3A_244 = tpu.memref_squeeze %dma_start3A_243 : memref<1x128xi32, #tpu.memory_space<vmem>> -> memref<128xi32, #tpu.memory_space<vmem>>
    %dma_start3A_245 = arith.constant 0 : i32
    %dma_start3A_246 = arith.constant 0 : i32
    %dma_start3A_247 = tpu.memref_slice %arg2[%dma_start3A_245, %dma_start3A_246] : memref<745472x16xf32, #tpu.memory_space<hbm>> -> memref<745472x16xf32, #tpu.memory_space<hbm>>
    tpu.enqueue_indirect_dma source(%dma_start3A_247 : memref<745472x16xf32, #tpu.memory_space<hbm>>) target(%dma_start3A_241 : memref<128x16xf32, #tpu.memory_space<vmem>>) offsets(%dma_start3A_244 : memref<128xi32, #tpu.memory_space<vmem>>) semaphore(%arg11 : memref<!tpu.dma_semaphore, #tpu.memory_space<semaphore_mem>>)
    %dma_wait3A_248 = arith.constant 7 : i32
    %dma_wait3A_249 = arith.constant 1 : i32
    %dma_wait3A_250 = arith.constant 0 : i32
    %dma_wait3A_251 = arith.constant 0 : i32
    %dma_wait3A_252 = tpu.memref_slice %arg9[%dma_wait3A_249, %dma_wait3A_250, %dma_wait3A_251] : memref<2x128x16xf32, #tpu.memory_space<vmem>> -> memref<1x128x16xf32, #tpu.memory_space<vmem>>
    %dma_wait3A_253 = tpu.memref_squeeze %dma_wait3A_252 : memref<1x128x16xf32, #tpu.memory_space<vmem>> -> memref<128x16xf32, #tpu.memory_space<vmem>>
    %dma_wait3A_254 = arith.constant 0 : i32
    %dma_wait3A_255 = tpu.memref_slice %arg7[%dma_wait3A_248, %dma_wait3A_254] : memref<32x128xi32, #tpu.memory_space<vmem>> -> memref<1x128xi32, #tpu.memory_space<vmem>>
    %dma_wait3A_256 = tpu.memref_squeeze %dma_wait3A_255 : memref<1x128xi32, #tpu.memory_space<vmem>> -> memref<128xi32, #tpu.memory_space<vmem>>
    %dma_wait3A_257 = arith.constant 0 : i32
    %dma_wait3A_258 = arith.constant 0 : i32
    %dma_wait3A_259 = tpu.memref_slice %arg2[%dma_wait3A_257, %dma_wait3A_258] : memref<745472x16xf32, #tpu.memory_space<hbm>> -> memref<745472x16xf32, #tpu.memory_space<hbm>>
    tpu.wait_indirect_dma semaphore(%arg12 : memref<!tpu.dma_semaphore, #tpu.memory_space<semaphore_mem>>) src(%dma_wait3A_259 : memref<745472x16xf32, #tpu.memory_space<hbm>>) dst(%dma_wait3A_253 : memref<128x16xf32, #tpu.memory_space<vmem>>)
    %scan3A_260 = arith.constant 1 : i32
    %scan3A_261 = arith.constant 0 : i32
    %scan3A_262 = arith.constant 8 : i32
    %scan3A_263 = arith.addi %scan3A_261, %scan3A_262 : i32
    %scan3A_264 = arith.constant 1 : i32
    %scan3A_265:2 = scf.for %scan3A_1006 = %scan3A_261 to %scan3A_263 step %scan3A_264 iter_args(%scan3A_1007 = %scan3A_234#0, %scan3A_1008 = %scan3A_234#1) -> (vector<16xf32>, vector<16xf32>)  : i32 {
      %mul3A_1009 = arith.constant 16 : i32
      %mul3A_1010 = arith.muli %scan3A_1006, %mul3A_1009 : i32
      %add3A_1011 = vector.broadcast %mul3A_1010 : i32 to vector<16xi32>
      %add3A_1012 = arith.addi %add3A_1011, %iota3A : vector<16xi32>
      %gather3A = arith.constant 0 : i32
      %gather3A_1013 = arith.constant 0 : i32
      %gather3A_1014 = tpu.memref_slice %arg9[%scan3A_260, %gather3A, %gather3A_1013] : memref<2x128x16xf32, #tpu.memory_space<vmem>> -> memref<1x128x16xf32, #tpu.memory_space<vmem>>
      %gather3A_1015 = tpu.memref_squeeze %gather3A_1014 : memref<1x128x16xf32, #tpu.memory_space<vmem>> -> memref<128x16xf32, #tpu.memory_space<vmem>>
      %gather3A_1016 = tpu.vector_load_idx %gather3A_1015[%add3A_1012, %iota3A] : memref<128x16xf32, #tpu.memory_space<vmem>>[vector<16xi32>, vector<16xi32>], vector<16xf32>,
      %mul3A_1017 = arith.constant 16 : i32
      %mul3A_1018 = arith.muli %scan3A_1006, %mul3A_1017 : i32
      %add3A_1019 = arith.constant 128 : i32
      %add3A_1020 = arith.addi %add3A_1019, %mul3A_1018 : i32
      %get3A = arith.constant 3 : i32
      %get3A_1021 = arith.index_cast %get3A : i32 to index
      %get3A_1022 = arith.index_cast %add3A_1020 : i32 to index
      %get3A_1023 = tpu.vector_load %arg8[%get3A_1021, %get3A_1022] {strides = array<i32>} : memref<4x1024xf32, #tpu.memory_space<vmem>>, vector<16xf32>,
      %mul3A_1024 = arith.constant 16 : i32
      %mul3A_1025 = arith.muli %scan3A_1006, %mul3A_1024 : i32
      %add3A_1026 = arith.constant 128 : i32
      %add3A_1027 = arith.addi %add3A_1026, %mul3A_1025 : i32
      %get3A_1028 = arith.index_cast %add3A_1027 : i32 to index
      %get3A_1029 = tpu.vector_load %arg6[%get3A_1028] {strides = array<i32>} : memref<1024xi32, #tpu.memory_space<vmem>>, vector<16xi32>,
      %sub3A = arith.subf %get3A_1023, %gather3A_1016 : vector<16xf32>
      %abs3A = math.absf %sub3A : vector<16xf32>
      %lt3A = arith.constant 1.000000e+00 : f32
      %lt3A_1030 = vector.broadcast %lt3A : f32 to vector<16xf32>
      %lt3A_1031 = arith.cmpf olt, %abs3A, %lt3A_1030 : vector<16xf32>
      %mul3A_1032 = arith.constant 5.000000e-01 : f32
      %mul3A_1033 = vector.broadcast %mul3A_1032 : f32 to vector<16xf32>
      %mul3A_1034 = arith.mulf %mul3A_1033, %abs3A : vector<16xf32>
      %mul3A_1035 = arith.mulf %mul3A_1034, %abs3A : vector<16xf32>
      %sub3A_1036 = arith.constant 5.000000e-01 : f32
      %sub3A_1037 = vector.broadcast %sub3A_1036 : f32 to vector<16xf32>
      %sub3A_1038 = arith.subf %abs3A, %sub3A_1037 : vector<16xf32>
      %select_n3A = arith.select %lt3A_1031, %mul3A_1035, %sub3A_1038 : vector<16xi1>, vector<16xf32>
      %gt3A = arith.constant 0 : i32
      %gt3A_1039 = vector.broadcast %gt3A : i32 to vector<16xi32>
      %gt3A_1040 = arith.cmpi sgt, %get3A_1029, %gt3A_1039 : vector<16xi32>
      %jit3A = arith.constant 0.000000e+00 : f32
      %broadcast_in_dim3A_1041 = vector.broadcast %jit3A : f32 to vector<16xf32>
      %select_n3A_1042 = arith.select %gt3A_1040, %select_n3A, %broadcast_in_dim3A_1041 : vector<16xi1>, vector<16xf32>
      %add3A_1043 = arith.addf %scan3A_1007, %select_n3A_1042 : vector<16xf32>
      %jit3A_1044 = arith.constant 1.000000e+00 : f32
      %jit3A_1045 = arith.constant 0.000000e+00 : f32
      %broadcast_in_dim3A_1046 = vector.broadcast %jit3A_1044 : f32 to vector<16xf32>
      %broadcast_in_dim3A_1047 = vector.broadcast %jit3A_1045 : f32 to vector<16xf32>
      %select_n3A_1048 = arith.select %gt3A_1040, %broadcast_in_dim3A_1046, %broadcast_in_dim3A_1047 : vector<16xi1>, vector<16xf32>
      %add3A_1049 = arith.addf %scan3A_1008, %select_n3A_1048 : vector<16xf32>
      scf.yield %add3A_1043, %add3A_1049 : vector<16xf32>, vector<16xf32>
    }
    %scan3A_266 = arith.constant 8 : i32
    %dma_start3A_267 = arith.constant 9 : i32
    %dma_start3A_268 = arith.constant 1 : i32
    %dma_start3A_269 = arith.constant 0 : i32
    %dma_start3A_270 = arith.constant 0 : i32
    %dma_start3A_271 = tpu.memref_slice %arg9[%dma_start3A_268, %dma_start3A_269, %dma_start3A_270] : memref<2x128x16xf32, #tpu.memory_space<vmem>> -> memref<1x128x16xf32, #tpu.memory_space<vmem>>
    %dma_start3A_272 = tpu.memref_squeeze %dma_start3A_271 : memref<1x128x16xf32, #tpu.memory_space<vmem>> -> memref<128x16xf32, #tpu.memory_space<vmem>>
    %dma_start3A_273 = arith.constant 0 : i32
    %dma_start3A_274 = tpu.memref_slice %arg7[%dma_start3A_267, %dma_start3A_273] : memref<32x128xi32, #tpu.memory_space<vmem>> -> memref<1x128xi32, #tpu.memory_space<vmem>>
    %dma_start3A_275 = tpu.memref_squeeze %dma_start3A_274 : memref<1x128xi32, #tpu.memory_space<vmem>> -> memref<128xi32, #tpu.memory_space<vmem>>
    %dma_start3A_276 = arith.constant 0 : i32
    %dma_start3A_277 = arith.constant 0 : i32
    %dma_start3A_278 = tpu.memref_slice %arg2[%dma_start3A_276, %dma_start3A_277] : memref<745472x16xf32, #tpu.memory_space<hbm>> -> memref<745472x16xf32, #tpu.memory_space<hbm>>
    tpu.enqueue_indirect_dma source(%dma_start3A_278 : memref<745472x16xf32, #tpu.memory_space<hbm>>) target(%dma_start3A_272 : memref<128x16xf32, #tpu.memory_space<vmem>>) offsets(%dma_start3A_275 : memref<128xi32, #tpu.memory_space<vmem>>) semaphore(%arg12 : memref<!tpu.dma_semaphore, #tpu.memory_space<semaphore_mem>>)
    %dma_wait3A_279 = arith.constant 8 : i32
    %dma_wait3A_280 = arith.constant 0 : i32
    %dma_wait3A_281 = arith.constant 0 : i32
    %dma_wait3A_282 = arith.constant 0 : i32
    %dma_wait3A_283 = tpu.memref_slice %arg9[%dma_wait3A_280, %dma_wait3A_281, %dma_wait3A_282] : memref<2x128x16xf32, #tpu.memory_space<vmem>> -> memref<1x128x16xf32, #tpu.memory_space<vmem>>
    %dma_wait3A_284 = tpu.memref_squeeze %dma_wait3A_283 : memref<1x128x16xf32, #tpu.memory_space<vmem>> -> memref<128x16xf32, #tpu.memory_space<vmem>>
    %dma_wait3A_285 = arith.constant 0 : i32
    %dma_wait3A_286 = tpu.memref_slice %arg7[%dma_wait3A_279, %dma_wait3A_285] : memref<32x128xi32, #tpu.memory_space<vmem>> -> memref<1x128xi32, #tpu.memory_space<vmem>>
    %dma_wait3A_287 = tpu.memref_squeeze %dma_wait3A_286 : memref<1x128xi32, #tpu.memory_space<vmem>> -> memref<128xi32, #tpu.memory_space<vmem>>
    %dma_wait3A_288 = arith.constant 0 : i32
    %dma_wait3A_289 = arith.constant 0 : i32
    %dma_wait3A_290 = tpu.memref_slice %arg2[%dma_wait3A_288, %dma_wait3A_289] : memref<745472x16xf32, #tpu.memory_space<hbm>> -> memref<745472x16xf32, #tpu.memory_space<hbm>>
    tpu.wait_indirect_dma semaphore(%arg11 : memref<!tpu.dma_semaphore, #tpu.memory_space<semaphore_mem>>) src(%dma_wait3A_290 : memref<745472x16xf32, #tpu.memory_space<hbm>>) dst(%dma_wait3A_284 : memref<128x16xf32, #tpu.memory_space<vmem>>)
    %scan3A_291 = arith.constant 0 : i32
    %scan3A_292 = arith.constant 0 : i32
    %scan3A_293 = arith.constant 8 : i32
    %scan3A_294 = arith.addi %scan3A_292, %scan3A_293 : i32
    %scan3A_295 = arith.constant 1 : i32
    %scan3A_296:2 = scf.for %scan3A_1006 = %scan3A_292 to %scan3A_294 step %scan3A_295 iter_args(%scan3A_1007 = %scan3A_265#0, %scan3A_1008 = %scan3A_265#1) -> (vector<16xf32>, vector<16xf32>)  : i32 {
      %mul3A_1009 = arith.constant 16 : i32
      %mul3A_1010 = arith.muli %scan3A_1006, %mul3A_1009 : i32
      %add3A_1011 = vector.broadcast %mul3A_1010 : i32 to vector<16xi32>
      %add3A_1012 = arith.addi %add3A_1011, %iota3A : vector<16xi32>
      %gather3A = arith.constant 0 : i32
      %gather3A_1013 = arith.constant 0 : i32
      %gather3A_1014 = tpu.memref_slice %arg9[%scan3A_291, %gather3A, %gather3A_1013] : memref<2x128x16xf32, #tpu.memory_space<vmem>> -> memref<1x128x16xf32, #tpu.memory_space<vmem>>
      %gather3A_1015 = tpu.memref_squeeze %gather3A_1014 : memref<1x128x16xf32, #tpu.memory_space<vmem>> -> memref<128x16xf32, #tpu.memory_space<vmem>>
      %gather3A_1016 = tpu.vector_load_idx %gather3A_1015[%add3A_1012, %iota3A] : memref<128x16xf32, #tpu.memory_space<vmem>>[vector<16xi32>, vector<16xi32>], vector<16xf32>,
      %mul3A_1017 = arith.constant 16 : i32
      %mul3A_1018 = arith.muli %scan3A_1006, %mul3A_1017 : i32
      %add3A_1019 = arith.constant 256 : i32
      %add3A_1020 = arith.addi %add3A_1019, %mul3A_1018 : i32
      %get3A = arith.constant 0 : i32
      %get3A_1021 = arith.index_cast %get3A : i32 to index
      %get3A_1022 = arith.index_cast %add3A_1020 : i32 to index
      %get3A_1023 = tpu.vector_load %arg8[%get3A_1021, %get3A_1022] {strides = array<i32>} : memref<4x1024xf32, #tpu.memory_space<vmem>>, vector<16xf32>,
      %mul3A_1024 = arith.constant 16 : i32
      %mul3A_1025 = arith.muli %scan3A_1006, %mul3A_1024 : i32
      %add3A_1026 = arith.constant 256 : i32
      %add3A_1027 = arith.addi %add3A_1026, %mul3A_1025 : i32
      %get3A_1028 = arith.index_cast %add3A_1027 : i32 to index
      %get3A_1029 = tpu.vector_load %arg6[%get3A_1028] {strides = array<i32>} : memref<1024xi32, #tpu.memory_space<vmem>>, vector<16xi32>,
      %sub3A = arith.subf %get3A_1023, %gather3A_1016 : vector<16xf32>
      %abs3A = math.absf %sub3A : vector<16xf32>
      %lt3A = arith.constant 1.000000e+00 : f32
      %lt3A_1030 = vector.broadcast %lt3A : f32 to vector<16xf32>
      %lt3A_1031 = arith.cmpf olt, %abs3A, %lt3A_1030 : vector<16xf32>
      %mul3A_1032 = arith.constant 5.000000e-01 : f32
      %mul3A_1033 = vector.broadcast %mul3A_1032 : f32 to vector<16xf32>
      %mul3A_1034 = arith.mulf %mul3A_1033, %abs3A : vector<16xf32>
      %mul3A_1035 = arith.mulf %mul3A_1034, %abs3A : vector<16xf32>
      %sub3A_1036 = arith.constant 5.000000e-01 : f32
      %sub3A_1037 = vector.broadcast %sub3A_1036 : f32 to vector<16xf32>
      %sub3A_1038 = arith.subf %abs3A, %sub3A_1037 : vector<16xf32>
      %select_n3A = arith.select %lt3A_1031, %mul3A_1035, %sub3A_1038 : vector<16xi1>, vector<16xf32>
      %gt3A = arith.constant 0 : i32
      %gt3A_1039 = vector.broadcast %gt3A : i32 to vector<16xi32>
      %gt3A_1040 = arith.cmpi sgt, %get3A_1029, %gt3A_1039 : vector<16xi32>
      %jit3A = arith.constant 0.000000e+00 : f32
      %broadcast_in_dim3A_1041 = vector.broadcast %jit3A : f32 to vector<16xf32>
      %select_n3A_1042 = arith.select %gt3A_1040, %select_n3A, %broadcast_in_dim3A_1041 : vector<16xi1>, vector<16xf32>
      %add3A_1043 = arith.addf %scan3A_1007, %select_n3A_1042 : vector<16xf32>
      %jit3A_1044 = arith.constant 1.000000e+00 : f32
      %jit3A_1045 = arith.constant 0.000000e+00 : f32
      %broadcast_in_dim3A_1046 = vector.broadcast %jit3A_1044 : f32 to vector<16xf32>
      %broadcast_in_dim3A_1047 = vector.broadcast %jit3A_1045 : f32 to vector<16xf32>
      %select_n3A_1048 = arith.select %gt3A_1040, %broadcast_in_dim3A_1046, %broadcast_in_dim3A_1047 : vector<16xi1>, vector<16xf32>
      %add3A_1049 = arith.addf %scan3A_1008, %select_n3A_1048 : vector<16xf32>
      scf.yield %add3A_1043, %add3A_1049 : vector<16xf32>, vector<16xf32>
    }
    %scan3A_297 = arith.constant 8 : i32
    %dma_start3A_298 = arith.constant 10 : i32
    %dma_start3A_299 = arith.constant 0 : i32
    %dma_start3A_300 = arith.constant 0 : i32
    %dma_start3A_301 = arith.constant 0 : i32
    %dma_start3A_302 = tpu.memref_slice %arg9[%dma_start3A_299, %dma_start3A_300, %dma_start3A_301] : memref<2x128x16xf32, #tpu.memory_space<vmem>> -> memref<1x128x16xf32, #tpu.memory_space<vmem>>
    %dma_start3A_303 = tpu.memref_squeeze %dma_start3A_302 : memref<1x128x16xf32, #tpu.memory_space<vmem>> -> memref<128x16xf32, #tpu.memory_space<vmem>>
    %dma_start3A_304 = arith.constant 0 : i32
    %dma_start3A_305 = tpu.memref_slice %arg7[%dma_start3A_298, %dma_start3A_304] : memref<32x128xi32, #tpu.memory_space<vmem>> -> memref<1x128xi32, #tpu.memory_space<vmem>>
    %dma_start3A_306 = tpu.memref_squeeze %dma_start3A_305 : memref<1x128xi32, #tpu.memory_space<vmem>> -> memref<128xi32, #tpu.memory_space<vmem>>
    %dma_start3A_307 = arith.constant 0 : i32
    %dma_start3A_308 = arith.constant 0 : i32
    %dma_start3A_309 = tpu.memref_slice %arg2[%dma_start3A_307, %dma_start3A_308] : memref<745472x16xf32, #tpu.memory_space<hbm>> -> memref<745472x16xf32, #tpu.memory_space<hbm>>
    tpu.enqueue_indirect_dma source(%dma_start3A_309 : memref<745472x16xf32, #tpu.memory_space<hbm>>) target(%dma_start3A_303 : memref<128x16xf32, #tpu.memory_space<vmem>>) offsets(%dma_start3A_306 : memref<128xi32, #tpu.memory_space<vmem>>) semaphore(%arg11 : memref<!tpu.dma_semaphore, #tpu.memory_space<semaphore_mem>>)
    %dma_wait3A_310 = arith.constant 9 : i32
    %dma_wait3A_311 = arith.constant 1 : i32
    %dma_wait3A_312 = arith.constant 0 : i32
    %dma_wait3A_313 = arith.constant 0 : i32
    %dma_wait3A_314 = tpu.memref_slice %arg9[%dma_wait3A_311, %dma_wait3A_312, %dma_wait3A_313] : memref<2x128x16xf32, #tpu.memory_space<vmem>> -> memref<1x128x16xf32, #tpu.memory_space<vmem>>
    %dma_wait3A_315 = tpu.memref_squeeze %dma_wait3A_314 : memref<1x128x16xf32, #tpu.memory_space<vmem>> -> memref<128x16xf32, #tpu.memory_space<vmem>>
    %dma_wait3A_316 = arith.constant 0 : i32
    %dma_wait3A_317 = tpu.memref_slice %arg7[%dma_wait3A_310, %dma_wait3A_316] : memref<32x128xi32, #tpu.memory_space<vmem>> -> memref<1x128xi32, #tpu.memory_space<vmem>>
    %dma_wait3A_318 = tpu.memref_squeeze %dma_wait3A_317 : memref<1x128xi32, #tpu.memory_space<vmem>> -> memref<128xi32, #tpu.memory_space<vmem>>
    %dma_wait3A_319 = arith.constant 0 : i32
    %dma_wait3A_320 = arith.constant 0 : i32
    %dma_wait3A_321 = tpu.memref_slice %arg2[%dma_wait3A_319, %dma_wait3A_320] : memref<745472x16xf32, #tpu.memory_space<hbm>> -> memref<745472x16xf32, #tpu.memory_space<hbm>>
    tpu.wait_indirect_dma semaphore(%arg12 : memref<!tpu.dma_semaphore, #tpu.memory_space<semaphore_mem>>) src(%dma_wait3A_321 : memref<745472x16xf32, #tpu.memory_space<hbm>>) dst(%dma_wait3A_315 : memref<128x16xf32, #tpu.memory_space<vmem>>)
    %scan3A_322 = arith.constant 1 : i32
    %scan3A_323 = arith.constant 0 : i32
    %scan3A_324 = arith.constant 8 : i32
    %scan3A_325 = arith.addi %scan3A_323, %scan3A_324 : i32
    %scan3A_326 = arith.constant 1 : i32
    %scan3A_327:2 = scf.for %scan3A_1006 = %scan3A_323 to %scan3A_325 step %scan3A_326 iter_args(%scan3A_1007 = %scan3A_296#0, %scan3A_1008 = %scan3A_296#1) -> (vector<16xf32>, vector<16xf32>)  : i32 {
      %mul3A_1009 = arith.constant 16 : i32
      %mul3A_1010 = arith.muli %scan3A_1006, %mul3A_1009 : i32
      %add3A_1011 = vector.broadcast %mul3A_1010 : i32 to vector<16xi32>
      %add3A_1012 = arith.addi %add3A_1011, %iota3A : vector<16xi32>
      %gather3A = arith.constant 0 : i32
      %gather3A_1013 = arith.constant 0 : i32
      %gather3A_1014 = tpu.memref_slice %arg9[%scan3A_322, %gather3A, %gather3A_1013] : memref<2x128x16xf32, #tpu.memory_space<vmem>> -> memref<1x128x16xf32, #tpu.memory_space<vmem>>
      %gather3A_1015 = tpu.memref_squeeze %gather3A_1014 : memref<1x128x16xf32, #tpu.memory_space<vmem>> -> memref<128x16xf32, #tpu.memory_space<vmem>>
      %gather3A_1016 = tpu.vector_load_idx %gather3A_1015[%add3A_1012, %iota3A] : memref<128x16xf32, #tpu.memory_space<vmem>>[vector<16xi32>, vector<16xi32>], vector<16xf32>,
      %mul3A_1017 = arith.constant 16 : i32
      %mul3A_1018 = arith.muli %scan3A_1006, %mul3A_1017 : i32
      %add3A_1019 = arith.constant 256 : i32
      %add3A_1020 = arith.addi %add3A_1019, %mul3A_1018 : i32
      %get3A = arith.constant 1 : i32
      %get3A_1021 = arith.index_cast %get3A : i32 to index
      %get3A_1022 = arith.index_cast %add3A_1020 : i32 to index
      %get3A_1023 = tpu.vector_load %arg8[%get3A_1021, %get3A_1022] {strides = array<i32>} : memref<4x1024xf32, #tpu.memory_space<vmem>>, vector<16xf32>,
      %mul3A_1024 = arith.constant 16 : i32
      %mul3A_1025 = arith.muli %scan3A_1006, %mul3A_1024 : i32
      %add3A_1026 = arith.constant 256 : i32
      %add3A_1027 = arith.addi %add3A_1026, %mul3A_1025 : i32
      %get3A_1028 = arith.index_cast %add3A_1027 : i32 to index
      %get3A_1029 = tpu.vector_load %arg6[%get3A_1028] {strides = array<i32>} : memref<1024xi32, #tpu.memory_space<vmem>>, vector<16xi32>,
      %sub3A = arith.subf %get3A_1023, %gather3A_1016 : vector<16xf32>
      %abs3A = math.absf %sub3A : vector<16xf32>
      %lt3A = arith.constant 1.000000e+00 : f32
      %lt3A_1030 = vector.broadcast %lt3A : f32 to vector<16xf32>
      %lt3A_1031 = arith.cmpf olt, %abs3A, %lt3A_1030 : vector<16xf32>
      %mul3A_1032 = arith.constant 5.000000e-01 : f32
      %mul3A_1033 = vector.broadcast %mul3A_1032 : f32 to vector<16xf32>
      %mul3A_1034 = arith.mulf %mul3A_1033, %abs3A : vector<16xf32>
      %mul3A_1035 = arith.mulf %mul3A_1034, %abs3A : vector<16xf32>
      %sub3A_1036 = arith.constant 5.000000e-01 : f32
      %sub3A_1037 = vector.broadcast %sub3A_1036 : f32 to vector<16xf32>
      %sub3A_1038 = arith.subf %abs3A, %sub3A_1037 : vector<16xf32>
      %select_n3A = arith.select %lt3A_1031, %mul3A_1035, %sub3A_1038 : vector<16xi1>, vector<16xf32>
      %gt3A = arith.constant 0 : i32
      %gt3A_1039 = vector.broadcast %gt3A : i32 to vector<16xi32>
      %gt3A_1040 = arith.cmpi sgt, %get3A_1029, %gt3A_1039 : vector<16xi32>
      %jit3A = arith.constant 0.000000e+00 : f32
      %broadcast_in_dim3A_1041 = vector.broadcast %jit3A : f32 to vector<16xf32>
      %select_n3A_1042 = arith.select %gt3A_1040, %select_n3A, %broadcast_in_dim3A_1041 : vector<16xi1>, vector<16xf32>
      %add3A_1043 = arith.addf %scan3A_1007, %select_n3A_1042 : vector<16xf32>
      %jit3A_1044 = arith.constant 1.000000e+00 : f32
      %jit3A_1045 = arith.constant 0.000000e+00 : f32
      %broadcast_in_dim3A_1046 = vector.broadcast %jit3A_1044 : f32 to vector<16xf32>
      %broadcast_in_dim3A_1047 = vector.broadcast %jit3A_1045 : f32 to vector<16xf32>
      %select_n3A_1048 = arith.select %gt3A_1040, %broadcast_in_dim3A_1046, %broadcast_in_dim3A_1047 : vector<16xi1>, vector<16xf32>
      %add3A_1049 = arith.addf %scan3A_1008, %select_n3A_1048 : vector<16xf32>
      scf.yield %add3A_1043, %add3A_1049 : vector<16xf32>, vector<16xf32>
    }
    %scan3A_328 = arith.constant 8 : i32
    %dma_start3A_329 = arith.constant 11 : i32
    %dma_start3A_330 = arith.constant 1 : i32
    %dma_start3A_331 = arith.constant 0 : i32
    %dma_start3A_332 = arith.constant 0 : i32
    %dma_start3A_333 = tpu.memref_slice %arg9[%dma_start3A_330, %dma_start3A_331, %dma_start3A_332] : memref<2x128x16xf32, #tpu.memory_space<vmem>> -> memref<1x128x16xf32, #tpu.memory_space<vmem>>
    %dma_start3A_334 = tpu.memref_squeeze %dma_start3A_333 : memref<1x128x16xf32, #tpu.memory_space<vmem>> -> memref<128x16xf32, #tpu.memory_space<vmem>>
    %dma_start3A_335 = arith.constant 0 : i32
    %dma_start3A_336 = tpu.memref_slice %arg7[%dma_start3A_329, %dma_start3A_335] : memref<32x128xi32, #tpu.memory_space<vmem>> -> memref<1x128xi32, #tpu.memory_space<vmem>>
    %dma_start3A_337 = tpu.memref_squeeze %dma_start3A_336 : memref<1x128xi32, #tpu.memory_space<vmem>> -> memref<128xi32, #tpu.memory_space<vmem>>
    %dma_start3A_338 = arith.constant 0 : i32
    %dma_start3A_339 = arith.constant 0 : i32
    %dma_start3A_340 = tpu.memref_slice %arg2[%dma_start3A_338, %dma_start3A_339] : memref<745472x16xf32, #tpu.memory_space<hbm>> -> memref<745472x16xf32, #tpu.memory_space<hbm>>
    tpu.enqueue_indirect_dma source(%dma_start3A_340 : memref<745472x16xf32, #tpu.memory_space<hbm>>) target(%dma_start3A_334 : memref<128x16xf32, #tpu.memory_space<vmem>>) offsets(%dma_start3A_337 : memref<128xi32, #tpu.memory_space<vmem>>) semaphore(%arg12 : memref<!tpu.dma_semaphore, #tpu.memory_space<semaphore_mem>>)
    %dma_wait3A_341 = arith.constant 10 : i32
    %dma_wait3A_342 = arith.constant 0 : i32
    %dma_wait3A_343 = arith.constant 0 : i32
    %dma_wait3A_344 = arith.constant 0 : i32
    %dma_wait3A_345 = tpu.memref_slice %arg9[%dma_wait3A_342, %dma_wait3A_343, %dma_wait3A_344] : memref<2x128x16xf32, #tpu.memory_space<vmem>> -> memref<1x128x16xf32, #tpu.memory_space<vmem>>
    %dma_wait3A_346 = tpu.memref_squeeze %dma_wait3A_345 : memref<1x128x16xf32, #tpu.memory_space<vmem>> -> memref<128x16xf32, #tpu.memory_space<vmem>>
    %dma_wait3A_347 = arith.constant 0 : i32
    %dma_wait3A_348 = tpu.memref_slice %arg7[%dma_wait3A_341, %dma_wait3A_347] : memref<32x128xi32, #tpu.memory_space<vmem>> -> memref<1x128xi32, #tpu.memory_space<vmem>>
    %dma_wait3A_349 = tpu.memref_squeeze %dma_wait3A_348 : memref<1x128xi32, #tpu.memory_space<vmem>> -> memref<128xi32, #tpu.memory_space<vmem>>
    %dma_wait3A_350 = arith.constant 0 : i32
    %dma_wait3A_351 = arith.constant 0 : i32
    %dma_wait3A_352 = tpu.memref_slice %arg2[%dma_wait3A_350, %dma_wait3A_351] : memref<745472x16xf32, #tpu.memory_space<hbm>> -> memref<745472x16xf32, #tpu.memory_space<hbm>>
    tpu.wait_indirect_dma semaphore(%arg11 : memref<!tpu.dma_semaphore, #tpu.memory_space<semaphore_mem>>) src(%dma_wait3A_352 : memref<745472x16xf32, #tpu.memory_space<hbm>>) dst(%dma_wait3A_346 : memref<128x16xf32, #tpu.memory_space<vmem>>)
    %scan3A_353 = arith.constant 0 : i32
    %scan3A_354 = arith.constant 0 : i32
    %scan3A_355 = arith.constant 8 : i32
    %scan3A_356 = arith.addi %scan3A_354, %scan3A_355 : i32
    %scan3A_357 = arith.constant 1 : i32
    %scan3A_358:2 = scf.for %scan3A_1006 = %scan3A_354 to %scan3A_356 step %scan3A_357 iter_args(%scan3A_1007 = %scan3A_327#0, %scan3A_1008 = %scan3A_327#1) -> (vector<16xf32>, vector<16xf32>)  : i32 {
      %mul3A_1009 = arith.constant 16 : i32
      %mul3A_1010 = arith.muli %scan3A_1006, %mul3A_1009 : i32
      %add3A_1011 = vector.broadcast %mul3A_1010 : i32 to vector<16xi32>
      %add3A_1012 = arith.addi %add3A_1011, %iota3A : vector<16xi32>
      %gather3A = arith.constant 0 : i32
      %gather3A_1013 = arith.constant 0 : i32
      %gather3A_1014 = tpu.memref_slice %arg9[%scan3A_353, %gather3A, %gather3A_1013] : memref<2x128x16xf32, #tpu.memory_space<vmem>> -> memref<1x128x16xf32, #tpu.memory_space<vmem>>
      %gather3A_1015 = tpu.memref_squeeze %gather3A_1014 : memref<1x128x16xf32, #tpu.memory_space<vmem>> -> memref<128x16xf32, #tpu.memory_space<vmem>>
      %gather3A_1016 = tpu.vector_load_idx %gather3A_1015[%add3A_1012, %iota3A] : memref<128x16xf32, #tpu.memory_space<vmem>>[vector<16xi32>, vector<16xi32>], vector<16xf32>,
      %mul3A_1017 = arith.constant 16 : i32
      %mul3A_1018 = arith.muli %scan3A_1006, %mul3A_1017 : i32
      %add3A_1019 = arith.constant 256 : i32
      %add3A_1020 = arith.addi %add3A_1019, %mul3A_1018 : i32
      %get3A = arith.constant 2 : i32
      %get3A_1021 = arith.index_cast %get3A : i32 to index
      %get3A_1022 = arith.index_cast %add3A_1020 : i32 to index
      %get3A_1023 = tpu.vector_load %arg8[%get3A_1021, %get3A_1022] {strides = array<i32>} : memref<4x1024xf32, #tpu.memory_space<vmem>>, vector<16xf32>,
      %mul3A_1024 = arith.constant 16 : i32
      %mul3A_1025 = arith.muli %scan3A_1006, %mul3A_1024 : i32
      %add3A_1026 = arith.constant 256 : i32
      %add3A_1027 = arith.addi %add3A_1026, %mul3A_1025 : i32
      %get3A_1028 = arith.index_cast %add3A_1027 : i32 to index
      %get3A_1029 = tpu.vector_load %arg6[%get3A_1028] {strides = array<i32>} : memref<1024xi32, #tpu.memory_space<vmem>>, vector<16xi32>,
      %sub3A = arith.subf %get3A_1023, %gather3A_1016 : vector<16xf32>
      %abs3A = math.absf %sub3A : vector<16xf32>
      %lt3A = arith.constant 1.000000e+00 : f32
      %lt3A_1030 = vector.broadcast %lt3A : f32 to vector<16xf32>
      %lt3A_1031 = arith.cmpf olt, %abs3A, %lt3A_1030 : vector<16xf32>
      %mul3A_1032 = arith.constant 5.000000e-01 : f32
      %mul3A_1033 = vector.broadcast %mul3A_1032 : f32 to vector<16xf32>
      %mul3A_1034 = arith.mulf %mul3A_1033, %abs3A : vector<16xf32>
      %mul3A_1035 = arith.mulf %mul3A_1034, %abs3A : vector<16xf32>
      %sub3A_1036 = arith.constant 5.000000e-01 : f32
      %sub3A_1037 = vector.broadcast %sub3A_1036 : f32 to vector<16xf32>
      %sub3A_1038 = arith.subf %abs3A, %sub3A_1037 : vector<16xf32>
      %select_n3A = arith.select %lt3A_1031, %mul3A_1035, %sub3A_1038 : vector<16xi1>, vector<16xf32>
      %gt3A = arith.constant 0 : i32
      %gt3A_1039 = vector.broadcast %gt3A : i32 to vector<16xi32>
      %gt3A_1040 = arith.cmpi sgt, %get3A_1029, %gt3A_1039 : vector<16xi32>
      %jit3A = arith.constant 0.000000e+00 : f32
      %broadcast_in_dim3A_1041 = vector.broadcast %jit3A : f32 to vector<16xf32>
      %select_n3A_1042 = arith.select %gt3A_1040, %select_n3A, %broadcast_in_dim3A_1041 : vector<16xi1>, vector<16xf32>
      %add3A_1043 = arith.addf %scan3A_1007, %select_n3A_1042 : vector<16xf32>
      %jit3A_1044 = arith.constant 1.000000e+00 : f32
      %jit3A_1045 = arith.constant 0.000000e+00 : f32
      %broadcast_in_dim3A_1046 = vector.broadcast %jit3A_1044 : f32 to vector<16xf32>
      %broadcast_in_dim3A_1047 = vector.broadcast %jit3A_1045 : f32 to vector<16xf32>
      %select_n3A_1048 = arith.select %gt3A_1040, %broadcast_in_dim3A_1046, %broadcast_in_dim3A_1047 : vector<16xi1>, vector<16xf32>
      %add3A_1049 = arith.addf %scan3A_1008, %select_n3A_1048 : vector<16xf32>
      scf.yield %add3A_1043, %add3A_1049 : vector<16xf32>, vector<16xf32>
    }
    %scan3A_359 = arith.constant 8 : i32
    %dma_start3A_360 = arith.constant 12 : i32
    %dma_start3A_361 = arith.constant 0 : i32
    %dma_start3A_362 = arith.constant 0 : i32
    %dma_start3A_363 = arith.constant 0 : i32
    %dma_start3A_364 = tpu.memref_slice %arg9[%dma_start3A_361, %dma_start3A_362, %dma_start3A_363] : memref<2x128x16xf32, #tpu.memory_space<vmem>> -> memref<1x128x16xf32, #tpu.memory_space<vmem>>
    %dma_start3A_365 = tpu.memref_squeeze %dma_start3A_364 : memref<1x128x16xf32, #tpu.memory_space<vmem>> -> memref<128x16xf32, #tpu.memory_space<vmem>>
    %dma_start3A_366 = arith.constant 0 : i32
    %dma_start3A_367 = tpu.memref_slice %arg7[%dma_start3A_360, %dma_start3A_366] : memref<32x128xi32, #tpu.memory_space<vmem>> -> memref<1x128xi32, #tpu.memory_space<vmem>>
    %dma_start3A_368 = tpu.memref_squeeze %dma_start3A_367 : memref<1x128xi32, #tpu.memory_space<vmem>> -> memref<128xi32, #tpu.memory_space<vmem>>
    %dma_start3A_369 = arith.constant 0 : i32
    %dma_start3A_370 = arith.constant 0 : i32
    %dma_start3A_371 = tpu.memref_slice %arg2[%dma_start3A_369, %dma_start3A_370] : memref<745472x16xf32, #tpu.memory_space<hbm>> -> memref<745472x16xf32, #tpu.memory_space<hbm>>
    tpu.enqueue_indirect_dma source(%dma_start3A_371 : memref<745472x16xf32, #tpu.memory_space<hbm>>) target(%dma_start3A_365 : memref<128x16xf32, #tpu.memory_space<vmem>>) offsets(%dma_start3A_368 : memref<128xi32, #tpu.memory_space<vmem>>) semaphore(%arg11 : memref<!tpu.dma_semaphore, #tpu.memory_space<semaphore_mem>>)
    %dma_wait3A_372 = arith.constant 11 : i32
    %dma_wait3A_373 = arith.constant 1 : i32
    %dma_wait3A_374 = arith.constant 0 : i32
    %dma_wait3A_375 = arith.constant 0 : i32
    %dma_wait3A_376 = tpu.memref_slice %arg9[%dma_wait3A_373, %dma_wait3A_374, %dma_wait3A_375] : memref<2x128x16xf32, #tpu.memory_space<vmem>> -> memref<1x128x16xf32, #tpu.memory_space<vmem>>
    %dma_wait3A_377 = tpu.memref_squeeze %dma_wait3A_376 : memref<1x128x16xf32, #tpu.memory_space<vmem>> -> memref<128x16xf32, #tpu.memory_space<vmem>>
    %dma_wait3A_378 = arith.constant 0 : i32
    %dma_wait3A_379 = tpu.memref_slice %arg7[%dma_wait3A_372, %dma_wait3A_378] : memref<32x128xi32, #tpu.memory_space<vmem>> -> memref<1x128xi32, #tpu.memory_space<vmem>>
    %dma_wait3A_380 = tpu.memref_squeeze %dma_wait3A_379 : memref<1x128xi32, #tpu.memory_space<vmem>> -> memref<128xi32, #tpu.memory_space<vmem>>
    %dma_wait3A_381 = arith.constant 0 : i32
    %dma_wait3A_382 = arith.constant 0 : i32
    %dma_wait3A_383 = tpu.memref_slice %arg2[%dma_wait3A_381, %dma_wait3A_382] : memref<745472x16xf32, #tpu.memory_space<hbm>> -> memref<745472x16xf32, #tpu.memory_space<hbm>>
    tpu.wait_indirect_dma semaphore(%arg12 : memref<!tpu.dma_semaphore, #tpu.memory_space<semaphore_mem>>) src(%dma_wait3A_383 : memref<745472x16xf32, #tpu.memory_space<hbm>>) dst(%dma_wait3A_377 : memref<128x16xf32, #tpu.memory_space<vmem>>)
    %scan3A_384 = arith.constant 1 : i32
    %scan3A_385 = arith.constant 0 : i32
    %scan3A_386 = arith.constant 8 : i32
    %scan3A_387 = arith.addi %scan3A_385, %scan3A_386 : i32
    %scan3A_388 = arith.constant 1 : i32
    %scan3A_389:2 = scf.for %scan3A_1006 = %scan3A_385 to %scan3A_387 step %scan3A_388 iter_args(%scan3A_1007 = %scan3A_358#0, %scan3A_1008 = %scan3A_358#1) -> (vector<16xf32>, vector<16xf32>)  : i32 {
      %mul3A_1009 = arith.constant 16 : i32
      %mul3A_1010 = arith.muli %scan3A_1006, %mul3A_1009 : i32
      %add3A_1011 = vector.broadcast %mul3A_1010 : i32 to vector<16xi32>
      %add3A_1012 = arith.addi %add3A_1011, %iota3A : vector<16xi32>
      %gather3A = arith.constant 0 : i32
      %gather3A_1013 = arith.constant 0 : i32
      %gather3A_1014 = tpu.memref_slice %arg9[%scan3A_384, %gather3A, %gather3A_1013] : memref<2x128x16xf32, #tpu.memory_space<vmem>> -> memref<1x128x16xf32, #tpu.memory_space<vmem>>
      %gather3A_1015 = tpu.memref_squeeze %gather3A_1014 : memref<1x128x16xf32, #tpu.memory_space<vmem>> -> memref<128x16xf32, #tpu.memory_space<vmem>>
      %gather3A_1016 = tpu.vector_load_idx %gather3A_1015[%add3A_1012, %iota3A] : memref<128x16xf32, #tpu.memory_space<vmem>>[vector<16xi32>, vector<16xi32>], vector<16xf32>,
      %mul3A_1017 = arith.constant 16 : i32
      %mul3A_1018 = arith.muli %scan3A_1006, %mul3A_1017 : i32
      %add3A_1019 = arith.constant 256 : i32
      %add3A_1020 = arith.addi %add3A_1019, %mul3A_1018 : i32
      %get3A = arith.constant 3 : i32
      %get3A_1021 = arith.index_cast %get3A : i32 to index
      %get3A_1022 = arith.index_cast %add3A_1020 : i32 to index
      %get3A_1023 = tpu.vector_load %arg8[%get3A_1021, %get3A_1022] {strides = array<i32>} : memref<4x1024xf32, #tpu.memory_space<vmem>>, vector<16xf32>,
      %mul3A_1024 = arith.constant 16 : i32
      %mul3A_1025 = arith.muli %scan3A_1006, %mul3A_1024 : i32
      %add3A_1026 = arith.constant 256 : i32
      %add3A_1027 = arith.addi %add3A_1026, %mul3A_1025 : i32
      %get3A_1028 = arith.index_cast %add3A_1027 : i32 to index
      %get3A_1029 = tpu.vector_load %arg6[%get3A_1028] {strides = array<i32>} : memref<1024xi32, #tpu.memory_space<vmem>>, vector<16xi32>,
      %sub3A = arith.subf %get3A_1023, %gather3A_1016 : vector<16xf32>
      %abs3A = math.absf %sub3A : vector<16xf32>
      %lt3A = arith.constant 1.000000e+00 : f32
      %lt3A_1030 = vector.broadcast %lt3A : f32 to vector<16xf32>
      %lt3A_1031 = arith.cmpf olt, %abs3A, %lt3A_1030 : vector<16xf32>
      %mul3A_1032 = arith.constant 5.000000e-01 : f32
      %mul3A_1033 = vector.broadcast %mul3A_1032 : f32 to vector<16xf32>
      %mul3A_1034 = arith.mulf %mul3A_1033, %abs3A : vector<16xf32>
      %mul3A_1035 = arith.mulf %mul3A_1034, %abs3A : vector<16xf32>
      %sub3A_1036 = arith.constant 5.000000e-01 : f32
      %sub3A_1037 = vector.broadcast %sub3A_1036 : f32 to vector<16xf32>
      %sub3A_1038 = arith.subf %abs3A, %sub3A_1037 : vector<16xf32>
      %select_n3A = arith.select %lt3A_1031, %mul3A_1035, %sub3A_1038 : vector<16xi1>, vector<16xf32>
      %gt3A = arith.constant 0 : i32
      %gt3A_1039 = vector.broadcast %gt3A : i32 to vector<16xi32>
      %gt3A_1040 = arith.cmpi sgt, %get3A_1029, %gt3A_1039 : vector<16xi32>
      %jit3A = arith.constant 0.000000e+00 : f32
      %broadcast_in_dim3A_1041 = vector.broadcast %jit3A : f32 to vector<16xf32>
      %select_n3A_1042 = arith.select %gt3A_1040, %select_n3A, %broadcast_in_dim3A_1041 : vector<16xi1>, vector<16xf32>
      %add3A_1043 = arith.addf %scan3A_1007, %select_n3A_1042 : vector<16xf32>
      %jit3A_1044 = arith.constant 1.000000e+00 : f32
      %jit3A_1045 = arith.constant 0.000000e+00 : f32
      %broadcast_in_dim3A_1046 = vector.broadcast %jit3A_1044 : f32 to vector<16xf32>
      %broadcast_in_dim3A_1047 = vector.broadcast %jit3A_1045 : f32 to vector<16xf32>
      %select_n3A_1048 = arith.select %gt3A_1040, %broadcast_in_dim3A_1046, %broadcast_in_dim3A_1047 : vector<16xi1>, vector<16xf32>
      %add3A_1049 = arith.addf %scan3A_1008, %select_n3A_1048 : vector<16xf32>
      scf.yield %add3A_1043, %add3A_1049 : vector<16xf32>, vector<16xf32>
    }
    %scan3A_390 = arith.constant 8 : i32
    %dma_start3A_391 = arith.constant 13 : i32
    %dma_start3A_392 = arith.constant 1 : i32
    %dma_start3A_393 = arith.constant 0 : i32
    %dma_start3A_394 = arith.constant 0 : i32
    %dma_start3A_395 = tpu.memref_slice %arg9[%dma_start3A_392, %dma_start3A_393, %dma_start3A_394] : memref<2x128x16xf32, #tpu.memory_space<vmem>> -> memref<1x128x16xf32, #tpu.memory_space<vmem>>
    %dma_start3A_396 = tpu.memref_squeeze %dma_start3A_395 : memref<1x128x16xf32, #tpu.memory_space<vmem>> -> memref<128x16xf32, #tpu.memory_space<vmem>>
    %dma_start3A_397 = arith.constant 0 : i32
    %dma_start3A_398 = tpu.memref_slice %arg7[%dma_start3A_391, %dma_start3A_397] : memref<32x128xi32, #tpu.memory_space<vmem>> -> memref<1x128xi32, #tpu.memory_space<vmem>>
    %dma_start3A_399 = tpu.memref_squeeze %dma_start3A_398 : memref<1x128xi32, #tpu.memory_space<vmem>> -> memref<128xi32, #tpu.memory_space<vmem>>
    %dma_start3A_400 = arith.constant 0 : i32
    %dma_start3A_401 = arith.constant 0 : i32
    %dma_start3A_402 = tpu.memref_slice %arg2[%dma_start3A_400, %dma_start3A_401] : memref<745472x16xf32, #tpu.memory_space<hbm>> -> memref<745472x16xf32, #tpu.memory_space<hbm>>
    tpu.enqueue_indirect_dma source(%dma_start3A_402 : memref<745472x16xf32, #tpu.memory_space<hbm>>) target(%dma_start3A_396 : memref<128x16xf32, #tpu.memory_space<vmem>>) offsets(%dma_start3A_399 : memref<128xi32, #tpu.memory_space<vmem>>) semaphore(%arg12 : memref<!tpu.dma_semaphore, #tpu.memory_space<semaphore_mem>>)
    %dma_wait3A_403 = arith.constant 12 : i32
    %dma_wait3A_404 = arith.constant 0 : i32
    %dma_wait3A_405 = arith.constant 0 : i32
    %dma_wait3A_406 = arith.constant 0 : i32
    %dma_wait3A_407 = tpu.memref_slice %arg9[%dma_wait3A_404, %dma_wait3A_405, %dma_wait3A_406] : memref<2x128x16xf32, #tpu.memory_space<vmem>> -> memref<1x128x16xf32, #tpu.memory_space<vmem>>
    %dma_wait3A_408 = tpu.memref_squeeze %dma_wait3A_407 : memref<1x128x16xf32, #tpu.memory_space<vmem>> -> memref<128x16xf32, #tpu.memory_space<vmem>>
    %dma_wait3A_409 = arith.constant 0 : i32
    %dma_wait3A_410 = tpu.memref_slice %arg7[%dma_wait3A_403, %dma_wait3A_409] : memref<32x128xi32, #tpu.memory_space<vmem>> -> memref<1x128xi32, #tpu.memory_space<vmem>>
    %dma_wait3A_411 = tpu.memref_squeeze %dma_wait3A_410 : memref<1x128xi32, #tpu.memory_space<vmem>> -> memref<128xi32, #tpu.memory_space<vmem>>
    %dma_wait3A_412 = arith.constant 0 : i32
    %dma_wait3A_413 = arith.constant 0 : i32
    %dma_wait3A_414 = tpu.memref_slice %arg2[%dma_wait3A_412, %dma_wait3A_413] : memref<745472x16xf32, #tpu.memory_space<hbm>> -> memref<745472x16xf32, #tpu.memory_space<hbm>>
    tpu.wait_indirect_dma semaphore(%arg11 : memref<!tpu.dma_semaphore, #tpu.memory_space<semaphore_mem>>) src(%dma_wait3A_414 : memref<745472x16xf32, #tpu.memory_space<hbm>>) dst(%dma_wait3A_408 : memref<128x16xf32, #tpu.memory_space<vmem>>)
    %scan3A_415 = arith.constant 0 : i32
    %scan3A_416 = arith.constant 0 : i32
    %scan3A_417 = arith.constant 8 : i32
    %scan3A_418 = arith.addi %scan3A_416, %scan3A_417 : i32
    %scan3A_419 = arith.constant 1 : i32
    %scan3A_420:2 = scf.for %scan3A_1006 = %scan3A_416 to %scan3A_418 step %scan3A_419 iter_args(%scan3A_1007 = %scan3A_389#0, %scan3A_1008 = %scan3A_389#1) -> (vector<16xf32>, vector<16xf32>)  : i32 {
      %mul3A_1009 = arith.constant 16 : i32
      %mul3A_1010 = arith.muli %scan3A_1006, %mul3A_1009 : i32
      %add3A_1011 = vector.broadcast %mul3A_1010 : i32 to vector<16xi32>
      %add3A_1012 = arith.addi %add3A_1011, %iota3A : vector<16xi32>
      %gather3A = arith.constant 0 : i32
      %gather3A_1013 = arith.constant 0 : i32
      %gather3A_1014 = tpu.memref_slice %arg9[%scan3A_415, %gather3A, %gather3A_1013] : memref<2x128x16xf32, #tpu.memory_space<vmem>> -> memref<1x128x16xf32, #tpu.memory_space<vmem>>
      %gather3A_1015 = tpu.memref_squeeze %gather3A_1014 : memref<1x128x16xf32, #tpu.memory_space<vmem>> -> memref<128x16xf32, #tpu.memory_space<vmem>>
      %gather3A_1016 = tpu.vector_load_idx %gather3A_1015[%add3A_1012, %iota3A] : memref<128x16xf32, #tpu.memory_space<vmem>>[vector<16xi32>, vector<16xi32>], vector<16xf32>,
      %mul3A_1017 = arith.constant 16 : i32
      %mul3A_1018 = arith.muli %scan3A_1006, %mul3A_1017 : i32
      %add3A_1019 = arith.constant 384 : i32
      %add3A_1020 = arith.addi %add3A_1019, %mul3A_1018 : i32
      %get3A = arith.constant 0 : i32
      %get3A_1021 = arith.index_cast %get3A : i32 to index
      %get3A_1022 = arith.index_cast %add3A_1020 : i32 to index
      %get3A_1023 = tpu.vector_load %arg8[%get3A_1021, %get3A_1022] {strides = array<i32>} : memref<4x1024xf32, #tpu.memory_space<vmem>>, vector<16xf32>,
      %mul3A_1024 = arith.constant 16 : i32
      %mul3A_1025 = arith.muli %scan3A_1006, %mul3A_1024 : i32
      %add3A_1026 = arith.constant 384 : i32
      %add3A_1027 = arith.addi %add3A_1026, %mul3A_1025 : i32
      %get3A_1028 = arith.index_cast %add3A_1027 : i32 to index
      %get3A_1029 = tpu.vector_load %arg6[%get3A_1028] {strides = array<i32>} : memref<1024xi32, #tpu.memory_space<vmem>>, vector<16xi32>,
      %sub3A = arith.subf %get3A_1023, %gather3A_1016 : vector<16xf32>
      %abs3A = math.absf %sub3A : vector<16xf32>
      %lt3A = arith.constant 1.000000e+00 : f32
      %lt3A_1030 = vector.broadcast %lt3A : f32 to vector<16xf32>
      %lt3A_1031 = arith.cmpf olt, %abs3A, %lt3A_1030 : vector<16xf32>
      %mul3A_1032 = arith.constant 5.000000e-01 : f32
      %mul3A_1033 = vector.broadcast %mul3A_1032 : f32 to vector<16xf32>
      %mul3A_1034 = arith.mulf %mul3A_1033, %abs3A : vector<16xf32>
      %mul3A_1035 = arith.mulf %mul3A_1034, %abs3A : vector<16xf32>
      %sub3A_1036 = arith.constant 5.000000e-01 : f32
      %sub3A_1037 = vector.broadcast %sub3A_1036 : f32 to vector<16xf32>
      %sub3A_1038 = arith.subf %abs3A, %sub3A_1037 : vector<16xf32>
      %select_n3A = arith.select %lt3A_1031, %mul3A_1035, %sub3A_1038 : vector<16xi1>, vector<16xf32>
      %gt3A = arith.constant 0 : i32
      %gt3A_1039 = vector.broadcast %gt3A : i32 to vector<16xi32>
      %gt3A_1040 = arith.cmpi sgt, %get3A_1029, %gt3A_1039 : vector<16xi32>
      %jit3A = arith.constant 0.000000e+00 : f32
      %broadcast_in_dim3A_1041 = vector.broadcast %jit3A : f32 to vector<16xf32>
      %select_n3A_1042 = arith.select %gt3A_1040, %select_n3A, %broadcast_in_dim3A_1041 : vector<16xi1>, vector<16xf32>
      %add3A_1043 = arith.addf %scan3A_1007, %select_n3A_1042 : vector<16xf32>
      %jit3A_1044 = arith.constant 1.000000e+00 : f32
      %jit3A_1045 = arith.constant 0.000000e+00 : f32
      %broadcast_in_dim3A_1046 = vector.broadcast %jit3A_1044 : f32 to vector<16xf32>
      %broadcast_in_dim3A_1047 = vector.broadcast %jit3A_1045 : f32 to vector<16xf32>
      %select_n3A_1048 = arith.select %gt3A_1040, %broadcast_in_dim3A_1046, %broadcast_in_dim3A_1047 : vector<16xi1>, vector<16xf32>
      %add3A_1049 = arith.addf %scan3A_1008, %select_n3A_1048 : vector<16xf32>
      scf.yield %add3A_1043, %add3A_1049 : vector<16xf32>, vector<16xf32>
    }
    %scan3A_421 = arith.constant 8 : i32
    %dma_start3A_422 = arith.constant 14 : i32
    %dma_start3A_423 = arith.constant 0 : i32
    %dma_start3A_424 = arith.constant 0 : i32
    %dma_start3A_425 = arith.constant 0 : i32
    %dma_start3A_426 = tpu.memref_slice %arg9[%dma_start3A_423, %dma_start3A_424, %dma_start3A_425] : memref<2x128x16xf32, #tpu.memory_space<vmem>> -> memref<1x128x16xf32, #tpu.memory_space<vmem>>
    %dma_start3A_427 = tpu.memref_squeeze %dma_start3A_426 : memref<1x128x16xf32, #tpu.memory_space<vmem>> -> memref<128x16xf32, #tpu.memory_space<vmem>>
    %dma_start3A_428 = arith.constant 0 : i32
    %dma_start3A_429 = tpu.memref_slice %arg7[%dma_start3A_422, %dma_start3A_428] : memref<32x128xi32, #tpu.memory_space<vmem>> -> memref<1x128xi32, #tpu.memory_space<vmem>>
    %dma_start3A_430 = tpu.memref_squeeze %dma_start3A_429 : memref<1x128xi32, #tpu.memory_space<vmem>> -> memref<128xi32, #tpu.memory_space<vmem>>
    %dma_start3A_431 = arith.constant 0 : i32
    %dma_start3A_432 = arith.constant 0 : i32
    %dma_start3A_433 = tpu.memref_slice %arg2[%dma_start3A_431, %dma_start3A_432] : memref<745472x16xf32, #tpu.memory_space<hbm>> -> memref<745472x16xf32, #tpu.memory_space<hbm>>
    tpu.enqueue_indirect_dma source(%dma_start3A_433 : memref<745472x16xf32, #tpu.memory_space<hbm>>) target(%dma_start3A_427 : memref<128x16xf32, #tpu.memory_space<vmem>>) offsets(%dma_start3A_430 : memref<128xi32, #tpu.memory_space<vmem>>) semaphore(%arg11 : memref<!tpu.dma_semaphore, #tpu.memory_space<semaphore_mem>>)
    %dma_wait3A_434 = arith.constant 13 : i32
    %dma_wait3A_435 = arith.constant 1 : i32
    %dma_wait3A_436 = arith.constant 0 : i32
    %dma_wait3A_437 = arith.constant 0 : i32
    %dma_wait3A_438 = tpu.memref_slice %arg9[%dma_wait3A_435, %dma_wait3A_436, %dma_wait3A_437] : memref<2x128x16xf32, #tpu.memory_space<vmem>> -> memref<1x128x16xf32, #tpu.memory_space<vmem>>
    %dma_wait3A_439 = tpu.memref_squeeze %dma_wait3A_438 : memref<1x128x16xf32, #tpu.memory_space<vmem>> -> memref<128x16xf32, #tpu.memory_space<vmem>>
    %dma_wait3A_440 = arith.constant 0 : i32
    %dma_wait3A_441 = tpu.memref_slice %arg7[%dma_wait3A_434, %dma_wait3A_440] : memref<32x128xi32, #tpu.memory_space<vmem>> -> memref<1x128xi32, #tpu.memory_space<vmem>>
    %dma_wait3A_442 = tpu.memref_squeeze %dma_wait3A_441 : memref<1x128xi32, #tpu.memory_space<vmem>> -> memref<128xi32, #tpu.memory_space<vmem>>
    %dma_wait3A_443 = arith.constant 0 : i32
    %dma_wait3A_444 = arith.constant 0 : i32
    %dma_wait3A_445 = tpu.memref_slice %arg2[%dma_wait3A_443, %dma_wait3A_444] : memref<745472x16xf32, #tpu.memory_space<hbm>> -> memref<745472x16xf32, #tpu.memory_space<hbm>>
    tpu.wait_indirect_dma semaphore(%arg12 : memref<!tpu.dma_semaphore, #tpu.memory_space<semaphore_mem>>) src(%dma_wait3A_445 : memref<745472x16xf32, #tpu.memory_space<hbm>>) dst(%dma_wait3A_439 : memref<128x16xf32, #tpu.memory_space<vmem>>)
    %scan3A_446 = arith.constant 1 : i32
    %scan3A_447 = arith.constant 0 : i32
    %scan3A_448 = arith.constant 8 : i32
    %scan3A_449 = arith.addi %scan3A_447, %scan3A_448 : i32
    %scan3A_450 = arith.constant 1 : i32
    %scan3A_451:2 = scf.for %scan3A_1006 = %scan3A_447 to %scan3A_449 step %scan3A_450 iter_args(%scan3A_1007 = %scan3A_420#0, %scan3A_1008 = %scan3A_420#1) -> (vector<16xf32>, vector<16xf32>)  : i32 {
      %mul3A_1009 = arith.constant 16 : i32
      %mul3A_1010 = arith.muli %scan3A_1006, %mul3A_1009 : i32
      %add3A_1011 = vector.broadcast %mul3A_1010 : i32 to vector<16xi32>
      %add3A_1012 = arith.addi %add3A_1011, %iota3A : vector<16xi32>
      %gather3A = arith.constant 0 : i32
      %gather3A_1013 = arith.constant 0 : i32
      %gather3A_1014 = tpu.memref_slice %arg9[%scan3A_446, %gather3A, %gather3A_1013] : memref<2x128x16xf32, #tpu.memory_space<vmem>> -> memref<1x128x16xf32, #tpu.memory_space<vmem>>
      %gather3A_1015 = tpu.memref_squeeze %gather3A_1014 : memref<1x128x16xf32, #tpu.memory_space<vmem>> -> memref<128x16xf32, #tpu.memory_space<vmem>>
      %gather3A_1016 = tpu.vector_load_idx %gather3A_1015[%add3A_1012, %iota3A] : memref<128x16xf32, #tpu.memory_space<vmem>>[vector<16xi32>, vector<16xi32>], vector<16xf32>,
      %mul3A_1017 = arith.constant 16 : i32
      %mul3A_1018 = arith.muli %scan3A_1006, %mul3A_1017 : i32
      %add3A_1019 = arith.constant 384 : i32
      %add3A_1020 = arith.addi %add3A_1019, %mul3A_1018 : i32
      %get3A = arith.constant 1 : i32
      %get3A_1021 = arith.index_cast %get3A : i32 to index
      %get3A_1022 = arith.index_cast %add3A_1020 : i32 to index
      %get3A_1023 = tpu.vector_load %arg8[%get3A_1021, %get3A_1022] {strides = array<i32>} : memref<4x1024xf32, #tpu.memory_space<vmem>>, vector<16xf32>,
      %mul3A_1024 = arith.constant 16 : i32
      %mul3A_1025 = arith.muli %scan3A_1006, %mul3A_1024 : i32
      %add3A_1026 = arith.constant 384 : i32
      %add3A_1027 = arith.addi %add3A_1026, %mul3A_1025 : i32
      %get3A_1028 = arith.index_cast %add3A_1027 : i32 to index
      %get3A_1029 = tpu.vector_load %arg6[%get3A_1028] {strides = array<i32>} : memref<1024xi32, #tpu.memory_space<vmem>>, vector<16xi32>,
      %sub3A = arith.subf %get3A_1023, %gather3A_1016 : vector<16xf32>
      %abs3A = math.absf %sub3A : vector<16xf32>
      %lt3A = arith.constant 1.000000e+00 : f32
      %lt3A_1030 = vector.broadcast %lt3A : f32 to vector<16xf32>
      %lt3A_1031 = arith.cmpf olt, %abs3A, %lt3A_1030 : vector<16xf32>
      %mul3A_1032 = arith.constant 5.000000e-01 : f32
      %mul3A_1033 = vector.broadcast %mul3A_1032 : f32 to vector<16xf32>
      %mul3A_1034 = arith.mulf %mul3A_1033, %abs3A : vector<16xf32>
      %mul3A_1035 = arith.mulf %mul3A_1034, %abs3A : vector<16xf32>
      %sub3A_1036 = arith.constant 5.000000e-01 : f32
      %sub3A_1037 = vector.broadcast %sub3A_1036 : f32 to vector<16xf32>
      %sub3A_1038 = arith.subf %abs3A, %sub3A_1037 : vector<16xf32>
      %select_n3A = arith.select %lt3A_1031, %mul3A_1035, %sub3A_1038 : vector<16xi1>, vector<16xf32>
      %gt3A = arith.constant 0 : i32
      %gt3A_1039 = vector.broadcast %gt3A : i32 to vector<16xi32>
      %gt3A_1040 = arith.cmpi sgt, %get3A_1029, %gt3A_1039 : vector<16xi32>
      %jit3A = arith.constant 0.000000e+00 : f32
      %broadcast_in_dim3A_1041 = vector.broadcast %jit3A : f32 to vector<16xf32>
      %select_n3A_1042 = arith.select %gt3A_1040, %select_n3A, %broadcast_in_dim3A_1041 : vector<16xi1>, vector<16xf32>
      %add3A_1043 = arith.addf %scan3A_1007, %select_n3A_1042 : vector<16xf32>
      %jit3A_1044 = arith.constant 1.000000e+00 : f32
      %jit3A_1045 = arith.constant 0.000000e+00 : f32
      %broadcast_in_dim3A_1046 = vector.broadcast %jit3A_1044 : f32 to vector<16xf32>
      %broadcast_in_dim3A_1047 = vector.broadcast %jit3A_1045 : f32 to vector<16xf32>
      %select_n3A_1048 = arith.select %gt3A_1040, %broadcast_in_dim3A_1046, %broadcast_in_dim3A_1047 : vector<16xi1>, vector<16xf32>
      %add3A_1049 = arith.addf %scan3A_1008, %select_n3A_1048 : vector<16xf32>
      scf.yield %add3A_1043, %add3A_1049 : vector<16xf32>, vector<16xf32>
    }
    %scan3A_452 = arith.constant 8 : i32
    %dma_start3A_453 = arith.constant 15 : i32
    %dma_start3A_454 = arith.constant 1 : i32
    %dma_start3A_455 = arith.constant 0 : i32
    %dma_start3A_456 = arith.constant 0 : i32
    %dma_start3A_457 = tpu.memref_slice %arg9[%dma_start3A_454, %dma_start3A_455, %dma_start3A_456] : memref<2x128x16xf32, #tpu.memory_space<vmem>> -> memref<1x128x16xf32, #tpu.memory_space<vmem>>
    %dma_start3A_458 = tpu.memref_squeeze %dma_start3A_457 : memref<1x128x16xf32, #tpu.memory_space<vmem>> -> memref<128x16xf32, #tpu.memory_space<vmem>>
    %dma_start3A_459 = arith.constant 0 : i32
    %dma_start3A_460 = tpu.memref_slice %arg7[%dma_start3A_453, %dma_start3A_459] : memref<32x128xi32, #tpu.memory_space<vmem>> -> memref<1x128xi32, #tpu.memory_space<vmem>>
    %dma_start3A_461 = tpu.memref_squeeze %dma_start3A_460 : memref<1x128xi32, #tpu.memory_space<vmem>> -> memref<128xi32, #tpu.memory_space<vmem>>
    %dma_start3A_462 = arith.constant 0 : i32
    %dma_start3A_463 = arith.constant 0 : i32
    %dma_start3A_464 = tpu.memref_slice %arg2[%dma_start3A_462, %dma_start3A_463] : memref<745472x16xf32, #tpu.memory_space<hbm>> -> memref<745472x16xf32, #tpu.memory_space<hbm>>
    tpu.enqueue_indirect_dma source(%dma_start3A_464 : memref<745472x16xf32, #tpu.memory_space<hbm>>) target(%dma_start3A_458 : memref<128x16xf32, #tpu.memory_space<vmem>>) offsets(%dma_start3A_461 : memref<128xi32, #tpu.memory_space<vmem>>) semaphore(%arg12 : memref<!tpu.dma_semaphore, #tpu.memory_space<semaphore_mem>>)
    %dma_wait3A_465 = arith.constant 14 : i32
    %dma_wait3A_466 = arith.constant 0 : i32
    %dma_wait3A_467 = arith.constant 0 : i32
    %dma_wait3A_468 = arith.constant 0 : i32
    %dma_wait3A_469 = tpu.memref_slice %arg9[%dma_wait3A_466, %dma_wait3A_467, %dma_wait3A_468] : memref<2x128x16xf32, #tpu.memory_space<vmem>> -> memref<1x128x16xf32, #tpu.memory_space<vmem>>
    %dma_wait3A_470 = tpu.memref_squeeze %dma_wait3A_469 : memref<1x128x16xf32, #tpu.memory_space<vmem>> -> memref<128x16xf32, #tpu.memory_space<vmem>>
    %dma_wait3A_471 = arith.constant 0 : i32
    %dma_wait3A_472 = tpu.memref_slice %arg7[%dma_wait3A_465, %dma_wait3A_471] : memref<32x128xi32, #tpu.memory_space<vmem>> -> memref<1x128xi32, #tpu.memory_space<vmem>>
    %dma_wait3A_473 = tpu.memref_squeeze %dma_wait3A_472 : memref<1x128xi32, #tpu.memory_space<vmem>> -> memref<128xi32, #tpu.memory_space<vmem>>
    %dma_wait3A_474 = arith.constant 0 : i32
    %dma_wait3A_475 = arith.constant 0 : i32
    %dma_wait3A_476 = tpu.memref_slice %arg2[%dma_wait3A_474, %dma_wait3A_475] : memref<745472x16xf32, #tpu.memory_space<hbm>> -> memref<745472x16xf32, #tpu.memory_space<hbm>>
    tpu.wait_indirect_dma semaphore(%arg11 : memref<!tpu.dma_semaphore, #tpu.memory_space<semaphore_mem>>) src(%dma_wait3A_476 : memref<745472x16xf32, #tpu.memory_space<hbm>>) dst(%dma_wait3A_470 : memref<128x16xf32, #tpu.memory_space<vmem>>)
    %scan3A_477 = arith.constant 0 : i32
    %scan3A_478 = arith.constant 0 : i32
    %scan3A_479 = arith.constant 8 : i32
    %scan3A_480 = arith.addi %scan3A_478, %scan3A_479 : i32
    %scan3A_481 = arith.constant 1 : i32
    %scan3A_482:2 = scf.for %scan3A_1006 = %scan3A_478 to %scan3A_480 step %scan3A_481 iter_args(%scan3A_1007 = %scan3A_451#0, %scan3A_1008 = %scan3A_451#1) -> (vector<16xf32>, vector<16xf32>)  : i32 {
      %mul3A_1009 = arith.constant 16 : i32
      %mul3A_1010 = arith.muli %scan3A_1006, %mul3A_1009 : i32
      %add3A_1011 = vector.broadcast %mul3A_1010 : i32 to vector<16xi32>
      %add3A_1012 = arith.addi %add3A_1011, %iota3A : vector<16xi32>
      %gather3A = arith.constant 0 : i32
      %gather3A_1013 = arith.constant 0 : i32
      %gather3A_1014 = tpu.memref_slice %arg9[%scan3A_477, %gather3A, %gather3A_1013] : memref<2x128x16xf32, #tpu.memory_space<vmem>> -> memref<1x128x16xf32, #tpu.memory_space<vmem>>
      %gather3A_1015 = tpu.memref_squeeze %gather3A_1014 : memref<1x128x16xf32, #tpu.memory_space<vmem>> -> memref<128x16xf32, #tpu.memory_space<vmem>>
      %gather3A_1016 = tpu.vector_load_idx %gather3A_1015[%add3A_1012, %iota3A] : memref<128x16xf32, #tpu.memory_space<vmem>>[vector<16xi32>, vector<16xi32>], vector<16xf32>,
      %mul3A_1017 = arith.constant 16 : i32
      %mul3A_1018 = arith.muli %scan3A_1006, %mul3A_1017 : i32
      %add3A_1019 = arith.constant 384 : i32
      %add3A_1020 = arith.addi %add3A_1019, %mul3A_1018 : i32
      %get3A = arith.constant 2 : i32
      %get3A_1021 = arith.index_cast %get3A : i32 to index
      %get3A_1022 = arith.index_cast %add3A_1020 : i32 to index
      %get3A_1023 = tpu.vector_load %arg8[%get3A_1021, %get3A_1022] {strides = array<i32>} : memref<4x1024xf32, #tpu.memory_space<vmem>>, vector<16xf32>,
      %mul3A_1024 = arith.constant 16 : i32
      %mul3A_1025 = arith.muli %scan3A_1006, %mul3A_1024 : i32
      %add3A_1026 = arith.constant 384 : i32
      %add3A_1027 = arith.addi %add3A_1026, %mul3A_1025 : i32
      %get3A_1028 = arith.index_cast %add3A_1027 : i32 to index
      %get3A_1029 = tpu.vector_load %arg6[%get3A_1028] {strides = array<i32>} : memref<1024xi32, #tpu.memory_space<vmem>>, vector<16xi32>,
      %sub3A = arith.subf %get3A_1023, %gather3A_1016 : vector<16xf32>
      %abs3A = math.absf %sub3A : vector<16xf32>
      %lt3A = arith.constant 1.000000e+00 : f32
      %lt3A_1030 = vector.broadcast %lt3A : f32 to vector<16xf32>
      %lt3A_1031 = arith.cmpf olt, %abs3A, %lt3A_1030 : vector<16xf32>
      %mul3A_1032 = arith.constant 5.000000e-01 : f32
      %mul3A_1033 = vector.broadcast %mul3A_1032 : f32 to vector<16xf32>
      %mul3A_1034 = arith.mulf %mul3A_1033, %abs3A : vector<16xf32>
      %mul3A_1035 = arith.mulf %mul3A_1034, %abs3A : vector<16xf32>
      %sub3A_1036 = arith.constant 5.000000e-01 : f32
      %sub3A_1037 = vector.broadcast %sub3A_1036 : f32 to vector<16xf32>
      %sub3A_1038 = arith.subf %abs3A, %sub3A_1037 : vector<16xf32>
      %select_n3A = arith.select %lt3A_1031, %mul3A_1035, %sub3A_1038 : vector<16xi1>, vector<16xf32>
      %gt3A = arith.constant 0 : i32
      %gt3A_1039 = vector.broadcast %gt3A : i32 to vector<16xi32>
      %gt3A_1040 = arith.cmpi sgt, %get3A_1029, %gt3A_1039 : vector<16xi32>
      %jit3A = arith.constant 0.000000e+00 : f32
      %broadcast_in_dim3A_1041 = vector.broadcast %jit3A : f32 to vector<16xf32>
      %select_n3A_1042 = arith.select %gt3A_1040, %select_n3A, %broadcast_in_dim3A_1041 : vector<16xi1>, vector<16xf32>
      %add3A_1043 = arith.addf %scan3A_1007, %select_n3A_1042 : vector<16xf32>
      %jit3A_1044 = arith.constant 1.000000e+00 : f32
      %jit3A_1045 = arith.constant 0.000000e+00 : f32
      %broadcast_in_dim3A_1046 = vector.broadcast %jit3A_1044 : f32 to vector<16xf32>
      %broadcast_in_dim3A_1047 = vector.broadcast %jit3A_1045 : f32 to vector<16xf32>
      %select_n3A_1048 = arith.select %gt3A_1040, %broadcast_in_dim3A_1046, %broadcast_in_dim3A_1047 : vector<16xi1>, vector<16xf32>
      %add3A_1049 = arith.addf %scan3A_1008, %select_n3A_1048 : vector<16xf32>
      scf.yield %add3A_1043, %add3A_1049 : vector<16xf32>, vector<16xf32>
    }
    %scan3A_483 = arith.constant 8 : i32
    %dma_start3A_484 = arith.constant 16 : i32
    %dma_start3A_485 = arith.constant 0 : i32
    %dma_start3A_486 = arith.constant 0 : i32
    %dma_start3A_487 = arith.constant 0 : i32
    %dma_start3A_488 = tpu.memref_slice %arg9[%dma_start3A_485, %dma_start3A_486, %dma_start3A_487] : memref<2x128x16xf32, #tpu.memory_space<vmem>> -> memref<1x128x16xf32, #tpu.memory_space<vmem>>
    %dma_start3A_489 = tpu.memref_squeeze %dma_start3A_488 : memref<1x128x16xf32, #tpu.memory_space<vmem>> -> memref<128x16xf32, #tpu.memory_space<vmem>>
    %dma_start3A_490 = arith.constant 0 : i32
    %dma_start3A_491 = tpu.memref_slice %arg7[%dma_start3A_484, %dma_start3A_490] : memref<32x128xi32, #tpu.memory_space<vmem>> -> memref<1x128xi32, #tpu.memory_space<vmem>>
    %dma_start3A_492 = tpu.memref_squeeze %dma_start3A_491 : memref<1x128xi32, #tpu.memory_space<vmem>> -> memref<128xi32, #tpu.memory_space<vmem>>
    %dma_start3A_493 = arith.constant 0 : i32
    %dma_start3A_494 = arith.constant 0 : i32
    %dma_start3A_495 = tpu.memref_slice %arg2[%dma_start3A_493, %dma_start3A_494] : memref<745472x16xf32, #tpu.memory_space<hbm>> -> memref<745472x16xf32, #tpu.memory_space<hbm>>
    tpu.enqueue_indirect_dma source(%dma_start3A_495 : memref<745472x16xf32, #tpu.memory_space<hbm>>) target(%dma_start3A_489 : memref<128x16xf32, #tpu.memory_space<vmem>>) offsets(%dma_start3A_492 : memref<128xi32, #tpu.memory_space<vmem>>) semaphore(%arg11 : memref<!tpu.dma_semaphore, #tpu.memory_space<semaphore_mem>>)
    %dma_wait3A_496 = arith.constant 15 : i32
    %dma_wait3A_497 = arith.constant 1 : i32
    %dma_wait3A_498 = arith.constant 0 : i32
    %dma_wait3A_499 = arith.constant 0 : i32
    %dma_wait3A_500 = tpu.memref_slice %arg9[%dma_wait3A_497, %dma_wait3A_498, %dma_wait3A_499] : memref<2x128x16xf32, #tpu.memory_space<vmem>> -> memref<1x128x16xf32, #tpu.memory_space<vmem>>
    %dma_wait3A_501 = tpu.memref_squeeze %dma_wait3A_500 : memref<1x128x16xf32, #tpu.memory_space<vmem>> -> memref<128x16xf32, #tpu.memory_space<vmem>>
    %dma_wait3A_502 = arith.constant 0 : i32
    %dma_wait3A_503 = tpu.memref_slice %arg7[%dma_wait3A_496, %dma_wait3A_502] : memref<32x128xi32, #tpu.memory_space<vmem>> -> memref<1x128xi32, #tpu.memory_space<vmem>>
    %dma_wait3A_504 = tpu.memref_squeeze %dma_wait3A_503 : memref<1x128xi32, #tpu.memory_space<vmem>> -> memref<128xi32, #tpu.memory_space<vmem>>
    %dma_wait3A_505 = arith.constant 0 : i32
    %dma_wait3A_506 = arith.constant 0 : i32
    %dma_wait3A_507 = tpu.memref_slice %arg2[%dma_wait3A_505, %dma_wait3A_506] : memref<745472x16xf32, #tpu.memory_space<hbm>> -> memref<745472x16xf32, #tpu.memory_space<hbm>>
    tpu.wait_indirect_dma semaphore(%arg12 : memref<!tpu.dma_semaphore, #tpu.memory_space<semaphore_mem>>) src(%dma_wait3A_507 : memref<745472x16xf32, #tpu.memory_space<hbm>>) dst(%dma_wait3A_501 : memref<128x16xf32, #tpu.memory_space<vmem>>)
    %scan3A_508 = arith.constant 1 : i32
    %scan3A_509 = arith.constant 0 : i32
    %scan3A_510 = arith.constant 8 : i32
    %scan3A_511 = arith.addi %scan3A_509, %scan3A_510 : i32
    %scan3A_512 = arith.constant 1 : i32
    %scan3A_513:2 = scf.for %scan3A_1006 = %scan3A_509 to %scan3A_511 step %scan3A_512 iter_args(%scan3A_1007 = %scan3A_482#0, %scan3A_1008 = %scan3A_482#1) -> (vector<16xf32>, vector<16xf32>)  : i32 {
      %mul3A_1009 = arith.constant 16 : i32
      %mul3A_1010 = arith.muli %scan3A_1006, %mul3A_1009 : i32
      %add3A_1011 = vector.broadcast %mul3A_1010 : i32 to vector<16xi32>
      %add3A_1012 = arith.addi %add3A_1011, %iota3A : vector<16xi32>
      %gather3A = arith.constant 0 : i32
      %gather3A_1013 = arith.constant 0 : i32
      %gather3A_1014 = tpu.memref_slice %arg9[%scan3A_508, %gather3A, %gather3A_1013] : memref<2x128x16xf32, #tpu.memory_space<vmem>> -> memref<1x128x16xf32, #tpu.memory_space<vmem>>
      %gather3A_1015 = tpu.memref_squeeze %gather3A_1014 : memref<1x128x16xf32, #tpu.memory_space<vmem>> -> memref<128x16xf32, #tpu.memory_space<vmem>>
      %gather3A_1016 = tpu.vector_load_idx %gather3A_1015[%add3A_1012, %iota3A] : memref<128x16xf32, #tpu.memory_space<vmem>>[vector<16xi32>, vector<16xi32>], vector<16xf32>,
      %mul3A_1017 = arith.constant 16 : i32
      %mul3A_1018 = arith.muli %scan3A_1006, %mul3A_1017 : i32
      %add3A_1019 = arith.constant 384 : i32
      %add3A_1020 = arith.addi %add3A_1019, %mul3A_1018 : i32
      %get3A = arith.constant 3 : i32
      %get3A_1021 = arith.index_cast %get3A : i32 to index
      %get3A_1022 = arith.index_cast %add3A_1020 : i32 to index
      %get3A_1023 = tpu.vector_load %arg8[%get3A_1021, %get3A_1022] {strides = array<i32>} : memref<4x1024xf32, #tpu.memory_space<vmem>>, vector<16xf32>,
      %mul3A_1024 = arith.constant 16 : i32
      %mul3A_1025 = arith.muli %scan3A_1006, %mul3A_1024 : i32
      %add3A_1026 = arith.constant 384 : i32
      %add3A_1027 = arith.addi %add3A_1026, %mul3A_1025 : i32
      %get3A_1028 = arith.index_cast %add3A_1027 : i32 to index
      %get3A_1029 = tpu.vector_load %arg6[%get3A_1028] {strides = array<i32>} : memref<1024xi32, #tpu.memory_space<vmem>>, vector<16xi32>,
      %sub3A = arith.subf %get3A_1023, %gather3A_1016 : vector<16xf32>
      %abs3A = math.absf %sub3A : vector<16xf32>
      %lt3A = arith.constant 1.000000e+00 : f32
      %lt3A_1030 = vector.broadcast %lt3A : f32 to vector<16xf32>
      %lt3A_1031 = arith.cmpf olt, %abs3A, %lt3A_1030 : vector<16xf32>
      %mul3A_1032 = arith.constant 5.000000e-01 : f32
      %mul3A_1033 = vector.broadcast %mul3A_1032 : f32 to vector<16xf32>
      %mul3A_1034 = arith.mulf %mul3A_1033, %abs3A : vector<16xf32>
      %mul3A_1035 = arith.mulf %mul3A_1034, %abs3A : vector<16xf32>
      %sub3A_1036 = arith.constant 5.000000e-01 : f32
      %sub3A_1037 = vector.broadcast %sub3A_1036 : f32 to vector<16xf32>
      %sub3A_1038 = arith.subf %abs3A, %sub3A_1037 : vector<16xf32>
      %select_n3A = arith.select %lt3A_1031, %mul3A_1035, %sub3A_1038 : vector<16xi1>, vector<16xf32>
      %gt3A = arith.constant 0 : i32
      %gt3A_1039 = vector.broadcast %gt3A : i32 to vector<16xi32>
      %gt3A_1040 = arith.cmpi sgt, %get3A_1029, %gt3A_1039 : vector<16xi32>
      %jit3A = arith.constant 0.000000e+00 : f32
      %broadcast_in_dim3A_1041 = vector.broadcast %jit3A : f32 to vector<16xf32>
      %select_n3A_1042 = arith.select %gt3A_1040, %select_n3A, %broadcast_in_dim3A_1041 : vector<16xi1>, vector<16xf32>
      %add3A_1043 = arith.addf %scan3A_1007, %select_n3A_1042 : vector<16xf32>
      %jit3A_1044 = arith.constant 1.000000e+00 : f32
      %jit3A_1045 = arith.constant 0.000000e+00 : f32
      %broadcast_in_dim3A_1046 = vector.broadcast %jit3A_1044 : f32 to vector<16xf32>
      %broadcast_in_dim3A_1047 = vector.broadcast %jit3A_1045 : f32 to vector<16xf32>
      %select_n3A_1048 = arith.select %gt3A_1040, %broadcast_in_dim3A_1046, %broadcast_in_dim3A_1047 : vector<16xi1>, vector<16xf32>
      %add3A_1049 = arith.addf %scan3A_1008, %select_n3A_1048 : vector<16xf32>
      scf.yield %add3A_1043, %add3A_1049 : vector<16xf32>, vector<16xf32>
    }
    %scan3A_514 = arith.constant 8 : i32
    %dma_start3A_515 = arith.constant 17 : i32
    %dma_start3A_516 = arith.constant 1 : i32
    %dma_start3A_517 = arith.constant 0 : i32
    %dma_start3A_518 = arith.constant 0 : i32
    %dma_start3A_519 = tpu.memref_slice %arg9[%dma_start3A_516, %dma_start3A_517, %dma_start3A_518] : memref<2x128x16xf32, #tpu.memory_space<vmem>> -> memref<1x128x16xf32, #tpu.memory_space<vmem>>
    %dma_start3A_520 = tpu.memref_squeeze %dma_start3A_519 : memref<1x128x16xf32, #tpu.memory_space<vmem>> -> memref<128x16xf32, #tpu.memory_space<vmem>>
    %dma_start3A_521 = arith.constant 0 : i32
    %dma_start3A_522 = tpu.memref_slice %arg7[%dma_start3A_515, %dma_start3A_521] : memref<32x128xi32, #tpu.memory_space<vmem>> -> memref<1x128xi32, #tpu.memory_space<vmem>>
    %dma_start3A_523 = tpu.memref_squeeze %dma_start3A_522 : memref<1x128xi32, #tpu.memory_space<vmem>> -> memref<128xi32, #tpu.memory_space<vmem>>
    %dma_start3A_524 = arith.constant 0 : i32
    %dma_start3A_525 = arith.constant 0 : i32
    %dma_start3A_526 = tpu.memref_slice %arg2[%dma_start3A_524, %dma_start3A_525] : memref<745472x16xf32, #tpu.memory_space<hbm>> -> memref<745472x16xf32, #tpu.memory_space<hbm>>
    tpu.enqueue_indirect_dma source(%dma_start3A_526 : memref<745472x16xf32, #tpu.memory_space<hbm>>) target(%dma_start3A_520 : memref<128x16xf32, #tpu.memory_space<vmem>>) offsets(%dma_start3A_523 : memref<128xi32, #tpu.memory_space<vmem>>) semaphore(%arg12 : memref<!tpu.dma_semaphore, #tpu.memory_space<semaphore_mem>>)
    %dma_wait3A_527 = arith.constant 16 : i32
    %dma_wait3A_528 = arith.constant 0 : i32
    %dma_wait3A_529 = arith.constant 0 : i32
    %dma_wait3A_530 = arith.constant 0 : i32
    %dma_wait3A_531 = tpu.memref_slice %arg9[%dma_wait3A_528, %dma_wait3A_529, %dma_wait3A_530] : memref<2x128x16xf32, #tpu.memory_space<vmem>> -> memref<1x128x16xf32, #tpu.memory_space<vmem>>
    %dma_wait3A_532 = tpu.memref_squeeze %dma_wait3A_531 : memref<1x128x16xf32, #tpu.memory_space<vmem>> -> memref<128x16xf32, #tpu.memory_space<vmem>>
    %dma_wait3A_533 = arith.constant 0 : i32
    %dma_wait3A_534 = tpu.memref_slice %arg7[%dma_wait3A_527, %dma_wait3A_533] : memref<32x128xi32, #tpu.memory_space<vmem>> -> memref<1x128xi32, #tpu.memory_space<vmem>>
    %dma_wait3A_535 = tpu.memref_squeeze %dma_wait3A_534 : memref<1x128xi32, #tpu.memory_space<vmem>> -> memref<128xi32, #tpu.memory_space<vmem>>
    %dma_wait3A_536 = arith.constant 0 : i32
    %dma_wait3A_537 = arith.constant 0 : i32
    %dma_wait3A_538 = tpu.memref_slice %arg2[%dma_wait3A_536, %dma_wait3A_537] : memref<745472x16xf32, #tpu.memory_space<hbm>> -> memref<745472x16xf32, #tpu.memory_space<hbm>>
    tpu.wait_indirect_dma semaphore(%arg11 : memref<!tpu.dma_semaphore, #tpu.memory_space<semaphore_mem>>) src(%dma_wait3A_538 : memref<745472x16xf32, #tpu.memory_space<hbm>>) dst(%dma_wait3A_532 : memref<128x16xf32, #tpu.memory_space<vmem>>)
    %scan3A_539 = arith.constant 0 : i32
    %scan3A_540 = arith.constant 0 : i32
    %scan3A_541 = arith.constant 8 : i32
    %scan3A_542 = arith.addi %scan3A_540, %scan3A_541 : i32
    %scan3A_543 = arith.constant 1 : i32
    %scan3A_544:2 = scf.for %scan3A_1006 = %scan3A_540 to %scan3A_542 step %scan3A_543 iter_args(%scan3A_1007 = %scan3A_513#0, %scan3A_1008 = %scan3A_513#1) -> (vector<16xf32>, vector<16xf32>)  : i32 {
      %mul3A_1009 = arith.constant 16 : i32
      %mul3A_1010 = arith.muli %scan3A_1006, %mul3A_1009 : i32
      %add3A_1011 = vector.broadcast %mul3A_1010 : i32 to vector<16xi32>
      %add3A_1012 = arith.addi %add3A_1011, %iota3A : vector<16xi32>
      %gather3A = arith.constant 0 : i32
      %gather3A_1013 = arith.constant 0 : i32
      %gather3A_1014 = tpu.memref_slice %arg9[%scan3A_539, %gather3A, %gather3A_1013] : memref<2x128x16xf32, #tpu.memory_space<vmem>> -> memref<1x128x16xf32, #tpu.memory_space<vmem>>
      %gather3A_1015 = tpu.memref_squeeze %gather3A_1014 : memref<1x128x16xf32, #tpu.memory_space<vmem>> -> memref<128x16xf32, #tpu.memory_space<vmem>>
      %gather3A_1016 = tpu.vector_load_idx %gather3A_1015[%add3A_1012, %iota3A] : memref<128x16xf32, #tpu.memory_space<vmem>>[vector<16xi32>, vector<16xi32>], vector<16xf32>,
      %mul3A_1017 = arith.constant 16 : i32
      %mul3A_1018 = arith.muli %scan3A_1006, %mul3A_1017 : i32
      %add3A_1019 = arith.constant 512 : i32
      %add3A_1020 = arith.addi %add3A_1019, %mul3A_1018 : i32
      %get3A = arith.constant 0 : i32
      %get3A_1021 = arith.index_cast %get3A : i32 to index
      %get3A_1022 = arith.index_cast %add3A_1020 : i32 to index
      %get3A_1023 = tpu.vector_load %arg8[%get3A_1021, %get3A_1022] {strides = array<i32>} : memref<4x1024xf32, #tpu.memory_space<vmem>>, vector<16xf32>,
      %mul3A_1024 = arith.constant 16 : i32
      %mul3A_1025 = arith.muli %scan3A_1006, %mul3A_1024 : i32
      %add3A_1026 = arith.constant 512 : i32
      %add3A_1027 = arith.addi %add3A_1026, %mul3A_1025 : i32
      %get3A_1028 = arith.index_cast %add3A_1027 : i32 to index
      %get3A_1029 = tpu.vector_load %arg6[%get3A_1028] {strides = array<i32>} : memref<1024xi32, #tpu.memory_space<vmem>>, vector<16xi32>,
      %sub3A = arith.subf %get3A_1023, %gather3A_1016 : vector<16xf32>
      %abs3A = math.absf %sub3A : vector<16xf32>
      %lt3A = arith.constant 1.000000e+00 : f32
      %lt3A_1030 = vector.broadcast %lt3A : f32 to vector<16xf32>
      %lt3A_1031 = arith.cmpf olt, %abs3A, %lt3A_1030 : vector<16xf32>
      %mul3A_1032 = arith.constant 5.000000e-01 : f32
      %mul3A_1033 = vector.broadcast %mul3A_1032 : f32 to vector<16xf32>
      %mul3A_1034 = arith.mulf %mul3A_1033, %abs3A : vector<16xf32>
      %mul3A_1035 = arith.mulf %mul3A_1034, %abs3A : vector<16xf32>
      %sub3A_1036 = arith.constant 5.000000e-01 : f32
      %sub3A_1037 = vector.broadcast %sub3A_1036 : f32 to vector<16xf32>
      %sub3A_1038 = arith.subf %abs3A, %sub3A_1037 : vector<16xf32>
      %select_n3A = arith.select %lt3A_1031, %mul3A_1035, %sub3A_1038 : vector<16xi1>, vector<16xf32>
      %gt3A = arith.constant 0 : i32
      %gt3A_1039 = vector.broadcast %gt3A : i32 to vector<16xi32>
      %gt3A_1040 = arith.cmpi sgt, %get3A_1029, %gt3A_1039 : vector<16xi32>
      %jit3A = arith.constant 0.000000e+00 : f32
      %broadcast_in_dim3A_1041 = vector.broadcast %jit3A : f32 to vector<16xf32>
      %select_n3A_1042 = arith.select %gt3A_1040, %select_n3A, %broadcast_in_dim3A_1041 : vector<16xi1>, vector<16xf32>
      %add3A_1043 = arith.addf %scan3A_1007, %select_n3A_1042 : vector<16xf32>
      %jit3A_1044 = arith.constant 1.000000e+00 : f32
      %jit3A_1045 = arith.constant 0.000000e+00 : f32
      %broadcast_in_dim3A_1046 = vector.broadcast %jit3A_1044 : f32 to vector<16xf32>
      %broadcast_in_dim3A_1047 = vector.broadcast %jit3A_1045 : f32 to vector<16xf32>
      %select_n3A_1048 = arith.select %gt3A_1040, %broadcast_in_dim3A_1046, %broadcast_in_dim3A_1047 : vector<16xi1>, vector<16xf32>
      %add3A_1049 = arith.addf %scan3A_1008, %select_n3A_1048 : vector<16xf32>
      scf.yield %add3A_1043, %add3A_1049 : vector<16xf32>, vector<16xf32>
    }
    %scan3A_545 = arith.constant 8 : i32
    %dma_start3A_546 = arith.constant 18 : i32
    %dma_start3A_547 = arith.constant 0 : i32
    %dma_start3A_548 = arith.constant 0 : i32
    %dma_start3A_549 = arith.constant 0 : i32
    %dma_start3A_550 = tpu.memref_slice %arg9[%dma_start3A_547, %dma_start3A_548, %dma_start3A_549] : memref<2x128x16xf32, #tpu.memory_space<vmem>> -> memref<1x128x16xf32, #tpu.memory_space<vmem>>
    %dma_start3A_551 = tpu.memref_squeeze %dma_start3A_550 : memref<1x128x16xf32, #tpu.memory_space<vmem>> -> memref<128x16xf32, #tpu.memory_space<vmem>>
    %dma_start3A_552 = arith.constant 0 : i32
    %dma_start3A_553 = tpu.memref_slice %arg7[%dma_start3A_546, %dma_start3A_552] : memref<32x128xi32, #tpu.memory_space<vmem>> -> memref<1x128xi32, #tpu.memory_space<vmem>>
    %dma_start3A_554 = tpu.memref_squeeze %dma_start3A_553 : memref<1x128xi32, #tpu.memory_space<vmem>> -> memref<128xi32, #tpu.memory_space<vmem>>
    %dma_start3A_555 = arith.constant 0 : i32
    %dma_start3A_556 = arith.constant 0 : i32
    %dma_start3A_557 = tpu.memref_slice %arg2[%dma_start3A_555, %dma_start3A_556] : memref<745472x16xf32, #tpu.memory_space<hbm>> -> memref<745472x16xf32, #tpu.memory_space<hbm>>
    tpu.enqueue_indirect_dma source(%dma_start3A_557 : memref<745472x16xf32, #tpu.memory_space<hbm>>) target(%dma_start3A_551 : memref<128x16xf32, #tpu.memory_space<vmem>>) offsets(%dma_start3A_554 : memref<128xi32, #tpu.memory_space<vmem>>) semaphore(%arg11 : memref<!tpu.dma_semaphore, #tpu.memory_space<semaphore_mem>>)
    %dma_wait3A_558 = arith.constant 17 : i32
    %dma_wait3A_559 = arith.constant 1 : i32
    %dma_wait3A_560 = arith.constant 0 : i32
    %dma_wait3A_561 = arith.constant 0 : i32
    %dma_wait3A_562 = tpu.memref_slice %arg9[%dma_wait3A_559, %dma_wait3A_560, %dma_wait3A_561] : memref<2x128x16xf32, #tpu.memory_space<vmem>> -> memref<1x128x16xf32, #tpu.memory_space<vmem>>
    %dma_wait3A_563 = tpu.memref_squeeze %dma_wait3A_562 : memref<1x128x16xf32, #tpu.memory_space<vmem>> -> memref<128x16xf32, #tpu.memory_space<vmem>>
    %dma_wait3A_564 = arith.constant 0 : i32
    %dma_wait3A_565 = tpu.memref_slice %arg7[%dma_wait3A_558, %dma_wait3A_564] : memref<32x128xi32, #tpu.memory_space<vmem>> -> memref<1x128xi32, #tpu.memory_space<vmem>>
    %dma_wait3A_566 = tpu.memref_squeeze %dma_wait3A_565 : memref<1x128xi32, #tpu.memory_space<vmem>> -> memref<128xi32, #tpu.memory_space<vmem>>
    %dma_wait3A_567 = arith.constant 0 : i32
    %dma_wait3A_568 = arith.constant 0 : i32
    %dma_wait3A_569 = tpu.memref_slice %arg2[%dma_wait3A_567, %dma_wait3A_568] : memref<745472x16xf32, #tpu.memory_space<hbm>> -> memref<745472x16xf32, #tpu.memory_space<hbm>>
    tpu.wait_indirect_dma semaphore(%arg12 : memref<!tpu.dma_semaphore, #tpu.memory_space<semaphore_mem>>) src(%dma_wait3A_569 : memref<745472x16xf32, #tpu.memory_space<hbm>>) dst(%dma_wait3A_563 : memref<128x16xf32, #tpu.memory_space<vmem>>)
    %scan3A_570 = arith.constant 1 : i32
    %scan3A_571 = arith.constant 0 : i32
    %scan3A_572 = arith.constant 8 : i32
    %scan3A_573 = arith.addi %scan3A_571, %scan3A_572 : i32
    %scan3A_574 = arith.constant 1 : i32
    %scan3A_575:2 = scf.for %scan3A_1006 = %scan3A_571 to %scan3A_573 step %scan3A_574 iter_args(%scan3A_1007 = %scan3A_544#0, %scan3A_1008 = %scan3A_544#1) -> (vector<16xf32>, vector<16xf32>)  : i32 {
      %mul3A_1009 = arith.constant 16 : i32
      %mul3A_1010 = arith.muli %scan3A_1006, %mul3A_1009 : i32
      %add3A_1011 = vector.broadcast %mul3A_1010 : i32 to vector<16xi32>
      %add3A_1012 = arith.addi %add3A_1011, %iota3A : vector<16xi32>
      %gather3A = arith.constant 0 : i32
      %gather3A_1013 = arith.constant 0 : i32
      %gather3A_1014 = tpu.memref_slice %arg9[%scan3A_570, %gather3A, %gather3A_1013] : memref<2x128x16xf32, #tpu.memory_space<vmem>> -> memref<1x128x16xf32, #tpu.memory_space<vmem>>
      %gather3A_1015 = tpu.memref_squeeze %gather3A_1014 : memref<1x128x16xf32, #tpu.memory_space<vmem>> -> memref<128x16xf32, #tpu.memory_space<vmem>>
      %gather3A_1016 = tpu.vector_load_idx %gather3A_1015[%add3A_1012, %iota3A] : memref<128x16xf32, #tpu.memory_space<vmem>>[vector<16xi32>, vector<16xi32>], vector<16xf32>,
      %mul3A_1017 = arith.constant 16 : i32
      %mul3A_1018 = arith.muli %scan3A_1006, %mul3A_1017 : i32
      %add3A_1019 = arith.constant 512 : i32
      %add3A_1020 = arith.addi %add3A_1019, %mul3A_1018 : i32
      %get3A = arith.constant 1 : i32
      %get3A_1021 = arith.index_cast %get3A : i32 to index
      %get3A_1022 = arith.index_cast %add3A_1020 : i32 to index
      %get3A_1023 = tpu.vector_load %arg8[%get3A_1021, %get3A_1022] {strides = array<i32>} : memref<4x1024xf32, #tpu.memory_space<vmem>>, vector<16xf32>,
      %mul3A_1024 = arith.constant 16 : i32
      %mul3A_1025 = arith.muli %scan3A_1006, %mul3A_1024 : i32
      %add3A_1026 = arith.constant 512 : i32
      %add3A_1027 = arith.addi %add3A_1026, %mul3A_1025 : i32
      %get3A_1028 = arith.index_cast %add3A_1027 : i32 to index
      %get3A_1029 = tpu.vector_load %arg6[%get3A_1028] {strides = array<i32>} : memref<1024xi32, #tpu.memory_space<vmem>>, vector<16xi32>,
      %sub3A = arith.subf %get3A_1023, %gather3A_1016 : vector<16xf32>
      %abs3A = math.absf %sub3A : vector<16xf32>
      %lt3A = arith.constant 1.000000e+00 : f32
      %lt3A_1030 = vector.broadcast %lt3A : f32 to vector<16xf32>
      %lt3A_1031 = arith.cmpf olt, %abs3A, %lt3A_1030 : vector<16xf32>
      %mul3A_1032 = arith.constant 5.000000e-01 : f32
      %mul3A_1033 = vector.broadcast %mul3A_1032 : f32 to vector<16xf32>
      %mul3A_1034 = arith.mulf %mul3A_1033, %abs3A : vector<16xf32>
      %mul3A_1035 = arith.mulf %mul3A_1034, %abs3A : vector<16xf32>
      %sub3A_1036 = arith.constant 5.000000e-01 : f32
      %sub3A_1037 = vector.broadcast %sub3A_1036 : f32 to vector<16xf32>
      %sub3A_1038 = arith.subf %abs3A, %sub3A_1037 : vector<16xf32>
      %select_n3A = arith.select %lt3A_1031, %mul3A_1035, %sub3A_1038 : vector<16xi1>, vector<16xf32>
      %gt3A = arith.constant 0 : i32
      %gt3A_1039 = vector.broadcast %gt3A : i32 to vector<16xi32>
      %gt3A_1040 = arith.cmpi sgt, %get3A_1029, %gt3A_1039 : vector<16xi32>
      %jit3A = arith.constant 0.000000e+00 : f32
      %broadcast_in_dim3A_1041 = vector.broadcast %jit3A : f32 to vector<16xf32>
      %select_n3A_1042 = arith.select %gt3A_1040, %select_n3A, %broadcast_in_dim3A_1041 : vector<16xi1>, vector<16xf32>
      %add3A_1043 = arith.addf %scan3A_1007, %select_n3A_1042 : vector<16xf32>
      %jit3A_1044 = arith.constant 1.000000e+00 : f32
      %jit3A_1045 = arith.constant 0.000000e+00 : f32
      %broadcast_in_dim3A_1046 = vector.broadcast %jit3A_1044 : f32 to vector<16xf32>
      %broadcast_in_dim3A_1047 = vector.broadcast %jit3A_1045 : f32 to vector<16xf32>
      %select_n3A_1048 = arith.select %gt3A_1040, %broadcast_in_dim3A_1046, %broadcast_in_dim3A_1047 : vector<16xi1>, vector<16xf32>
      %add3A_1049 = arith.addf %scan3A_1008, %select_n3A_1048 : vector<16xf32>
      scf.yield %add3A_1043, %add3A_1049 : vector<16xf32>, vector<16xf32>
    }
    %scan3A_576 = arith.constant 8 : i32
    %dma_start3A_577 = arith.constant 19 : i32
    %dma_start3A_578 = arith.constant 1 : i32
    %dma_start3A_579 = arith.constant 0 : i32
    %dma_start3A_580 = arith.constant 0 : i32
    %dma_start3A_581 = tpu.memref_slice %arg9[%dma_start3A_578, %dma_start3A_579, %dma_start3A_580] : memref<2x128x16xf32, #tpu.memory_space<vmem>> -> memref<1x128x16xf32, #tpu.memory_space<vmem>>
    %dma_start3A_582 = tpu.memref_squeeze %dma_start3A_581 : memref<1x128x16xf32, #tpu.memory_space<vmem>> -> memref<128x16xf32, #tpu.memory_space<vmem>>
    %dma_start3A_583 = arith.constant 0 : i32
    %dma_start3A_584 = tpu.memref_slice %arg7[%dma_start3A_577, %dma_start3A_583] : memref<32x128xi32, #tpu.memory_space<vmem>> -> memref<1x128xi32, #tpu.memory_space<vmem>>
    %dma_start3A_585 = tpu.memref_squeeze %dma_start3A_584 : memref<1x128xi32, #tpu.memory_space<vmem>> -> memref<128xi32, #tpu.memory_space<vmem>>
    %dma_start3A_586 = arith.constant 0 : i32
    %dma_start3A_587 = arith.constant 0 : i32
    %dma_start3A_588 = tpu.memref_slice %arg2[%dma_start3A_586, %dma_start3A_587] : memref<745472x16xf32, #tpu.memory_space<hbm>> -> memref<745472x16xf32, #tpu.memory_space<hbm>>
    tpu.enqueue_indirect_dma source(%dma_start3A_588 : memref<745472x16xf32, #tpu.memory_space<hbm>>) target(%dma_start3A_582 : memref<128x16xf32, #tpu.memory_space<vmem>>) offsets(%dma_start3A_585 : memref<128xi32, #tpu.memory_space<vmem>>) semaphore(%arg12 : memref<!tpu.dma_semaphore, #tpu.memory_space<semaphore_mem>>)
    %dma_wait3A_589 = arith.constant 18 : i32
    %dma_wait3A_590 = arith.constant 0 : i32
    %dma_wait3A_591 = arith.constant 0 : i32
    %dma_wait3A_592 = arith.constant 0 : i32
    %dma_wait3A_593 = tpu.memref_slice %arg9[%dma_wait3A_590, %dma_wait3A_591, %dma_wait3A_592] : memref<2x128x16xf32, #tpu.memory_space<vmem>> -> memref<1x128x16xf32, #tpu.memory_space<vmem>>
    %dma_wait3A_594 = tpu.memref_squeeze %dma_wait3A_593 : memref<1x128x16xf32, #tpu.memory_space<vmem>> -> memref<128x16xf32, #tpu.memory_space<vmem>>
    %dma_wait3A_595 = arith.constant 0 : i32
    %dma_wait3A_596 = tpu.memref_slice %arg7[%dma_wait3A_589, %dma_wait3A_595] : memref<32x128xi32, #tpu.memory_space<vmem>> -> memref<1x128xi32, #tpu.memory_space<vmem>>
    %dma_wait3A_597 = tpu.memref_squeeze %dma_wait3A_596 : memref<1x128xi32, #tpu.memory_space<vmem>> -> memref<128xi32, #tpu.memory_space<vmem>>
    %dma_wait3A_598 = arith.constant 0 : i32
    %dma_wait3A_599 = arith.constant 0 : i32
    %dma_wait3A_600 = tpu.memref_slice %arg2[%dma_wait3A_598, %dma_wait3A_599] : memref<745472x16xf32, #tpu.memory_space<hbm>> -> memref<745472x16xf32, #tpu.memory_space<hbm>>
    tpu.wait_indirect_dma semaphore(%arg11 : memref<!tpu.dma_semaphore, #tpu.memory_space<semaphore_mem>>) src(%dma_wait3A_600 : memref<745472x16xf32, #tpu.memory_space<hbm>>) dst(%dma_wait3A_594 : memref<128x16xf32, #tpu.memory_space<vmem>>)
    %scan3A_601 = arith.constant 0 : i32
    %scan3A_602 = arith.constant 0 : i32
    %scan3A_603 = arith.constant 8 : i32
    %scan3A_604 = arith.addi %scan3A_602, %scan3A_603 : i32
    %scan3A_605 = arith.constant 1 : i32
    %scan3A_606:2 = scf.for %scan3A_1006 = %scan3A_602 to %scan3A_604 step %scan3A_605 iter_args(%scan3A_1007 = %scan3A_575#0, %scan3A_1008 = %scan3A_575#1) -> (vector<16xf32>, vector<16xf32>)  : i32 {
      %mul3A_1009 = arith.constant 16 : i32
      %mul3A_1010 = arith.muli %scan3A_1006, %mul3A_1009 : i32
      %add3A_1011 = vector.broadcast %mul3A_1010 : i32 to vector<16xi32>
      %add3A_1012 = arith.addi %add3A_1011, %iota3A : vector<16xi32>
      %gather3A = arith.constant 0 : i32
      %gather3A_1013 = arith.constant 0 : i32
      %gather3A_1014 = tpu.memref_slice %arg9[%scan3A_601, %gather3A, %gather3A_1013] : memref<2x128x16xf32, #tpu.memory_space<vmem>> -> memref<1x128x16xf32, #tpu.memory_space<vmem>>
      %gather3A_1015 = tpu.memref_squeeze %gather3A_1014 : memref<1x128x16xf32, #tpu.memory_space<vmem>> -> memref<128x16xf32, #tpu.memory_space<vmem>>
      %gather3A_1016 = tpu.vector_load_idx %gather3A_1015[%add3A_1012, %iota3A] : memref<128x16xf32, #tpu.memory_space<vmem>>[vector<16xi32>, vector<16xi32>], vector<16xf32>,
      %mul3A_1017 = arith.constant 16 : i32
      %mul3A_1018 = arith.muli %scan3A_1006, %mul3A_1017 : i32
      %add3A_1019 = arith.constant 512 : i32
      %add3A_1020 = arith.addi %add3A_1019, %mul3A_1018 : i32
      %get3A = arith.constant 2 : i32
      %get3A_1021 = arith.index_cast %get3A : i32 to index
      %get3A_1022 = arith.index_cast %add3A_1020 : i32 to index
      %get3A_1023 = tpu.vector_load %arg8[%get3A_1021, %get3A_1022] {strides = array<i32>} : memref<4x1024xf32, #tpu.memory_space<vmem>>, vector<16xf32>,
      %mul3A_1024 = arith.constant 16 : i32
      %mul3A_1025 = arith.muli %scan3A_1006, %mul3A_1024 : i32
      %add3A_1026 = arith.constant 512 : i32
      %add3A_1027 = arith.addi %add3A_1026, %mul3A_1025 : i32
      %get3A_1028 = arith.index_cast %add3A_1027 : i32 to index
      %get3A_1029 = tpu.vector_load %arg6[%get3A_1028] {strides = array<i32>} : memref<1024xi32, #tpu.memory_space<vmem>>, vector<16xi32>,
      %sub3A = arith.subf %get3A_1023, %gather3A_1016 : vector<16xf32>
      %abs3A = math.absf %sub3A : vector<16xf32>
      %lt3A = arith.constant 1.000000e+00 : f32
      %lt3A_1030 = vector.broadcast %lt3A : f32 to vector<16xf32>
      %lt3A_1031 = arith.cmpf olt, %abs3A, %lt3A_1030 : vector<16xf32>
      %mul3A_1032 = arith.constant 5.000000e-01 : f32
      %mul3A_1033 = vector.broadcast %mul3A_1032 : f32 to vector<16xf32>
      %mul3A_1034 = arith.mulf %mul3A_1033, %abs3A : vector<16xf32>
      %mul3A_1035 = arith.mulf %mul3A_1034, %abs3A : vector<16xf32>
      %sub3A_1036 = arith.constant 5.000000e-01 : f32
      %sub3A_1037 = vector.broadcast %sub3A_1036 : f32 to vector<16xf32>
      %sub3A_1038 = arith.subf %abs3A, %sub3A_1037 : vector<16xf32>
      %select_n3A = arith.select %lt3A_1031, %mul3A_1035, %sub3A_1038 : vector<16xi1>, vector<16xf32>
      %gt3A = arith.constant 0 : i32
      %gt3A_1039 = vector.broadcast %gt3A : i32 to vector<16xi32>
      %gt3A_1040 = arith.cmpi sgt, %get3A_1029, %gt3A_1039 : vector<16xi32>
      %jit3A = arith.constant 0.000000e+00 : f32
      %broadcast_in_dim3A_1041 = vector.broadcast %jit3A : f32 to vector<16xf32>
      %select_n3A_1042 = arith.select %gt3A_1040, %select_n3A, %broadcast_in_dim3A_1041 : vector<16xi1>, vector<16xf32>
      %add3A_1043 = arith.addf %scan3A_1007, %select_n3A_1042 : vector<16xf32>
      %jit3A_1044 = arith.constant 1.000000e+00 : f32
      %jit3A_1045 = arith.constant 0.000000e+00 : f32
      %broadcast_in_dim3A_1046 = vector.broadcast %jit3A_1044 : f32 to vector<16xf32>
      %broadcast_in_dim3A_1047 = vector.broadcast %jit3A_1045 : f32 to vector<16xf32>
      %select_n3A_1048 = arith.select %gt3A_1040, %broadcast_in_dim3A_1046, %broadcast_in_dim3A_1047 : vector<16xi1>, vector<16xf32>
      %add3A_1049 = arith.addf %scan3A_1008, %select_n3A_1048 : vector<16xf32>
      scf.yield %add3A_1043, %add3A_1049 : vector<16xf32>, vector<16xf32>
    }
    %scan3A_607 = arith.constant 8 : i32
    %dma_start3A_608 = arith.constant 20 : i32
    %dma_start3A_609 = arith.constant 0 : i32
    %dma_start3A_610 = arith.constant 0 : i32
    %dma_start3A_611 = arith.constant 0 : i32
    %dma_start3A_612 = tpu.memref_slice %arg9[%dma_start3A_609, %dma_start3A_610, %dma_start3A_611] : memref<2x128x16xf32, #tpu.memory_space<vmem>> -> memref<1x128x16xf32, #tpu.memory_space<vmem>>
    %dma_start3A_613 = tpu.memref_squeeze %dma_start3A_612 : memref<1x128x16xf32, #tpu.memory_space<vmem>> -> memref<128x16xf32, #tpu.memory_space<vmem>>
    %dma_start3A_614 = arith.constant 0 : i32
    %dma_start3A_615 = tpu.memref_slice %arg7[%dma_start3A_608, %dma_start3A_614] : memref<32x128xi32, #tpu.memory_space<vmem>> -> memref<1x128xi32, #tpu.memory_space<vmem>>
    %dma_start3A_616 = tpu.memref_squeeze %dma_start3A_615 : memref<1x128xi32, #tpu.memory_space<vmem>> -> memref<128xi32, #tpu.memory_space<vmem>>
    %dma_start3A_617 = arith.constant 0 : i32
    %dma_start3A_618 = arith.constant 0 : i32
    %dma_start3A_619 = tpu.memref_slice %arg2[%dma_start3A_617, %dma_start3A_618] : memref<745472x16xf32, #tpu.memory_space<hbm>> -> memref<745472x16xf32, #tpu.memory_space<hbm>>
    tpu.enqueue_indirect_dma source(%dma_start3A_619 : memref<745472x16xf32, #tpu.memory_space<hbm>>) target(%dma_start3A_613 : memref<128x16xf32, #tpu.memory_space<vmem>>) offsets(%dma_start3A_616 : memref<128xi32, #tpu.memory_space<vmem>>) semaphore(%arg11 : memref<!tpu.dma_semaphore, #tpu.memory_space<semaphore_mem>>)
    %dma_wait3A_620 = arith.constant 19 : i32
    %dma_wait3A_621 = arith.constant 1 : i32
    %dma_wait3A_622 = arith.constant 0 : i32
    %dma_wait3A_623 = arith.constant 0 : i32
    %dma_wait3A_624 = tpu.memref_slice %arg9[%dma_wait3A_621, %dma_wait3A_622, %dma_wait3A_623] : memref<2x128x16xf32, #tpu.memory_space<vmem>> -> memref<1x128x16xf32, #tpu.memory_space<vmem>>
    %dma_wait3A_625 = tpu.memref_squeeze %dma_wait3A_624 : memref<1x128x16xf32, #tpu.memory_space<vmem>> -> memref<128x16xf32, #tpu.memory_space<vmem>>
    %dma_wait3A_626 = arith.constant 0 : i32
    %dma_wait3A_627 = tpu.memref_slice %arg7[%dma_wait3A_620, %dma_wait3A_626] : memref<32x128xi32, #tpu.memory_space<vmem>> -> memref<1x128xi32, #tpu.memory_space<vmem>>
    %dma_wait3A_628 = tpu.memref_squeeze %dma_wait3A_627 : memref<1x128xi32, #tpu.memory_space<vmem>> -> memref<128xi32, #tpu.memory_space<vmem>>
    %dma_wait3A_629 = arith.constant 0 : i32
    %dma_wait3A_630 = arith.constant 0 : i32
    %dma_wait3A_631 = tpu.memref_slice %arg2[%dma_wait3A_629, %dma_wait3A_630] : memref<745472x16xf32, #tpu.memory_space<hbm>> -> memref<745472x16xf32, #tpu.memory_space<hbm>>
    tpu.wait_indirect_dma semaphore(%arg12 : memref<!tpu.dma_semaphore, #tpu.memory_space<semaphore_mem>>) src(%dma_wait3A_631 : memref<745472x16xf32, #tpu.memory_space<hbm>>) dst(%dma_wait3A_625 : memref<128x16xf32, #tpu.memory_space<vmem>>)
    %scan3A_632 = arith.constant 1 : i32
    %scan3A_633 = arith.constant 0 : i32
    %scan3A_634 = arith.constant 8 : i32
    %scan3A_635 = arith.addi %scan3A_633, %scan3A_634 : i32
    %scan3A_636 = arith.constant 1 : i32
    %scan3A_637:2 = scf.for %scan3A_1006 = %scan3A_633 to %scan3A_635 step %scan3A_636 iter_args(%scan3A_1007 = %scan3A_606#0, %scan3A_1008 = %scan3A_606#1) -> (vector<16xf32>, vector<16xf32>)  : i32 {
      %mul3A_1009 = arith.constant 16 : i32
      %mul3A_1010 = arith.muli %scan3A_1006, %mul3A_1009 : i32
      %add3A_1011 = vector.broadcast %mul3A_1010 : i32 to vector<16xi32>
      %add3A_1012 = arith.addi %add3A_1011, %iota3A : vector<16xi32>
      %gather3A = arith.constant 0 : i32
      %gather3A_1013 = arith.constant 0 : i32
      %gather3A_1014 = tpu.memref_slice %arg9[%scan3A_632, %gather3A, %gather3A_1013] : memref<2x128x16xf32, #tpu.memory_space<vmem>> -> memref<1x128x16xf32, #tpu.memory_space<vmem>>
      %gather3A_1015 = tpu.memref_squeeze %gather3A_1014 : memref<1x128x16xf32, #tpu.memory_space<vmem>> -> memref<128x16xf32, #tpu.memory_space<vmem>>
      %gather3A_1016 = tpu.vector_load_idx %gather3A_1015[%add3A_1012, %iota3A] : memref<128x16xf32, #tpu.memory_space<vmem>>[vector<16xi32>, vector<16xi32>], vector<16xf32>,
      %mul3A_1017 = arith.constant 16 : i32
      %mul3A_1018 = arith.muli %scan3A_1006, %mul3A_1017 : i32
      %add3A_1019 = arith.constant 512 : i32
      %add3A_1020 = arith.addi %add3A_1019, %mul3A_1018 : i32
      %get3A = arith.constant 3 : i32
      %get3A_1021 = arith.index_cast %get3A : i32 to index
      %get3A_1022 = arith.index_cast %add3A_1020 : i32 to index
      %get3A_1023 = tpu.vector_load %arg8[%get3A_1021, %get3A_1022] {strides = array<i32>} : memref<4x1024xf32, #tpu.memory_space<vmem>>, vector<16xf32>,
      %mul3A_1024 = arith.constant 16 : i32
      %mul3A_1025 = arith.muli %scan3A_1006, %mul3A_1024 : i32
      %add3A_1026 = arith.constant 512 : i32
      %add3A_1027 = arith.addi %add3A_1026, %mul3A_1025 : i32
      %get3A_1028 = arith.index_cast %add3A_1027 : i32 to index
      %get3A_1029 = tpu.vector_load %arg6[%get3A_1028] {strides = array<i32>} : memref<1024xi32, #tpu.memory_space<vmem>>, vector<16xi32>,
      %sub3A = arith.subf %get3A_1023, %gather3A_1016 : vector<16xf32>
      %abs3A = math.absf %sub3A : vector<16xf32>
      %lt3A = arith.constant 1.000000e+00 : f32
      %lt3A_1030 = vector.broadcast %lt3A : f32 to vector<16xf32>
      %lt3A_1031 = arith.cmpf olt, %abs3A, %lt3A_1030 : vector<16xf32>
      %mul3A_1032 = arith.constant 5.000000e-01 : f32
      %mul3A_1033 = vector.broadcast %mul3A_1032 : f32 to vector<16xf32>
      %mul3A_1034 = arith.mulf %mul3A_1033, %abs3A : vector<16xf32>
      %mul3A_1035 = arith.mulf %mul3A_1034, %abs3A : vector<16xf32>
      %sub3A_1036 = arith.constant 5.000000e-01 : f32
      %sub3A_1037 = vector.broadcast %sub3A_1036 : f32 to vector<16xf32>
      %sub3A_1038 = arith.subf %abs3A, %sub3A_1037 : vector<16xf32>
      %select_n3A = arith.select %lt3A_1031, %mul3A_1035, %sub3A_1038 : vector<16xi1>, vector<16xf32>
      %gt3A = arith.constant 0 : i32
      %gt3A_1039 = vector.broadcast %gt3A : i32 to vector<16xi32>
      %gt3A_1040 = arith.cmpi sgt, %get3A_1029, %gt3A_1039 : vector<16xi32>
      %jit3A = arith.constant 0.000000e+00 : f32
      %broadcast_in_dim3A_1041 = vector.broadcast %jit3A : f32 to vector<16xf32>
      %select_n3A_1042 = arith.select %gt3A_1040, %select_n3A, %broadcast_in_dim3A_1041 : vector<16xi1>, vector<16xf32>
      %add3A_1043 = arith.addf %scan3A_1007, %select_n3A_1042 : vector<16xf32>
      %jit3A_1044 = arith.constant 1.000000e+00 : f32
      %jit3A_1045 = arith.constant 0.000000e+00 : f32
      %broadcast_in_dim3A_1046 = vector.broadcast %jit3A_1044 : f32 to vector<16xf32>
      %broadcast_in_dim3A_1047 = vector.broadcast %jit3A_1045 : f32 to vector<16xf32>
      %select_n3A_1048 = arith.select %gt3A_1040, %broadcast_in_dim3A_1046, %broadcast_in_dim3A_1047 : vector<16xi1>, vector<16xf32>
      %add3A_1049 = arith.addf %scan3A_1008, %select_n3A_1048 : vector<16xf32>
      scf.yield %add3A_1043, %add3A_1049 : vector<16xf32>, vector<16xf32>
    }
    %scan3A_638 = arith.constant 8 : i32
    %dma_start3A_639 = arith.constant 21 : i32
    %dma_start3A_640 = arith.constant 1 : i32
    %dma_start3A_641 = arith.constant 0 : i32
    %dma_start3A_642 = arith.constant 0 : i32
    %dma_start3A_643 = tpu.memref_slice %arg9[%dma_start3A_640, %dma_start3A_641, %dma_start3A_642] : memref<2x128x16xf32, #tpu.memory_space<vmem>> -> memref<1x128x16xf32, #tpu.memory_space<vmem>>
    %dma_start3A_644 = tpu.memref_squeeze %dma_start3A_643 : memref<1x128x16xf32, #tpu.memory_space<vmem>> -> memref<128x16xf32, #tpu.memory_space<vmem>>
    %dma_start3A_645 = arith.constant 0 : i32
    %dma_start3A_646 = tpu.memref_slice %arg7[%dma_start3A_639, %dma_start3A_645] : memref<32x128xi32, #tpu.memory_space<vmem>> -> memref<1x128xi32, #tpu.memory_space<vmem>>
    %dma_start3A_647 = tpu.memref_squeeze %dma_start3A_646 : memref<1x128xi32, #tpu.memory_space<vmem>> -> memref<128xi32, #tpu.memory_space<vmem>>
    %dma_start3A_648 = arith.constant 0 : i32
    %dma_start3A_649 = arith.constant 0 : i32
    %dma_start3A_650 = tpu.memref_slice %arg2[%dma_start3A_648, %dma_start3A_649] : memref<745472x16xf32, #tpu.memory_space<hbm>> -> memref<745472x16xf32, #tpu.memory_space<hbm>>
    tpu.enqueue_indirect_dma source(%dma_start3A_650 : memref<745472x16xf32, #tpu.memory_space<hbm>>) target(%dma_start3A_644 : memref<128x16xf32, #tpu.memory_space<vmem>>) offsets(%dma_start3A_647 : memref<128xi32, #tpu.memory_space<vmem>>) semaphore(%arg12 : memref<!tpu.dma_semaphore, #tpu.memory_space<semaphore_mem>>)
    %dma_wait3A_651 = arith.constant 20 : i32
    %dma_wait3A_652 = arith.constant 0 : i32
    %dma_wait3A_653 = arith.constant 0 : i32
    %dma_wait3A_654 = arith.constant 0 : i32
    %dma_wait3A_655 = tpu.memref_slice %arg9[%dma_wait3A_652, %dma_wait3A_653, %dma_wait3A_654] : memref<2x128x16xf32, #tpu.memory_space<vmem>> -> memref<1x128x16xf32, #tpu.memory_space<vmem>>
    %dma_wait3A_656 = tpu.memref_squeeze %dma_wait3A_655 : memref<1x128x16xf32, #tpu.memory_space<vmem>> -> memref<128x16xf32, #tpu.memory_space<vmem>>
    %dma_wait3A_657 = arith.constant 0 : i32
    %dma_wait3A_658 = tpu.memref_slice %arg7[%dma_wait3A_651, %dma_wait3A_657] : memref<32x128xi32, #tpu.memory_space<vmem>> -> memref<1x128xi32, #tpu.memory_space<vmem>>
    %dma_wait3A_659 = tpu.memref_squeeze %dma_wait3A_658 : memref<1x128xi32, #tpu.memory_space<vmem>> -> memref<128xi32, #tpu.memory_space<vmem>>
    %dma_wait3A_660 = arith.constant 0 : i32
    %dma_wait3A_661 = arith.constant 0 : i32
    %dma_wait3A_662 = tpu.memref_slice %arg2[%dma_wait3A_660, %dma_wait3A_661] : memref<745472x16xf32, #tpu.memory_space<hbm>> -> memref<745472x16xf32, #tpu.memory_space<hbm>>
    tpu.wait_indirect_dma semaphore(%arg11 : memref<!tpu.dma_semaphore, #tpu.memory_space<semaphore_mem>>) src(%dma_wait3A_662 : memref<745472x16xf32, #tpu.memory_space<hbm>>) dst(%dma_wait3A_656 : memref<128x16xf32, #tpu.memory_space<vmem>>)
    %scan3A_663 = arith.constant 0 : i32
    %scan3A_664 = arith.constant 0 : i32
    %scan3A_665 = arith.constant 8 : i32
    %scan3A_666 = arith.addi %scan3A_664, %scan3A_665 : i32
    %scan3A_667 = arith.constant 1 : i32
    %scan3A_668:2 = scf.for %scan3A_1006 = %scan3A_664 to %scan3A_666 step %scan3A_667 iter_args(%scan3A_1007 = %scan3A_637#0, %scan3A_1008 = %scan3A_637#1) -> (vector<16xf32>, vector<16xf32>)  : i32 {
      %mul3A_1009 = arith.constant 16 : i32
      %mul3A_1010 = arith.muli %scan3A_1006, %mul3A_1009 : i32
      %add3A_1011 = vector.broadcast %mul3A_1010 : i32 to vector<16xi32>
      %add3A_1012 = arith.addi %add3A_1011, %iota3A : vector<16xi32>
      %gather3A = arith.constant 0 : i32
      %gather3A_1013 = arith.constant 0 : i32
      %gather3A_1014 = tpu.memref_slice %arg9[%scan3A_663, %gather3A, %gather3A_1013] : memref<2x128x16xf32, #tpu.memory_space<vmem>> -> memref<1x128x16xf32, #tpu.memory_space<vmem>>
      %gather3A_1015 = tpu.memref_squeeze %gather3A_1014 : memref<1x128x16xf32, #tpu.memory_space<vmem>> -> memref<128x16xf32, #tpu.memory_space<vmem>>
      %gather3A_1016 = tpu.vector_load_idx %gather3A_1015[%add3A_1012, %iota3A] : memref<128x16xf32, #tpu.memory_space<vmem>>[vector<16xi32>, vector<16xi32>], vector<16xf32>,
      %mul3A_1017 = arith.constant 16 : i32
      %mul3A_1018 = arith.muli %scan3A_1006, %mul3A_1017 : i32
      %add3A_1019 = arith.constant 640 : i32
      %add3A_1020 = arith.addi %add3A_1019, %mul3A_1018 : i32
      %get3A = arith.constant 0 : i32
      %get3A_1021 = arith.index_cast %get3A : i32 to index
      %get3A_1022 = arith.index_cast %add3A_1020 : i32 to index
      %get3A_1023 = tpu.vector_load %arg8[%get3A_1021, %get3A_1022] {strides = array<i32>} : memref<4x1024xf32, #tpu.memory_space<vmem>>, vector<16xf32>,
      %mul3A_1024 = arith.constant 16 : i32
      %mul3A_1025 = arith.muli %scan3A_1006, %mul3A_1024 : i32
      %add3A_1026 = arith.constant 640 : i32
      %add3A_1027 = arith.addi %add3A_1026, %mul3A_1025 : i32
      %get3A_1028 = arith.index_cast %add3A_1027 : i32 to index
      %get3A_1029 = tpu.vector_load %arg6[%get3A_1028] {strides = array<i32>} : memref<1024xi32, #tpu.memory_space<vmem>>, vector<16xi32>,
      %sub3A = arith.subf %get3A_1023, %gather3A_1016 : vector<16xf32>
      %abs3A = math.absf %sub3A : vector<16xf32>
      %lt3A = arith.constant 1.000000e+00 : f32
      %lt3A_1030 = vector.broadcast %lt3A : f32 to vector<16xf32>
      %lt3A_1031 = arith.cmpf olt, %abs3A, %lt3A_1030 : vector<16xf32>
      %mul3A_1032 = arith.constant 5.000000e-01 : f32
      %mul3A_1033 = vector.broadcast %mul3A_1032 : f32 to vector<16xf32>
      %mul3A_1034 = arith.mulf %mul3A_1033, %abs3A : vector<16xf32>
      %mul3A_1035 = arith.mulf %mul3A_1034, %abs3A : vector<16xf32>
      %sub3A_1036 = arith.constant 5.000000e-01 : f32
      %sub3A_1037 = vector.broadcast %sub3A_1036 : f32 to vector<16xf32>
      %sub3A_1038 = arith.subf %abs3A, %sub3A_1037 : vector<16xf32>
      %select_n3A = arith.select %lt3A_1031, %mul3A_1035, %sub3A_1038 : vector<16xi1>, vector<16xf32>
      %gt3A = arith.constant 0 : i32
      %gt3A_1039 = vector.broadcast %gt3A : i32 to vector<16xi32>
      %gt3A_1040 = arith.cmpi sgt, %get3A_1029, %gt3A_1039 : vector<16xi32>
      %jit3A = arith.constant 0.000000e+00 : f32
      %broadcast_in_dim3A_1041 = vector.broadcast %jit3A : f32 to vector<16xf32>
      %select_n3A_1042 = arith.select %gt3A_1040, %select_n3A, %broadcast_in_dim3A_1041 : vector<16xi1>, vector<16xf32>
      %add3A_1043 = arith.addf %scan3A_1007, %select_n3A_1042 : vector<16xf32>
      %jit3A_1044 = arith.constant 1.000000e+00 : f32
      %jit3A_1045 = arith.constant 0.000000e+00 : f32
      %broadcast_in_dim3A_1046 = vector.broadcast %jit3A_1044 : f32 to vector<16xf32>
      %broadcast_in_dim3A_1047 = vector.broadcast %jit3A_1045 : f32 to vector<16xf32>
      %select_n3A_1048 = arith.select %gt3A_1040, %broadcast_in_dim3A_1046, %broadcast_in_dim3A_1047 : vector<16xi1>, vector<16xf32>
      %add3A_1049 = arith.addf %scan3A_1008, %select_n3A_1048 : vector<16xf32>
      scf.yield %add3A_1043, %add3A_1049 : vector<16xf32>, vector<16xf32>
    }
    %scan3A_669 = arith.constant 8 : i32
    %dma_start3A_670 = arith.constant 22 : i32
    %dma_start3A_671 = arith.constant 0 : i32
    %dma_start3A_672 = arith.constant 0 : i32
    %dma_start3A_673 = arith.constant 0 : i32
    %dma_start3A_674 = tpu.memref_slice %arg9[%dma_start3A_671, %dma_start3A_672, %dma_start3A_673] : memref<2x128x16xf32, #tpu.memory_space<vmem>> -> memref<1x128x16xf32, #tpu.memory_space<vmem>>
    %dma_start3A_675 = tpu.memref_squeeze %dma_start3A_674 : memref<1x128x16xf32, #tpu.memory_space<vmem>> -> memref<128x16xf32, #tpu.memory_space<vmem>>
    %dma_start3A_676 = arith.constant 0 : i32
    %dma_start3A_677 = tpu.memref_slice %arg7[%dma_start3A_670, %dma_start3A_676] : memref<32x128xi32, #tpu.memory_space<vmem>> -> memref<1x128xi32, #tpu.memory_space<vmem>>
    %dma_start3A_678 = tpu.memref_squeeze %dma_start3A_677 : memref<1x128xi32, #tpu.memory_space<vmem>> -> memref<128xi32, #tpu.memory_space<vmem>>
    %dma_start3A_679 = arith.constant 0 : i32
    %dma_start3A_680 = arith.constant 0 : i32
    %dma_start3A_681 = tpu.memref_slice %arg2[%dma_start3A_679, %dma_start3A_680] : memref<745472x16xf32, #tpu.memory_space<hbm>> -> memref<745472x16xf32, #tpu.memory_space<hbm>>
    tpu.enqueue_indirect_dma source(%dma_start3A_681 : memref<745472x16xf32, #tpu.memory_space<hbm>>) target(%dma_start3A_675 : memref<128x16xf32, #tpu.memory_space<vmem>>) offsets(%dma_start3A_678 : memref<128xi32, #tpu.memory_space<vmem>>) semaphore(%arg11 : memref<!tpu.dma_semaphore, #tpu.memory_space<semaphore_mem>>)
    %dma_wait3A_682 = arith.constant 21 : i32
    %dma_wait3A_683 = arith.constant 1 : i32
    %dma_wait3A_684 = arith.constant 0 : i32
    %dma_wait3A_685 = arith.constant 0 : i32
    %dma_wait3A_686 = tpu.memref_slice %arg9[%dma_wait3A_683, %dma_wait3A_684, %dma_wait3A_685] : memref<2x128x16xf32, #tpu.memory_space<vmem>> -> memref<1x128x16xf32, #tpu.memory_space<vmem>>
    %dma_wait3A_687 = tpu.memref_squeeze %dma_wait3A_686 : memref<1x128x16xf32, #tpu.memory_space<vmem>> -> memref<128x16xf32, #tpu.memory_space<vmem>>
    %dma_wait3A_688 = arith.constant 0 : i32
    %dma_wait3A_689 = tpu.memref_slice %arg7[%dma_wait3A_682, %dma_wait3A_688] : memref<32x128xi32, #tpu.memory_space<vmem>> -> memref<1x128xi32, #tpu.memory_space<vmem>>
    %dma_wait3A_690 = tpu.memref_squeeze %dma_wait3A_689 : memref<1x128xi32, #tpu.memory_space<vmem>> -> memref<128xi32, #tpu.memory_space<vmem>>
    %dma_wait3A_691 = arith.constant 0 : i32
    %dma_wait3A_692 = arith.constant 0 : i32
    %dma_wait3A_693 = tpu.memref_slice %arg2[%dma_wait3A_691, %dma_wait3A_692] : memref<745472x16xf32, #tpu.memory_space<hbm>> -> memref<745472x16xf32, #tpu.memory_space<hbm>>
    tpu.wait_indirect_dma semaphore(%arg12 : memref<!tpu.dma_semaphore, #tpu.memory_space<semaphore_mem>>) src(%dma_wait3A_693 : memref<745472x16xf32, #tpu.memory_space<hbm>>) dst(%dma_wait3A_687 : memref<128x16xf32, #tpu.memory_space<vmem>>)
    %scan3A_694 = arith.constant 1 : i32
    %scan3A_695 = arith.constant 0 : i32
    %scan3A_696 = arith.constant 8 : i32
    %scan3A_697 = arith.addi %scan3A_695, %scan3A_696 : i32
    %scan3A_698 = arith.constant 1 : i32
    %scan3A_699:2 = scf.for %scan3A_1006 = %scan3A_695 to %scan3A_697 step %scan3A_698 iter_args(%scan3A_1007 = %scan3A_668#0, %scan3A_1008 = %scan3A_668#1) -> (vector<16xf32>, vector<16xf32>)  : i32 {
      %mul3A_1009 = arith.constant 16 : i32
      %mul3A_1010 = arith.muli %scan3A_1006, %mul3A_1009 : i32
      %add3A_1011 = vector.broadcast %mul3A_1010 : i32 to vector<16xi32>
      %add3A_1012 = arith.addi %add3A_1011, %iota3A : vector<16xi32>
      %gather3A = arith.constant 0 : i32
      %gather3A_1013 = arith.constant 0 : i32
      %gather3A_1014 = tpu.memref_slice %arg9[%scan3A_694, %gather3A, %gather3A_1013] : memref<2x128x16xf32, #tpu.memory_space<vmem>> -> memref<1x128x16xf32, #tpu.memory_space<vmem>>
      %gather3A_1015 = tpu.memref_squeeze %gather3A_1014 : memref<1x128x16xf32, #tpu.memory_space<vmem>> -> memref<128x16xf32, #tpu.memory_space<vmem>>
      %gather3A_1016 = tpu.vector_load_idx %gather3A_1015[%add3A_1012, %iota3A] : memref<128x16xf32, #tpu.memory_space<vmem>>[vector<16xi32>, vector<16xi32>], vector<16xf32>,
      %mul3A_1017 = arith.constant 16 : i32
      %mul3A_1018 = arith.muli %scan3A_1006, %mul3A_1017 : i32
      %add3A_1019 = arith.constant 640 : i32
      %add3A_1020 = arith.addi %add3A_1019, %mul3A_1018 : i32
      %get3A = arith.constant 1 : i32
      %get3A_1021 = arith.index_cast %get3A : i32 to index
      %get3A_1022 = arith.index_cast %add3A_1020 : i32 to index
      %get3A_1023 = tpu.vector_load %arg8[%get3A_1021, %get3A_1022] {strides = array<i32>} : memref<4x1024xf32, #tpu.memory_space<vmem>>, vector<16xf32>,
      %mul3A_1024 = arith.constant 16 : i32
      %mul3A_1025 = arith.muli %scan3A_1006, %mul3A_1024 : i32
      %add3A_1026 = arith.constant 640 : i32
      %add3A_1027 = arith.addi %add3A_1026, %mul3A_1025 : i32
      %get3A_1028 = arith.index_cast %add3A_1027 : i32 to index
      %get3A_1029 = tpu.vector_load %arg6[%get3A_1028] {strides = array<i32>} : memref<1024xi32, #tpu.memory_space<vmem>>, vector<16xi32>,
      %sub3A = arith.subf %get3A_1023, %gather3A_1016 : vector<16xf32>
      %abs3A = math.absf %sub3A : vector<16xf32>
      %lt3A = arith.constant 1.000000e+00 : f32
      %lt3A_1030 = vector.broadcast %lt3A : f32 to vector<16xf32>
      %lt3A_1031 = arith.cmpf olt, %abs3A, %lt3A_1030 : vector<16xf32>
      %mul3A_1032 = arith.constant 5.000000e-01 : f32
      %mul3A_1033 = vector.broadcast %mul3A_1032 : f32 to vector<16xf32>
      %mul3A_1034 = arith.mulf %mul3A_1033, %abs3A : vector<16xf32>
      %mul3A_1035 = arith.mulf %mul3A_1034, %abs3A : vector<16xf32>
      %sub3A_1036 = arith.constant 5.000000e-01 : f32
      %sub3A_1037 = vector.broadcast %sub3A_1036 : f32 to vector<16xf32>
      %sub3A_1038 = arith.subf %abs3A, %sub3A_1037 : vector<16xf32>
      %select_n3A = arith.select %lt3A_1031, %mul3A_1035, %sub3A_1038 : vector<16xi1>, vector<16xf32>
      %gt3A = arith.constant 0 : i32
      %gt3A_1039 = vector.broadcast %gt3A : i32 to vector<16xi32>
      %gt3A_1040 = arith.cmpi sgt, %get3A_1029, %gt3A_1039 : vector<16xi32>
      %jit3A = arith.constant 0.000000e+00 : f32
      %broadcast_in_dim3A_1041 = vector.broadcast %jit3A : f32 to vector<16xf32>
      %select_n3A_1042 = arith.select %gt3A_1040, %select_n3A, %broadcast_in_dim3A_1041 : vector<16xi1>, vector<16xf32>
      %add3A_1043 = arith.addf %scan3A_1007, %select_n3A_1042 : vector<16xf32>
      %jit3A_1044 = arith.constant 1.000000e+00 : f32
      %jit3A_1045 = arith.constant 0.000000e+00 : f32
      %broadcast_in_dim3A_1046 = vector.broadcast %jit3A_1044 : f32 to vector<16xf32>
      %broadcast_in_dim3A_1047 = vector.broadcast %jit3A_1045 : f32 to vector<16xf32>
      %select_n3A_1048 = arith.select %gt3A_1040, %broadcast_in_dim3A_1046, %broadcast_in_dim3A_1047 : vector<16xi1>, vector<16xf32>
      %add3A_1049 = arith.addf %scan3A_1008, %select_n3A_1048 : vector<16xf32>
      scf.yield %add3A_1043, %add3A_1049 : vector<16xf32>, vector<16xf32>
    }
    %scan3A_700 = arith.constant 8 : i32
    %dma_start3A_701 = arith.constant 23 : i32
    %dma_start3A_702 = arith.constant 1 : i32
    %dma_start3A_703 = arith.constant 0 : i32
    %dma_start3A_704 = arith.constant 0 : i32
    %dma_start3A_705 = tpu.memref_slice %arg9[%dma_start3A_702, %dma_start3A_703, %dma_start3A_704] : memref<2x128x16xf32, #tpu.memory_space<vmem>> -> memref<1x128x16xf32, #tpu.memory_space<vmem>>
    %dma_start3A_706 = tpu.memref_squeeze %dma_start3A_705 : memref<1x128x16xf32, #tpu.memory_space<vmem>> -> memref<128x16xf32, #tpu.memory_space<vmem>>
    %dma_start3A_707 = arith.constant 0 : i32
    %dma_start3A_708 = tpu.memref_slice %arg7[%dma_start3A_701, %dma_start3A_707] : memref<32x128xi32, #tpu.memory_space<vmem>> -> memref<1x128xi32, #tpu.memory_space<vmem>>
    %dma_start3A_709 = tpu.memref_squeeze %dma_start3A_708 : memref<1x128xi32, #tpu.memory_space<vmem>> -> memref<128xi32, #tpu.memory_space<vmem>>
    %dma_start3A_710 = arith.constant 0 : i32
    %dma_start3A_711 = arith.constant 0 : i32
    %dma_start3A_712 = tpu.memref_slice %arg2[%dma_start3A_710, %dma_start3A_711] : memref<745472x16xf32, #tpu.memory_space<hbm>> -> memref<745472x16xf32, #tpu.memory_space<hbm>>
    tpu.enqueue_indirect_dma source(%dma_start3A_712 : memref<745472x16xf32, #tpu.memory_space<hbm>>) target(%dma_start3A_706 : memref<128x16xf32, #tpu.memory_space<vmem>>) offsets(%dma_start3A_709 : memref<128xi32, #tpu.memory_space<vmem>>) semaphore(%arg12 : memref<!tpu.dma_semaphore, #tpu.memory_space<semaphore_mem>>)
    %dma_wait3A_713 = arith.constant 22 : i32
    %dma_wait3A_714 = arith.constant 0 : i32
    %dma_wait3A_715 = arith.constant 0 : i32
    %dma_wait3A_716 = arith.constant 0 : i32
    %dma_wait3A_717 = tpu.memref_slice %arg9[%dma_wait3A_714, %dma_wait3A_715, %dma_wait3A_716] : memref<2x128x16xf32, #tpu.memory_space<vmem>> -> memref<1x128x16xf32, #tpu.memory_space<vmem>>
    %dma_wait3A_718 = tpu.memref_squeeze %dma_wait3A_717 : memref<1x128x16xf32, #tpu.memory_space<vmem>> -> memref<128x16xf32, #tpu.memory_space<vmem>>
    %dma_wait3A_719 = arith.constant 0 : i32
    %dma_wait3A_720 = tpu.memref_slice %arg7[%dma_wait3A_713, %dma_wait3A_719] : memref<32x128xi32, #tpu.memory_space<vmem>> -> memref<1x128xi32, #tpu.memory_space<vmem>>
    %dma_wait3A_721 = tpu.memref_squeeze %dma_wait3A_720 : memref<1x128xi32, #tpu.memory_space<vmem>> -> memref<128xi32, #tpu.memory_space<vmem>>
    %dma_wait3A_722 = arith.constant 0 : i32
    %dma_wait3A_723 = arith.constant 0 : i32
    %dma_wait3A_724 = tpu.memref_slice %arg2[%dma_wait3A_722, %dma_wait3A_723] : memref<745472x16xf32, #tpu.memory_space<hbm>> -> memref<745472x16xf32, #tpu.memory_space<hbm>>
    tpu.wait_indirect_dma semaphore(%arg11 : memref<!tpu.dma_semaphore, #tpu.memory_space<semaphore_mem>>) src(%dma_wait3A_724 : memref<745472x16xf32, #tpu.memory_space<hbm>>) dst(%dma_wait3A_718 : memref<128x16xf32, #tpu.memory_space<vmem>>)
    %scan3A_725 = arith.constant 0 : i32
    %scan3A_726 = arith.constant 0 : i32
    %scan3A_727 = arith.constant 8 : i32
    %scan3A_728 = arith.addi %scan3A_726, %scan3A_727 : i32
    %scan3A_729 = arith.constant 1 : i32
    %scan3A_730:2 = scf.for %scan3A_1006 = %scan3A_726 to %scan3A_728 step %scan3A_729 iter_args(%scan3A_1007 = %scan3A_699#0, %scan3A_1008 = %scan3A_699#1) -> (vector<16xf32>, vector<16xf32>)  : i32 {
      %mul3A_1009 = arith.constant 16 : i32
      %mul3A_1010 = arith.muli %scan3A_1006, %mul3A_1009 : i32
      %add3A_1011 = vector.broadcast %mul3A_1010 : i32 to vector<16xi32>
      %add3A_1012 = arith.addi %add3A_1011, %iota3A : vector<16xi32>
      %gather3A = arith.constant 0 : i32
      %gather3A_1013 = arith.constant 0 : i32
      %gather3A_1014 = tpu.memref_slice %arg9[%scan3A_725, %gather3A, %gather3A_1013] : memref<2x128x16xf32, #tpu.memory_space<vmem>> -> memref<1x128x16xf32, #tpu.memory_space<vmem>>
      %gather3A_1015 = tpu.memref_squeeze %gather3A_1014 : memref<1x128x16xf32, #tpu.memory_space<vmem>> -> memref<128x16xf32, #tpu.memory_space<vmem>>
      %gather3A_1016 = tpu.vector_load_idx %gather3A_1015[%add3A_1012, %iota3A] : memref<128x16xf32, #tpu.memory_space<vmem>>[vector<16xi32>, vector<16xi32>], vector<16xf32>,
      %mul3A_1017 = arith.constant 16 : i32
      %mul3A_1018 = arith.muli %scan3A_1006, %mul3A_1017 : i32
      %add3A_1019 = arith.constant 640 : i32
      %add3A_1020 = arith.addi %add3A_1019, %mul3A_1018 : i32
      %get3A = arith.constant 2 : i32
      %get3A_1021 = arith.index_cast %get3A : i32 to index
      %get3A_1022 = arith.index_cast %add3A_1020 : i32 to index
      %get3A_1023 = tpu.vector_load %arg8[%get3A_1021, %get3A_1022] {strides = array<i32>} : memref<4x1024xf32, #tpu.memory_space<vmem>>, vector<16xf32>,
      %mul3A_1024 = arith.constant 16 : i32
      %mul3A_1025 = arith.muli %scan3A_1006, %mul3A_1024 : i32
      %add3A_1026 = arith.constant 640 : i32
      %add3A_1027 = arith.addi %add3A_1026, %mul3A_1025 : i32
      %get3A_1028 = arith.index_cast %add3A_1027 : i32 to index
      %get3A_1029 = tpu.vector_load %arg6[%get3A_1028] {strides = array<i32>} : memref<1024xi32, #tpu.memory_space<vmem>>, vector<16xi32>,
      %sub3A = arith.subf %get3A_1023, %gather3A_1016 : vector<16xf32>
      %abs3A = math.absf %sub3A : vector<16xf32>
      %lt3A = arith.constant 1.000000e+00 : f32
      %lt3A_1030 = vector.broadcast %lt3A : f32 to vector<16xf32>
      %lt3A_1031 = arith.cmpf olt, %abs3A, %lt3A_1030 : vector<16xf32>
      %mul3A_1032 = arith.constant 5.000000e-01 : f32
      %mul3A_1033 = vector.broadcast %mul3A_1032 : f32 to vector<16xf32>
      %mul3A_1034 = arith.mulf %mul3A_1033, %abs3A : vector<16xf32>
      %mul3A_1035 = arith.mulf %mul3A_1034, %abs3A : vector<16xf32>
      %sub3A_1036 = arith.constant 5.000000e-01 : f32
      %sub3A_1037 = vector.broadcast %sub3A_1036 : f32 to vector<16xf32>
      %sub3A_1038 = arith.subf %abs3A, %sub3A_1037 : vector<16xf32>
      %select_n3A = arith.select %lt3A_1031, %mul3A_1035, %sub3A_1038 : vector<16xi1>, vector<16xf32>
      %gt3A = arith.constant 0 : i32
      %gt3A_1039 = vector.broadcast %gt3A : i32 to vector<16xi32>
      %gt3A_1040 = arith.cmpi sgt, %get3A_1029, %gt3A_1039 : vector<16xi32>
      %jit3A = arith.constant 0.000000e+00 : f32
      %broadcast_in_dim3A_1041 = vector.broadcast %jit3A : f32 to vector<16xf32>
      %select_n3A_1042 = arith.select %gt3A_1040, %select_n3A, %broadcast_in_dim3A_1041 : vector<16xi1>, vector<16xf32>
      %add3A_1043 = arith.addf %scan3A_1007, %select_n3A_1042 : vector<16xf32>
      %jit3A_1044 = arith.constant 1.000000e+00 : f32
      %jit3A_1045 = arith.constant 0.000000e+00 : f32
      %broadcast_in_dim3A_1046 = vector.broadcast %jit3A_1044 : f32 to vector<16xf32>
      %broadcast_in_dim3A_1047 = vector.broadcast %jit3A_1045 : f32 to vector<16xf32>
      %select_n3A_1048 = arith.select %gt3A_1040, %broadcast_in_dim3A_1046, %broadcast_in_dim3A_1047 : vector<16xi1>, vector<16xf32>
      %add3A_1049 = arith.addf %scan3A_1008, %select_n3A_1048 : vector<16xf32>
      scf.yield %add3A_1043, %add3A_1049 : vector<16xf32>, vector<16xf32>
    }
    %scan3A_731 = arith.constant 8 : i32
    %dma_start3A_732 = arith.constant 24 : i32
    %dma_start3A_733 = arith.constant 0 : i32
    %dma_start3A_734 = arith.constant 0 : i32
    %dma_start3A_735 = arith.constant 0 : i32
    %dma_start3A_736 = tpu.memref_slice %arg9[%dma_start3A_733, %dma_start3A_734, %dma_start3A_735] : memref<2x128x16xf32, #tpu.memory_space<vmem>> -> memref<1x128x16xf32, #tpu.memory_space<vmem>>
    %dma_start3A_737 = tpu.memref_squeeze %dma_start3A_736 : memref<1x128x16xf32, #tpu.memory_space<vmem>> -> memref<128x16xf32, #tpu.memory_space<vmem>>
    %dma_start3A_738 = arith.constant 0 : i32
    %dma_start3A_739 = tpu.memref_slice %arg7[%dma_start3A_732, %dma_start3A_738] : memref<32x128xi32, #tpu.memory_space<vmem>> -> memref<1x128xi32, #tpu.memory_space<vmem>>
    %dma_start3A_740 = tpu.memref_squeeze %dma_start3A_739 : memref<1x128xi32, #tpu.memory_space<vmem>> -> memref<128xi32, #tpu.memory_space<vmem>>
    %dma_start3A_741 = arith.constant 0 : i32
    %dma_start3A_742 = arith.constant 0 : i32
    %dma_start3A_743 = tpu.memref_slice %arg2[%dma_start3A_741, %dma_start3A_742] : memref<745472x16xf32, #tpu.memory_space<hbm>> -> memref<745472x16xf32, #tpu.memory_space<hbm>>
    tpu.enqueue_indirect_dma source(%dma_start3A_743 : memref<745472x16xf32, #tpu.memory_space<hbm>>) target(%dma_start3A_737 : memref<128x16xf32, #tpu.memory_space<vmem>>) offsets(%dma_start3A_740 : memref<128xi32, #tpu.memory_space<vmem>>) semaphore(%arg11 : memref<!tpu.dma_semaphore, #tpu.memory_space<semaphore_mem>>)
    %dma_wait3A_744 = arith.constant 23 : i32
    %dma_wait3A_745 = arith.constant 1 : i32
    %dma_wait3A_746 = arith.constant 0 : i32
    %dma_wait3A_747 = arith.constant 0 : i32
    %dma_wait3A_748 = tpu.memref_slice %arg9[%dma_wait3A_745, %dma_wait3A_746, %dma_wait3A_747] : memref<2x128x16xf32, #tpu.memory_space<vmem>> -> memref<1x128x16xf32, #tpu.memory_space<vmem>>
    %dma_wait3A_749 = tpu.memref_squeeze %dma_wait3A_748 : memref<1x128x16xf32, #tpu.memory_space<vmem>> -> memref<128x16xf32, #tpu.memory_space<vmem>>
    %dma_wait3A_750 = arith.constant 0 : i32
    %dma_wait3A_751 = tpu.memref_slice %arg7[%dma_wait3A_744, %dma_wait3A_750] : memref<32x128xi32, #tpu.memory_space<vmem>> -> memref<1x128xi32, #tpu.memory_space<vmem>>
    %dma_wait3A_752 = tpu.memref_squeeze %dma_wait3A_751 : memref<1x128xi32, #tpu.memory_space<vmem>> -> memref<128xi32, #tpu.memory_space<vmem>>
    %dma_wait3A_753 = arith.constant 0 : i32
    %dma_wait3A_754 = arith.constant 0 : i32
    %dma_wait3A_755 = tpu.memref_slice %arg2[%dma_wait3A_753, %dma_wait3A_754] : memref<745472x16xf32, #tpu.memory_space<hbm>> -> memref<745472x16xf32, #tpu.memory_space<hbm>>
    tpu.wait_indirect_dma semaphore(%arg12 : memref<!tpu.dma_semaphore, #tpu.memory_space<semaphore_mem>>) src(%dma_wait3A_755 : memref<745472x16xf32, #tpu.memory_space<hbm>>) dst(%dma_wait3A_749 : memref<128x16xf32, #tpu.memory_space<vmem>>)
    %scan3A_756 = arith.constant 1 : i32
    %scan3A_757 = arith.constant 0 : i32
    %scan3A_758 = arith.constant 8 : i32
    %scan3A_759 = arith.addi %scan3A_757, %scan3A_758 : i32
    %scan3A_760 = arith.constant 1 : i32
    %scan3A_761:2 = scf.for %scan3A_1006 = %scan3A_757 to %scan3A_759 step %scan3A_760 iter_args(%scan3A_1007 = %scan3A_730#0, %scan3A_1008 = %scan3A_730#1) -> (vector<16xf32>, vector<16xf32>)  : i32 {
      %mul3A_1009 = arith.constant 16 : i32
      %mul3A_1010 = arith.muli %scan3A_1006, %mul3A_1009 : i32
      %add3A_1011 = vector.broadcast %mul3A_1010 : i32 to vector<16xi32>
      %add3A_1012 = arith.addi %add3A_1011, %iota3A : vector<16xi32>
      %gather3A = arith.constant 0 : i32
      %gather3A_1013 = arith.constant 0 : i32
      %gather3A_1014 = tpu.memref_slice %arg9[%scan3A_756, %gather3A, %gather3A_1013] : memref<2x128x16xf32, #tpu.memory_space<vmem>> -> memref<1x128x16xf32, #tpu.memory_space<vmem>>
      %gather3A_1015 = tpu.memref_squeeze %gather3A_1014 : memref<1x128x16xf32, #tpu.memory_space<vmem>> -> memref<128x16xf32, #tpu.memory_space<vmem>>
      %gather3A_1016 = tpu.vector_load_idx %gather3A_1015[%add3A_1012, %iota3A] : memref<128x16xf32, #tpu.memory_space<vmem>>[vector<16xi32>, vector<16xi32>], vector<16xf32>,
      %mul3A_1017 = arith.constant 16 : i32
      %mul3A_1018 = arith.muli %scan3A_1006, %mul3A_1017 : i32
      %add3A_1019 = arith.constant 640 : i32
      %add3A_1020 = arith.addi %add3A_1019, %mul3A_1018 : i32
      %get3A = arith.constant 3 : i32
      %get3A_1021 = arith.index_cast %get3A : i32 to index
      %get3A_1022 = arith.index_cast %add3A_1020 : i32 to index
      %get3A_1023 = tpu.vector_load %arg8[%get3A_1021, %get3A_1022] {strides = array<i32>} : memref<4x1024xf32, #tpu.memory_space<vmem>>, vector<16xf32>,
      %mul3A_1024 = arith.constant 16 : i32
      %mul3A_1025 = arith.muli %scan3A_1006, %mul3A_1024 : i32
      %add3A_1026 = arith.constant 640 : i32
      %add3A_1027 = arith.addi %add3A_1026, %mul3A_1025 : i32
      %get3A_1028 = arith.index_cast %add3A_1027 : i32 to index
      %get3A_1029 = tpu.vector_load %arg6[%get3A_1028] {strides = array<i32>} : memref<1024xi32, #tpu.memory_space<vmem>>, vector<16xi32>,
      %sub3A = arith.subf %get3A_1023, %gather3A_1016 : vector<16xf32>
      %abs3A = math.absf %sub3A : vector<16xf32>
      %lt3A = arith.constant 1.000000e+00 : f32
      %lt3A_1030 = vector.broadcast %lt3A : f32 to vector<16xf32>
      %lt3A_1031 = arith.cmpf olt, %abs3A, %lt3A_1030 : vector<16xf32>
      %mul3A_1032 = arith.constant 5.000000e-01 : f32
      %mul3A_1033 = vector.broadcast %mul3A_1032 : f32 to vector<16xf32>
      %mul3A_1034 = arith.mulf %mul3A_1033, %abs3A : vector<16xf32>
      %mul3A_1035 = arith.mulf %mul3A_1034, %abs3A : vector<16xf32>
      %sub3A_1036 = arith.constant 5.000000e-01 : f32
      %sub3A_1037 = vector.broadcast %sub3A_1036 : f32 to vector<16xf32>
      %sub3A_1038 = arith.subf %abs3A, %sub3A_1037 : vector<16xf32>
      %select_n3A = arith.select %lt3A_1031, %mul3A_1035, %sub3A_1038 : vector<16xi1>, vector<16xf32>
      %gt3A = arith.constant 0 : i32
      %gt3A_1039 = vector.broadcast %gt3A : i32 to vector<16xi32>
      %gt3A_1040 = arith.cmpi sgt, %get3A_1029, %gt3A_1039 : vector<16xi32>
      %jit3A = arith.constant 0.000000e+00 : f32
      %broadcast_in_dim3A_1041 = vector.broadcast %jit3A : f32 to vector<16xf32>
      %select_n3A_1042 = arith.select %gt3A_1040, %select_n3A, %broadcast_in_dim3A_1041 : vector<16xi1>, vector<16xf32>
      %add3A_1043 = arith.addf %scan3A_1007, %select_n3A_1042 : vector<16xf32>
      %jit3A_1044 = arith.constant 1.000000e+00 : f32
      %jit3A_1045 = arith.constant 0.000000e+00 : f32
      %broadcast_in_dim3A_1046 = vector.broadcast %jit3A_1044 : f32 to vector<16xf32>
      %broadcast_in_dim3A_1047 = vector.broadcast %jit3A_1045 : f32 to vector<16xf32>
      %select_n3A_1048 = arith.select %gt3A_1040, %broadcast_in_dim3A_1046, %broadcast_in_dim3A_1047 : vector<16xi1>, vector<16xf32>
      %add3A_1049 = arith.addf %scan3A_1008, %select_n3A_1048 : vector<16xf32>
      scf.yield %add3A_1043, %add3A_1049 : vector<16xf32>, vector<16xf32>
    }
    %scan3A_762 = arith.constant 8 : i32
    %dma_start3A_763 = arith.constant 25 : i32
    %dma_start3A_764 = arith.constant 1 : i32
    %dma_start3A_765 = arith.constant 0 : i32
    %dma_start3A_766 = arith.constant 0 : i32
    %dma_start3A_767 = tpu.memref_slice %arg9[%dma_start3A_764, %dma_start3A_765, %dma_start3A_766] : memref<2x128x16xf32, #tpu.memory_space<vmem>> -> memref<1x128x16xf32, #tpu.memory_space<vmem>>
    %dma_start3A_768 = tpu.memref_squeeze %dma_start3A_767 : memref<1x128x16xf32, #tpu.memory_space<vmem>> -> memref<128x16xf32, #tpu.memory_space<vmem>>
    %dma_start3A_769 = arith.constant 0 : i32
    %dma_start3A_770 = tpu.memref_slice %arg7[%dma_start3A_763, %dma_start3A_769] : memref<32x128xi32, #tpu.memory_space<vmem>> -> memref<1x128xi32, #tpu.memory_space<vmem>>
    %dma_start3A_771 = tpu.memref_squeeze %dma_start3A_770 : memref<1x128xi32, #tpu.memory_space<vmem>> -> memref<128xi32, #tpu.memory_space<vmem>>
    %dma_start3A_772 = arith.constant 0 : i32
    %dma_start3A_773 = arith.constant 0 : i32
    %dma_start3A_774 = tpu.memref_slice %arg2[%dma_start3A_772, %dma_start3A_773] : memref<745472x16xf32, #tpu.memory_space<hbm>> -> memref<745472x16xf32, #tpu.memory_space<hbm>>
    tpu.enqueue_indirect_dma source(%dma_start3A_774 : memref<745472x16xf32, #tpu.memory_space<hbm>>) target(%dma_start3A_768 : memref<128x16xf32, #tpu.memory_space<vmem>>) offsets(%dma_start3A_771 : memref<128xi32, #tpu.memory_space<vmem>>) semaphore(%arg12 : memref<!tpu.dma_semaphore, #tpu.memory_space<semaphore_mem>>)
    %dma_wait3A_775 = arith.constant 24 : i32
    %dma_wait3A_776 = arith.constant 0 : i32
    %dma_wait3A_777 = arith.constant 0 : i32
    %dma_wait3A_778 = arith.constant 0 : i32
    %dma_wait3A_779 = tpu.memref_slice %arg9[%dma_wait3A_776, %dma_wait3A_777, %dma_wait3A_778] : memref<2x128x16xf32, #tpu.memory_space<vmem>> -> memref<1x128x16xf32, #tpu.memory_space<vmem>>
    %dma_wait3A_780 = tpu.memref_squeeze %dma_wait3A_779 : memref<1x128x16xf32, #tpu.memory_space<vmem>> -> memref<128x16xf32, #tpu.memory_space<vmem>>
    %dma_wait3A_781 = arith.constant 0 : i32
    %dma_wait3A_782 = tpu.memref_slice %arg7[%dma_wait3A_775, %dma_wait3A_781] : memref<32x128xi32, #tpu.memory_space<vmem>> -> memref<1x128xi32, #tpu.memory_space<vmem>>
    %dma_wait3A_783 = tpu.memref_squeeze %dma_wait3A_782 : memref<1x128xi32, #tpu.memory_space<vmem>> -> memref<128xi32, #tpu.memory_space<vmem>>
    %dma_wait3A_784 = arith.constant 0 : i32
    %dma_wait3A_785 = arith.constant 0 : i32
    %dma_wait3A_786 = tpu.memref_slice %arg2[%dma_wait3A_784, %dma_wait3A_785] : memref<745472x16xf32, #tpu.memory_space<hbm>> -> memref<745472x16xf32, #tpu.memory_space<hbm>>
    tpu.wait_indirect_dma semaphore(%arg11 : memref<!tpu.dma_semaphore, #tpu.memory_space<semaphore_mem>>) src(%dma_wait3A_786 : memref<745472x16xf32, #tpu.memory_space<hbm>>) dst(%dma_wait3A_780 : memref<128x16xf32, #tpu.memory_space<vmem>>)
    %scan3A_787 = arith.constant 0 : i32
    %scan3A_788 = arith.constant 0 : i32
    %scan3A_789 = arith.constant 8 : i32
    %scan3A_790 = arith.addi %scan3A_788, %scan3A_789 : i32
    %scan3A_791 = arith.constant 1 : i32
    %scan3A_792:2 = scf.for %scan3A_1006 = %scan3A_788 to %scan3A_790 step %scan3A_791 iter_args(%scan3A_1007 = %scan3A_761#0, %scan3A_1008 = %scan3A_761#1) -> (vector<16xf32>, vector<16xf32>)  : i32 {
      %mul3A_1009 = arith.constant 16 : i32
      %mul3A_1010 = arith.muli %scan3A_1006, %mul3A_1009 : i32
      %add3A_1011 = vector.broadcast %mul3A_1010 : i32 to vector<16xi32>
      %add3A_1012 = arith.addi %add3A_1011, %iota3A : vector<16xi32>
      %gather3A = arith.constant 0 : i32
      %gather3A_1013 = arith.constant 0 : i32
      %gather3A_1014 = tpu.memref_slice %arg9[%scan3A_787, %gather3A, %gather3A_1013] : memref<2x128x16xf32, #tpu.memory_space<vmem>> -> memref<1x128x16xf32, #tpu.memory_space<vmem>>
      %gather3A_1015 = tpu.memref_squeeze %gather3A_1014 : memref<1x128x16xf32, #tpu.memory_space<vmem>> -> memref<128x16xf32, #tpu.memory_space<vmem>>
      %gather3A_1016 = tpu.vector_load_idx %gather3A_1015[%add3A_1012, %iota3A] : memref<128x16xf32, #tpu.memory_space<vmem>>[vector<16xi32>, vector<16xi32>], vector<16xf32>,
      %mul3A_1017 = arith.constant 16 : i32
      %mul3A_1018 = arith.muli %scan3A_1006, %mul3A_1017 : i32
      %add3A_1019 = arith.constant 768 : i32
      %add3A_1020 = arith.addi %add3A_1019, %mul3A_1018 : i32
      %get3A = arith.constant 0 : i32
      %get3A_1021 = arith.index_cast %get3A : i32 to index
      %get3A_1022 = arith.index_cast %add3A_1020 : i32 to index
      %get3A_1023 = tpu.vector_load %arg8[%get3A_1021, %get3A_1022] {strides = array<i32>} : memref<4x1024xf32, #tpu.memory_space<vmem>>, vector<16xf32>,
      %mul3A_1024 = arith.constant 16 : i32
      %mul3A_1025 = arith.muli %scan3A_1006, %mul3A_1024 : i32
      %add3A_1026 = arith.constant 768 : i32
      %add3A_1027 = arith.addi %add3A_1026, %mul3A_1025 : i32
      %get3A_1028 = arith.index_cast %add3A_1027 : i32 to index
      %get3A_1029 = tpu.vector_load %arg6[%get3A_1028] {strides = array<i32>} : memref<1024xi32, #tpu.memory_space<vmem>>, vector<16xi32>,
      %sub3A = arith.subf %get3A_1023, %gather3A_1016 : vector<16xf32>
      %abs3A = math.absf %sub3A : vector<16xf32>
      %lt3A = arith.constant 1.000000e+00 : f32
      %lt3A_1030 = vector.broadcast %lt3A : f32 to vector<16xf32>
      %lt3A_1031 = arith.cmpf olt, %abs3A, %lt3A_1030 : vector<16xf32>
      %mul3A_1032 = arith.constant 5.000000e-01 : f32
      %mul3A_1033 = vector.broadcast %mul3A_1032 : f32 to vector<16xf32>
      %mul3A_1034 = arith.mulf %mul3A_1033, %abs3A : vector<16xf32>
      %mul3A_1035 = arith.mulf %mul3A_1034, %abs3A : vector<16xf32>
      %sub3A_1036 = arith.constant 5.000000e-01 : f32
      %sub3A_1037 = vector.broadcast %sub3A_1036 : f32 to vector<16xf32>
      %sub3A_1038 = arith.subf %abs3A, %sub3A_1037 : vector<16xf32>
      %select_n3A = arith.select %lt3A_1031, %mul3A_1035, %sub3A_1038 : vector<16xi1>, vector<16xf32>
      %gt3A = arith.constant 0 : i32
      %gt3A_1039 = vector.broadcast %gt3A : i32 to vector<16xi32>
      %gt3A_1040 = arith.cmpi sgt, %get3A_1029, %gt3A_1039 : vector<16xi32>
      %jit3A = arith.constant 0.000000e+00 : f32
      %broadcast_in_dim3A_1041 = vector.broadcast %jit3A : f32 to vector<16xf32>
      %select_n3A_1042 = arith.select %gt3A_1040, %select_n3A, %broadcast_in_dim3A_1041 : vector<16xi1>, vector<16xf32>
      %add3A_1043 = arith.addf %scan3A_1007, %select_n3A_1042 : vector<16xf32>
      %jit3A_1044 = arith.constant 1.000000e+00 : f32
      %jit3A_1045 = arith.constant 0.000000e+00 : f32
      %broadcast_in_dim3A_1046 = vector.broadcast %jit3A_1044 : f32 to vector<16xf32>
      %broadcast_in_dim3A_1047 = vector.broadcast %jit3A_1045 : f32 to vector<16xf32>
      %select_n3A_1048 = arith.select %gt3A_1040, %broadcast_in_dim3A_1046, %broadcast_in_dim3A_1047 : vector<16xi1>, vector<16xf32>
      %add3A_1049 = arith.addf %scan3A_1008, %select_n3A_1048 : vector<16xf32>
      scf.yield %add3A_1043, %add3A_1049 : vector<16xf32>, vector<16xf32>
    }
    %scan3A_793 = arith.constant 8 : i32
    %dma_start3A_794 = arith.constant 26 : i32
    %dma_start3A_795 = arith.constant 0 : i32
    %dma_start3A_796 = arith.constant 0 : i32
    %dma_start3A_797 = arith.constant 0 : i32
    %dma_start3A_798 = tpu.memref_slice %arg9[%dma_start3A_795, %dma_start3A_796, %dma_start3A_797] : memref<2x128x16xf32, #tpu.memory_space<vmem>> -> memref<1x128x16xf32, #tpu.memory_space<vmem>>
    %dma_start3A_799 = tpu.memref_squeeze %dma_start3A_798 : memref<1x128x16xf32, #tpu.memory_space<vmem>> -> memref<128x16xf32, #tpu.memory_space<vmem>>
    %dma_start3A_800 = arith.constant 0 : i32
    %dma_start3A_801 = tpu.memref_slice %arg7[%dma_start3A_794, %dma_start3A_800] : memref<32x128xi32, #tpu.memory_space<vmem>> -> memref<1x128xi32, #tpu.memory_space<vmem>>
    %dma_start3A_802 = tpu.memref_squeeze %dma_start3A_801 : memref<1x128xi32, #tpu.memory_space<vmem>> -> memref<128xi32, #tpu.memory_space<vmem>>
    %dma_start3A_803 = arith.constant 0 : i32
    %dma_start3A_804 = arith.constant 0 : i32
    %dma_start3A_805 = tpu.memref_slice %arg2[%dma_start3A_803, %dma_start3A_804] : memref<745472x16xf32, #tpu.memory_space<hbm>> -> memref<745472x16xf32, #tpu.memory_space<hbm>>
    tpu.enqueue_indirect_dma source(%dma_start3A_805 : memref<745472x16xf32, #tpu.memory_space<hbm>>) target(%dma_start3A_799 : memref<128x16xf32, #tpu.memory_space<vmem>>) offsets(%dma_start3A_802 : memref<128xi32, #tpu.memory_space<vmem>>) semaphore(%arg11 : memref<!tpu.dma_semaphore, #tpu.memory_space<semaphore_mem>>)
    %dma_wait3A_806 = arith.constant 25 : i32
    %dma_wait3A_807 = arith.constant 1 : i32
    %dma_wait3A_808 = arith.constant 0 : i32
    %dma_wait3A_809 = arith.constant 0 : i32
    %dma_wait3A_810 = tpu.memref_slice %arg9[%dma_wait3A_807, %dma_wait3A_808, %dma_wait3A_809] : memref<2x128x16xf32, #tpu.memory_space<vmem>> -> memref<1x128x16xf32, #tpu.memory_space<vmem>>
    %dma_wait3A_811 = tpu.memref_squeeze %dma_wait3A_810 : memref<1x128x16xf32, #tpu.memory_space<vmem>> -> memref<128x16xf32, #tpu.memory_space<vmem>>
    %dma_wait3A_812 = arith.constant 0 : i32
    %dma_wait3A_813 = tpu.memref_slice %arg7[%dma_wait3A_806, %dma_wait3A_812] : memref<32x128xi32, #tpu.memory_space<vmem>> -> memref<1x128xi32, #tpu.memory_space<vmem>>
    %dma_wait3A_814 = tpu.memref_squeeze %dma_wait3A_813 : memref<1x128xi32, #tpu.memory_space<vmem>> -> memref<128xi32, #tpu.memory_space<vmem>>
    %dma_wait3A_815 = arith.constant 0 : i32
    %dma_wait3A_816 = arith.constant 0 : i32
    %dma_wait3A_817 = tpu.memref_slice %arg2[%dma_wait3A_815, %dma_wait3A_816] : memref<745472x16xf32, #tpu.memory_space<hbm>> -> memref<745472x16xf32, #tpu.memory_space<hbm>>
    tpu.wait_indirect_dma semaphore(%arg12 : memref<!tpu.dma_semaphore, #tpu.memory_space<semaphore_mem>>) src(%dma_wait3A_817 : memref<745472x16xf32, #tpu.memory_space<hbm>>) dst(%dma_wait3A_811 : memref<128x16xf32, #tpu.memory_space<vmem>>)
    %scan3A_818 = arith.constant 1 : i32
    %scan3A_819 = arith.constant 0 : i32
    %scan3A_820 = arith.constant 8 : i32
    %scan3A_821 = arith.addi %scan3A_819, %scan3A_820 : i32
    %scan3A_822 = arith.constant 1 : i32
    %scan3A_823:2 = scf.for %scan3A_1006 = %scan3A_819 to %scan3A_821 step %scan3A_822 iter_args(%scan3A_1007 = %scan3A_792#0, %scan3A_1008 = %scan3A_792#1) -> (vector<16xf32>, vector<16xf32>)  : i32 {
      %mul3A_1009 = arith.constant 16 : i32
      %mul3A_1010 = arith.muli %scan3A_1006, %mul3A_1009 : i32
      %add3A_1011 = vector.broadcast %mul3A_1010 : i32 to vector<16xi32>
      %add3A_1012 = arith.addi %add3A_1011, %iota3A : vector<16xi32>
      %gather3A = arith.constant 0 : i32
      %gather3A_1013 = arith.constant 0 : i32
      %gather3A_1014 = tpu.memref_slice %arg9[%scan3A_818, %gather3A, %gather3A_1013] : memref<2x128x16xf32, #tpu.memory_space<vmem>> -> memref<1x128x16xf32, #tpu.memory_space<vmem>>
      %gather3A_1015 = tpu.memref_squeeze %gather3A_1014 : memref<1x128x16xf32, #tpu.memory_space<vmem>> -> memref<128x16xf32, #tpu.memory_space<vmem>>
      %gather3A_1016 = tpu.vector_load_idx %gather3A_1015[%add3A_1012, %iota3A] : memref<128x16xf32, #tpu.memory_space<vmem>>[vector<16xi32>, vector<16xi32>], vector<16xf32>,
      %mul3A_1017 = arith.constant 16 : i32
      %mul3A_1018 = arith.muli %scan3A_1006, %mul3A_1017 : i32
      %add3A_1019 = arith.constant 768 : i32
      %add3A_1020 = arith.addi %add3A_1019, %mul3A_1018 : i32
      %get3A = arith.constant 1 : i32
      %get3A_1021 = arith.index_cast %get3A : i32 to index
      %get3A_1022 = arith.index_cast %add3A_1020 : i32 to index
      %get3A_1023 = tpu.vector_load %arg8[%get3A_1021, %get3A_1022] {strides = array<i32>} : memref<4x1024xf32, #tpu.memory_space<vmem>>, vector<16xf32>,
      %mul3A_1024 = arith.constant 16 : i32
      %mul3A_1025 = arith.muli %scan3A_1006, %mul3A_1024 : i32
      %add3A_1026 = arith.constant 768 : i32
      %add3A_1027 = arith.addi %add3A_1026, %mul3A_1025 : i32
      %get3A_1028 = arith.index_cast %add3A_1027 : i32 to index
      %get3A_1029 = tpu.vector_load %arg6[%get3A_1028] {strides = array<i32>} : memref<1024xi32, #tpu.memory_space<vmem>>, vector<16xi32>,
      %sub3A = arith.subf %get3A_1023, %gather3A_1016 : vector<16xf32>
      %abs3A = math.absf %sub3A : vector<16xf32>
      %lt3A = arith.constant 1.000000e+00 : f32
      %lt3A_1030 = vector.broadcast %lt3A : f32 to vector<16xf32>
      %lt3A_1031 = arith.cmpf olt, %abs3A, %lt3A_1030 : vector<16xf32>
      %mul3A_1032 = arith.constant 5.000000e-01 : f32
      %mul3A_1033 = vector.broadcast %mul3A_1032 : f32 to vector<16xf32>
      %mul3A_1034 = arith.mulf %mul3A_1033, %abs3A : vector<16xf32>
      %mul3A_1035 = arith.mulf %mul3A_1034, %abs3A : vector<16xf32>
      %sub3A_1036 = arith.constant 5.000000e-01 : f32
      %sub3A_1037 = vector.broadcast %sub3A_1036 : f32 to vector<16xf32>
      %sub3A_1038 = arith.subf %abs3A, %sub3A_1037 : vector<16xf32>
      %select_n3A = arith.select %lt3A_1031, %mul3A_1035, %sub3A_1038 : vector<16xi1>, vector<16xf32>
      %gt3A = arith.constant 0 : i32
      %gt3A_1039 = vector.broadcast %gt3A : i32 to vector<16xi32>
      %gt3A_1040 = arith.cmpi sgt, %get3A_1029, %gt3A_1039 : vector<16xi32>
      %jit3A = arith.constant 0.000000e+00 : f32
      %broadcast_in_dim3A_1041 = vector.broadcast %jit3A : f32 to vector<16xf32>
      %select_n3A_1042 = arith.select %gt3A_1040, %select_n3A, %broadcast_in_dim3A_1041 : vector<16xi1>, vector<16xf32>
      %add3A_1043 = arith.addf %scan3A_1007, %select_n3A_1042 : vector<16xf32>
      %jit3A_1044 = arith.constant 1.000000e+00 : f32
      %jit3A_1045 = arith.constant 0.000000e+00 : f32
      %broadcast_in_dim3A_1046 = vector.broadcast %jit3A_1044 : f32 to vector<16xf32>
      %broadcast_in_dim3A_1047 = vector.broadcast %jit3A_1045 : f32 to vector<16xf32>
      %select_n3A_1048 = arith.select %gt3A_1040, %broadcast_in_dim3A_1046, %broadcast_in_dim3A_1047 : vector<16xi1>, vector<16xf32>
      %add3A_1049 = arith.addf %scan3A_1008, %select_n3A_1048 : vector<16xf32>
      scf.yield %add3A_1043, %add3A_1049 : vector<16xf32>, vector<16xf32>
    }
    %scan3A_824 = arith.constant 8 : i32
    %dma_start3A_825 = arith.constant 27 : i32
    %dma_start3A_826 = arith.constant 1 : i32
    %dma_start3A_827 = arith.constant 0 : i32
    %dma_start3A_828 = arith.constant 0 : i32
    %dma_start3A_829 = tpu.memref_slice %arg9[%dma_start3A_826, %dma_start3A_827, %dma_start3A_828] : memref<2x128x16xf32, #tpu.memory_space<vmem>> -> memref<1x128x16xf32, #tpu.memory_space<vmem>>
    %dma_start3A_830 = tpu.memref_squeeze %dma_start3A_829 : memref<1x128x16xf32, #tpu.memory_space<vmem>> -> memref<128x16xf32, #tpu.memory_space<vmem>>
    %dma_start3A_831 = arith.constant 0 : i32
    %dma_start3A_832 = tpu.memref_slice %arg7[%dma_start3A_825, %dma_start3A_831] : memref<32x128xi32, #tpu.memory_space<vmem>> -> memref<1x128xi32, #tpu.memory_space<vmem>>
    %dma_start3A_833 = tpu.memref_squeeze %dma_start3A_832 : memref<1x128xi32, #tpu.memory_space<vmem>> -> memref<128xi32, #tpu.memory_space<vmem>>
    %dma_start3A_834 = arith.constant 0 : i32
    %dma_start3A_835 = arith.constant 0 : i32
    %dma_start3A_836 = tpu.memref_slice %arg2[%dma_start3A_834, %dma_start3A_835] : memref<745472x16xf32, #tpu.memory_space<hbm>> -> memref<745472x16xf32, #tpu.memory_space<hbm>>
    tpu.enqueue_indirect_dma source(%dma_start3A_836 : memref<745472x16xf32, #tpu.memory_space<hbm>>) target(%dma_start3A_830 : memref<128x16xf32, #tpu.memory_space<vmem>>) offsets(%dma_start3A_833 : memref<128xi32, #tpu.memory_space<vmem>>) semaphore(%arg12 : memref<!tpu.dma_semaphore, #tpu.memory_space<semaphore_mem>>)
    %dma_wait3A_837 = arith.constant 26 : i32
    %dma_wait3A_838 = arith.constant 0 : i32
    %dma_wait3A_839 = arith.constant 0 : i32
    %dma_wait3A_840 = arith.constant 0 : i32
    %dma_wait3A_841 = tpu.memref_slice %arg9[%dma_wait3A_838, %dma_wait3A_839, %dma_wait3A_840] : memref<2x128x16xf32, #tpu.memory_space<vmem>> -> memref<1x128x16xf32, #tpu.memory_space<vmem>>
    %dma_wait3A_842 = tpu.memref_squeeze %dma_wait3A_841 : memref<1x128x16xf32, #tpu.memory_space<vmem>> -> memref<128x16xf32, #tpu.memory_space<vmem>>
    %dma_wait3A_843 = arith.constant 0 : i32
    %dma_wait3A_844 = tpu.memref_slice %arg7[%dma_wait3A_837, %dma_wait3A_843] : memref<32x128xi32, #tpu.memory_space<vmem>> -> memref<1x128xi32, #tpu.memory_space<vmem>>
    %dma_wait3A_845 = tpu.memref_squeeze %dma_wait3A_844 : memref<1x128xi32, #tpu.memory_space<vmem>> -> memref<128xi32, #tpu.memory_space<vmem>>
    %dma_wait3A_846 = arith.constant 0 : i32
    %dma_wait3A_847 = arith.constant 0 : i32
    %dma_wait3A_848 = tpu.memref_slice %arg2[%dma_wait3A_846, %dma_wait3A_847] : memref<745472x16xf32, #tpu.memory_space<hbm>> -> memref<745472x16xf32, #tpu.memory_space<hbm>>
    tpu.wait_indirect_dma semaphore(%arg11 : memref<!tpu.dma_semaphore, #tpu.memory_space<semaphore_mem>>) src(%dma_wait3A_848 : memref<745472x16xf32, #tpu.memory_space<hbm>>) dst(%dma_wait3A_842 : memref<128x16xf32, #tpu.memory_space<vmem>>)
    %scan3A_849 = arith.constant 0 : i32
    %scan3A_850 = arith.constant 0 : i32
    %scan3A_851 = arith.constant 8 : i32
    %scan3A_852 = arith.addi %scan3A_850, %scan3A_851 : i32
    %scan3A_853 = arith.constant 1 : i32
    %scan3A_854:2 = scf.for %scan3A_1006 = %scan3A_850 to %scan3A_852 step %scan3A_853 iter_args(%scan3A_1007 = %scan3A_823#0, %scan3A_1008 = %scan3A_823#1) -> (vector<16xf32>, vector<16xf32>)  : i32 {
      %mul3A_1009 = arith.constant 16 : i32
      %mul3A_1010 = arith.muli %scan3A_1006, %mul3A_1009 : i32
      %add3A_1011 = vector.broadcast %mul3A_1010 : i32 to vector<16xi32>
      %add3A_1012 = arith.addi %add3A_1011, %iota3A : vector<16xi32>
      %gather3A = arith.constant 0 : i32
      %gather3A_1013 = arith.constant 0 : i32
      %gather3A_1014 = tpu.memref_slice %arg9[%scan3A_849, %gather3A, %gather3A_1013] : memref<2x128x16xf32, #tpu.memory_space<vmem>> -> memref<1x128x16xf32, #tpu.memory_space<vmem>>
      %gather3A_1015 = tpu.memref_squeeze %gather3A_1014 : memref<1x128x16xf32, #tpu.memory_space<vmem>> -> memref<128x16xf32, #tpu.memory_space<vmem>>
      %gather3A_1016 = tpu.vector_load_idx %gather3A_1015[%add3A_1012, %iota3A] : memref<128x16xf32, #tpu.memory_space<vmem>>[vector<16xi32>, vector<16xi32>], vector<16xf32>,
      %mul3A_1017 = arith.constant 16 : i32
      %mul3A_1018 = arith.muli %scan3A_1006, %mul3A_1017 : i32
      %add3A_1019 = arith.constant 768 : i32
      %add3A_1020 = arith.addi %add3A_1019, %mul3A_1018 : i32
      %get3A = arith.constant 2 : i32
      %get3A_1021 = arith.index_cast %get3A : i32 to index
      %get3A_1022 = arith.index_cast %add3A_1020 : i32 to index
      %get3A_1023 = tpu.vector_load %arg8[%get3A_1021, %get3A_1022] {strides = array<i32>} : memref<4x1024xf32, #tpu.memory_space<vmem>>, vector<16xf32>,
      %mul3A_1024 = arith.constant 16 : i32
      %mul3A_1025 = arith.muli %scan3A_1006, %mul3A_1024 : i32
      %add3A_1026 = arith.constant 768 : i32
      %add3A_1027 = arith.addi %add3A_1026, %mul3A_1025 : i32
      %get3A_1028 = arith.index_cast %add3A_1027 : i32 to index
      %get3A_1029 = tpu.vector_load %arg6[%get3A_1028] {strides = array<i32>} : memref<1024xi32, #tpu.memory_space<vmem>>, vector<16xi32>,
      %sub3A = arith.subf %get3A_1023, %gather3A_1016 : vector<16xf32>
      %abs3A = math.absf %sub3A : vector<16xf32>
      %lt3A = arith.constant 1.000000e+00 : f32
      %lt3A_1030 = vector.broadcast %lt3A : f32 to vector<16xf32>
      %lt3A_1031 = arith.cmpf olt, %abs3A, %lt3A_1030 : vector<16xf32>
      %mul3A_1032 = arith.constant 5.000000e-01 : f32
      %mul3A_1033 = vector.broadcast %mul3A_1032 : f32 to vector<16xf32>
      %mul3A_1034 = arith.mulf %mul3A_1033, %abs3A : vector<16xf32>
      %mul3A_1035 = arith.mulf %mul3A_1034, %abs3A : vector<16xf32>
      %sub3A_1036 = arith.constant 5.000000e-01 : f32
      %sub3A_1037 = vector.broadcast %sub3A_1036 : f32 to vector<16xf32>
      %sub3A_1038 = arith.subf %abs3A, %sub3A_1037 : vector<16xf32>
      %select_n3A = arith.select %lt3A_1031, %mul3A_1035, %sub3A_1038 : vector<16xi1>, vector<16xf32>
      %gt3A = arith.constant 0 : i32
      %gt3A_1039 = vector.broadcast %gt3A : i32 to vector<16xi32>
      %gt3A_1040 = arith.cmpi sgt, %get3A_1029, %gt3A_1039 : vector<16xi32>
      %jit3A = arith.constant 0.000000e+00 : f32
      %broadcast_in_dim3A_1041 = vector.broadcast %jit3A : f32 to vector<16xf32>
      %select_n3A_1042 = arith.select %gt3A_1040, %select_n3A, %broadcast_in_dim3A_1041 : vector<16xi1>, vector<16xf32>
      %add3A_1043 = arith.addf %scan3A_1007, %select_n3A_1042 : vector<16xf32>
      %jit3A_1044 = arith.constant 1.000000e+00 : f32
      %jit3A_1045 = arith.constant 0.000000e+00 : f32
      %broadcast_in_dim3A_1046 = vector.broadcast %jit3A_1044 : f32 to vector<16xf32>
      %broadcast_in_dim3A_1047 = vector.broadcast %jit3A_1045 : f32 to vector<16xf32>
      %select_n3A_1048 = arith.select %gt3A_1040, %broadcast_in_dim3A_1046, %broadcast_in_dim3A_1047 : vector<16xi1>, vector<16xf32>
      %add3A_1049 = arith.addf %scan3A_1008, %select_n3A_1048 : vector<16xf32>
      scf.yield %add3A_1043, %add3A_1049 : vector<16xf32>, vector<16xf32>
    }
    %scan3A_855 = arith.constant 8 : i32
    %dma_start3A_856 = arith.constant 28 : i32
    %dma_start3A_857 = arith.constant 0 : i32
    %dma_start3A_858 = arith.constant 0 : i32
    %dma_start3A_859 = arith.constant 0 : i32
    %dma_start3A_860 = tpu.memref_slice %arg9[%dma_start3A_857, %dma_start3A_858, %dma_start3A_859] : memref<2x128x16xf32, #tpu.memory_space<vmem>> -> memref<1x128x16xf32, #tpu.memory_space<vmem>>
    %dma_start3A_861 = tpu.memref_squeeze %dma_start3A_860 : memref<1x128x16xf32, #tpu.memory_space<vmem>> -> memref<128x16xf32, #tpu.memory_space<vmem>>
    %dma_start3A_862 = arith.constant 0 : i32
    %dma_start3A_863 = tpu.memref_slice %arg7[%dma_start3A_856, %dma_start3A_862] : memref<32x128xi32, #tpu.memory_space<vmem>> -> memref<1x128xi32, #tpu.memory_space<vmem>>
    %dma_start3A_864 = tpu.memref_squeeze %dma_start3A_863 : memref<1x128xi32, #tpu.memory_space<vmem>> -> memref<128xi32, #tpu.memory_space<vmem>>
    %dma_start3A_865 = arith.constant 0 : i32
    %dma_start3A_866 = arith.constant 0 : i32
    %dma_start3A_867 = tpu.memref_slice %arg2[%dma_start3A_865, %dma_start3A_866] : memref<745472x16xf32, #tpu.memory_space<hbm>> -> memref<745472x16xf32, #tpu.memory_space<hbm>>
    tpu.enqueue_indirect_dma source(%dma_start3A_867 : memref<745472x16xf32, #tpu.memory_space<hbm>>) target(%dma_start3A_861 : memref<128x16xf32, #tpu.memory_space<vmem>>) offsets(%dma_start3A_864 : memref<128xi32, #tpu.memory_space<vmem>>) semaphore(%arg11 : memref<!tpu.dma_semaphore, #tpu.memory_space<semaphore_mem>>)
    %dma_wait3A_868 = arith.constant 27 : i32
    %dma_wait3A_869 = arith.constant 1 : i32
    %dma_wait3A_870 = arith.constant 0 : i32
    %dma_wait3A_871 = arith.constant 0 : i32
    %dma_wait3A_872 = tpu.memref_slice %arg9[%dma_wait3A_869, %dma_wait3A_870, %dma_wait3A_871] : memref<2x128x16xf32, #tpu.memory_space<vmem>> -> memref<1x128x16xf32, #tpu.memory_space<vmem>>
    %dma_wait3A_873 = tpu.memref_squeeze %dma_wait3A_872 : memref<1x128x16xf32, #tpu.memory_space<vmem>> -> memref<128x16xf32, #tpu.memory_space<vmem>>
    %dma_wait3A_874 = arith.constant 0 : i32
    %dma_wait3A_875 = tpu.memref_slice %arg7[%dma_wait3A_868, %dma_wait3A_874] : memref<32x128xi32, #tpu.memory_space<vmem>> -> memref<1x128xi32, #tpu.memory_space<vmem>>
    %dma_wait3A_876 = tpu.memref_squeeze %dma_wait3A_875 : memref<1x128xi32, #tpu.memory_space<vmem>> -> memref<128xi32, #tpu.memory_space<vmem>>
    %dma_wait3A_877 = arith.constant 0 : i32
    %dma_wait3A_878 = arith.constant 0 : i32
    %dma_wait3A_879 = tpu.memref_slice %arg2[%dma_wait3A_877, %dma_wait3A_878] : memref<745472x16xf32, #tpu.memory_space<hbm>> -> memref<745472x16xf32, #tpu.memory_space<hbm>>
    tpu.wait_indirect_dma semaphore(%arg12 : memref<!tpu.dma_semaphore, #tpu.memory_space<semaphore_mem>>) src(%dma_wait3A_879 : memref<745472x16xf32, #tpu.memory_space<hbm>>) dst(%dma_wait3A_873 : memref<128x16xf32, #tpu.memory_space<vmem>>)
    %scan3A_880 = arith.constant 1 : i32
    %scan3A_881 = arith.constant 0 : i32
    %scan3A_882 = arith.constant 8 : i32
    %scan3A_883 = arith.addi %scan3A_881, %scan3A_882 : i32
    %scan3A_884 = arith.constant 1 : i32
    %scan3A_885:2 = scf.for %scan3A_1006 = %scan3A_881 to %scan3A_883 step %scan3A_884 iter_args(%scan3A_1007 = %scan3A_854#0, %scan3A_1008 = %scan3A_854#1) -> (vector<16xf32>, vector<16xf32>)  : i32 {
      %mul3A_1009 = arith.constant 16 : i32
      %mul3A_1010 = arith.muli %scan3A_1006, %mul3A_1009 : i32
      %add3A_1011 = vector.broadcast %mul3A_1010 : i32 to vector<16xi32>
      %add3A_1012 = arith.addi %add3A_1011, %iota3A : vector<16xi32>
      %gather3A = arith.constant 0 : i32
      %gather3A_1013 = arith.constant 0 : i32
      %gather3A_1014 = tpu.memref_slice %arg9[%scan3A_880, %gather3A, %gather3A_1013] : memref<2x128x16xf32, #tpu.memory_space<vmem>> -> memref<1x128x16xf32, #tpu.memory_space<vmem>>
      %gather3A_1015 = tpu.memref_squeeze %gather3A_1014 : memref<1x128x16xf32, #tpu.memory_space<vmem>> -> memref<128x16xf32, #tpu.memory_space<vmem>>
      %gather3A_1016 = tpu.vector_load_idx %gather3A_1015[%add3A_1012, %iota3A] : memref<128x16xf32, #tpu.memory_space<vmem>>[vector<16xi32>, vector<16xi32>], vector<16xf32>,
      %mul3A_1017 = arith.constant 16 : i32
      %mul3A_1018 = arith.muli %scan3A_1006, %mul3A_1017 : i32
      %add3A_1019 = arith.constant 768 : i32
      %add3A_1020 = arith.addi %add3A_1019, %mul3A_1018 : i32
      %get3A = arith.constant 3 : i32
      %get3A_1021 = arith.index_cast %get3A : i32 to index
      %get3A_1022 = arith.index_cast %add3A_1020 : i32 to index
      %get3A_1023 = tpu.vector_load %arg8[%get3A_1021, %get3A_1022] {strides = array<i32>} : memref<4x1024xf32, #tpu.memory_space<vmem>>, vector<16xf32>,
      %mul3A_1024 = arith.constant 16 : i32
      %mul3A_1025 = arith.muli %scan3A_1006, %mul3A_1024 : i32
      %add3A_1026 = arith.constant 768 : i32
      %add3A_1027 = arith.addi %add3A_1026, %mul3A_1025 : i32
      %get3A_1028 = arith.index_cast %add3A_1027 : i32 to index
      %get3A_1029 = tpu.vector_load %arg6[%get3A_1028] {strides = array<i32>} : memref<1024xi32, #tpu.memory_space<vmem>>, vector<16xi32>,
      %sub3A = arith.subf %get3A_1023, %gather3A_1016 : vector<16xf32>
      %abs3A = math.absf %sub3A : vector<16xf32>
      %lt3A = arith.constant 1.000000e+00 : f32
      %lt3A_1030 = vector.broadcast %lt3A : f32 to vector<16xf32>
      %lt3A_1031 = arith.cmpf olt, %abs3A, %lt3A_1030 : vector<16xf32>
      %mul3A_1032 = arith.constant 5.000000e-01 : f32
      %mul3A_1033 = vector.broadcast %mul3A_1032 : f32 to vector<16xf32>
      %mul3A_1034 = arith.mulf %mul3A_1033, %abs3A : vector<16xf32>
      %mul3A_1035 = arith.mulf %mul3A_1034, %abs3A : vector<16xf32>
      %sub3A_1036 = arith.constant 5.000000e-01 : f32
      %sub3A_1037 = vector.broadcast %sub3A_1036 : f32 to vector<16xf32>
      %sub3A_1038 = arith.subf %abs3A, %sub3A_1037 : vector<16xf32>
      %select_n3A = arith.select %lt3A_1031, %mul3A_1035, %sub3A_1038 : vector<16xi1>, vector<16xf32>
      %gt3A = arith.constant 0 : i32
      %gt3A_1039 = vector.broadcast %gt3A : i32 to vector<16xi32>
      %gt3A_1040 = arith.cmpi sgt, %get3A_1029, %gt3A_1039 : vector<16xi32>
      %jit3A = arith.constant 0.000000e+00 : f32
      %broadcast_in_dim3A_1041 = vector.broadcast %jit3A : f32 to vector<16xf32>
      %select_n3A_1042 = arith.select %gt3A_1040, %select_n3A, %broadcast_in_dim3A_1041 : vector<16xi1>, vector<16xf32>
      %add3A_1043 = arith.addf %scan3A_1007, %select_n3A_1042 : vector<16xf32>
      %jit3A_1044 = arith.constant 1.000000e+00 : f32
      %jit3A_1045 = arith.constant 0.000000e+00 : f32
      %broadcast_in_dim3A_1046 = vector.broadcast %jit3A_1044 : f32 to vector<16xf32>
      %broadcast_in_dim3A_1047 = vector.broadcast %jit3A_1045 : f32 to vector<16xf32>
      %select_n3A_1048 = arith.select %gt3A_1040, %broadcast_in_dim3A_1046, %broadcast_in_dim3A_1047 : vector<16xi1>, vector<16xf32>
      %add3A_1049 = arith.addf %scan3A_1008, %select_n3A_1048 : vector<16xf32>
      scf.yield %add3A_1043, %add3A_1049 : vector<16xf32>, vector<16xf32>
    }
    %scan3A_886 = arith.constant 8 : i32
    %dma_start3A_887 = arith.constant 29 : i32
    %dma_start3A_888 = arith.constant 1 : i32
    %dma_start3A_889 = arith.constant 0 : i32
    %dma_start3A_890 = arith.constant 0 : i32
    %dma_start3A_891 = tpu.memref_slice %arg9[%dma_start3A_888, %dma_start3A_889, %dma_start3A_890] : memref<2x128x16xf32, #tpu.memory_space<vmem>> -> memref<1x128x16xf32, #tpu.memory_space<vmem>>
    %dma_start3A_892 = tpu.memref_squeeze %dma_start3A_891 : memref<1x128x16xf32, #tpu.memory_space<vmem>> -> memref<128x16xf32, #tpu.memory_space<vmem>>
    %dma_start3A_893 = arith.constant 0 : i32
    %dma_start3A_894 = tpu.memref_slice %arg7[%dma_start3A_887, %dma_start3A_893] : memref<32x128xi32, #tpu.memory_space<vmem>> -> memref<1x128xi32, #tpu.memory_space<vmem>>
    %dma_start3A_895 = tpu.memref_squeeze %dma_start3A_894 : memref<1x128xi32, #tpu.memory_space<vmem>> -> memref<128xi32, #tpu.memory_space<vmem>>
    %dma_start3A_896 = arith.constant 0 : i32
    %dma_start3A_897 = arith.constant 0 : i32
    %dma_start3A_898 = tpu.memref_slice %arg2[%dma_start3A_896, %dma_start3A_897] : memref<745472x16xf32, #tpu.memory_space<hbm>> -> memref<745472x16xf32, #tpu.memory_space<hbm>>
    tpu.enqueue_indirect_dma source(%dma_start3A_898 : memref<745472x16xf32, #tpu.memory_space<hbm>>) target(%dma_start3A_892 : memref<128x16xf32, #tpu.memory_space<vmem>>) offsets(%dma_start3A_895 : memref<128xi32, #tpu.memory_space<vmem>>) semaphore(%arg12 : memref<!tpu.dma_semaphore, #tpu.memory_space<semaphore_mem>>)
    %dma_wait3A_899 = arith.constant 28 : i32
    %dma_wait3A_900 = arith.constant 0 : i32
    %dma_wait3A_901 = arith.constant 0 : i32
    %dma_wait3A_902 = arith.constant 0 : i32
    %dma_wait3A_903 = tpu.memref_slice %arg9[%dma_wait3A_900, %dma_wait3A_901, %dma_wait3A_902] : memref<2x128x16xf32, #tpu.memory_space<vmem>> -> memref<1x128x16xf32, #tpu.memory_space<vmem>>
    %dma_wait3A_904 = tpu.memref_squeeze %dma_wait3A_903 : memref<1x128x16xf32, #tpu.memory_space<vmem>> -> memref<128x16xf32, #tpu.memory_space<vmem>>
    %dma_wait3A_905 = arith.constant 0 : i32
    %dma_wait3A_906 = tpu.memref_slice %arg7[%dma_wait3A_899, %dma_wait3A_905] : memref<32x128xi32, #tpu.memory_space<vmem>> -> memref<1x128xi32, #tpu.memory_space<vmem>>
    %dma_wait3A_907 = tpu.memref_squeeze %dma_wait3A_906 : memref<1x128xi32, #tpu.memory_space<vmem>> -> memref<128xi32, #tpu.memory_space<vmem>>
    %dma_wait3A_908 = arith.constant 0 : i32
    %dma_wait3A_909 = arith.constant 0 : i32
    %dma_wait3A_910 = tpu.memref_slice %arg2[%dma_wait3A_908, %dma_wait3A_909] : memref<745472x16xf32, #tpu.memory_space<hbm>> -> memref<745472x16xf32, #tpu.memory_space<hbm>>
    tpu.wait_indirect_dma semaphore(%arg11 : memref<!tpu.dma_semaphore, #tpu.memory_space<semaphore_mem>>) src(%dma_wait3A_910 : memref<745472x16xf32, #tpu.memory_space<hbm>>) dst(%dma_wait3A_904 : memref<128x16xf32, #tpu.memory_space<vmem>>)
    %scan3A_911 = arith.constant 0 : i32
    %scan3A_912 = arith.constant 0 : i32
    %scan3A_913 = arith.constant 8 : i32
    %scan3A_914 = arith.addi %scan3A_912, %scan3A_913 : i32
    %scan3A_915 = arith.constant 1 : i32
    %scan3A_916:2 = scf.for %scan3A_1006 = %scan3A_912 to %scan3A_914 step %scan3A_915 iter_args(%scan3A_1007 = %scan3A_885#0, %scan3A_1008 = %scan3A_885#1) -> (vector<16xf32>, vector<16xf32>)  : i32 {
      %mul3A_1009 = arith.constant 16 : i32
      %mul3A_1010 = arith.muli %scan3A_1006, %mul3A_1009 : i32
      %add3A_1011 = vector.broadcast %mul3A_1010 : i32 to vector<16xi32>
      %add3A_1012 = arith.addi %add3A_1011, %iota3A : vector<16xi32>
      %gather3A = arith.constant 0 : i32
      %gather3A_1013 = arith.constant 0 : i32
      %gather3A_1014 = tpu.memref_slice %arg9[%scan3A_911, %gather3A, %gather3A_1013] : memref<2x128x16xf32, #tpu.memory_space<vmem>> -> memref<1x128x16xf32, #tpu.memory_space<vmem>>
      %gather3A_1015 = tpu.memref_squeeze %gather3A_1014 : memref<1x128x16xf32, #tpu.memory_space<vmem>> -> memref<128x16xf32, #tpu.memory_space<vmem>>
      %gather3A_1016 = tpu.vector_load_idx %gather3A_1015[%add3A_1012, %iota3A] : memref<128x16xf32, #tpu.memory_space<vmem>>[vector<16xi32>, vector<16xi32>], vector<16xf32>,
      %mul3A_1017 = arith.constant 16 : i32
      %mul3A_1018 = arith.muli %scan3A_1006, %mul3A_1017 : i32
      %add3A_1019 = arith.constant 896 : i32
      %add3A_1020 = arith.addi %add3A_1019, %mul3A_1018 : i32
      %get3A = arith.constant 0 : i32
      %get3A_1021 = arith.index_cast %get3A : i32 to index
      %get3A_1022 = arith.index_cast %add3A_1020 : i32 to index
      %get3A_1023 = tpu.vector_load %arg8[%get3A_1021, %get3A_1022] {strides = array<i32>} : memref<4x1024xf32, #tpu.memory_space<vmem>>, vector<16xf32>,
      %mul3A_1024 = arith.constant 16 : i32
      %mul3A_1025 = arith.muli %scan3A_1006, %mul3A_1024 : i32
      %add3A_1026 = arith.constant 896 : i32
      %add3A_1027 = arith.addi %add3A_1026, %mul3A_1025 : i32
      %get3A_1028 = arith.index_cast %add3A_1027 : i32 to index
      %get3A_1029 = tpu.vector_load %arg6[%get3A_1028] {strides = array<i32>} : memref<1024xi32, #tpu.memory_space<vmem>>, vector<16xi32>,
      %sub3A = arith.subf %get3A_1023, %gather3A_1016 : vector<16xf32>
      %abs3A = math.absf %sub3A : vector<16xf32>
      %lt3A = arith.constant 1.000000e+00 : f32
      %lt3A_1030 = vector.broadcast %lt3A : f32 to vector<16xf32>
      %lt3A_1031 = arith.cmpf olt, %abs3A, %lt3A_1030 : vector<16xf32>
      %mul3A_1032 = arith.constant 5.000000e-01 : f32
      %mul3A_1033 = vector.broadcast %mul3A_1032 : f32 to vector<16xf32>
      %mul3A_1034 = arith.mulf %mul3A_1033, %abs3A : vector<16xf32>
      %mul3A_1035 = arith.mulf %mul3A_1034, %abs3A : vector<16xf32>
      %sub3A_1036 = arith.constant 5.000000e-01 : f32
      %sub3A_1037 = vector.broadcast %sub3A_1036 : f32 to vector<16xf32>
      %sub3A_1038 = arith.subf %abs3A, %sub3A_1037 : vector<16xf32>
      %select_n3A = arith.select %lt3A_1031, %mul3A_1035, %sub3A_1038 : vector<16xi1>, vector<16xf32>
      %gt3A = arith.constant 0 : i32
      %gt3A_1039 = vector.broadcast %gt3A : i32 to vector<16xi32>
      %gt3A_1040 = arith.cmpi sgt, %get3A_1029, %gt3A_1039 : vector<16xi32>
      %jit3A = arith.constant 0.000000e+00 : f32
      %broadcast_in_dim3A_1041 = vector.broadcast %jit3A : f32 to vector<16xf32>
      %select_n3A_1042 = arith.select %gt3A_1040, %select_n3A, %broadcast_in_dim3A_1041 : vector<16xi1>, vector<16xf32>
      %add3A_1043 = arith.addf %scan3A_1007, %select_n3A_1042 : vector<16xf32>
      %jit3A_1044 = arith.constant 1.000000e+00 : f32
      %jit3A_1045 = arith.constant 0.000000e+00 : f32
      %broadcast_in_dim3A_1046 = vector.broadcast %jit3A_1044 : f32 to vector<16xf32>
      %broadcast_in_dim3A_1047 = vector.broadcast %jit3A_1045 : f32 to vector<16xf32>
      %select_n3A_1048 = arith.select %gt3A_1040, %broadcast_in_dim3A_1046, %broadcast_in_dim3A_1047 : vector<16xi1>, vector<16xf32>
      %add3A_1049 = arith.addf %scan3A_1008, %select_n3A_1048 : vector<16xf32>
      scf.yield %add3A_1043, %add3A_1049 : vector<16xf32>, vector<16xf32>
    }
    %scan3A_917 = arith.constant 8 : i32
    %dma_start3A_918 = arith.constant 30 : i32
    %dma_start3A_919 = arith.constant 0 : i32
    %dma_start3A_920 = arith.constant 0 : i32
    %dma_start3A_921 = arith.constant 0 : i32
    %dma_start3A_922 = tpu.memref_slice %arg9[%dma_start3A_919, %dma_start3A_920, %dma_start3A_921] : memref<2x128x16xf32, #tpu.memory_space<vmem>> -> memref<1x128x16xf32, #tpu.memory_space<vmem>>
    %dma_start3A_923 = tpu.memref_squeeze %dma_start3A_922 : memref<1x128x16xf32, #tpu.memory_space<vmem>> -> memref<128x16xf32, #tpu.memory_space<vmem>>
    %dma_start3A_924 = arith.constant 0 : i32
    %dma_start3A_925 = tpu.memref_slice %arg7[%dma_start3A_918, %dma_start3A_924] : memref<32x128xi32, #tpu.memory_space<vmem>> -> memref<1x128xi32, #tpu.memory_space<vmem>>
    %dma_start3A_926 = tpu.memref_squeeze %dma_start3A_925 : memref<1x128xi32, #tpu.memory_space<vmem>> -> memref<128xi32, #tpu.memory_space<vmem>>
    %dma_start3A_927 = arith.constant 0 : i32
    %dma_start3A_928 = arith.constant 0 : i32
    %dma_start3A_929 = tpu.memref_slice %arg2[%dma_start3A_927, %dma_start3A_928] : memref<745472x16xf32, #tpu.memory_space<hbm>> -> memref<745472x16xf32, #tpu.memory_space<hbm>>
    tpu.enqueue_indirect_dma source(%dma_start3A_929 : memref<745472x16xf32, #tpu.memory_space<hbm>>) target(%dma_start3A_923 : memref<128x16xf32, #tpu.memory_space<vmem>>) offsets(%dma_start3A_926 : memref<128xi32, #tpu.memory_space<vmem>>) semaphore(%arg11 : memref<!tpu.dma_semaphore, #tpu.memory_space<semaphore_mem>>)
    %dma_wait3A_930 = arith.constant 29 : i32
    %dma_wait3A_931 = arith.constant 1 : i32
    %dma_wait3A_932 = arith.constant 0 : i32
    %dma_wait3A_933 = arith.constant 0 : i32
    %dma_wait3A_934 = tpu.memref_slice %arg9[%dma_wait3A_931, %dma_wait3A_932, %dma_wait3A_933] : memref<2x128x16xf32, #tpu.memory_space<vmem>> -> memref<1x128x16xf32, #tpu.memory_space<vmem>>
    %dma_wait3A_935 = tpu.memref_squeeze %dma_wait3A_934 : memref<1x128x16xf32, #tpu.memory_space<vmem>> -> memref<128x16xf32, #tpu.memory_space<vmem>>
    %dma_wait3A_936 = arith.constant 0 : i32
    %dma_wait3A_937 = tpu.memref_slice %arg7[%dma_wait3A_930, %dma_wait3A_936] : memref<32x128xi32, #tpu.memory_space<vmem>> -> memref<1x128xi32, #tpu.memory_space<vmem>>
    %dma_wait3A_938 = tpu.memref_squeeze %dma_wait3A_937 : memref<1x128xi32, #tpu.memory_space<vmem>> -> memref<128xi32, #tpu.memory_space<vmem>>
    %dma_wait3A_939 = arith.constant 0 : i32
    %dma_wait3A_940 = arith.constant 0 : i32
    %dma_wait3A_941 = tpu.memref_slice %arg2[%dma_wait3A_939, %dma_wait3A_940] : memref<745472x16xf32, #tpu.memory_space<hbm>> -> memref<745472x16xf32, #tpu.memory_space<hbm>>
    tpu.wait_indirect_dma semaphore(%arg12 : memref<!tpu.dma_semaphore, #tpu.memory_space<semaphore_mem>>) src(%dma_wait3A_941 : memref<745472x16xf32, #tpu.memory_space<hbm>>) dst(%dma_wait3A_935 : memref<128x16xf32, #tpu.memory_space<vmem>>)
    %scan3A_942 = arith.constant 1 : i32
    %scan3A_943 = arith.constant 0 : i32
    %scan3A_944 = arith.constant 8 : i32
    %scan3A_945 = arith.addi %scan3A_943, %scan3A_944 : i32
    %scan3A_946 = arith.constant 1 : i32
    %scan3A_947:2 = scf.for %scan3A_1006 = %scan3A_943 to %scan3A_945 step %scan3A_946 iter_args(%scan3A_1007 = %scan3A_916#0, %scan3A_1008 = %scan3A_916#1) -> (vector<16xf32>, vector<16xf32>)  : i32 {
      %mul3A_1009 = arith.constant 16 : i32
      %mul3A_1010 = arith.muli %scan3A_1006, %mul3A_1009 : i32
      %add3A_1011 = vector.broadcast %mul3A_1010 : i32 to vector<16xi32>
      %add3A_1012 = arith.addi %add3A_1011, %iota3A : vector<16xi32>
      %gather3A = arith.constant 0 : i32
      %gather3A_1013 = arith.constant 0 : i32
      %gather3A_1014 = tpu.memref_slice %arg9[%scan3A_942, %gather3A, %gather3A_1013] : memref<2x128x16xf32, #tpu.memory_space<vmem>> -> memref<1x128x16xf32, #tpu.memory_space<vmem>>
      %gather3A_1015 = tpu.memref_squeeze %gather3A_1014 : memref<1x128x16xf32, #tpu.memory_space<vmem>> -> memref<128x16xf32, #tpu.memory_space<vmem>>
      %gather3A_1016 = tpu.vector_load_idx %gather3A_1015[%add3A_1012, %iota3A] : memref<128x16xf32, #tpu.memory_space<vmem>>[vector<16xi32>, vector<16xi32>], vector<16xf32>,
      %mul3A_1017 = arith.constant 16 : i32
      %mul3A_1018 = arith.muli %scan3A_1006, %mul3A_1017 : i32
      %add3A_1019 = arith.constant 896 : i32
      %add3A_1020 = arith.addi %add3A_1019, %mul3A_1018 : i32
      %get3A = arith.constant 1 : i32
      %get3A_1021 = arith.index_cast %get3A : i32 to index
      %get3A_1022 = arith.index_cast %add3A_1020 : i32 to index
      %get3A_1023 = tpu.vector_load %arg8[%get3A_1021, %get3A_1022] {strides = array<i32>} : memref<4x1024xf32, #tpu.memory_space<vmem>>, vector<16xf32>,
      %mul3A_1024 = arith.constant 16 : i32
      %mul3A_1025 = arith.muli %scan3A_1006, %mul3A_1024 : i32
      %add3A_1026 = arith.constant 896 : i32
      %add3A_1027 = arith.addi %add3A_1026, %mul3A_1025 : i32
      %get3A_1028 = arith.index_cast %add3A_1027 : i32 to index
      %get3A_1029 = tpu.vector_load %arg6[%get3A_1028] {strides = array<i32>} : memref<1024xi32, #tpu.memory_space<vmem>>, vector<16xi32>,
      %sub3A = arith.subf %get3A_1023, %gather3A_1016 : vector<16xf32>
      %abs3A = math.absf %sub3A : vector<16xf32>
      %lt3A = arith.constant 1.000000e+00 : f32
      %lt3A_1030 = vector.broadcast %lt3A : f32 to vector<16xf32>
      %lt3A_1031 = arith.cmpf olt, %abs3A, %lt3A_1030 : vector<16xf32>
      %mul3A_1032 = arith.constant 5.000000e-01 : f32
      %mul3A_1033 = vector.broadcast %mul3A_1032 : f32 to vector<16xf32>
      %mul3A_1034 = arith.mulf %mul3A_1033, %abs3A : vector<16xf32>
      %mul3A_1035 = arith.mulf %mul3A_1034, %abs3A : vector<16xf32>
      %sub3A_1036 = arith.constant 5.000000e-01 : f32
      %sub3A_1037 = vector.broadcast %sub3A_1036 : f32 to vector<16xf32>
      %sub3A_1038 = arith.subf %abs3A, %sub3A_1037 : vector<16xf32>
      %select_n3A = arith.select %lt3A_1031, %mul3A_1035, %sub3A_1038 : vector<16xi1>, vector<16xf32>
      %gt3A = arith.constant 0 : i32
      %gt3A_1039 = vector.broadcast %gt3A : i32 to vector<16xi32>
      %gt3A_1040 = arith.cmpi sgt, %get3A_1029, %gt3A_1039 : vector<16xi32>
      %jit3A = arith.constant 0.000000e+00 : f32
      %broadcast_in_dim3A_1041 = vector.broadcast %jit3A : f32 to vector<16xf32>
      %select_n3A_1042 = arith.select %gt3A_1040, %select_n3A, %broadcast_in_dim3A_1041 : vector<16xi1>, vector<16xf32>
      %add3A_1043 = arith.addf %scan3A_1007, %select_n3A_1042 : vector<16xf32>
      %jit3A_1044 = arith.constant 1.000000e+00 : f32
      %jit3A_1045 = arith.constant 0.000000e+00 : f32
      %broadcast_in_dim3A_1046 = vector.broadcast %jit3A_1044 : f32 to vector<16xf32>
      %broadcast_in_dim3A_1047 = vector.broadcast %jit3A_1045 : f32 to vector<16xf32>
      %select_n3A_1048 = arith.select %gt3A_1040, %broadcast_in_dim3A_1046, %broadcast_in_dim3A_1047 : vector<16xi1>, vector<16xf32>
      %add3A_1049 = arith.addf %scan3A_1008, %select_n3A_1048 : vector<16xf32>
      scf.yield %add3A_1043, %add3A_1049 : vector<16xf32>, vector<16xf32>
    }
    %scan3A_948 = arith.constant 8 : i32
    %dma_start3A_949 = arith.constant 31 : i32
    %dma_start3A_950 = arith.constant 1 : i32
    %dma_start3A_951 = arith.constant 0 : i32
    %dma_start3A_952 = arith.constant 0 : i32
    %dma_start3A_953 = tpu.memref_slice %arg9[%dma_start3A_950, %dma_start3A_951, %dma_start3A_952] : memref<2x128x16xf32, #tpu.memory_space<vmem>> -> memref<1x128x16xf32, #tpu.memory_space<vmem>>
    %dma_start3A_954 = tpu.memref_squeeze %dma_start3A_953 : memref<1x128x16xf32, #tpu.memory_space<vmem>> -> memref<128x16xf32, #tpu.memory_space<vmem>>
    %dma_start3A_955 = arith.constant 0 : i32
    %dma_start3A_956 = tpu.memref_slice %arg7[%dma_start3A_949, %dma_start3A_955] : memref<32x128xi32, #tpu.memory_space<vmem>> -> memref<1x128xi32, #tpu.memory_space<vmem>>
    %dma_start3A_957 = tpu.memref_squeeze %dma_start3A_956 : memref<1x128xi32, #tpu.memory_space<vmem>> -> memref<128xi32, #tpu.memory_space<vmem>>
    %dma_start3A_958 = arith.constant 0 : i32
    %dma_start3A_959 = arith.constant 0 : i32
    %dma_start3A_960 = tpu.memref_slice %arg2[%dma_start3A_958, %dma_start3A_959] : memref<745472x16xf32, #tpu.memory_space<hbm>> -> memref<745472x16xf32, #tpu.memory_space<hbm>>
    tpu.enqueue_indirect_dma source(%dma_start3A_960 : memref<745472x16xf32, #tpu.memory_space<hbm>>) target(%dma_start3A_954 : memref<128x16xf32, #tpu.memory_space<vmem>>) offsets(%dma_start3A_957 : memref<128xi32, #tpu.memory_space<vmem>>) semaphore(%arg12 : memref<!tpu.dma_semaphore, #tpu.memory_space<semaphore_mem>>)
    %dma_wait3A_961 = arith.constant 30 : i32
    %dma_wait3A_962 = arith.constant 0 : i32
    %dma_wait3A_963 = arith.constant 0 : i32
    %dma_wait3A_964 = arith.constant 0 : i32
    %dma_wait3A_965 = tpu.memref_slice %arg9[%dma_wait3A_962, %dma_wait3A_963, %dma_wait3A_964] : memref<2x128x16xf32, #tpu.memory_space<vmem>> -> memref<1x128x16xf32, #tpu.memory_space<vmem>>
    %dma_wait3A_966 = tpu.memref_squeeze %dma_wait3A_965 : memref<1x128x16xf32, #tpu.memory_space<vmem>> -> memref<128x16xf32, #tpu.memory_space<vmem>>
    %dma_wait3A_967 = arith.constant 0 : i32
    %dma_wait3A_968 = tpu.memref_slice %arg7[%dma_wait3A_961, %dma_wait3A_967] : memref<32x128xi32, #tpu.memory_space<vmem>> -> memref<1x128xi32, #tpu.memory_space<vmem>>
    %dma_wait3A_969 = tpu.memref_squeeze %dma_wait3A_968 : memref<1x128xi32, #tpu.memory_space<vmem>> -> memref<128xi32, #tpu.memory_space<vmem>>
    %dma_wait3A_970 = arith.constant 0 : i32
    %dma_wait3A_971 = arith.constant 0 : i32
    %dma_wait3A_972 = tpu.memref_slice %arg2[%dma_wait3A_970, %dma_wait3A_971] : memref<745472x16xf32, #tpu.memory_space<hbm>> -> memref<745472x16xf32, #tpu.memory_space<hbm>>
    tpu.wait_indirect_dma semaphore(%arg11 : memref<!tpu.dma_semaphore, #tpu.memory_space<semaphore_mem>>) src(%dma_wait3A_972 : memref<745472x16xf32, #tpu.memory_space<hbm>>) dst(%dma_wait3A_966 : memref<128x16xf32, #tpu.memory_space<vmem>>)
    %scan3A_973 = arith.constant 0 : i32
    %scan3A_974 = arith.constant 0 : i32
    %scan3A_975 = arith.constant 8 : i32
    %scan3A_976 = arith.addi %scan3A_974, %scan3A_975 : i32
    %scan3A_977 = arith.constant 1 : i32
    %scan3A_978:2 = scf.for %scan3A_1006 = %scan3A_974 to %scan3A_976 step %scan3A_977 iter_args(%scan3A_1007 = %scan3A_947#0, %scan3A_1008 = %scan3A_947#1) -> (vector<16xf32>, vector<16xf32>)  : i32 {
      %mul3A_1009 = arith.constant 16 : i32
      %mul3A_1010 = arith.muli %scan3A_1006, %mul3A_1009 : i32
      %add3A_1011 = vector.broadcast %mul3A_1010 : i32 to vector<16xi32>
      %add3A_1012 = arith.addi %add3A_1011, %iota3A : vector<16xi32>
      %gather3A = arith.constant 0 : i32
      %gather3A_1013 = arith.constant 0 : i32
      %gather3A_1014 = tpu.memref_slice %arg9[%scan3A_973, %gather3A, %gather3A_1013] : memref<2x128x16xf32, #tpu.memory_space<vmem>> -> memref<1x128x16xf32, #tpu.memory_space<vmem>>
      %gather3A_1015 = tpu.memref_squeeze %gather3A_1014 : memref<1x128x16xf32, #tpu.memory_space<vmem>> -> memref<128x16xf32, #tpu.memory_space<vmem>>
      %gather3A_1016 = tpu.vector_load_idx %gather3A_1015[%add3A_1012, %iota3A] : memref<128x16xf32, #tpu.memory_space<vmem>>[vector<16xi32>, vector<16xi32>], vector<16xf32>,
      %mul3A_1017 = arith.constant 16 : i32
      %mul3A_1018 = arith.muli %scan3A_1006, %mul3A_1017 : i32
      %add3A_1019 = arith.constant 896 : i32
      %add3A_1020 = arith.addi %add3A_1019, %mul3A_1018 : i32
      %get3A = arith.constant 2 : i32
      %get3A_1021 = arith.index_cast %get3A : i32 to index
      %get3A_1022 = arith.index_cast %add3A_1020 : i32 to index
      %get3A_1023 = tpu.vector_load %arg8[%get3A_1021, %get3A_1022] {strides = array<i32>} : memref<4x1024xf32, #tpu.memory_space<vmem>>, vector<16xf32>,
      %mul3A_1024 = arith.constant 16 : i32
      %mul3A_1025 = arith.muli %scan3A_1006, %mul3A_1024 : i32
      %add3A_1026 = arith.constant 896 : i32
      %add3A_1027 = arith.addi %add3A_1026, %mul3A_1025 : i32
      %get3A_1028 = arith.index_cast %add3A_1027 : i32 to index
      %get3A_1029 = tpu.vector_load %arg6[%get3A_1028] {strides = array<i32>} : memref<1024xi32, #tpu.memory_space<vmem>>, vector<16xi32>,
      %sub3A = arith.subf %get3A_1023, %gather3A_1016 : vector<16xf32>
      %abs3A = math.absf %sub3A : vector<16xf32>
      %lt3A = arith.constant 1.000000e+00 : f32
      %lt3A_1030 = vector.broadcast %lt3A : f32 to vector<16xf32>
      %lt3A_1031 = arith.cmpf olt, %abs3A, %lt3A_1030 : vector<16xf32>
      %mul3A_1032 = arith.constant 5.000000e-01 : f32
      %mul3A_1033 = vector.broadcast %mul3A_1032 : f32 to vector<16xf32>
      %mul3A_1034 = arith.mulf %mul3A_1033, %abs3A : vector<16xf32>
      %mul3A_1035 = arith.mulf %mul3A_1034, %abs3A : vector<16xf32>
      %sub3A_1036 = arith.constant 5.000000e-01 : f32
      %sub3A_1037 = vector.broadcast %sub3A_1036 : f32 to vector<16xf32>
      %sub3A_1038 = arith.subf %abs3A, %sub3A_1037 : vector<16xf32>
      %select_n3A = arith.select %lt3A_1031, %mul3A_1035, %sub3A_1038 : vector<16xi1>, vector<16xf32>
      %gt3A = arith.constant 0 : i32
      %gt3A_1039 = vector.broadcast %gt3A : i32 to vector<16xi32>
      %gt3A_1040 = arith.cmpi sgt, %get3A_1029, %gt3A_1039 : vector<16xi32>
      %jit3A = arith.constant 0.000000e+00 : f32
      %broadcast_in_dim3A_1041 = vector.broadcast %jit3A : f32 to vector<16xf32>
      %select_n3A_1042 = arith.select %gt3A_1040, %select_n3A, %broadcast_in_dim3A_1041 : vector<16xi1>, vector<16xf32>
      %add3A_1043 = arith.addf %scan3A_1007, %select_n3A_1042 : vector<16xf32>
      %jit3A_1044 = arith.constant 1.000000e+00 : f32
      %jit3A_1045 = arith.constant 0.000000e+00 : f32
      %broadcast_in_dim3A_1046 = vector.broadcast %jit3A_1044 : f32 to vector<16xf32>
      %broadcast_in_dim3A_1047 = vector.broadcast %jit3A_1045 : f32 to vector<16xf32>
      %select_n3A_1048 = arith.select %gt3A_1040, %broadcast_in_dim3A_1046, %broadcast_in_dim3A_1047 : vector<16xi1>, vector<16xf32>
      %add3A_1049 = arith.addf %scan3A_1008, %select_n3A_1048 : vector<16xf32>
      scf.yield %add3A_1043, %add3A_1049 : vector<16xf32>, vector<16xf32>
    }
    %scan3A_979 = arith.constant 8 : i32
    %dma_wait3A_980 = arith.constant 31 : i32
    %dma_wait3A_981 = arith.constant 1 : i32
    %dma_wait3A_982 = arith.constant 0 : i32
    %dma_wait3A_983 = arith.constant 0 : i32
    %dma_wait3A_984 = tpu.memref_slice %arg9[%dma_wait3A_981, %dma_wait3A_982, %dma_wait3A_983] : memref<2x128x16xf32, #tpu.memory_space<vmem>> -> memref<1x128x16xf32, #tpu.memory_space<vmem>>
    %dma_wait3A_985 = tpu.memref_squeeze %dma_wait3A_984 : memref<1x128x16xf32, #tpu.memory_space<vmem>> -> memref<128x16xf32, #tpu.memory_space<vmem>>
    %dma_wait3A_986 = arith.constant 0 : i32
    %dma_wait3A_987 = tpu.memref_slice %arg7[%dma_wait3A_980, %dma_wait3A_986] : memref<32x128xi32, #tpu.memory_space<vmem>> -> memref<1x128xi32, #tpu.memory_space<vmem>>
    %dma_wait3A_988 = tpu.memref_squeeze %dma_wait3A_987 : memref<1x128xi32, #tpu.memory_space<vmem>> -> memref<128xi32, #tpu.memory_space<vmem>>
    %dma_wait3A_989 = arith.constant 0 : i32
    %dma_wait3A_990 = arith.constant 0 : i32
    %dma_wait3A_991 = tpu.memref_slice %arg2[%dma_wait3A_989, %dma_wait3A_990] : memref<745472x16xf32, #tpu.memory_space<hbm>> -> memref<745472x16xf32, #tpu.memory_space<hbm>>
    tpu.wait_indirect_dma semaphore(%arg12 : memref<!tpu.dma_semaphore, #tpu.memory_space<semaphore_mem>>) src(%dma_wait3A_991 : memref<745472x16xf32, #tpu.memory_space<hbm>>) dst(%dma_wait3A_985 : memref<128x16xf32, #tpu.memory_space<vmem>>)
    %scan3A_992 = arith.constant 1 : i32
    %scan3A_993 = arith.constant 0 : i32
    %scan3A_994 = arith.constant 8 : i32
    %scan3A_995 = arith.addi %scan3A_993, %scan3A_994 : i32
    %scan3A_996 = arith.constant 1 : i32
    %scan3A_997:2 = scf.for %scan3A_1006 = %scan3A_993 to %scan3A_995 step %scan3A_996 iter_args(%scan3A_1007 = %scan3A_978#0, %scan3A_1008 = %scan3A_978#1) -> (vector<16xf32>, vector<16xf32>)  : i32 {
      %mul3A_1009 = arith.constant 16 : i32
      %mul3A_1010 = arith.muli %scan3A_1006, %mul3A_1009 : i32
      %add3A_1011 = vector.broadcast %mul3A_1010 : i32 to vector<16xi32>
      %add3A_1012 = arith.addi %add3A_1011, %iota3A : vector<16xi32>
      %gather3A = arith.constant 0 : i32
      %gather3A_1013 = arith.constant 0 : i32
      %gather3A_1014 = tpu.memref_slice %arg9[%scan3A_992, %gather3A, %gather3A_1013] : memref<2x128x16xf32, #tpu.memory_space<vmem>> -> memref<1x128x16xf32, #tpu.memory_space<vmem>>
      %gather3A_1015 = tpu.memref_squeeze %gather3A_1014 : memref<1x128x16xf32, #tpu.memory_space<vmem>> -> memref<128x16xf32, #tpu.memory_space<vmem>>
      %gather3A_1016 = tpu.vector_load_idx %gather3A_1015[%add3A_1012, %iota3A] : memref<128x16xf32, #tpu.memory_space<vmem>>[vector<16xi32>, vector<16xi32>], vector<16xf32>,
      %mul3A_1017 = arith.constant 16 : i32
      %mul3A_1018 = arith.muli %scan3A_1006, %mul3A_1017 : i32
      %add3A_1019 = arith.constant 896 : i32
      %add3A_1020 = arith.addi %add3A_1019, %mul3A_1018 : i32
      %get3A = arith.constant 3 : i32
      %get3A_1021 = arith.index_cast %get3A : i32 to index
      %get3A_1022 = arith.index_cast %add3A_1020 : i32 to index
      %get3A_1023 = tpu.vector_load %arg8[%get3A_1021, %get3A_1022] {strides = array<i32>} : memref<4x1024xf32, #tpu.memory_space<vmem>>, vector<16xf32>,
      %mul3A_1024 = arith.constant 16 : i32
      %mul3A_1025 = arith.muli %scan3A_1006, %mul3A_1024 : i32
      %add3A_1026 = arith.constant 896 : i32
      %add3A_1027 = arith.addi %add3A_1026, %mul3A_1025 : i32
      %get3A_1028 = arith.index_cast %add3A_1027 : i32 to index
      %get3A_1029 = tpu.vector_load %arg6[%get3A_1028] {strides = array<i32>} : memref<1024xi32, #tpu.memory_space<vmem>>, vector<16xi32>,
      %sub3A = arith.subf %get3A_1023, %gather3A_1016 : vector<16xf32>
      %abs3A = math.absf %sub3A : vector<16xf32>
      %lt3A = arith.constant 1.000000e+00 : f32
      %lt3A_1030 = vector.broadcast %lt3A : f32 to vector<16xf32>
      %lt3A_1031 = arith.cmpf olt, %abs3A, %lt3A_1030 : vector<16xf32>
      %mul3A_1032 = arith.constant 5.000000e-01 : f32
      %mul3A_1033 = vector.broadcast %mul3A_1032 : f32 to vector<16xf32>
      %mul3A_1034 = arith.mulf %mul3A_1033, %abs3A : vector<16xf32>
      %mul3A_1035 = arith.mulf %mul3A_1034, %abs3A : vector<16xf32>
      %sub3A_1036 = arith.constant 5.000000e-01 : f32
      %sub3A_1037 = vector.broadcast %sub3A_1036 : f32 to vector<16xf32>
      %sub3A_1038 = arith.subf %abs3A, %sub3A_1037 : vector<16xf32>
      %select_n3A = arith.select %lt3A_1031, %mul3A_1035, %sub3A_1038 : vector<16xi1>, vector<16xf32>
      %gt3A = arith.constant 0 : i32
      %gt3A_1039 = vector.broadcast %gt3A : i32 to vector<16xi32>
      %gt3A_1040 = arith.cmpi sgt, %get3A_1029, %gt3A_1039 : vector<16xi32>
      %jit3A = arith.constant 0.000000e+00 : f32
      %broadcast_in_dim3A_1041 = vector.broadcast %jit3A : f32 to vector<16xf32>
      %select_n3A_1042 = arith.select %gt3A_1040, %select_n3A, %broadcast_in_dim3A_1041 : vector<16xi1>, vector<16xf32>
      %add3A_1043 = arith.addf %scan3A_1007, %select_n3A_1042 : vector<16xf32>
      %jit3A_1044 = arith.constant 1.000000e+00 : f32
      %jit3A_1045 = arith.constant 0.000000e+00 : f32
      %broadcast_in_dim3A_1046 = vector.broadcast %jit3A_1044 : f32 to vector<16xf32>
      %broadcast_in_dim3A_1047 = vector.broadcast %jit3A_1045 : f32 to vector<16xf32>
      %select_n3A_1048 = arith.select %gt3A_1040, %broadcast_in_dim3A_1046, %broadcast_in_dim3A_1047 : vector<16xi1>, vector<16xf32>
      %add3A_1049 = arith.addf %scan3A_1008, %select_n3A_1048 : vector<16xf32>
      scf.yield %add3A_1043, %add3A_1049 : vector<16xf32>, vector<16xf32>
    }
    %scan3A_998 = arith.constant 8 : i32
    %swap3A = arith.constant 0 : i32
    %swap3A_999 = arith.index_cast %swap3A : i32 to index
    %swap3A_1000 = arith.constant 0 : index
    %swap3A_1001 = tpu.vector_load %arg10[%swap3A_999, %swap3A_1000] {strides = array<i32>} : memref<2x16xf32, #tpu.memory_space<vmem>>, vector<16xf32>,
    tpu.vector_store %arg10[%swap3A_999, %swap3A_1000], %scan3A_997#0 {strides = array<i32>} : memref<2x16xf32, #tpu.memory_space<vmem>>, vector<16xf32>,
    %swap3A_1002 = arith.constant 1 : i32
    %swap3A_1003 = arith.index_cast %swap3A_1002 : i32 to index
    %swap3A_1004 = arith.constant 0 : index
    %swap3A_1005 = tpu.vector_load %arg10[%swap3A_1003, %swap3A_1004] {strides = array<i32>} : memref<2x16xf32, #tpu.memory_space<vmem>>, vector<16xf32>,
    tpu.vector_store %arg10[%swap3A_1003, %swap3A_1004], %scan3A_997#1 {strides = array<i32>} : memref<2x16xf32, #tpu.memory_space<vmem>>, vector<16xf32>,
    "tpu.region"() ({
      %run_scoped3A = tpu.sem_alloc : memref<!tpu.dma_semaphore, #tpu.memory_space<semaphore_mem>>
      %dma_start3A_1006 = arith.constant 0 : i32
      %dma_start3A_1007 = arith.constant 0 : i32
      %dma_start3A_1008 = tpu.memref_slice %arg5[%add3A, %dma_start3A_1006, %dma_start3A_1007] : memref<32x2x16xf32, #tpu.memory_space<hbm>> -> memref<1x2x16xf32, #tpu.memory_space<hbm>>
      %dma_start3A_1009 = tpu.memref_squeeze %dma_start3A_1008 : memref<1x2x16xf32, #tpu.memory_space<hbm>> -> memref<2x16xf32, #tpu.memory_space<hbm>>
      %dma_start3A_1010 = arith.constant 0 : i32
      %dma_start3A_1011 = arith.constant 0 : i32
      %dma_start3A_1012 = tpu.memref_slice %arg5[%add3A, %dma_start3A_1010, %dma_start3A_1011] : memref<32x2x16xf32, #tpu.memory_space<hbm>> -> memref<1x2x16xf32, #tpu.memory_space<hbm>>
      %dma_start3A_1013 = tpu.memref_squeeze %dma_start3A_1012 : memref<1x2x16xf32, #tpu.memory_space<hbm>> -> memref<2x16xf32, #tpu.memory_space<hbm>>
      tpu.enqueue_dma source(%arg10 : memref<2x16xf32, #tpu.memory_space<vmem>>) target(%dma_start3A_1013 : memref<2x16xf32, #tpu.memory_space<hbm>>) target_semaphore(%run_scoped3A : memref<!tpu.dma_semaphore, #tpu.memory_space<semaphore_mem>>)
      %dma_wait3A_1014 = arith.constant 0 : i32
      %dma_wait3A_1015 = arith.constant 0 : i32
      %dma_wait3A_1016 = tpu.memref_slice %arg5[%add3A, %dma_wait3A_1014, %dma_wait3A_1015] : memref<32x2x16xf32, #tpu.memory_space<hbm>> -> memref<1x2x16xf32, #tpu.memory_space<hbm>>
      %dma_wait3A_1017 = tpu.memref_squeeze %dma_wait3A_1016 : memref<1x2x16xf32, #tpu.memory_space<hbm>> -> memref<2x16xf32, #tpu.memory_space<hbm>>
      %dma_wait3A_1018 = arith.constant 0 : i32
      %dma_wait3A_1019 = arith.constant 0 : i32
      %dma_wait3A_1020 = tpu.memref_slice %arg5[%add3A, %dma_wait3A_1018, %dma_wait3A_1019] : memref<32x2x16xf32, #tpu.memory_space<hbm>> -> memref<1x2x16xf32, #tpu.memory_space<hbm>>
      %dma_wait3A_1021 = tpu.memref_squeeze %dma_wait3A_1020 : memref<1x2x16xf32, #tpu.memory_space<hbm>> -> memref<2x16xf32, #tpu.memory_space<hbm>>
      tpu.wait_dma2 semaphore(%run_scoped3A : memref<!tpu.dma_semaphore, #tpu.memory_space<semaphore_mem>>) src(%arg10 : memref<2x16xf32, #tpu.memory_space<vmem>>) dst(%dma_wait3A_1021 : memref<2x16xf32, #tpu.memory_space<hbm>>)
      tpu.yield
    }) : () -> ()
    return
  }
}

</mosaic_0001>

<sc_bundles>
// kernel: _sc_loss.4.cloned.1.call-start
scs
__scs_entry_jumppad:
0x0: {  	(pc) =	sbr.rel $0x88, $3  }
0x1: {  	(tag) =	ssettag $0x0;
	lr =	simm.s32 $0x1  }
0x2: {  	[smem:$0x3F9E] =	sst lr;
	_ =	strace $0xD0000000  }
0x3: {  	_ = 	snop  }
0x4: {  	_ = 	snop  }
0x5: {  	_ = 	snop  }
0x6: {  	_ = 	snop  }
0x7: {  	_ = 	snop  }
__scs_overlays_trampoline_lowered:
0x8: {  	[smem:$0x3FAD] =	sst s0  }
0x9: {  	[smem:$0x3FAE] =	sst s1  }
0xa: {  	[smem:$0x3FAF] =	sst s2  }
0xb: {  	[smem:$0x3FB0] =	sst s3  }
0xc: {  	[smem:$0x3FB1] =	sst s4  }
0xd: {  	[smem:$0x3FB2] =	sst s5  }
0xe: {  	[smem:$0x3FB3] =	sst s6  }
0xf: {  	[smem:$0x3FB4] =	sst s7  }
0x10: {  	[smem:$0x3FB5] =	sst s8  }
0x11: {  	[smem:$0x3FB6] =	sst s9;
	s0 =	simm.s32 @!p0 $0x0  }
0x12: {  	s1 =	sld [smem:$0x3F9C];
	s0 =	simm.s32 @p0 $0x1  }
0x13: {  	[smem:$0x3FB7] =	sst s0;
	s0 =	simm.s32 @!p1 $0x0  }
0x14: {  	s2 =	sld [smem:$0x3F9B];
	s0 =	simm.s32 @p1 $0x1  }
0x15: {  	[smem:$0x3FB8] =	sst s0;
	s0 =	simm.s32 @!p2 $0x0  }
0x16: {  	s3 =	sld [smem:$0x3FDB];
	s0 =	simm.s32 @p2 $0x1  }
0x17: {  	s4 =	simm.s32 $0x1BF5;
	[smem:$0x3FBA] =	sst s0  }
0x18: {  	s0 =	sld [smem:$0x3F9D];
	_ =	swait.ge [sflag:s4], $0x0  }
0x19: {  	s7 =	sld [smem:$0x3F9E]  }
0x1a: {  	s8 =	sadd.s32 $0xFFFFE003, lr  }
0x1b: {  	s9 =	sadd.s32 $0xFFFFFEF7, lr;
	s5 =	simm.s32 $0xFFFFFFFF;
	p2 =	slt.u32 s8, $0xFFFFF086  }
0x1c: {  	p1 =	slt.u32 s9, $0xF7A;
	s5 =	simm.s32 @!p2 $0x0  }
0x1d: {  	s5 =	simm.s32 @p1 $0x1;
	p0 =	seq.s32 s7, s2  }
0x1e: {  	s7 =	smul.u32 @!p0 $0xF7A, s2;
	p2 =	seq.s32 @!p0 s5, $0x0  }
0x1f: {  	s9 =	smul.u32 $0xF7A, s1;
	s8 =	simm.s32 @!p0 $0x1BF5;
	p2 =	por !p2, p0  }
0x20: {  	[sflag:s8] =	ssyncset.s32 @!p0 $0xFFFFF086;
	s6 =	sadd.s32 @!p0 s3, s7;
	s7 =	simm.s32 @!p0 $0x108  }
0x21: {  	s3 =	sadd.s32 s3, s9;
	s6 =	sadd.s32 @!p0 $0x88, s6;
	s7 =	simm.s32 @p2 $0x1082  }
0x22: {  	[simem:s7], [sflag:s8] =	dma.local @!p0 [hbm:s6], $0xF7A  }
0x23: {  	s9 =	sor.u32 $0xD0000000, s2;
	s6 =	simm.s32 $0x108;
	_ =	swait.ge @!p0 [sflag:s8], $0x0  }
0x24: {  	s3 =	sadd.s32 $0x88, s3;
	s6 =	simm.s32 @!p1 $0x1082;
	[sflag:s4] =	ssyncset.s32 $0xFFFFF086  }
0x25: {  	[simem:s6], [sflag:s4] =	dma.local [hbm:s3], $0xF7A  }
0x26: {  	[smem:$0x3F9E] =	sst s1;
	(tag) =	ssettag s2;
	_ =	strace s9  }
0x27: {  	s1 =	sld [smem:$0x3FAE]  }
0x28: {  	s2 =	sld [smem:$0x3FAF]  }
0x29: {  	s4 =	sld [smem:$0x3FB1]  }
0x2a: {  	p0 =	seq.s32 s5, $0x0;
	s5 =	sld [smem:$0x3FB2]  }
0x2b: {  	s6 =	sld [smem:$0x3FB3]  }
0x2c: {  	s7 =	sld [smem:$0x3FB4]  }
0x2d: {  	s3 =	simm.s32 $0x108;
	s8 =	sld [smem:$0x3FB5]  }
0x2e: {  	s3 =	simm.s32 @!p0 $0x1082;
	s9 =	sld [smem:$0x3FB6]  }
0x2f: {  	lr =	sadd.s32 s0, s3;
	s0 =	sld [smem:$0x3FAD]  }
0x30: {  	s3 =	sld [smem:$0x3FB0]  }
0x31: {  	[smem:$0x3FB9] =	sst s10  }
0x32: {  	s10 =	sld [smem:$0x3FB7];
	_ =	sdelay $0x3  }
0x33: {  	p0 =	seq.s32 s10, $0x1;
	s10 =	sld [smem:$0x3FB9];
	_ =	sdelay $0x3  }
0x34: {  	[smem:$0x3FB9] =	sst s10  }
0x35: {  	s10 =	sld [smem:$0x3FB8];
	_ =	sdelay $0x3  }
0x36: {  	p1 =	seq.s32 s10, $0x1;
	s10 =	sld [smem:$0x3FB9];
	_ =	sdelay $0x3  }
0x37: {  	[smem:$0x3FB9] =	sst s10  }
0x38: {  	s10 =	sld [smem:$0x3FBA]  }
0x39: {  	_ = 	snop;
	(pc) =	sbr.ind lr, $3  }
0x3a: {  	_ = 	snop  }
0x3b: {  	_ = 	snop  }
0x3c: {  	p2 =	seq.s32 s10, $0x1;
	s10 =	sld [smem:$0x3FB9]  }
0x3d: {  	_ =	shalt  }
0x3e: {  	_ =	shalt  }
0x3f: {  	_ =	shalt  }
0x40: {  	_ =	shalt  }
0x41: {  	_ =	shalt  }
0x42: {  	_ =	shalt  }
0x43: {  	_ =	shalt  }
0x44: {  	_ =	shalt  }
0x45: {  	_ =	shalt  }
0x46: {  	_ =	shalt  }
0x47: {  	_ =	shalt  }
0x48: {  	_ =	shalt  }
0x49: {  	_ =	shalt  }
0x4a: {  	_ =	shalt  }
0x4b: {  	_ =	shalt  }
0x4c: {  	_ =	shalt  }
0x4d: {  	_ =	shalt  }
0x4e: {  	_ =	shalt  }
0x4f: {  	_ =	shalt  }
0x50: {  	_ =	shalt  }
0x51: {  	_ =	shalt  }
0x52: {  	_ =	shalt  }
0x53: {  	_ =	shalt  }
0x54: {  	_ =	shalt  }
0x55: {  	_ =	shalt  }
0x56: {  	_ =	shalt  }
0x57: {  	_ =	shalt  }
0x58: {  	_ =	shalt  }
0x59: {  	_ =	shalt  }
0x5a: {  	_ =	shalt  }
0x5b: {  	_ =	shalt  }
0x5c: {  	_ =	shalt  }
0x5d: {  	_ =	shalt  }
0x5e: {  	_ =	shalt  }
0x5f: {  	_ =	shalt  }
0x60: {  	_ =	shalt  }
0x61: {  	_ =	shalt  }
0x62: {  	_ =	shalt  }
0x63: {  	_ =	shalt  }
0x64: {  	_ =	shalt  }
0x65: {  	_ =	shalt  }
0x66: {  	_ =	shalt  }
0x67: {  	_ =	shalt  }
0x68: {  	_ =	shalt  }
0x69: {  	_ =	shalt  }
0x6a: {  	_ =	shalt  }
0x6b: {  	_ =	shalt  }
0x6c: {  	_ =	shalt  }
0x6d: {  	_ =	shalt  }
0x6e: {  	_ =	shalt  }
0x6f: {  	_ =	shalt  }
0x70: {  	_ =	shalt  }
0x71: {  	_ =	shalt  }
0x72: {  	_ =	shalt  }
0x73: {  	_ =	shalt  }
0x74: {  	_ =	shalt  }
0x75: {  	_ =	shalt  }
0x76: {  	_ =	shalt  }
0x77: {  	_ =	shalt  }
0x78: {  	_ =	shalt  }
0x79: {  	_ =	shalt  }
0x7a: {  	_ =	shalt  }
0x7b: {  	_ =	shalt  }
0x7c: {  	_ =	shalt  }
0x7d: {  	_ =	shalt  }
0x7e: {  	_ =	shalt  }
0x7f: {  	_ =	shalt  }
0x80: {  	_ =	shalt  }
0x81: {  	_ =	shalt  }
0x82: {  	_ =	shalt  }
0x83: {  	_ =	shalt  }
0x84: {  	_ =	shalt  }
0x85: {  	_ =	shalt  }
0x86: {  	_ =	shalt  }
0x87: {  	_ =	shalt  }
.Lfunc_end0:
.L_simem_size_0:
called_computation_lowered:
.L_overlay_start_0:
0x88: {  	s2 =	sld [smem:$0x3FD9]  }
0x89: {  	s3 =	sld [smem:$0x3FFE];
	_ =	sdelay $0x1  }
0x8a: {  	s1 =	srdreg.scid  }
0x8b: {  	s0 =	sand.u32 $0x1, s1  }
0x8c: {  	s16 =	sshll.u32 s0, $0xA;
	s2 =	sadd.s32 s3, s2  }
0x8d: {  	s2 =	sadd.s32 s2, s16  }
0x8e: {  	[smem:$0x3FC5] =	sst s2  }
0x8f: {  	_ = 	snop  }
0x90: {  	(tm) =	ssettm $0x1  }
0x91: {  	s17 =	sld [smem:$0x3FFB];
	_ =	sdelay $0x3  }
0x92: {  	_ =	strace s17  }
0x93: {  	s2 =	sld [smem:$0x3FFC];
	_ =	sdelay $0x3  }
0x94: {  	_ =	strace s2  }
0x95: {  	s2 =	sld [smem:$0x3FFD];
	_ =	sdelay $0x3  }
0x96: {  	_ =	strace s2  }
0x97: {  	_ =	strace $0x8FFFFFFF  }
0x98: {  	s18 =	sld [smem:$0x3FDB];
	_ =	sdelay $0x1  }
0x99: {  	s19 =	simm.s32 $_scs_section_size  }
0x9a: {  	s4 =	simm.s32 $_size__tile_overlayer_lowered;
	s5 =	simm.s32 $_tile_overlayer_lowered  }
0x9b: {  	s22 =	simm.s32 $0x1BFF;
	s21 =	sshll.u32 s5, $0x1;
	s2 =	sadd.s32 s19, s18  }
0x9c: {  	s6 =	simm.s32 $0x0;
	s20 =	sshll.u32 s4, $0x1;
	s4 =	sadd.s32 s21, s2  }
0x9d: {  	[timem:s6], [sflag:s22] =	dma.local [hbm:s4], s20  }
0x9e: {  	_ =	swait.ge [sflag:s22], s20  }
0x9f: {  	s3 =	ssub.s32 $0x0, s20;
	[sflag:s22] =	ssyncset.done $0x0  }
0xa0: {  	[sflag:s22] =	ssyncadd.s32 s3;
	_ =	sdelay $0x1  }
0xa1: {  	s23 =	simm.s32 $0x1B8B  }
0xa2: {  	_ =	swait.ge [sflag:s23], $0x1  }
0xa3: {  	[sflag:s23] =	ssyncset.done $0x0  }
0xa4: {  	s25 =	simm.s32 $0x1B8E;
	s24 =	sld [smem:$0x3FFE];
	[sflag:s23] =	ssyncadd.s32 $0xFFFFFFFF  }
0xa5: {  	s26 =	simm.s32 $execute0_lowered;
	[smem:$0x3FD2] =	sst s25  }
0xa6: {  	s4 =	sshll.u32 s26, $0x1;
	_ =	strace $0x80000046;
	[dreg:$0x1] =	wrdreg $0xFFFFFFFF  }
0xa7: {  	s28 =	simm.s32 $_size_execute0_lowered;
	s2 =	sadd.s32 s2, s4;
	[dreg:$0x0] =	wrdreg $0x0  }
0xa8: {  	s4 =	sshll.u32 s28, $0x1;
	[dreg:$0x2] =	wrdreg s2  }
0xa9: {  	[dreg:$0x3] =	wrdreg s4  }
0xaa: {  	[dreg:$0x4] =	wrdreg $0xC0  }
0xab: {  	_ =	task [dreg:s6], $0x5FFFF  }
0xac: {  	[dreg:$0x1] =	wrdreg $0xFFFFFFFF  }
0xad: {  	[dreg:$0x0] =	wrdreg $0x60  }
0xae: {  	[dreg:$0x2] =	wrdreg s24  }
0xaf: {  	[dreg:$0x3] =	wrdreg $0x9  }
0xb0: {  	_ =	task.clear_ibuf [dreg:s6], $0x4FFFF;
	_ =	strace $0x90000046  }
0xb1: {  	s29 =	simm.s32 $0x9;
	_ =	strace $0x80000048  }
0xb2: {  	_ =	swait.ge [sflag:s29], $0x1  }
0xb3: {  	[sflag:s29] =	ssyncadd.s32 $0xFFFFFFFF  }
0xb4: {  	_ =	strace $0x90000048  }
0xb5: {  	_ =	sfence  }
0xb6: {  	s30 =	sld [smem:$0x0];
	_ =	sdelay $0x2  }
0xb7: {  	s31 =	sshll.u32 s1, $0xD;
	s1 =	sshrl.u32 s1, $0x2  }
0xb8: {  	s3 =	sand.u32 $0x4000, s31;
	s1 =	sadd.s32 s1, s30  }
0xb9: {  	s0 =	sor.u32 s3, s0;
	s1 =	sshll.u32 s1, $0x11  }
0xba: {  	s0 =	sor.u32 s1, s0  }
0xbb: {  	s0 =	sadd.s32 $0x8F2B, s0  }
0xbc: {  	[sflag:s0] =	ssyncadd.remote.s32 $0x1  }
0xbd: {  	_ =	sfence.sel $0xFFFF  }
0xbe: {  	[dreg:$0x0] =	wrdreg $0xFFFFFFFF;
	(pc) =	sbr.abs _section_cstart, $3  }
0xbf: {  	[dreg:$0x1] =	wrdreg $0xFFFFFFFF  }
0xc0: {  	_ =	task.clear_ibuf [dreg:s6], $0x2FFFF;
	_ =	strace $0x9FFFFFFF  }
0xc1: {  	(tm) =	ssettm $0x7FFFFFFF  }
tec
execute0_lowered:
.L_overlay_start_1:
0x0: {  	(tag) =	ssettag $0x1  }
0x1: {  	s0 =	rddreg [dreg:$0x0];
	s2 =	simm.s32 $0x0  }
0x2: {  	s1 =	srdreg.scid;
	s3 =	stileid.u32;
	s10 =	simm.s32 $0x80  }
0x3: {  	s12 =	simm.s32 $0x2400;
	s14 =	simm.s32 $0x2C00;
	s15 =	simm.s32 $0x1  }
0x4: {  	s17 =	simm.s32 $0x2;
	s13 =	simm.s32 $0xE00;
	s16 =	simm.s32 $0xE80  }
0x5: {  	s18 =	simm.s32 $0xF00;
	s19 =	simm.s32 $0xF80;
	s20 =	simm.s32 $0x1000  }
0x6: {  	s21 =	simm.s32 $0x1080;
	s22 =	simm.s32 $0x1100;
	s23 =	simm.s32 $0x1180  }
0x7: {  	s24 =	simm.s32 $0x1200;
	s25 =	simm.s32 $0x1280;
	s26 =	simm.s32 $0x1300  }
0x8: {  	s29 =	simm.s32 $0x3400;
	s30 =	simm.s32 $0x0;
	[smem:$0x7FF] =	sst s2  }
0x9: {  	s1 =	sand.u32 $0x1, s1;
	s3 =	sshll.u32 s3, $0x1;
	_ =	strace $0x80000047  }
0xa: {  	s6 =	sor.u32 s1, s3;
	s3 =	sadd.s32 $0xB60C00, s0;
	s1 =	ssub.s32 $0x2, s1  }
0xb: {  	s4 =	sshll.u32 s6, $0x9;
	s31 =	sshll.u32 s6, $0x7;
	s7 =	sshll.u32 s6, $0x2  }
0xc: {  	s8 =	sshrl.u32 s1, $0x1;
	s28 =	smul.u32 $0x5B, s6;
	s5 =	sadd.s32 s4, s0  }
0xd: {  	s4 =	sadd.s32 s31, s0;
	s0 =	sadd.s32 s7, s0;
	s1 =	ssub.s32 s1, s8  }
0xe: {  	v0 =	vlaneseq.u32;
	s8 =	simm.s32 $0x3;
	s4 =	sadd.s32 $0x4C00, s4;
	s5 =	sadd.s32 $0xC00, s5  }
0xf: {  	v3 =	vimm.f32 $0.0e+00;
	v2 =	vmul.u32 $0x10, v0;
	s6 =	sadd.s32 $0x5C00, s0;
	s7 =	smax.u32 s1, $0x1;
	v1 =	vmov s28;
	s28 =	simm.s32 $0x1380  }
.LBB2_1:
0x10: {  	[tilespmem:s2], [sflag:$0x3] =	stream.linear.gather [hbm4b:s4+s2], $0x400, $0x38;
	[tilespmem:$0x3420] =	vst v63  }
0x11: {  	_ =	swait.ge [sflag:s8], $0x400  }
0x12: {  	[sflag:s8] =	ssyncset.done $0x0  }
0x13: {  	s0 =	simm.s32 $0x1400;
	[sflag:s8] =	ssyncadd.s32 $0xFFFFFC00  }
0x14: {  	[tilespmem:s0], [sflag:$0x3] =	stream.linear.gather [hbm4b:s5+s2], $0x1000, $0x38;
	[tilespmem:$0x3420] =	vst v63  }
0x15: {  	_ =	swait.ge [sflag:s8], $0x1000  }
0x16: {  	[sflag:s8] =	ssyncset.done $0x0  }
0x17: {  	[sflag:s8] =	ssyncadd.s32 $0xFFFFF000  }
0x18: {  	s1 =	simm.s32 $0x1;
	s31 =	simm.s32 $0x0;
	s0 =	simm.s32 $0x0;
	v4 =	vld [tilespmem:s2+$0x0]  }
.LBB2_2:
0x19: {  	p0 =	sne.s32 s1, $0x3F;
	s9 =	sshrl.u32 s0, $0x3  }
0x1a: {  	v5 =	vmov s9  }
0x1b: {  	s9 =	sand.u32 $0x7, s0;
	v5 =	vshll.u32 v5, $0x5  }
0x1c: {  	v5 =	vor.u32 s9, v5  }
0x1d: {  	s11 =	sshll.u32 s0, $0x6;
	s0 =	smov.u32 s1;
	v4 =	vadd.s32 v1, v4;
	v5 =	vbroadcast v5, $0x0  }
0x1e: {  	s11 =	sand.u32 $0x3FFFFE00, s11;
	s9 =	sshll.u32 s9, $0x4;
	v4 =	vshll.u32 v4, $0x8  }
0x1f: {  	s9 =	sor.u32 s9, s11;
	v4 =	vadd.s32 v5, v4  }
.Ltmp0:
0x20: {  	[tilespmem:s9+$0x400] =	vst v4;
	v5 =	vor.u32 $0x8, v4;
	v6 =	vor.u32 $0x10, v4;
	v4 =	vor.u32 $0x18, v4;
	(pc) =	sbr.rel @p0 .LBB2_2-.Ltmp0, $4  }
0x21: {  	[tilespmem:s9+$0x480] =	vst v5  }
0x22: {  	[tilespmem:s9+$0x500] =	vst v6  }
0x23: {  	s31 =	sadd.s32 $0x10, s31;
	[tilespmem:s9+$0x580] =	vst v4  }
0x24: {  	s1 =	sadd.s32 $0x1, s1;
	v4 =	vld [tilespmem:s31+$0x0]  }
0x25: {  	s1 =	sshrl.u32 s0, $0x3  }
0x26: {  	v5 =	vmov s1  }
0x27: {  	s11 =	sand.u32 $0x7, s0;
	v5 =	vshll.u32 v5, $0x5  }
0x28: {  	v5 =	vor.u32 s11, v5  }
0x29: {  	s9 =	sshll.u32 s0, $0x6;
	v4 =	vadd.s32 v1, v4;
	v5 =	vbroadcast v5, $0x0  }
0x2a: {  	s0 =	sand.u32 $0x3FFFFE00, s9;
	s1 =	sshll.u32 s11, $0x4;
	v4 =	vshll.u32 v4, $0x8  }
0x2b: {  	s1 =	sor.u32 s1, s0;
	v4 =	vadd.s32 v5, v4  }
0x2c: {  	[tilespmem:s1+$0x400] =	vst v4;
	v5 =	vor.u32 $0x8, v4  }
0x2d: {  	v6 =	vor.u32 $0x10, v4;
	[tilespmem:s1+$0x480] =	vst v5  }
0x2e: {  	s0 =	simm.s32 $0x0;
	v4 =	vor.u32 $0x18, v4;
	[tilespmem:s1+$0x500] =	vst v6  }
0x2f: {  	s11 =	simm.s32 $0x400;
	v5 =	vmov s0;
	[tilespmem:s1+$0x580] =	vst v4  }
0x30: {  	v4 =	vshll.u32 v5, $0x4;
	[tilespmem:s12], [sflag:$0x1] =	stream.indirect.gather [hbm4b:s3+s10], $0x10, s11, s10, $0xb8;
	[tilespmem:$0x3420] =	vst v63  }
0x31: {  	s9 =	simm.s32 $0x480;
	v4 =	vor.u32 v2, v4  }
0x32: {  	v4 =	vor.u32 v0, v4;
	[tilespmem:s14], [sflag:$0x2] =	stream.indirect.gather [hbm4b:s3+s10], $0x10, s9, s10, $0xb8;
	[tilespmem:$0x3420] =	vst v63  }
0x33: {  	_ =	swait.ge [sflag:s15], $0x800  }
0x34: {  	[sflag:s15] =	ssyncset.done $0x0  }
0x35: {  	s11 =	simm.s32 $0x10;
	s9 =	simm.s32 $0x1400;
	[sflag:s15] =	ssyncadd.s32 $0xFFFFF800  }
0x36: {  	v5 =	vmov s11;
	v6 =	vld [tilespmem:s9+$0x0]  }
0x37: {  	v5 =	vshll.u32 v5, $0x4;
	v4 =	vld.idx.msk [tilespmem:v4+s12+$0x0], $0xffff  }
0x38: {  	v5 =	vor.u32 v2, v5  }
0x39: {  	v5 =	vor.u32 v0, v5  }
0x3a: {  	s11 =	simm.s32 $0x20  }
0x3b: {  	v7 =	vmov s11  }
0x3c: {  	s1 =	simm.s32 $0x1410;
	v4 =	vsub.f32 v6, v4;
	v6 =	vshll.u32 v7, $0x4  }
0x3d: {  	v9 =	vld [tilespmem:s1+$0x0];
	v6 =	vor.u32 v2, v6  }
0x3e: {  	v7 =	vld.idx.msk [tilespmem:v5+s12+$0x0], $0xffff;
	v10 =	vor.u32 v0, v6  }
0x3f: {  	v8 =	vand.u32 $0x7FFFFFFF, v4;
	v6 =	vld [tilespmem:s0+$0x0]  }
0x40: {  	s31 =	simm.s32 $0x30;
	v5 =	vimm.f32 $0.0e+00;
	v4 =	vimm.f32 $0.0e+00;
	v11 =	vmul.f32 $5.000000000e-01, v8  }
.LBB2_4:
0x41: {  	v12 =	vmov s31;
	p0 =	sne.s32 s31, $0x70;
	s31 =	sadd.s32 $0x10, s31  }
.Ltmp1:
0x42: {  	v13 =	vadd.f32 $-5.000000000e-01, v8;
	v12 =	vshll.u32 v12, $0x4;
	v11 =	vmul.f32 v11, v8;
	(pc) =	sbr.rel @p0 .LBB2_4-.Ltmp1, $4  }
0x43: {  	s1 =	sadd.s32 $0x10, s1;
	vm0 =	vlt.f32 v8, $1.000000000e+00;
	v12 =	vor.u32 v2, v12;
	v14 =	vsub.f32 v9, v7;
	v7 =	vld.idx.msk [tilespmem:v10+s12+$0x0], $0xffff  }
0x44: {  	s0 =	sadd.s32 $0x10, s0;
	v10 =	vor.u32 v0, v12;
	v9 =	vld [tilespmem:s1+$0x0];
	v11 =	vsel vm0, v11, v13;
	vm0 =	vgt.s32 v6, $0x0  }
0x45: {  	v6 =	vld [tilespmem:s0+$0x0];
	v8 =	vand.u32 $0x7FFFFFFF, v14;
	v12 =	vnsel vm0, $0x0, v11;
	v13 =	vsel vm0, $0x3F800000, v3  }
0x46: {  	v11 =	vmul.f32 $5.000000000e-01, v8;
	v5 =	vadd.f32 v12, v5;
	v4 =	vadd.f32 v13, v4  }
0x47: {  	_ =	sdelay $0x3  }
0x48: {  	s31 =	simm.s32 $0x0;
	v10 =	vld.idx.msk [tilespmem:v10+s12+$0x0], $0xffff;
	s1 =	sadd.s32 $0x10, s1  }
0x49: {  	v12 =	vmov s31;
	v13 =	vld [tilespmem:s1+$0x0]  }
0x4a: {  	s0 =	sadd.s32 $0x10, s0;
	v14 =	vadd.f32 $-5.000000000e-01, v8;
	v11 =	vmul.f32 v11, v8;
	v12 =	vshll.u32 v12, $0x4  }
0x4b: {  	vm0 =	vlt.f32 v8, $1.000000000e+00;
	s11 =	simm.s32 $0x500;
	v7 =	vsub.f32 v9, v7;
	v9 =	vld [tilespmem:s0+$0x0];
	s0 =	sadd.s32 $0x10, s0;
	v12 =	vor.u32 v2, v12  }
0x4c: {  	v15 =	vld [tilespmem:s0+$0x0];
	[tilespmem:s12], [sflag:$0x1] =	stream.indirect.gather [hbm4b:s3+s10], $0x10, s11, s10, $0xb8;
	v8 =	vsel vm0, v11, v14;
	vm11 =	vgt.s32 v6, $0x0;
	v12 =	vor.u32 v0, v12  }
0x4d: {  	v7 =	vand.u32 $0x7FFFFFFF, v7;
	_ =	swait.ge [sflag:s17], $0x800;
	v8 =	vnsel vm11, $0x0, v8  }
0x4e: {  	s1 =	simm.s32 $0x10;
	v11 =	vsel vm11, $0x3F800000, v3;
	v6 =	vmul.f32 $5.000000000e-01, v7;
	[sflag:s17] =	ssyncset.done $0x0;
	v10 =	vsub.f32 v13, v10  }
0x4f: {  	s9 =	simm.s32 $0x1800;
	v5 =	vadd.f32 v8, v5;
	v8 =	vmov s1;
	v62 =	vadd.f32 $-5.000000000e-01, v7;
	[sflag:s17] =	ssyncadd.s32 $0xFFFFF800  }
0x50: {  	vm12 =	vlt.f32 v7, $1.000000000e+00;
	v8 =	vshll.u32 v8, $0x4;
	v63 =	vld [tilespmem:s9+$0x0];
	v10 =	vand.u32 $0x7FFFFFFF, v10  }
0x51: {  	v6 =	vmul.f32 v6, v7;
	v8 =	vor.u32 v2, v8;
	v12 =	vld.idx.msk [tilespmem:v12+s14+$0x0], $0xffff;
	v7 =	vmul.f32 $5.000000000e-01, v10  }
0x52: {  	v4 =	vadd.f32 v11, v4;
	vm13 =	vgt.s32 v9, $0x0;
	v8 =	vor.u32 v0, v8  }
0x53: {  	v6 =	vsel vm12, v6, v62;
	v9 =	vadd.f32 $-5.000000000e-01, v10;
	v7 =	vmul.f32 v7, v10  }
0x54: {  	s11 =	simm.s32 $0x20;
	vm15 =	vgt.s32 v15, $0x0;
	vm14 =	vlt.f32 v10, $1.000000000e+00;
	v6 =	vnsel vm13, $0x0, v6  }
0x55: {  	v5 =	vadd.f32 v6, v5;
	v6 =	vsel vm14, v7, v9;
	v7 =	vmov s11  }
0x56: {  	v10 =	vsub.f32 v63, v12;
	v6 =	vnsel vm15, $0x0, v6;
	v9 =	vshll.u32 v7, $0x4  }
0x57: {  	s1 =	simm.s32 $0x1810;
	v11 =	vsel vm13, $0x3F800000, v3;
	v7 =	vld.idx.msk [tilespmem:v8+s14+$0x0], $0xffff;
	v5 =	vadd.f32 v6, v5;
	v6 =	vor.u32 v2, v9  }
0x58: {  	v4 =	vadd.f32 v11, v4;
	v9 =	vld [tilespmem:s1+$0x0];
	v8 =	vand.u32 $0x7FFFFFFF, v10;
	v10 =	vor.u32 v0, v6  }
0x59: {  	v11 =	vsel vm15, $0x3F800000, v3;
	v6 =	vld [tilespmem:s31+$0x0]  }
0x5a: {  	s0 =	simm.s32 $0x30;
	v4 =	vadd.f32 v11, v4;
	v11 =	vmul.f32 $5.000000000e-01, v8  }
.LBB2_6:
0x5b: {  	v12 =	vmov s0;
	p0 =	sne.s32 s0, $0x70;
	s0 =	sadd.s32 $0x10, s0  }
.Ltmp2:
0x5c: {  	v13 =	vadd.f32 $-5.000000000e-01, v8;
	v12 =	vshll.u32 v12, $0x4;
	v11 =	vmul.f32 v11, v8;
	(pc) =	sbr.rel @p0 .LBB2_6-.Ltmp2, $4  }
0x5d: {  	s1 =	sadd.s32 $0x10, s1;
	vm0 =	vlt.f32 v8, $1.000000000e+00;
	v12 =	vor.u32 v2, v12;
	v14 =	vsub.f32 v9, v7;
	v7 =	vld.idx.msk [tilespmem:v10+s14+$0x0], $0xffff  }
0x5e: {  	s31 =	sadd.s32 $0x10, s31;
	v10 =	vor.u32 v0, v12;
	v9 =	vld [tilespmem:s1+$0x0];
	v11 =	vsel vm0, v11, v13;
	vm0 =	vgt.s32 v6, $0x0  }
0x5f: {  	v6 =	vld [tilespmem:s31+$0x0];
	v8 =	vand.u32 $0x7FFFFFFF, v14;
	v12 =	vnsel vm0, $0x0, v11;
	v13 =	vsel vm0, $0x3F800000, v3  }
0x60: {  	v11 =	vmul.f32 $5.000000000e-01, v8;
	v5 =	vadd.f32 v12, v5;
	v4 =	vadd.f32 v13, v4  }
0x61: {  	_ =	sdelay $0x3  }
0x62: {  	s0 =	simm.s32 $0x0;
	v10 =	vld.idx.msk [tilespmem:v10+s14+$0x0], $0xffff;
	s1 =	sadd.s32 $0x10, s1  }
0x63: {  	v12 =	vmov s0;
	v13 =	vld [tilespmem:s1+$0x0]  }
0x64: {  	s11 =	sadd.s32 $0x10, s31;
	v14 =	vadd.f32 $-5.000000000e-01, v8;
	v11 =	vmul.f32 v11, v8;
	v12 =	vshll.u32 v12, $0x4  }
0x65: {  	vm0 =	vlt.f32 v8, $1.000000000e+00;
	s9 =	simm.s32 $0x580;
	s1 =	sadd.s32 $0x10, s11;
	v7 =	vsub.f32 v9, v7;
	v9 =	vld [tilespmem:s11+$0x0];
	v12 =	vor.u32 v2, v12  }
0x66: {  	v15 =	vld [tilespmem:s1+$0x0];
	[tilespmem:s14], [sflag:$0x2] =	stream.indirect.gather [hbm4b:s3+s10], $0x10, s9, s10, $0xb8;
	v8 =	vsel vm0, v11, v14;
	vm11 =	vgt.s32 v6, $0x0;
	v12 =	vor.u32 v0, v12  }
0x67: {  	_ =	swait.ge [sflag:s15], $0x800;
	v7 =	vand.u32 $0x7FFFFFFF, v7;
	v8 =	vnsel vm11, $0x0, v8  }
0x68: {  	s11 =	simm.s32 $0x10;
	v11 =	vsel vm11, $0x3F800000, v3;
	[sflag:s15] =	ssyncset.done $0x0;
	v6 =	vmul.f32 $5.000000000e-01, v7;
	v10 =	vsub.f32 v13, v10  }
0x69: {  	s9 =	simm.s32 $0x1C00;
	v5 =	vadd.f32 v8, v5;
	[sflag:s15] =	ssyncadd.s32 $0xFFFFF800;
	v8 =	vmov s11;
	v62 =	vadd.f32 $-5.000000000e-01, v7  }
0x6a: {  	vm12 =	vlt.f32 v7, $1.000000000e+00;
	v8 =	vshll.u32 v8, $0x4;
	v63 =	vld [tilespmem:s9+$0x0];
	v10 =	vand.u32 $0x7FFFFFFF, v10  }
0x6b: {  	v6 =	vmul.f32 v6, v7;
	v8 =	vor.u32 v2, v8;
	v12 =	vld.idx.msk [tilespmem:v12+s12+$0x0], $0xffff;
	v7 =	vmul.f32 $5.000000000e-01, v10  }
0x6c: {  	v4 =	vadd.f32 v11, v4;
	vm13 =	vgt.s32 v9, $0x0;
	v8 =	vor.u32 v0, v8  }
0x6d: {  	v6 =	vsel vm12, v6, v62;
	v9 =	vadd.f32 $-5.000000000e-01, v10;
	v7 =	vmul.f32 v7, v10  }
0x6e: {  	s11 =	simm.s32 $0x20;
	vm15 =	vgt.s32 v15, $0x0;
	vm14 =	vlt.f32 v10, $1.000000000e+00;
	v6 =	vnsel vm13, $0x0, v6  }
0x6f: {  	v5 =	vadd.f32 v6, v5;
	v6 =	vsel vm14, v7, v9;
	v7 =	vmov s11  }
0x70: {  	v10 =	vsub.f32 v63, v12;
	v6 =	vnsel vm15, $0x0, v6;
	v9 =	vshll.u32 v7, $0x4  }
0x71: {  	s1 =	simm.s32 $0x1C10;
	v11 =	vsel vm13, $0x3F800000, v3;
	v7 =	vld.idx.msk [tilespmem:v8+s12+$0x0], $0xffff;
	v5 =	vadd.f32 v6, v5;
	v6 =	vor.u32 v2, v9  }
0x72: {  	v4 =	vadd.f32 v11, v4;
	v9 =	vld [tilespmem:s1+$0x0];
	v8 =	vand.u32 $0x7FFFFFFF, v10;
	v10 =	vor.u32 v0, v6  }
0x73: {  	v11 =	vsel vm15, $0x3F800000, v3;
	v6 =	vld [tilespmem:s0+$0x0]  }
0x74: {  	s31 =	simm.s32 $0x30;
	v4 =	vadd.f32 v11, v4;
	v11 =	vmul.f32 $5.000000000e-01, v8  }
.LBB2_8:
0x75: {  	v12 =	vmov s31;
	p0 =	sne.s32 s31, $0x70;
	s31 =	sadd.s32 $0x10, s31  }
.Ltmp3:
0x76: {  	v13 =	vadd.f32 $-5.000000000e-01, v8;
	v12 =	vshll.u32 v12, $0x4;
	v11 =	vmul.f32 v11, v8;
	(pc) =	sbr.rel @p0 .LBB2_8-.Ltmp3, $4  }
0x77: {  	s1 =	sadd.s32 $0x10, s1;
	vm0 =	vlt.f32 v8, $1.000000000e+00;
	v12 =	vor.u32 v2, v12;
	v14 =	vsub.f32 v9, v7;
	v7 =	vld.idx.msk [tilespmem:v10+s12+$0x0], $0xffff  }
0x78: {  	s0 =	sadd.s32 $0x10, s0;
	v10 =	vor.u32 v0, v12;
	v9 =	vld [tilespmem:s1+$0x0];
	v11 =	vsel vm0, v11, v13;
	vm0 =	vgt.s32 v6, $0x0  }
0x79: {  	v6 =	vld [tilespmem:s0+$0x0];
	v8 =	vand.u32 $0x7FFFFFFF, v14;
	v12 =	vnsel vm0, $0x0, v11;
	v13 =	vsel vm0, $0x3F800000, v3  }
0x7a: {  	v11 =	vmul.f32 $5.000000000e-01, v8;
	v5 =	vadd.f32 v12, v5;
	v4 =	vadd.f32 v13, v4  }
0x7b: {  	_ =	sdelay $0x3  }
0x7c: {  	s31 =	simm.s32 $0x0;
	v10 =	vld.idx.msk [tilespmem:v10+s12+$0x0], $0xffff;
	s1 =	sadd.s32 $0x10, s1  }
0x7d: {  	v12 =	vmov s31;
	v13 =	vld [tilespmem:s1+$0x0]  }
0x7e: {  	s0 =	sadd.s32 $0x10, s0;
	v14 =	vadd.f32 $-5.000000000e-01, v8;
	v11 =	vmul.f32 v11, v8;
	v12 =	vshll.u32 v12, $0x4  }
0x7f: {  	vm0 =	vlt.f32 v8, $1.000000000e+00;
	s11 =	simm.s32 $0x600;
	v7 =	vsub.f32 v9, v7;
	v9 =	vld [tilespmem:s0+$0x0];
	s0 =	sadd.s32 $0x10, s0;
	v12 =	vor.u32 v2, v12  }
0x80: {  	v15 =	vld [tilespmem:s0+$0x0];
	[tilespmem:s12], [sflag:$0x1] =	stream.indirect.gather [hbm4b:s3+s10], $0x10, s11, s10, $0xb8;
	v8 =	vsel vm0, v11, v14;
	vm11 =	vgt.s32 v6, $0x0;
	v12 =	vor.u32 v0, v12  }
0x81: {  	v7 =	vand.u32 $0x7FFFFFFF, v7;
	_ =	swait.ge [sflag:s17], $0x800;
	v8 =	vnsel vm11, $0x0, v8  }
0x82: {  	s1 =	simm.s32 $0x10;
	v11 =	vsel vm11, $0x3F800000, v3;
	v6 =	vmul.f32 $5.000000000e-01, v7;
	[sflag:s17] =	ssyncset.done $0x0;
	v10 =	vsub.f32 v13, v10  }
0x83: {  	s9 =	simm.s32 $0x2000;
	v5 =	vadd.f32 v8, v5;
	v8 =	vmov s1;
	v62 =	vadd.f32 $-5.000000000e-01, v7;
	[sflag:s17] =	ssyncadd.s32 $0xFFFFF800  }
0x84: {  	vm12 =	vlt.f32 v7, $1.000000000e+00;
	v8 =	vshll.u32 v8, $0x4;
	v63 =	vld [tilespmem:s9+$0x0];
	v10 =	vand.u32 $0x7FFFFFFF, v10  }
0x85: {  	v6 =	vmul.f32 v6, v7;
	v8 =	vor.u32 v2, v8;
	v12 =	vld.idx.msk [tilespmem:v12+s14+$0x0], $0xffff;
	v7 =	vmul.f32 $5.000000000e-01, v10  }
0x86: {  	v4 =	vadd.f32 v11, v4;
	vm13 =	vgt.s32 v9, $0x0;
	v8 =	vor.u32 v0, v8  }
0x87: {  	v6 =	vsel vm12, v6, v62;
	v9 =	vadd.f32 $-5.000000000e-01, v10;
	v7 =	vmul.f32 v7, v10  }
0x88: {  	s11 =	simm.s32 $0x20;
	vm15 =	vgt.s32 v15, $0x0;
	vm14 =	vlt.f32 v10, $1.000000000e+00;
	v6 =	vnsel vm13, $0x0, v6  }
0x89: {  	v5 =	vadd.f32 v6, v5;
	v6 =	vsel vm14, v7, v9;
	v7 =	vmov s11  }
0x8a: {  	v10 =	vsub.f32 v63, v12;
	v6 =	vnsel vm15, $0x0, v6;
	v9 =	vshll.u32 v7, $0x4  }
0x8b: {  	s0 =	simm.s32 $0x2010;
	v11 =	vsel vm13, $0x3F800000, v3;
	v7 =	vld.idx.msk [tilespmem:v8+s14+$0x0], $0xffff;
	v5 =	vadd.f32 v6, v5;
	v6 =	vor.u32 v2, v9  }
0x8c: {  	v4 =	vadd.f32 v11, v4;
	v9 =	vld [tilespmem:s0+$0x0];
	v8 =	vand.u32 $0x7FFFFFFF, v10;
	v10 =	vor.u32 v0, v6  }
0x8d: {  	v11 =	vsel vm15, $0x3F800000, v3;
	v6 =	vld [tilespmem:s31+$0x0]  }
0x8e: {  	s1 =	simm.s32 $0x30;
	v4 =	vadd.f32 v11, v4;
	v11 =	vmul.f32 $5.000000000e-01, v8  }
.LBB2_10:
0x8f: {  	v12 =	vmov s1;
	p0 =	sne.s32 s1, $0x70;
	s1 =	sadd.s32 $0x10, s1  }
.Ltmp4:
0x90: {  	v13 =	vadd.f32 $-5.000000000e-01, v8;
	v12 =	vshll.u32 v12, $0x4;
	v11 =	vmul.f32 v11, v8;
	(pc) =	sbr.rel @p0 .LBB2_10-.Ltmp4, $4  }
0x91: {  	s0 =	sadd.s32 $0x10, s0;
	vm0 =	vlt.f32 v8, $1.000000000e+00;
	v12 =	vor.u32 v2, v12;
	v14 =	vsub.f32 v9, v7;
	v7 =	vld.idx.msk [tilespmem:v10+s14+$0x0], $0xffff  }
0x92: {  	s31 =	sadd.s32 $0x10, s31;
	v10 =	vor.u32 v0, v12;
	v9 =	vld [tilespmem:s0+$0x0];
	v11 =	vsel vm0, v11, v13;
	vm0 =	vgt.s32 v6, $0x0  }
0x93: {  	v6 =	vld [tilespmem:s31+$0x0];
	v8 =	vand.u32 $0x7FFFFFFF, v14;
	v12 =	vnsel vm0, $0x0, v11;
	v13 =	vsel vm0, $0x3F800000, v3  }
0x94: {  	v11 =	vmul.f32 $5.000000000e-01, v8;
	v5 =	vadd.f32 v12, v5;
	v4 =	vadd.f32 v13, v4  }
0x95: {  	_ =	sdelay $0x3  }
0x96: {  	s1 =	simm.s32 $0x0;
	v10 =	vld.idx.msk [tilespmem:v10+s14+$0x0], $0xffff;
	s0 =	sadd.s32 $0x10, s0  }
0x97: {  	v12 =	vmov s1;
	v13 =	vld [tilespmem:s0+$0x0];
	s1 =	sadd.s32 $0x10, s31  }
0x98: {  	v14 =	vadd.f32 $-5.000000000e-01, v8;
	v11 =	vmul.f32 v11, v8;
	v12 =	vshll.u32 v12, $0x4;
	s0 =	sadd.s32 $0x10, s1  }
0x99: {  	vm0 =	vlt.f32 v8, $1.000000000e+00;
	s9 =	simm.s32 $0x680;
	v7 =	vsub.f32 v9, v7;
	v12 =	vor.u32 v2, v12;
	v15 =	vld [tilespmem:s0+$0x0];
	s0 =	simm.s32 $0x80  }
0x9a: {  	v9 =	vld [tilespmem:s1+$0x0];
	v8 =	vsel vm0, v11, v14;
	vm11 =	vgt.s32 v6, $0x0;
	v12 =	vor.u32 v0, v12;
	[tilespmem:s14], [sflag:$0x2] =	stream.indirect.gather [hbm4b:s3+s0], $0x10, s9, s0, $0xb8  }
0x9b: {  	v7 =	vand.u32 $0x7FFFFFFF, v7;
	v8 =	vnsel vm11, $0x0, v8;
	_ =	swait.ge [sflag:s15], $0x800  }
0x9c: {  	s11 =	simm.s32 $0x10;
	v11 =	vsel vm11, $0x3F800000, v3;
	v6 =	vmul.f32 $5.000000000e-01, v7;
	v10 =	vsub.f32 v13, v10;
	[sflag:s15] =	ssyncset.done $0x0  }
0x9d: {  	s9 =	simm.s32 $0x1480;
	v5 =	vadd.f32 v8, v5;
	v8 =	vmov s11;
	v62 =	vadd.f32 $-5.000000000e-01, v7;
	[sflag:s15] =	ssyncadd.s32 $0xFFFFF800  }
0x9e: {  	vm12 =	vlt.f32 v7, $1.000000000e+00;
	v8 =	vshll.u32 v8, $0x4;
	v10 =	vand.u32 $0x7FFFFFFF, v10;
	v63 =	vld [tilespmem:s9+$0x0]  }
0x9f: {  	v6 =	vmul.f32 v6, v7;
	v8 =	vor.u32 v2, v8;
	v12 =	vld.idx.msk [tilespmem:v12+s12+$0x0], $0xffff;
	v7 =	vmul.f32 $5.000000000e-01, v10  }
0xa0: {  	v4 =	vadd.f32 v11, v4;
	vm13 =	vgt.s32 v9, $0x0;
	v8 =	vor.u32 v0, v8  }
0xa1: {  	v6 =	vsel vm12, v6, v62;
	v9 =	vadd.f32 $-5.000000000e-01, v10;
	v7 =	vmul.f32 v7, v10  }
0xa2: {  	s11 =	simm.s32 $0x20;
	vm15 =	vgt.s32 v15, $0x0;
	vm14 =	vlt.f32 v10, $1.000000000e+00;
	v6 =	vnsel vm13, $0x0, v6  }
0xa3: {  	v5 =	vadd.f32 v6, v5;
	v6 =	vsel vm14, v7, v9;
	v7 =	vmov s11  }
0xa4: {  	v10 =	vsub.f32 v63, v12;
	v6 =	vnsel vm15, $0x0, v6;
	v9 =	vshll.u32 v7, $0x4  }
0xa5: {  	s1 =	simm.s32 $0x1490;
	v11 =	vsel vm13, $0x3F800000, v3;
	v7 =	vld.idx.msk [tilespmem:v8+s12+$0x0], $0xffff;
	v5 =	vadd.f32 v6, v5;
	v6 =	vor.u32 v2, v9  }
0xa6: {  	v4 =	vadd.f32 v11, v4;
	v9 =	vld [tilespmem:s1+$0x0];
	v8 =	vand.u32 $0x7FFFFFFF, v10;
	v10 =	vor.u32 v0, v6  }
0xa7: {  	v11 =	vsel vm15, $0x3F800000, v3;
	v6 =	vld [tilespmem:s0+$0x0]  }
0xa8: {  	s31 =	simm.s32 $0x30;
	v4 =	vadd.f32 v11, v4;
	v11 =	vmul.f32 $5.000000000e-01, v8  }
.LBB2_12:
0xa9: {  	v12 =	vmov s31;
	p0 =	sne.s32 s31, $0x70;
	s31 =	sadd.s32 $0x10, s31  }
.Ltmp5:
0xaa: {  	v13 =	vadd.f32 $-5.000000000e-01, v8;
	v12 =	vshll.u32 v12, $0x4;
	v11 =	vmul.f32 v11, v8;
	(pc) =	sbr.rel @p0 .LBB2_12-.Ltmp5, $4  }
0xab: {  	s1 =	sadd.s32 $0x10, s1;
	vm0 =	vlt.f32 v8, $1.000000000e+00;
	v12 =	vor.u32 v2, v12;
	v14 =	vsub.f32 v9, v7;
	v7 =	vld.idx.msk [tilespmem:v10+s12+$0x0], $0xffff  }
0xac: {  	s0 =	sadd.s32 $0x10, s0;
	v10 =	vor.u32 v0, v12;
	v9 =	vld [tilespmem:s1+$0x0];
	v11 =	vsel vm0, v11, v13;
	vm0 =	vgt.s32 v6, $0x0  }
0xad: {  	v6 =	vld [tilespmem:s0+$0x0];
	v8 =	vand.u32 $0x7FFFFFFF, v14;
	v12 =	vnsel vm0, $0x0, v11;
	v13 =	vsel vm0, $0x3F800000, v3  }
0xae: {  	v11 =	vmul.f32 $5.000000000e-01, v8;
	v5 =	vadd.f32 v12, v5;
	v4 =	vadd.f32 v13, v4  }
0xaf: {  	_ =	sdelay $0x3  }
0xb0: {  	s9 =	simm.s32 $0x0;
	v10 =	vld.idx.msk [tilespmem:v10+s12+$0x0], $0xffff;
	s1 =	sadd.s32 $0x10, s1  }
0xb1: {  	s0 =	sadd.s32 $0x10, s0;
	v14 =	vadd.f32 $-5.000000000e-01, v8;
	v12 =	vmov s9;
	v13 =	vld [tilespmem:s1+$0x0]  }
0xb2: {  	v11 =	vmul.f32 v11, v8;
	v12 =	vshll.u32 v12, $0x4;
	v7 =	vsub.f32 v9, v7;
	v9 =	vld [tilespmem:s0+$0x0];
	s0 =	sadd.s32 $0x10, s0  }
0xb3: {  	vm0 =	vlt.f32 v8, $1.000000000e+00;
	s9 =	simm.s32 $0x700;
	v12 =	vor.u32 v2, v12;
	v15 =	vld [tilespmem:s0+$0x0];
	s0 =	simm.s32 $0x80  }
0xb4: {  	v8 =	vsel vm0, v11, v14;
	vm11 =	vgt.s32 v6, $0x0;
	v12 =	vor.u32 v0, v12;
	[tilespmem:s12], [sflag:$0x1] =	stream.indirect.gather [hbm4b:s3+s0], $0x10, s9, s0, $0xb8;
	[tilespmem:$0x3420] =	vst v63  }
0xb5: {  	v7 =	vand.u32 $0x7FFFFFFF, v7;
	v8 =	vnsel vm11, $0x0, v8;
	_ =	swait.ge [sflag:s17], $0x800  }
0xb6: {  	s11 =	simm.s32 $0x10;
	v11 =	vsel vm11, $0x3F800000, v3;
	v6 =	vmul.f32 $5.000000000e-01, v7;
	v10 =	vsub.f32 v13, v10;
	[sflag:s17] =	ssyncset.done $0x0  }
0xb7: {  	s9 =	simm.s32 $0x1880;
	v5 =	vadd.f32 v8, v5;
	v8 =	vmov s11;
	v62 =	vadd.f32 $-5.000000000e-01, v7;
	[sflag:s17] =	ssyncadd.s32 $0xFFFFF800  }
0xb8: {  	vm12 =	vlt.f32 v7, $1.000000000e+00;
	v8 =	vshll.u32 v8, $0x4;
	v10 =	vand.u32 $0x7FFFFFFF, v10;
	v63 =	vld [tilespmem:s9+$0x0]  }
0xb9: {  	v6 =	vmul.f32 v6, v7;
	v8 =	vor.u32 v2, v8;
	v12 =	vld.idx.msk [tilespmem:v12+s14+$0x0], $0xffff;
	v7 =	vmul.f32 $5.000000000e-01, v10  }
0xba: {  	v4 =	vadd.f32 v11, v4;
	vm13 =	vgt.s32 v9, $0x0;
	v8 =	vor.u32 v0, v8  }
0xbb: {  	v6 =	vsel vm12, v6, v62;
	v9 =	vadd.f32 $-5.000000000e-01, v10;
	v7 =	vmul.f32 v7, v10  }
0xbc: {  	s11 =	simm.s32 $0x20;
	vm15 =	vgt.s32 v15, $0x0;
	vm14 =	vlt.f32 v10, $1.000000000e+00;
	v6 =	vnsel vm13, $0x0, v6  }
0xbd: {  	v5 =	vadd.f32 v6, v5;
	v6 =	vsel vm14, v7, v9;
	v7 =	vmov s11  }
0xbe: {  	v10 =	vsub.f32 v63, v12;
	v6 =	vnsel vm15, $0x0, v6;
	v9 =	vshll.u32 v7, $0x4  }
0xbf: {  	s1 =	simm.s32 $0x1890;
	v11 =	vsel vm13, $0x3F800000, v3;
	v7 =	vld.idx.msk [tilespmem:v8+s14+$0x0], $0xffff;
	v5 =	vadd.f32 v6, v5;
	v6 =	vor.u32 v2, v9  }
0xc0: {  	v4 =	vadd.f32 v11, v4;
	v9 =	vld [tilespmem:s1+$0x0];
	v8 =	vand.u32 $0x7FFFFFFF, v10;
	v10 =	vor.u32 v0, v6  }
0xc1: {  	v11 =	vsel vm15, $0x3F800000, v3;
	v6 =	vld [tilespmem:s0+$0x0]  }
0xc2: {  	s31 =	simm.s32 $0x30;
	v4 =	vadd.f32 v11, v4;
	v11 =	vmul.f32 $5.000000000e-01, v8  }
.LBB2_14:
0xc3: {  	v12 =	vmov s31;
	p0 =	sne.s32 s31, $0x70;
	s31 =	sadd.s32 $0x10, s31  }
.Ltmp6:
0xc4: {  	v13 =	vadd.f32 $-5.000000000e-01, v8;
	v12 =	vshll.u32 v12, $0x4;
	v11 =	vmul.f32 v11, v8;
	(pc) =	sbr.rel @p0 .LBB2_14-.Ltmp6, $4  }
0xc5: {  	s1 =	sadd.s32 $0x10, s1;
	vm0 =	vlt.f32 v8, $1.000000000e+00;
	v12 =	vor.u32 v2, v12;
	v14 =	vsub.f32 v9, v7;
	v7 =	vld.idx.msk [tilespmem:v10+s14+$0x0], $0xffff  }
0xc6: {  	s0 =	sadd.s32 $0x10, s0;
	v10 =	vor.u32 v0, v12;
	v9 =	vld [tilespmem:s1+$0x0];
	v11 =	vsel vm0, v11, v13;
	vm0 =	vgt.s32 v6, $0x0  }
0xc7: {  	v6 =	vld [tilespmem:s0+$0x0];
	v8 =	vand.u32 $0x7FFFFFFF, v14;
	v12 =	vnsel vm0, $0x0, v11;
	v13 =	vsel vm0, $0x3F800000, v3  }
0xc8: {  	v11 =	vmul.f32 $5.000000000e-01, v8;
	v5 =	vadd.f32 v12, v5;
	v4 =	vadd.f32 v13, v4  }
0xc9: {  	_ =	sdelay $0x3  }
0xca: {  	s9 =	simm.s32 $0x0;
	v10 =	vld.idx.msk [tilespmem:v10+s14+$0x0], $0xffff;
	s1 =	sadd.s32 $0x10, s1  }
0xcb: {  	s0 =	sadd.s32 $0x10, s0;
	v14 =	vadd.f32 $-5.000000000e-01, v8;
	v12 =	vmov s9;
	v13 =	vld [tilespmem:s1+$0x0]  }
0xcc: {  	v11 =	vmul.f32 v11, v8;
	v12 =	vshll.u32 v12, $0x4;
	v7 =	vsub.f32 v9, v7;
	v9 =	vld [tilespmem:s0+$0x0];
	s0 =	sadd.s32 $0x10, s0  }
0xcd: {  	vm0 =	vlt.f32 v8, $1.000000000e+00;
	s9 =	simm.s32 $0x780;
	v12 =	vor.u32 v2, v12;
	v15 =	vld [tilespmem:s0+$0x0];
	s0 =	simm.s32 $0x80  }
0xce: {  	v8 =	vsel vm0, v11, v14;
	vm11 =	vgt.s32 v6, $0x0;
	v12 =	vor.u32 v0, v12;
	[tilespmem:s14], [sflag:$0x2] =	stream.indirect.gather [hbm4b:s3+s0], $0x10, s9, s0, $0xb8;
	[tilespmem:$0x3420] =	vst v63  }
0xcf: {  	v7 =	vand.u32 $0x7FFFFFFF, v7;
	v8 =	vnsel vm11, $0x0, v8;
	_ =	swait.ge [sflag:s15], $0x800  }
0xd0: {  	s11 =	simm.s32 $0x10;
	v11 =	vsel vm11, $0x3F800000, v3;
	v6 =	vmul.f32 $5.000000000e-01, v7;
	v10 =	vsub.f32 v13, v10;
	[sflag:s15] =	ssyncset.done $0x0  }
0xd1: {  	s9 =	simm.s32 $0x1C80;
	v5 =	vadd.f32 v8, v5;
	v8 =	vmov s11;
	v62 =	vadd.f32 $-5.000000000e-01, v7;
	[sflag:s15] =	ssyncadd.s32 $0xFFFFF800  }
0xd2: {  	vm12 =	vlt.f32 v7, $1.000000000e+00;
	v8 =	vshll.u32 v8, $0x4;
	v10 =	vand.u32 $0x7FFFFFFF, v10;
	v63 =	vld [tilespmem:s9+$0x0]  }
0xd3: {  	v6 =	vmul.f32 v6, v7;
	v8 =	vor.u32 v2, v8;
	v12 =	vld.idx.msk [tilespmem:v12+s12+$0x0], $0xffff;
	v7 =	vmul.f32 $5.000000000e-01, v10  }
0xd4: {  	v4 =	vadd.f32 v11, v4;
	vm13 =	vgt.s32 v9, $0x0;
	v8 =	vor.u32 v0, v8  }
0xd5: {  	v6 =	vsel vm12, v6, v62;
	v9 =	vadd.f32 $-5.000000000e-01, v10;
	v7 =	vmul.f32 v7, v10  }
0xd6: {  	s11 =	simm.s32 $0x20;
	vm15 =	vgt.s32 v15, $0x0;
	vm14 =	vlt.f32 v10, $1.000000000e+00;
	v6 =	vnsel vm13, $0x0, v6  }
0xd7: {  	v5 =	vadd.f32 v6, v5;
	v6 =	vsel vm14, v7, v9;
	v7 =	vmov s11  }
0xd8: {  	v10 =	vsub.f32 v63, v12;
	v6 =	vnsel vm15, $0x0, v6;
	v9 =	vshll.u32 v7, $0x4  }
0xd9: {  	s1 =	simm.s32 $0x1C90;
	v11 =	vsel vm13, $0x3F800000, v3;
	v7 =	vld.idx.msk [tilespmem:v8+s12+$0x0], $0xffff;
	v5 =	vadd.f32 v6, v5;
	v6 =	vor.u32 v2, v9  }
0xda: {  	v4 =	vadd.f32 v11, v4;
	v9 =	vld [tilespmem:s1+$0x0];
	v8 =	vand.u32 $0x7FFFFFFF, v10;
	v10 =	vor.u32 v0, v6  }
0xdb: {  	v11 =	vsel vm15, $0x3F800000, v3;
	v6 =	vld [tilespmem:s0+$0x0]  }
0xdc: {  	s31 =	simm.s32 $0x30;
	v4 =	vadd.f32 v11, v4;
	v11 =	vmul.f32 $5.000000000e-01, v8  }
.LBB2_16:
0xdd: {  	v12 =	vmov s31;
	p0 =	sne.s32 s31, $0x70;
	s31 =	sadd.s32 $0x10, s31  }
.Ltmp7:
0xde: {  	v13 =	vadd.f32 $-5.000000000e-01, v8;
	v12 =	vshll.u32 v12, $0x4;
	v11 =	vmul.f32 v11, v8;
	(pc) =	sbr.rel @p0 .LBB2_16-.Ltmp7, $4  }
0xdf: {  	s1 =	sadd.s32 $0x10, s1;
	vm0 =	vlt.f32 v8, $1.000000000e+00;
	v12 =	vor.u32 v2, v12;
	v14 =	vsub.f32 v9, v7;
	v7 =	vld.idx.msk [tilespmem:v10+s12+$0x0], $0xffff  }
0xe0: {  	s0 =	sadd.s32 $0x10, s0;
	v10 =	vor.u32 v0, v12;
	v9 =	vld [tilespmem:s1+$0x0];
	v11 =	vsel vm0, v11, v13;
	vm0 =	vgt.s32 v6, $0x0  }
0xe1: {  	v6 =	vld [tilespmem:s0+$0x0];
	v8 =	vand.u32 $0x7FFFFFFF, v14;
	v12 =	vnsel vm0, $0x0, v11;
	v13 =	vsel vm0, $0x3F800000, v3  }
0xe2: {  	v11 =	vmul.f32 $5.000000000e-01, v8;
	v5 =	vadd.f32 v12, v5;
	v4 =	vadd.f32 v13, v4  }
0xe3: {  	_ =	sdelay $0x3  }
0xe4: {  	s9 =	simm.s32 $0x0;
	v10 =	vld.idx.msk [tilespmem:v10+s12+$0x0], $0xffff;
	s1 =	sadd.s32 $0x10, s1  }
0xe5: {  	s0 =	sadd.s32 $0x10, s0;
	v14 =	vadd.f32 $-5.000000000e-01, v8;
	v12 =	vmov s9;
	v13 =	vld [tilespmem:s1+$0x0]  }
0xe6: {  	v11 =	vmul.f32 v11, v8;
	v12 =	vshll.u32 v12, $0x4;
	v7 =	vsub.f32 v9, v7;
	v9 =	vld [tilespmem:s0+$0x0];
	s0 =	sadd.s32 $0x10, s0  }
0xe7: {  	vm0 =	vlt.f32 v8, $1.000000000e+00;
	s9 =	simm.s32 $0x800;
	v12 =	vor.u32 v2, v12;
	v15 =	vld [tilespmem:s0+$0x0];
	s0 =	simm.s32 $0x80  }
0xe8: {  	v8 =	vsel vm0, v11, v14;
	vm11 =	vgt.s32 v6, $0x0;
	v12 =	vor.u32 v0, v12;
	[tilespmem:s12], [sflag:$0x1] =	stream.indirect.gather [hbm4b:s3+s0], $0x10, s9, s0, $0xb8;
	[tilespmem:$0x3420] =	vst v63  }
0xe9: {  	v7 =	vand.u32 $0x7FFFFFFF, v7;
	v8 =	vnsel vm11, $0x0, v8;
	_ =	swait.ge [sflag:s17], $0x800  }
0xea: {  	s11 =	simm.s32 $0x10;
	v11 =	vsel vm11, $0x3F800000, v3;
	v6 =	vmul.f32 $5.000000000e-01, v7;
	v10 =	vsub.f32 v13, v10;
	[sflag:s17] =	ssyncset.done $0x0  }
0xeb: {  	s9 =	simm.s32 $0x2080;
	v5 =	vadd.f32 v8, v5;
	v8 =	vmov s11;
	v62 =	vadd.f32 $-5.000000000e-01, v7;
	[sflag:s17] =	ssyncadd.s32 $0xFFFFF800  }
0xec: {  	vm12 =	vlt.f32 v7, $1.000000000e+00;
	v8 =	vshll.u32 v8, $0x4;
	v10 =	vand.u32 $0x7FFFFFFF, v10;
	v63 =	vld [tilespmem:s9+$0x0]  }
0xed: {  	v6 =	vmul.f32 v6, v7;
	v8 =	vor.u32 v2, v8;
	v12 =	vld.idx.msk [tilespmem:v12+s14+$0x0], $0xffff;
	v7 =	vmul.f32 $5.000000000e-01, v10  }
0xee: {  	v4 =	vadd.f32 v11, v4;
	vm13 =	vgt.s32 v9, $0x0;
	v8 =	vor.u32 v0, v8  }
0xef: {  	v6 =	vsel vm12, v6, v62;
	v9 =	vadd.f32 $-5.000000000e-01, v10;
	v7 =	vmul.f32 v7, v10  }
0xf0: {  	s11 =	simm.s32 $0x20;
	vm15 =	vgt.s32 v15, $0x0;
	vm14 =	vlt.f32 v10, $1.000000000e+00;
	v6 =	vnsel vm13, $0x0, v6  }
0xf1: {  	v5 =	vadd.f32 v6, v5;
	v6 =	vsel vm14, v7, v9;
	v7 =	vmov s11  }
0xf2: {  	v10 =	vsub.f32 v63, v12;
	v6 =	vnsel vm15, $0x0, v6;
	v9 =	vshll.u32 v7, $0x4  }
0xf3: {  	s1 =	simm.s32 $0x2090;
	v11 =	vsel vm13, $0x3F800000, v3;
	v7 =	vld.idx.msk [tilespmem:v8+s14+$0x0], $0xffff;
	v5 =	vadd.f32 v6, v5;
	v6 =	vor.u32 v2, v9  }
0xf4: {  	v4 =	vadd.f32 v11, v4;
	v9 =	vld [tilespmem:s1+$0x0];
	v8 =	vand.u32 $0x7FFFFFFF, v10;
	v10 =	vor.u32 v0, v6  }
0xf5: {  	v11 =	vsel vm15, $0x3F800000, v3;
	v6 =	vld [tilespmem:s0+$0x0]  }
0xf6: {  	s31 =	simm.s32 $0x30;
	v4 =	vadd.f32 v11, v4;
	v11 =	vmul.f32 $5.000000000e-01, v8  }
.LBB2_18:
0xf7: {  	v12 =	vmov s31;
	p0 =	sne.s32 s31, $0x70;
	s31 =	sadd.s32 $0x10, s31  }
.Ltmp8:
0xf8: {  	v13 =	vadd.f32 $-5.000000000e-01, v8;
	v12 =	vshll.u32 v12, $0x4;
	v11 =	vmul.f32 v11, v8;
	(pc) =	sbr.rel @p0 .LBB2_18-.Ltmp8, $4  }
0xf9: {  	s1 =	sadd.s32 $0x10, s1;
	vm0 =	vlt.f32 v8, $1.000000000e+00;
	v12 =	vor.u32 v2, v12;
	v14 =	vsub.f32 v9, v7;
	v7 =	vld.idx.msk [tilespmem:v10+s14+$0x0], $0xffff  }
0xfa: {  	s0 =	sadd.s32 $0x10, s0;
	v10 =	vor.u32 v0, v12;
	v9 =	vld [tilespmem:s1+$0x0];
	v11 =	vsel vm0, v11, v13;
	vm0 =	vgt.s32 v6, $0x0  }
0xfb: {  	v6 =	vld [tilespmem:s0+$0x0];
	v8 =	vand.u32 $0x7FFFFFFF, v14;
	v12 =	vnsel vm0, $0x0, v11;
	v13 =	vsel vm0, $0x3F800000, v3  }
0xfc: {  	v11 =	vmul.f32 $5.000000000e-01, v8;
	v5 =	vadd.f32 v12, v5;
	v4 =	vadd.f32 v13, v4  }
0xfd: {  	_ =	sdelay $0x3  }
0xfe: {  	s9 =	simm.s32 $0x0;
	v10 =	vld.idx.msk [tilespmem:v10+s14+$0x0], $0xffff;
	s1 =	sadd.s32 $0x10, s1  }
0xff: {  	v12 =	vmov s9;
	v13 =	vld [tilespmem:s1+$0x0]  }
0x100: {  	s0 =	sadd.s32 $0x10, s0;
	v14 =	vadd.f32 $-5.000000000e-01, v8;
	v11 =	vmul.f32 v11, v8;
	v12 =	vshll.u32 v12, $0x4  }
0x101: {  	vm0 =	vlt.f32 v8, $1.000000000e+00;
	s11 =	simm.s32 $0x880;
	v7 =	vsub.f32 v9, v7;
	v9 =	vld [tilespmem:s0+$0x0];
	s0 =	sadd.s32 $0x10, s0;
	v12 =	vor.u32 v2, v12  }
0x102: {  	v15 =	vld [tilespmem:s0+$0x0];
	[tilespmem:s14], [sflag:$0x2] =	stream.indirect.gather [hbm4b:s3+s10], $0x10, s11, s10, $0xb8;
	v8 =	vsel vm0, v11, v14;
	vm11 =	vgt.s32 v6, $0x0;
	v12 =	vor.u32 v0, v12  }
0x103: {  	v7 =	vand.u32 $0x7FFFFFFF, v7;
	_ =	swait.ge [sflag:s15], $0x800;
	v8 =	vnsel vm11, $0x0, v8  }
0x104: {  	s1 =	simm.s32 $0x10;
	v11 =	vsel vm11, $0x3F800000, v3;
	v6 =	vmul.f32 $5.000000000e-01, v7;
	[sflag:s15] =	ssyncset.done $0x0;
	v10 =	vsub.f32 v13, v10  }
0x105: {  	s9 =	simm.s32 $0x1500;
	v5 =	vadd.f32 v8, v5;
	v8 =	vmov s1;
	v62 =	vadd.f32 $-5.000000000e-01, v7;
	[sflag:s15] =	ssyncadd.s32 $0xFFFFF800  }
0x106: {  	vm12 =	vlt.f32 v7, $1.000000000e+00;
	v8 =	vshll.u32 v8, $0x4;
	v63 =	vld [tilespmem:s9+$0x0];
	v10 =	vand.u32 $0x7FFFFFFF, v10  }
0x107: {  	v6 =	vmul.f32 v6, v7;
	v8 =	vor.u32 v2, v8;
	v12 =	vld.idx.msk [tilespmem:v12+s12+$0x0], $0xffff;
	v7 =	vmul.f32 $5.000000000e-01, v10  }
0x108: {  	v4 =	vadd.f32 v11, v4;
	vm13 =	vgt.s32 v9, $0x0;
	v8 =	vor.u32 v0, v8  }
0x109: {  	v6 =	vsel vm12, v6, v62;
	v9 =	vadd.f32 $-5.000000000e-01, v10;
	v7 =	vmul.f32 v7, v10  }
0x10a: {  	s11 =	simm.s32 $0x20;
	v11 =	vsel vm13, $0x3F800000, v3;
	vm14 =	vlt.f32 v10, $1.000000000e+00;
	v6 =	vnsel vm13, $0x0, v6  }
0x10b: {  	v5 =	vadd.f32 v6, v5;
	v6 =	vsel vm14, v7, v9;
	v7 =	vmov s11  }
0x10c: {  	vm15 =	vgt.s32 v15, $0x0;
	v10 =	vsub.f32 v63, v12;
	v7 =	vshll.u32 v7, $0x4  }
0x10d: {  	s31 =	simm.s32 $0x1510;
	v4 =	vadd.f32 v11, v4;
	v9 =	vnsel vm15, $0x0, v6;
	v6 =	vld.idx.msk [tilespmem:v8+s12+$0x0], $0xffff;
	v7 =	vor.u32 v2, v7  }
0x10e: {  	s0 =	simm.s32 $0x100;
	v5 =	vadd.f32 v9, v5;
	v9 =	vld [tilespmem:s31+$0x0];
	v8 =	vand.u32 $0x7FFFFFFF, v10;
	v10 =	vor.u32 v0, v7  }
0x10f: {  	v11 =	vsel vm15, $0x3F800000, v3;
	v7 =	vld [tilespmem:s0+$0x0]  }
0x110: {  	s1 =	simm.s32 $0x30;
	v4 =	vadd.f32 v11, v4;
	v11 =	vmul.f32 $5.000000000e-01, v8  }
.LBB2_20:
0x111: {  	v12 =	vmov s1;
	p0 =	sne.s32 s1, $0x70;
	s1 =	sadd.s32 $0x10, s1  }
.Ltmp9:
0x112: {  	v13 =	vadd.f32 $-5.000000000e-01, v8;
	v12 =	vshll.u32 v12, $0x4;
	v11 =	vmul.f32 v11, v8;
	(pc) =	sbr.rel @p0 .LBB2_20-.Ltmp9, $4  }
0x113: {  	s31 =	sadd.s32 $0x10, s31;
	vm0 =	vlt.f32 v8, $1.000000000e+00;
	v12 =	vor.u32 v2, v12;
	v14 =	vsub.f32 v9, v6;
	v6 =	vld.idx.msk [tilespmem:v10+s12+$0x0], $0xffff  }
0x114: {  	s0 =	sadd.s32 $0x10, s0;
	v10 =	vor.u32 v0, v12;
	v9 =	vld [tilespmem:s31+$0x0];
	v11 =	vsel vm0, v11, v13;
	vm0 =	vgt.s32 v7, $0x0  }
0x115: {  	v7 =	vld [tilespmem:s0+$0x0];
	v8 =	vand.u32 $0x7FFFFFFF, v14;
	v12 =	vnsel vm0, $0x0, v11;
	v13 =	vsel vm0, $0x3F800000, v3  }
0x116: {  	v11 =	vmul.f32 $5.000000000e-01, v8;
	v5 =	vadd.f32 v12, v5;
	v4 =	vadd.f32 v13, v4  }
0x117: {  	_ =	sdelay $0x2  }
0x118: {  	s1 =	simm.s32 $0x0  }
0x119: {  	v10 =	vld.idx.msk [tilespmem:v10+s12+$0x0], $0xffff;
	s9 =	sadd.s32 $0x10, s31;
	v12 =	vmov s1  }
0x11a: {  	s0 =	sadd.s32 $0x10, s0;
	v14 =	vadd.f32 $-5.000000000e-01, v8;
	v13 =	vld [tilespmem:s9+$0x0];
	v11 =	vmul.f32 v11, v8;
	v12 =	vshll.u32 v12, $0x4  }
0x11b: {  	vm0 =	vlt.f32 v8, $1.000000000e+00;
	s11 =	simm.s32 $0x900;
	v6 =	vsub.f32 v9, v6;
	v9 =	vld [tilespmem:s0+$0x0];
	s0 =	sadd.s32 $0x10, s0;
	v12 =	vor.u32 v2, v12  }
0x11c: {  	v15 =	vld [tilespmem:s0+$0x0];
	[tilespmem:s12], [sflag:$0x1] =	stream.indirect.gather [hbm4b:s3+s10], $0x10, s11, s10, $0xb8;
	v8 =	vsel vm0, v11, v14;
	vm11 =	vgt.s32 v7, $0x0;
	v12 =	vor.u32 v0, v12  }
0x11d: {  	v6 =	vand.u32 $0x7FFFFFFF, v6;
	_ =	swait.ge [sflag:s17], $0x800;
	v8 =	vnsel vm11, $0x0, v8  }
0x11e: {  	s1 =	simm.s32 $0x10;
	v11 =	vsel vm11, $0x3F800000, v3;
	v7 =	vmul.f32 $5.000000000e-01, v6;
	[sflag:s17] =	ssyncset.done $0x0;
	v5 =	vadd.f32 v8, v5  }
0x11f: {  	s9 =	simm.s32 $0x1900;
	v8 =	vmov s1;
	v62 =	vadd.f32 $-5.000000000e-01, v6;
	v10 =	vsub.f32 v13, v10;
	[sflag:s17] =	ssyncadd.s32 $0xFFFFF800  }
0x120: {  	vm12 =	vlt.f32 v6, $1.000000000e+00;
	v4 =	vadd.f32 v11, v4;
	v8 =	vshll.u32 v8, $0x4;
	v63 =	vld [tilespmem:s9+$0x0]  }
0x121: {  	v7 =	vmul.f32 v7, v6;
	v8 =	vor.u32 v2, v8;
	v10 =	vand.u32 $0x7FFFFFFF, v10;
	v12 =	vld.idx.msk [tilespmem:v12+s14+$0x0], $0xffff  }
0x122: {  	vm13 =	vgt.s32 v9, $0x0;
	v8 =	vor.u32 v0, v8;
	v6 =	vmul.f32 $5.000000000e-01, v10  }
0x123: {  	v11 =	vsel vm13, $0x3F800000, v3;
	vm15 =	vgt.s32 v15, $0x0;
	v7 =	vsel vm12, v7, v62  }
0x124: {  	s11 =	simm.s32 $0x20;
	v9 =	vadd.f32 $-5.000000000e-01, v10;
	v7 =	vnsel vm13, $0x0, v7;
	v6 =	vmul.f32 v6, v10  }
0x125: {  	vm14 =	vlt.f32 v10, $1.000000000e+00;
	v5 =	vadd.f32 v7, v5;
	v7 =	vmov s11  }
0x126: {  	v7 =	vshll.u32 v7, $0x4;
	v6 =	vsel vm14, v6, v9;
	v10 =	vsub.f32 v63, v12  }
0x127: {  	s31 =	simm.s32 $0x1910;
	v4 =	vadd.f32 v11, v4;
	v7 =	vor.u32 v2, v7;
	v9 =	vnsel vm15, $0x0, v6;
	v6 =	vld.idx.msk [tilespmem:v8+s14+$0x0], $0xffff  }
0x128: {  	s0 =	simm.s32 $0x100;
	v5 =	vadd.f32 v9, v5;
	v9 =	vld [tilespmem:s31+$0x0];
	v8 =	vand.u32 $0x7FFFFFFF, v10;
	v10 =	vor.u32 v0, v7  }
0x129: {  	v11 =	vsel vm15, $0x3F800000, v3;
	v7 =	vld [tilespmem:s0+$0x0]  }
0x12a: {  	s1 =	simm.s32 $0x30;
	v4 =	vadd.f32 v11, v4;
	v11 =	vmul.f32 $5.000000000e-01, v8  }
.LBB2_22:
0x12b: {  	v12 =	vmov s1;
	p0 =	sne.s32 s1, $0x70;
	s1 =	sadd.s32 $0x10, s1  }
.Ltmp10:
0x12c: {  	v13 =	vadd.f32 $-5.000000000e-01, v8;
	v12 =	vshll.u32 v12, $0x4;
	v11 =	vmul.f32 v11, v8;
	(pc) =	sbr.rel @p0 .LBB2_22-.Ltmp10, $4  }
0x12d: {  	s31 =	sadd.s32 $0x10, s31;
	vm0 =	vlt.f32 v8, $1.000000000e+00;
	v12 =	vor.u32 v2, v12;
	v14 =	vsub.f32 v9, v6;
	v6 =	vld.idx.msk [tilespmem:v10+s14+$0x0], $0xffff  }
0x12e: {  	s0 =	sadd.s32 $0x10, s0;
	v10 =	vor.u32 v0, v12;
	v9 =	vld [tilespmem:s31+$0x0];
	v11 =	vsel vm0, v11, v13;
	vm0 =	vgt.s32 v7, $0x0  }
0x12f: {  	v7 =	vld [tilespmem:s0+$0x0];
	v8 =	vand.u32 $0x7FFFFFFF, v14;
	v12 =	vnsel vm0, $0x0, v11;
	v13 =	vsel vm0, $0x3F800000, v3  }
0x130: {  	v11 =	vmul.f32 $5.000000000e-01, v8;
	v5 =	vadd.f32 v12, v5;
	v4 =	vadd.f32 v13, v4  }
0x131: {  	_ =	sdelay $0x2  }
0x132: {  	s1 =	simm.s32 $0x0  }
0x133: {  	v10 =	vld.idx.msk [tilespmem:v10+s14+$0x0], $0xffff;
	s9 =	sadd.s32 $0x10, s31;
	v12 =	vmov s1  }
0x134: {  	s0 =	sadd.s32 $0x10, s0;
	v14 =	vadd.f32 $-5.000000000e-01, v8;
	v13 =	vld [tilespmem:s9+$0x0];
	v11 =	vmul.f32 v11, v8;
	v12 =	vshll.u32 v12, $0x4  }
0x135: {  	vm0 =	vlt.f32 v8, $1.000000000e+00;
	s11 =	simm.s32 $0x980;
	v6 =	vsub.f32 v9, v6;
	v9 =	vld [tilespmem:s0+$0x0];
	s0 =	sadd.s32 $0x10, s0;
	v12 =	vor.u32 v2, v12  }
0x136: {  	v15 =	vld [tilespmem:s0+$0x0];
	[tilespmem:s14], [sflag:$0x2] =	stream.indirect.gather [hbm4b:s3+s10], $0x10, s11, s10, $0xb8;
	v8 =	vsel vm0, v11, v14;
	vm11 =	vgt.s32 v7, $0x0;
	v12 =	vor.u32 v0, v12  }
0x137: {  	v6 =	vand.u32 $0x7FFFFFFF, v6;
	_ =	swait.ge [sflag:s15], $0x800;
	v8 =	vnsel vm11, $0x0, v8  }
0x138: {  	s1 =	simm.s32 $0x10;
	v11 =	vsel vm11, $0x3F800000, v3;
	v7 =	vmul.f32 $5.000000000e-01, v6;
	[sflag:s15] =	ssyncset.done $0x0;
	v5 =	vadd.f32 v8, v5  }
0x139: {  	s9 =	simm.s32 $0x1D00;
	v8 =	vmov s1;
	v62 =	vadd.f32 $-5.000000000e-01, v6;
	v10 =	vsub.f32 v13, v10;
	[sflag:s15] =	ssyncadd.s32 $0xFFFFF800  }
0x13a: {  	vm12 =	vlt.f32 v6, $1.000000000e+00;
	v4 =	vadd.f32 v11, v4;
	v8 =	vshll.u32 v8, $0x4;
	v63 =	vld [tilespmem:s9+$0x0]  }
0x13b: {  	v7 =	vmul.f32 v7, v6;
	v8 =	vor.u32 v2, v8;
	v10 =	vand.u32 $0x7FFFFFFF, v10;
	v12 =	vld.idx.msk [tilespmem:v12+s12+$0x0], $0xffff  }
0x13c: {  	vm13 =	vgt.s32 v9, $0x0;
	v8 =	vor.u32 v0, v8;
	v6 =	vmul.f32 $5.000000000e-01, v10  }
0x13d: {  	v11 =	vsel vm13, $0x3F800000, v3;
	vm15 =	vgt.s32 v15, $0x0;
	v7 =	vsel vm12, v7, v62  }
0x13e: {  	s11 =	simm.s32 $0x20;
	v9 =	vadd.f32 $-5.000000000e-01, v10;
	v7 =	vnsel vm13, $0x0, v7;
	v6 =	vmul.f32 v6, v10  }
0x13f: {  	vm14 =	vlt.f32 v10, $1.000000000e+00;
	v5 =	vadd.f32 v7, v5;
	v7 =	vmov s11  }
0x140: {  	v7 =	vshll.u32 v7, $0x4;
	v6 =	vsel vm14, v6, v9;
	v10 =	vsub.f32 v63, v12  }
0x141: {  	s31 =	simm.s32 $0x1D10;
	v4 =	vadd.f32 v11, v4;
	v7 =	vor.u32 v2, v7;
	v9 =	vnsel vm15, $0x0, v6;
	v6 =	vld.idx.msk [tilespmem:v8+s12+$0x0], $0xffff  }
0x142: {  	s0 =	simm.s32 $0x100;
	v5 =	vadd.f32 v9, v5;
	v9 =	vld [tilespmem:s31+$0x0];
	v8 =	vand.u32 $0x7FFFFFFF, v10;
	v10 =	vor.u32 v0, v7  }
0x143: {  	v11 =	vsel vm15, $0x3F800000, v3;
	v7 =	vld [tilespmem:s0+$0x0]  }
0x144: {  	s1 =	simm.s32 $0x30;
	v4 =	vadd.f32 v11, v4;
	v11 =	vmul.f32 $5.000000000e-01, v8  }
.LBB2_24:
0x145: {  	v12 =	vmov s1;
	p0 =	sne.s32 s1, $0x70;
	s1 =	sadd.s32 $0x10, s1  }
.Ltmp11:
0x146: {  	v13 =	vadd.f32 $-5.000000000e-01, v8;
	v12 =	vshll.u32 v12, $0x4;
	v11 =	vmul.f32 v11, v8;
	(pc) =	sbr.rel @p0 .LBB2_24-.Ltmp11, $4  }
0x147: {  	s31 =	sadd.s32 $0x10, s31;
	vm0 =	vlt.f32 v8, $1.000000000e+00;
	v12 =	vor.u32 v2, v12;
	v14 =	vsub.f32 v9, v6;
	v6 =	vld.idx.msk [tilespmem:v10+s12+$0x0], $0xffff  }
0x148: {  	s0 =	sadd.s32 $0x10, s0;
	v10 =	vor.u32 v0, v12;
	v9 =	vld [tilespmem:s31+$0x0];
	v11 =	vsel vm0, v11, v13;
	vm0 =	vgt.s32 v7, $0x0  }
0x149: {  	v7 =	vld [tilespmem:s0+$0x0];
	v8 =	vand.u32 $0x7FFFFFFF, v14;
	v12 =	vnsel vm0, $0x0, v11;
	v13 =	vsel vm0, $0x3F800000, v3  }
0x14a: {  	v11 =	vmul.f32 $5.000000000e-01, v8;
	v5 =	vadd.f32 v12, v5;
	v4 =	vadd.f32 v13, v4  }
0x14b: {  	_ =	sdelay $0x2  }
0x14c: {  	s1 =	simm.s32 $0x0  }
0x14d: {  	v10 =	vld.idx.msk [tilespmem:v10+s12+$0x0], $0xffff;
	s9 =	sadd.s32 $0x10, s31;
	v12 =	vmov s1  }
0x14e: {  	s0 =	sadd.s32 $0x10, s0;
	v14 =	vadd.f32 $-5.000000000e-01, v8;
	v13 =	vld [tilespmem:s9+$0x0];
	v11 =	vmul.f32 v11, v8;
	v12 =	vshll.u32 v12, $0x4  }
0x14f: {  	vm0 =	vlt.f32 v8, $1.000000000e+00;
	s11 =	simm.s32 $0xA00;
	v6 =	vsub.f32 v9, v6;
	v9 =	vld [tilespmem:s0+$0x0];
	s0 =	sadd.s32 $0x10, s0;
	v12 =	vor.u32 v2, v12  }
0x150: {  	v15 =	vld [tilespmem:s0+$0x0];
	[tilespmem:s12], [sflag:$0x1] =	stream.indirect.gather [hbm4b:s3+s10], $0x10, s11, s10, $0xb8;
	v8 =	vsel vm0, v11, v14;
	vm11 =	vgt.s32 v7, $0x0;
	v12 =	vor.u32 v0, v12  }
0x151: {  	v6 =	vand.u32 $0x7FFFFFFF, v6;
	_ =	swait.ge [sflag:s17], $0x800;
	v8 =	vnsel vm11, $0x0, v8  }
0x152: {  	s1 =	simm.s32 $0x10;
	v11 =	vsel vm11, $0x3F800000, v3;
	v7 =	vmul.f32 $5.000000000e-01, v6;
	[sflag:s17] =	ssyncset.done $0x0;
	v5 =	vadd.f32 v8, v5  }
0x153: {  	s9 =	simm.s32 $0x2100;
	v8 =	vmov s1;
	v62 =	vadd.f32 $-5.000000000e-01, v6;
	v10 =	vsub.f32 v13, v10;
	[sflag:s17] =	ssyncadd.s32 $0xFFFFF800  }
0x154: {  	vm12 =	vlt.f32 v6, $1.000000000e+00;
	v4 =	vadd.f32 v11, v4;
	v8 =	vshll.u32 v8, $0x4;
	v63 =	vld [tilespmem:s9+$0x0]  }
0x155: {  	v7 =	vmul.f32 v7, v6;
	v8 =	vor.u32 v2, v8;
	v10 =	vand.u32 $0x7FFFFFFF, v10;
	v12 =	vld.idx.msk [tilespmem:v12+s14+$0x0], $0xffff  }
0x156: {  	vm13 =	vgt.s32 v9, $0x0;
	v8 =	vor.u32 v0, v8;
	v6 =	vmul.f32 $5.000000000e-01, v10  }
0x157: {  	v11 =	vsel vm13, $0x3F800000, v3;
	vm15 =	vgt.s32 v15, $0x0;
	v7 =	vsel vm12, v7, v62  }
0x158: {  	s11 =	simm.s32 $0x20;
	v9 =	vadd.f32 $-5.000000000e-01, v10;
	v7 =	vnsel vm13, $0x0, v7;
	v6 =	vmul.f32 v6, v10  }
0x159: {  	vm14 =	vlt.f32 v10, $1.000000000e+00;
	v5 =	vadd.f32 v7, v5;
	v7 =	vmov s11  }
0x15a: {  	v7 =	vshll.u32 v7, $0x4;
	v6 =	vsel vm14, v6, v9;
	v10 =	vsub.f32 v63, v12  }
0x15b: {  	s31 =	simm.s32 $0x2110;
	v4 =	vadd.f32 v11, v4;
	v7 =	vor.u32 v2, v7;
	v9 =	vnsel vm15, $0x0, v6;
	v6 =	vld.idx.msk [tilespmem:v8+s14+$0x0], $0xffff  }
0x15c: {  	s0 =	simm.s32 $0x100;
	v5 =	vadd.f32 v9, v5;
	v9 =	vld [tilespmem:s31+$0x0];
	v8 =	vand.u32 $0x7FFFFFFF, v10;
	v10 =	vor.u32 v0, v7  }
0x15d: {  	v11 =	vsel vm15, $0x3F800000, v3;
	v7 =	vld [tilespmem:s0+$0x0]  }
0x15e: {  	s1 =	simm.s32 $0x30;
	v4 =	vadd.f32 v11, v4;
	v11 =	vmul.f32 $5.000000000e-01, v8  }
.LBB2_26:
0x15f: {  	v12 =	vmov s1;
	p0 =	sne.s32 s1, $0x70;
	s1 =	sadd.s32 $0x10, s1  }
.Ltmp12:
0x160: {  	v13 =	vadd.f32 $-5.000000000e-01, v8;
	v12 =	vshll.u32 v12, $0x4;
	v11 =	vmul.f32 v11, v8;
	(pc) =	sbr.rel @p0 .LBB2_26-.Ltmp12, $4  }
0x161: {  	s31 =	sadd.s32 $0x10, s31;
	vm0 =	vlt.f32 v8, $1.000000000e+00;
	v12 =	vor.u32 v2, v12;
	v14 =	vsub.f32 v9, v6;
	v6 =	vld.idx.msk [tilespmem:v10+s14+$0x0], $0xffff  }
0x162: {  	s0 =	sadd.s32 $0x10, s0;
	v10 =	vor.u32 v0, v12;
	v9 =	vld [tilespmem:s31+$0x0];
	v11 =	vsel vm0, v11, v13;
	vm0 =	vgt.s32 v7, $0x0  }
0x163: {  	v7 =	vld [tilespmem:s0+$0x0];
	v8 =	vand.u32 $0x7FFFFFFF, v14;
	v12 =	vnsel vm0, $0x0, v11;
	v13 =	vsel vm0, $0x3F800000, v3  }
0x164: {  	v11 =	vmul.f32 $5.000000000e-01, v8;
	v5 =	vadd.f32 v12, v5;
	v4 =	vadd.f32 v13, v4  }
0x165: {  	_ =	sdelay $0x2  }
0x166: {  	s1 =	simm.s32 $0x0  }
0x167: {  	v10 =	vld.idx.msk [tilespmem:v10+s14+$0x0], $0xffff;
	s9 =	sadd.s32 $0x10, s31;
	v12 =	vmov s1  }
0x168: {  	s0 =	sadd.s32 $0x10, s0;
	v14 =	vadd.f32 $-5.000000000e-01, v8;
	v13 =	vld [tilespmem:s9+$0x0];
	v11 =	vmul.f32 v11, v8;
	v12 =	vshll.u32 v12, $0x4  }
0x169: {  	vm0 =	vlt.f32 v8, $1.000000000e+00;
	s11 =	simm.s32 $0xA80;
	v6 =	vsub.f32 v9, v6;
	v9 =	vld [tilespmem:s0+$0x0];
	s0 =	sadd.s32 $0x10, s0;
	v12 =	vor.u32 v2, v12  }
0x16a: {  	v15 =	vld [tilespmem:s0+$0x0];
	[tilespmem:s14], [sflag:$0x2] =	stream.indirect.gather [hbm4b:s3+s10], $0x10, s11, s10, $0xb8;
	v8 =	vsel vm0, v11, v14;
	vm11 =	vgt.s32 v7, $0x0;
	v12 =	vor.u32 v0, v12  }
0x16b: {  	v6 =	vand.u32 $0x7FFFFFFF, v6;
	_ =	swait.ge [sflag:s15], $0x800;
	v8 =	vnsel vm11, $0x0, v8  }
0x16c: {  	s1 =	simm.s32 $0x10;
	v11 =	vsel vm11, $0x3F800000, v3;
	v7 =	vmul.f32 $5.000000000e-01, v6;
	[sflag:s15] =	ssyncset.done $0x0;
	v5 =	vadd.f32 v8, v5  }
0x16d: {  	s9 =	simm.s32 $0x1580;
	v8 =	vmov s1;
	v62 =	vadd.f32 $-5.000000000e-01, v6;
	v10 =	vsub.f32 v13, v10;
	[sflag:s15] =	ssyncadd.s32 $0xFFFFF800  }
0x16e: {  	vm12 =	vlt.f32 v6, $1.000000000e+00;
	v4 =	vadd.f32 v11, v4;
	v8 =	vshll.u32 v8, $0x4;
	v63 =	vld [tilespmem:s9+$0x0]  }
0x16f: {  	v7 =	vmul.f32 v7, v6;
	v8 =	vor.u32 v2, v8;
	v10 =	vand.u32 $0x7FFFFFFF, v10;
	v12 =	vld.idx.msk [tilespmem:v12+s12+$0x0], $0xffff  }
0x170: {  	vm13 =	vgt.s32 v9, $0x0;
	v8 =	vor.u32 v0, v8;
	v6 =	vmul.f32 $5.000000000e-01, v10  }
0x171: {  	v11 =	vsel vm13, $0x3F800000, v3;
	vm15 =	vgt.s32 v15, $0x0;
	v7 =	vsel vm12, v7, v62  }
0x172: {  	s11 =	simm.s32 $0x20;
	v9 =	vadd.f32 $-5.000000000e-01, v10;
	v7 =	vnsel vm13, $0x0, v7;
	v6 =	vmul.f32 v6, v10  }
0x173: {  	vm14 =	vlt.f32 v10, $1.000000000e+00;
	v5 =	vadd.f32 v7, v5;
	v7 =	vmov s11  }
0x174: {  	v7 =	vshll.u32 v7, $0x4;
	v6 =	vsel vm14, v6, v9;
	v10 =	vsub.f32 v63, v12  }
0x175: {  	s31 =	simm.s32 $0x1590;
	v4 =	vadd.f32 v11, v4;
	v7 =	vor.u32 v2, v7;
	v9 =	vnsel vm15, $0x0, v6;
	v6 =	vld.idx.msk [tilespmem:v8+s12+$0x0], $0xffff  }
0x176: {  	s0 =	simm.s32 $0x180;
	v5 =	vadd.f32 v9, v5;
	v9 =	vld [tilespmem:s31+$0x0];
	v8 =	vand.u32 $0x7FFFFFFF, v10;
	v10 =	vor.u32 v0, v7  }
0x177: {  	v11 =	vsel vm15, $0x3F800000, v3;
	v7 =	vld [tilespmem:s0+$0x0]  }
0x178: {  	s1 =	simm.s32 $0x30;
	v4 =	vadd.f32 v11, v4;
	v11 =	vmul.f32 $5.000000000e-01, v8  }
.LBB2_28:
0x179: {  	v12 =	vmov s1;
	p0 =	sne.s32 s1, $0x70;
	s1 =	sadd.s32 $0x10, s1  }
.Ltmp13:
0x17a: {  	v13 =	vadd.f32 $-5.000000000e-01, v8;
	v12 =	vshll.u32 v12, $0x4;
	v11 =	vmul.f32 v11, v8;
	(pc) =	sbr.rel @p0 .LBB2_28-.Ltmp13, $4  }
0x17b: {  	s31 =	sadd.s32 $0x10, s31;
	vm0 =	vlt.f32 v8, $1.000000000e+00;
	v12 =	vor.u32 v2, v12;
	v14 =	vsub.f32 v9, v6;
	v6 =	vld.idx.msk [tilespmem:v10+s12+$0x0], $0xffff  }
0x17c: {  	s0 =	sadd.s32 $0x10, s0;
	v10 =	vor.u32 v0, v12;
	v9 =	vld [tilespmem:s31+$0x0];
	v11 =	vsel vm0, v11, v13;
	vm0 =	vgt.s32 v7, $0x0  }
0x17d: {  	v7 =	vld [tilespmem:s0+$0x0];
	v8 =	vand.u32 $0x7FFFFFFF, v14;
	v12 =	vnsel vm0, $0x0, v11;
	v13 =	vsel vm0, $0x3F800000, v3  }
0x17e: {  	v11 =	vmul.f32 $5.000000000e-01, v8;
	v5 =	vadd.f32 v12, v5;
	v4 =	vadd.f32 v13, v4  }
0x17f: {  	_ =	sdelay $0x2  }
0x180: {  	s1 =	simm.s32 $0x0  }
0x181: {  	v10 =	vld.idx.msk [tilespmem:v10+s12+$0x0], $0xffff;
	s9 =	sadd.s32 $0x10, s31;
	v12 =	vmov s1  }
0x182: {  	s0 =	sadd.s32 $0x10, s0;
	v14 =	vadd.f32 $-5.000000000e-01, v8;
	v13 =	vld [tilespmem:s9+$0x0];
	v11 =	vmul.f32 v11, v8;
	v12 =	vshll.u32 v12, $0x4  }
0x183: {  	vm0 =	vlt.f32 v8, $1.000000000e+00;
	s11 =	simm.s32 $0xB00;
	v6 =	vsub.f32 v9, v6;
	v9 =	vld [tilespmem:s0+$0x0];
	s0 =	sadd.s32 $0x10, s0;
	v12 =	vor.u32 v2, v12  }
0x184: {  	v15 =	vld [tilespmem:s0+$0x0];
	[tilespmem:s12], [sflag:$0x1] =	stream.indirect.gather [hbm4b:s3+s10], $0x10, s11, s10, $0xb8;
	v8 =	vsel vm0, v11, v14;
	vm11 =	vgt.s32 v7, $0x0;
	v12 =	vor.u32 v0, v12  }
0x185: {  	v6 =	vand.u32 $0x7FFFFFFF, v6;
	_ =	swait.ge [sflag:s17], $0x800;
	v8 =	vnsel vm11, $0x0, v8  }
0x186: {  	s1 =	simm.s32 $0x10;
	v11 =	vsel vm11, $0x3F800000, v3;
	v7 =	vmul.f32 $5.000000000e-01, v6;
	[sflag:s17] =	ssyncset.done $0x0;
	v5 =	vadd.f32 v8, v5  }
0x187: {  	s9 =	simm.s32 $0x1980;
	v8 =	vmov s1;
	v62 =	vadd.f32 $-5.000000000e-01, v6;
	v10 =	vsub.f32 v13, v10;
	[sflag:s17] =	ssyncadd.s32 $0xFFFFF800  }
0x188: {  	vm12 =	vlt.f32 v6, $1.000000000e+00;
	v4 =	vadd.f32 v11, v4;
	v8 =	vshll.u32 v8, $0x4;
	v63 =	vld [tilespmem:s9+$0x0]  }
0x189: {  	v7 =	vmul.f32 v7, v6;
	v8 =	vor.u32 v2, v8;
	v10 =	vand.u32 $0x7FFFFFFF, v10;
	v12 =	vld.idx.msk [tilespmem:v12+s14+$0x0], $0xffff  }
0x18a: {  	vm13 =	vgt.s32 v9, $0x0;
	v8 =	vor.u32 v0, v8;
	v6 =	vmul.f32 $5.000000000e-01, v10  }
0x18b: {  	v11 =	vsel vm13, $0x3F800000, v3;
	vm15 =	vgt.s32 v15, $0x0;
	v7 =	vsel vm12, v7, v62  }
0x18c: {  	s11 =	simm.s32 $0x20;
	v9 =	vadd.f32 $-5.000000000e-01, v10;
	v7 =	vnsel vm13, $0x0, v7;
	v6 =	vmul.f32 v6, v10  }
0x18d: {  	vm14 =	vlt.f32 v10, $1.000000000e+00;
	v5 =	vadd.f32 v7, v5;
	v7 =	vmov s11  }
0x18e: {  	v7 =	vshll.u32 v7, $0x4;
	v6 =	vsel vm14, v6, v9;
	v10 =	vsub.f32 v63, v12  }
0x18f: {  	s31 =	simm.s32 $0x1990;
	v4 =	vadd.f32 v11, v4;
	v7 =	vor.u32 v2, v7;
	v9 =	vnsel vm15, $0x0, v6;
	v6 =	vld.idx.msk [tilespmem:v8+s14+$0x0], $0xffff  }
0x190: {  	s0 =	simm.s32 $0x180;
	v5 =	vadd.f32 v9, v5;
	v9 =	vld [tilespmem:s31+$0x0];
	v8 =	vand.u32 $0x7FFFFFFF, v10;
	v10 =	vor.u32 v0, v7  }
0x191: {  	v11 =	vsel vm15, $0x3F800000, v3;
	v7 =	vld [tilespmem:s0+$0x0]  }
0x192: {  	s1 =	simm.s32 $0x30;
	v4 =	vadd.f32 v11, v4;
	v11 =	vmul.f32 $5.000000000e-01, v8  }
.LBB2_30:
0x193: {  	v12 =	vmov s1;
	p0 =	sne.s32 s1, $0x70;
	s1 =	sadd.s32 $0x10, s1  }
.Ltmp14:
0x194: {  	v13 =	vadd.f32 $-5.000000000e-01, v8;
	v12 =	vshll.u32 v12, $0x4;
	v11 =	vmul.f32 v11, v8;
	(pc) =	sbr.rel @p0 .LBB2_30-.Ltmp14, $4  }
0x195: {  	s31 =	sadd.s32 $0x10, s31;
	vm0 =	vlt.f32 v8, $1.000000000e+00;
	v12 =	vor.u32 v2, v12;
	v14 =	vsub.f32 v9, v6;
	v6 =	vld.idx.msk [tilespmem:v10+s14+$0x0], $0xffff  }
0x196: {  	s0 =	sadd.s32 $0x10, s0;
	v10 =	vor.u32 v0, v12;
	v9 =	vld [tilespmem:s31+$0x0];
	v11 =	vsel vm0, v11, v13;
	vm0 =	vgt.s32 v7, $0x0  }
0x197: {  	v7 =	vld [tilespmem:s0+$0x0];
	v8 =	vand.u32 $0x7FFFFFFF, v14;
	v12 =	vnsel vm0, $0x0, v11;
	v13 =	vsel vm0, $0x3F800000, v3  }
0x198: {  	v11 =	vmul.f32 $5.000000000e-01, v8;
	v5 =	vadd.f32 v12, v5;
	v4 =	vadd.f32 v13, v4  }
0x199: {  	_ =	sdelay $0x2  }
0x19a: {  	s1 =	simm.s32 $0x0  }
0x19b: {  	v10 =	vld.idx.msk [tilespmem:v10+s14+$0x0], $0xffff;
	s9 =	sadd.s32 $0x10, s31;
	v12 =	vmov s1  }
0x19c: {  	s0 =	sadd.s32 $0x10, s0;
	v14 =	vadd.f32 $-5.000000000e-01, v8;
	v13 =	vld [tilespmem:s9+$0x0];
	v11 =	vmul.f32 v11, v8;
	v12 =	vshll.u32 v12, $0x4  }
0x19d: {  	vm0 =	vlt.f32 v8, $1.000000000e+00;
	s11 =	simm.s32 $0xB80;
	v6 =	vsub.f32 v9, v6;
	v9 =	vld [tilespmem:s0+$0x0];
	s0 =	sadd.s32 $0x10, s0;
	v12 =	vor.u32 v2, v12  }
0x19e: {  	v15 =	vld [tilespmem:s0+$0x0];
	[tilespmem:s14], [sflag:$0x2] =	stream.indirect.gather [hbm4b:s3+s10], $0x10, s11, s10, $0xb8;
	v8 =	vsel vm0, v11, v14;
	vm11 =	vgt.s32 v7, $0x0;
	v12 =	vor.u32 v0, v12  }
0x19f: {  	v6 =	vand.u32 $0x7FFFFFFF, v6;
	_ =	swait.ge [sflag:s15], $0x800;
	v8 =	vnsel vm11, $0x0, v8  }
0x1a0: {  	s1 =	simm.s32 $0x10;
	v11 =	vsel vm11, $0x3F800000, v3;
	v7 =	vmul.f32 $5.000000000e-01, v6;
	[sflag:s15] =	ssyncset.done $0x0;
	v5 =	vadd.f32 v8, v5  }
0x1a1: {  	s9 =	simm.s32 $0x1D80;
	v8 =	vmov s1;
	v62 =	vadd.f32 $-5.000000000e-01, v6;
	v10 =	vsub.f32 v13, v10;
	[sflag:s15] =	ssyncadd.s32 $0xFFFFF800  }
0x1a2: {  	vm12 =	vlt.f32 v6, $1.000000000e+00;
	v4 =	vadd.f32 v11, v4;
	v8 =	vshll.u32 v8, $0x4;
	v63 =	vld [tilespmem:s9+$0x0]  }
0x1a3: {  	v7 =	vmul.f32 v7, v6;
	v8 =	vor.u32 v2, v8;
	v10 =	vand.u32 $0x7FFFFFFF, v10;
	v12 =	vld.idx.msk [tilespmem:v12+s12+$0x0], $0xffff  }
0x1a4: {  	vm13 =	vgt.s32 v9, $0x0;
	v8 =	vor.u32 v0, v8;
	v6 =	vmul.f32 $5.000000000e-01, v10  }
0x1a5: {  	v11 =	vsel vm13, $0x3F800000, v3;
	vm15 =	vgt.s32 v15, $0x0;
	v7 =	vsel vm12, v7, v62  }
0x1a6: {  	s11 =	simm.s32 $0x20;
	v9 =	vadd.f32 $-5.000000000e-01, v10;
	v7 =	vnsel vm13, $0x0, v7;
	v6 =	vmul.f32 v6, v10  }
0x1a7: {  	vm14 =	vlt.f32 v10, $1.000000000e+00;
	v5 =	vadd.f32 v7, v5;
	v7 =	vmov s11  }
0x1a8: {  	v7 =	vshll.u32 v7, $0x4;
	v6 =	vsel vm14, v6, v9;
	v10 =	vsub.f32 v63, v12  }
0x1a9: {  	s31 =	simm.s32 $0x1D90;
	v4 =	vadd.f32 v11, v4;
	v7 =	vor.u32 v2, v7;
	v9 =	vnsel vm15, $0x0, v6;
	v6 =	vld.idx.msk [tilespmem:v8+s12+$0x0], $0xffff  }
0x1aa: {  	s0 =	simm.s32 $0x180;
	v5 =	vadd.f32 v9, v5;
	v9 =	vld [tilespmem:s31+$0x0];
	v8 =	vand.u32 $0x7FFFFFFF, v10;
	v10 =	vor.u32 v0, v7  }
0x1ab: {  	v11 =	vsel vm15, $0x3F800000, v3;
	v7 =	vld [tilespmem:s0+$0x0]  }
0x1ac: {  	s1 =	simm.s32 $0x30;
	v4 =	vadd.f32 v11, v4;
	v11 =	vmul.f32 $5.000000000e-01, v8  }
.LBB2_32:
0x1ad: {  	v12 =	vmov s1;
	p0 =	sne.s32 s1, $0x70;
	s1 =	sadd.s32 $0x10, s1  }
.Ltmp15:
0x1ae: {  	v13 =	vadd.f32 $-5.000000000e-01, v8;
	v12 =	vshll.u32 v12, $0x4;
	v11 =	vmul.f32 v11, v8;
	(pc) =	sbr.rel @p0 .LBB2_32-.Ltmp15, $4  }
0x1af: {  	s31 =	sadd.s32 $0x10, s31;
	vm0 =	vlt.f32 v8, $1.000000000e+00;
	v12 =	vor.u32 v2, v12;
	v14 =	vsub.f32 v9, v6;
	v6 =	vld.idx.msk [tilespmem:v10+s12+$0x0], $0xffff  }
0x1b0: {  	s0 =	sadd.s32 $0x10, s0;
	v10 =	vor.u32 v0, v12;
	v9 =	vld [tilespmem:s31+$0x0];
	v11 =	vsel vm0, v11, v13;
	vm0 =	vgt.s32 v7, $0x0  }
0x1b1: {  	v7 =	vld [tilespmem:s0+$0x0];
	v8 =	vand.u32 $0x7FFFFFFF, v14;
	v12 =	vnsel vm0, $0x0, v11;
	v13 =	vsel vm0, $0x3F800000, v3  }
0x1b2: {  	v11 =	vmul.f32 $5.000000000e-01, v8;
	v5 =	vadd.f32 v12, v5;
	v4 =	vadd.f32 v13, v4  }
0x1b3: {  	_ =	sdelay $0x2  }
0x1b4: {  	s1 =	simm.s32 $0x0  }
0x1b5: {  	v10 =	vld.idx.msk [tilespmem:v10+s12+$0x0], $0xffff;
	s9 =	sadd.s32 $0x10, s31;
	v12 =	vmov s1  }
0x1b6: {  	s0 =	sadd.s32 $0x10, s0;
	v14 =	vadd.f32 $-5.000000000e-01, v8;
	v13 =	vld [tilespmem:s9+$0x0];
	v11 =	vmul.f32 v11, v8;
	v12 =	vshll.u32 v12, $0x4  }
0x1b7: {  	vm0 =	vlt.f32 v8, $1.000000000e+00;
	s11 =	simm.s32 $0xC00;
	v6 =	vsub.f32 v9, v6;
	v9 =	vld [tilespmem:s0+$0x0];
	s0 =	sadd.s32 $0x10, s0;
	v12 =	vor.u32 v2, v12  }
0x1b8: {  	v15 =	vld [tilespmem:s0+$0x0];
	[tilespmem:s12], [sflag:$0x1] =	stream.indirect.gather [hbm4b:s3+s10], $0x10, s11, s10, $0xb8;
	v8 =	vsel vm0, v11, v14;
	vm11 =	vgt.s32 v7, $0x0;
	v12 =	vor.u32 v0, v12  }
0x1b9: {  	v6 =	vand.u32 $0x7FFFFFFF, v6;
	_ =	swait.ge [sflag:s17], $0x800;
	v8 =	vnsel vm11, $0x0, v8  }
0x1ba: {  	s1 =	simm.s32 $0x10;
	v11 =	vsel vm11, $0x3F800000, v3;
	v7 =	vmul.f32 $5.000000000e-01, v6;
	[sflag:s17] =	ssyncset.done $0x0;
	v5 =	vadd.f32 v8, v5  }
0x1bb: {  	s9 =	simm.s32 $0x2180;
	v8 =	vmov s1;
	v62 =	vadd.f32 $-5.000000000e-01, v6;
	v10 =	vsub.f32 v13, v10;
	[sflag:s17] =	ssyncadd.s32 $0xFFFFF800  }
0x1bc: {  	vm12 =	vlt.f32 v6, $1.000000000e+00;
	v4 =	vadd.f32 v11, v4;
	v8 =	vshll.u32 v8, $0x4;
	v63 =	vld [tilespmem:s9+$0x0]  }
0x1bd: {  	v7 =	vmul.f32 v7, v6;
	v8 =	vor.u32 v2, v8;
	v10 =	vand.u32 $0x7FFFFFFF, v10;
	v12 =	vld.idx.msk [tilespmem:v12+s14+$0x0], $0xffff  }
0x1be: {  	vm13 =	vgt.s32 v9, $0x0;
	v8 =	vor.u32 v0, v8;
	v6 =	vmul.f32 $5.000000000e-01, v10  }
0x1bf: {  	v11 =	vsel vm13, $0x3F800000, v3;
	vm15 =	vgt.s32 v15, $0x0;
	v7 =	vsel vm12, v7, v62  }
0x1c0: {  	s11 =	simm.s32 $0x20;
	v9 =	vadd.f32 $-5.000000000e-01, v10;
	v7 =	vnsel vm13, $0x0, v7;
	v6 =	vmul.f32 v6, v10  }
0x1c1: {  	vm14 =	vlt.f32 v10, $1.000000000e+00;
	v5 =	vadd.f32 v7, v5;
	v7 =	vmov s11  }
0x1c2: {  	v7 =	vshll.u32 v7, $0x4;
	v6 =	vsel vm14, v6, v9;
	v10 =	vsub.f32 v63, v12  }
0x1c3: {  	s31 =	simm.s32 $0x2190;
	v4 =	vadd.f32 v11, v4;
	v7 =	vor.u32 v2, v7;
	v9 =	vnsel vm15, $0x0, v6;
	v6 =	vld.idx.msk [tilespmem:v8+s14+$0x0], $0xffff  }
0x1c4: {  	s0 =	simm.s32 $0x180;
	v5 =	vadd.f32 v9, v5;
	v9 =	vld [tilespmem:s31+$0x0];
	v8 =	vand.u32 $0x7FFFFFFF, v10;
	v10 =	vor.u32 v0, v7  }
0x1c5: {  	v11 =	vsel vm15, $0x3F800000, v3;
	v7 =	vld [tilespmem:s0+$0x0]  }
0x1c6: {  	s1 =	simm.s32 $0x30;
	v4 =	vadd.f32 v11, v4;
	v11 =	vmul.f32 $5.000000000e-01, v8  }
.LBB2_34:
0x1c7: {  	v12 =	vmov s1;
	p0 =	sne.s32 s1, $0x70;
	s1 =	sadd.s32 $0x10, s1  }
.Ltmp16:
0x1c8: {  	v13 =	vadd.f32 $-5.000000000e-01, v8;
	v12 =	vshll.u32 v12, $0x4;
	v11 =	vmul.f32 v11, v8;
	(pc) =	sbr.rel @p0 .LBB2_34-.Ltmp16, $4  }
0x1c9: {  	s31 =	sadd.s32 $0x10, s31;
	vm0 =	vlt.f32 v8, $1.000000000e+00;
	v12 =	vor.u32 v2, v12;
	v14 =	vsub.f32 v9, v6;
	v6 =	vld.idx.msk [tilespmem:v10+s14+$0x0], $0xffff  }
0x1ca: {  	s0 =	sadd.s32 $0x10, s0;
	v10 =	vor.u32 v0, v12;
	v9 =	vld [tilespmem:s31+$0x0];
	v11 =	vsel vm0, v11, v13;
	vm0 =	vgt.s32 v7, $0x0  }
0x1cb: {  	v7 =	vld [tilespmem:s0+$0x0];
	v8 =	vand.u32 $0x7FFFFFFF, v14;
	v12 =	vnsel vm0, $0x0, v11;
	v13 =	vsel vm0, $0x3F800000, v3  }
0x1cc: {  	v11 =	vmul.f32 $5.000000000e-01, v8;
	v5 =	vadd.f32 v12, v5;
	v4 =	vadd.f32 v13, v4  }
0x1cd: {  	_ =	sdelay $0x2  }
0x1ce: {  	s1 =	simm.s32 $0x0  }
0x1cf: {  	v10 =	vld.idx.msk [tilespmem:v10+s14+$0x0], $0xffff;
	s9 =	sadd.s32 $0x10, s31;
	v12 =	vmov s1  }
0x1d0: {  	s0 =	sadd.s32 $0x10, s0;
	v14 =	vadd.f32 $-5.000000000e-01, v8;
	v13 =	vld [tilespmem:s9+$0x0];
	v11 =	vmul.f32 v11, v8;
	v12 =	vshll.u32 v12, $0x4  }
0x1d1: {  	vm0 =	vlt.f32 v8, $1.000000000e+00;
	s11 =	simm.s32 $0xC80;
	v6 =	vsub.f32 v9, v6;
	v9 =	vld [tilespmem:s0+$0x0];
	s0 =	sadd.s32 $0x10, s0;
	v12 =	vor.u32 v2, v12  }
0x1d2: {  	v15 =	vld [tilespmem:s0+$0x0];
	[tilespmem:s14], [sflag:$0x2] =	stream.indirect.gather [hbm4b:s3+s10], $0x10, s11, s10, $0xb8;
	v8 =	vsel vm0, v11, v14;
	vm11 =	vgt.s32 v7, $0x0;
	v12 =	vor.u32 v0, v12  }
0x1d3: {  	v6 =	vand.u32 $0x7FFFFFFF, v6;
	_ =	swait.ge [sflag:s15], $0x800;
	v8 =	vnsel vm11, $0x0, v8  }
0x1d4: {  	s1 =	simm.s32 $0x10;
	v11 =	vsel vm11, $0x3F800000, v3;
	v7 =	vmul.f32 $5.000000000e-01, v6;
	[sflag:s15] =	ssyncset.done $0x0;
	v5 =	vadd.f32 v8, v5  }
0x1d5: {  	s9 =	simm.s32 $0x1600;
	v8 =	vmov s1;
	v62 =	vadd.f32 $-5.000000000e-01, v6;
	v10 =	vsub.f32 v13, v10;
	[sflag:s15] =	ssyncadd.s32 $0xFFFFF800  }
0x1d6: {  	vm12 =	vlt.f32 v6, $1.000000000e+00;
	v4 =	vadd.f32 v11, v4;
	v8 =	vshll.u32 v8, $0x4;
	v63 =	vld [tilespmem:s9+$0x0]  }
0x1d7: {  	v7 =	vmul.f32 v7, v6;
	v8 =	vor.u32 v2, v8;
	v10 =	vand.u32 $0x7FFFFFFF, v10;
	v12 =	vld.idx.msk [tilespmem:v12+s12+$0x0], $0xffff  }
0x1d8: {  	vm13 =	vgt.s32 v9, $0x0;
	v8 =	vor.u32 v0, v8;
	v6 =	vmul.f32 $5.000000000e-01, v10  }
0x1d9: {  	v11 =	vsel vm13, $0x3F800000, v3;
	vm15 =	vgt.s32 v15, $0x0;
	v7 =	vsel vm12, v7, v62  }
0x1da: {  	s11 =	simm.s32 $0x20;
	v9 =	vadd.f32 $-5.000000000e-01, v10;
	v7 =	vnsel vm13, $0x0, v7;
	v6 =	vmul.f32 v6, v10  }
0x1db: {  	vm14 =	vlt.f32 v10, $1.000000000e+00;
	v5 =	vadd.f32 v7, v5;
	v7 =	vmov s11  }
0x1dc: {  	v7 =	vshll.u32 v7, $0x4;
	v6 =	vsel vm14, v6, v9;
	v10 =	vsub.f32 v63, v12  }
0x1dd: {  	s31 =	simm.s32 $0x1610;
	v4 =	vadd.f32 v11, v4;
	v7 =	vor.u32 v2, v7;
	v9 =	vnsel vm15, $0x0, v6;
	v6 =	vld.idx.msk [tilespmem:v8+s12+$0x0], $0xffff  }
0x1de: {  	s0 =	simm.s32 $0x200;
	v5 =	vadd.f32 v9, v5;
	v9 =	vld [tilespmem:s31+$0x0];
	v8 =	vand.u32 $0x7FFFFFFF, v10;
	v10 =	vor.u32 v0, v7  }
0x1df: {  	v11 =	vsel vm15, $0x3F800000, v3;
	v7 =	vld [tilespmem:s0+$0x0]  }
0x1e0: {  	s1 =	simm.s32 $0x30;
	v4 =	vadd.f32 v11, v4;
	v11 =	vmul.f32 $5.000000000e-01, v8  }
.LBB2_36:
0x1e1: {  	v12 =	vmov s1;
	p0 =	sne.s32 s1, $0x70;
	s1 =	sadd.s32 $0x10, s1  }
.Ltmp17:
0x1e2: {  	v13 =	vadd.f32 $-5.000000000e-01, v8;
	v12 =	vshll.u32 v12, $0x4;
	v11 =	vmul.f32 v11, v8;
	(pc) =	sbr.rel @p0 .LBB2_36-.Ltmp17, $4  }
0x1e3: {  	s31 =	sadd.s32 $0x10, s31;
	vm0 =	vlt.f32 v8, $1.000000000e+00;
	v12 =	vor.u32 v2, v12;
	v14 =	vsub.f32 v9, v6;
	v6 =	vld.idx.msk [tilespmem:v10+s12+$0x0], $0xffff  }
0x1e4: {  	s0 =	sadd.s32 $0x10, s0;
	v10 =	vor.u32 v0, v12;
	v9 =	vld [tilespmem:s31+$0x0];
	v11 =	vsel vm0, v11, v13;
	vm0 =	vgt.s32 v7, $0x0  }
0x1e5: {  	v7 =	vld [tilespmem:s0+$0x0];
	v8 =	vand.u32 $0x7FFFFFFF, v14;
	v12 =	vnsel vm0, $0x0, v11;
	v13 =	vsel vm0, $0x3F800000, v3  }
0x1e6: {  	v11 =	vmul.f32 $5.000000000e-01, v8;
	v5 =	vadd.f32 v12, v5;
	v4 =	vadd.f32 v13, v4  }
0x1e7: {  	_ =	sdelay $0x2  }
0x1e8: {  	s1 =	simm.s32 $0x0  }
0x1e9: {  	v10 =	vld.idx.msk [tilespmem:v10+s12+$0x0], $0xffff;
	s9 =	sadd.s32 $0x10, s31;
	v12 =	vmov s1  }
0x1ea: {  	s0 =	sadd.s32 $0x10, s0;
	v14 =	vadd.f32 $-5.000000000e-01, v8;
	v13 =	vld [tilespmem:s9+$0x0];
	v11 =	vmul.f32 v11, v8;
	v12 =	vshll.u32 v12, $0x4  }
0x1eb: {  	vm0 =	vlt.f32 v8, $1.000000000e+00;
	s11 =	simm.s32 $0xD00;
	v6 =	vsub.f32 v9, v6;
	v9 =	vld [tilespmem:s0+$0x0];
	s0 =	sadd.s32 $0x10, s0;
	v12 =	vor.u32 v2, v12  }
0x1ec: {  	v15 =	vld [tilespmem:s0+$0x0];
	[tilespmem:s12], [sflag:$0x1] =	stream.indirect.gather [hbm4b:s3+s10], $0x10, s11, s10, $0xb8;
	v8 =	vsel vm0, v11, v14;
	vm11 =	vgt.s32 v7, $0x0;
	v12 =	vor.u32 v0, v12  }
0x1ed: {  	v6 =	vand.u32 $0x7FFFFFFF, v6;
	_ =	swait.ge [sflag:s17], $0x800;
	v8 =	vnsel vm11, $0x0, v8  }
0x1ee: {  	s1 =	simm.s32 $0x10;
	v11 =	vsel vm11, $0x3F800000, v3;
	v7 =	vmul.f32 $5.000000000e-01, v6;
	[sflag:s17] =	ssyncset.done $0x0;
	v5 =	vadd.f32 v8, v5  }
0x1ef: {  	s9 =	simm.s32 $0x1A00;
	v8 =	vmov s1;
	v62 =	vadd.f32 $-5.000000000e-01, v6;
	v10 =	vsub.f32 v13, v10;
	[sflag:s17] =	ssyncadd.s32 $0xFFFFF800  }
0x1f0: {  	vm12 =	vlt.f32 v6, $1.000000000e+00;
	v4 =	vadd.f32 v11, v4;
	v8 =	vshll.u32 v8, $0x4;
	v63 =	vld [tilespmem:s9+$0x0]  }
0x1f1: {  	v7 =	vmul.f32 v7, v6;
	v8 =	vor.u32 v2, v8;
	v10 =	vand.u32 $0x7FFFFFFF, v10;
	v12 =	vld.idx.msk [tilespmem:v12+s14+$0x0], $0xffff  }
0x1f2: {  	vm13 =	vgt.s32 v9, $0x0;
	v8 =	vor.u32 v0, v8;
	v6 =	vmul.f32 $5.000000000e-01, v10  }
0x1f3: {  	v11 =	vsel vm13, $0x3F800000, v3;
	vm15 =	vgt.s32 v15, $0x0;
	v7 =	vsel vm12, v7, v62  }
0x1f4: {  	s11 =	simm.s32 $0x20;
	v9 =	vadd.f32 $-5.000000000e-01, v10;
	v7 =	vnsel vm13, $0x0, v7;
	v6 =	vmul.f32 v6, v10  }
0x1f5: {  	vm14 =	vlt.f32 v10, $1.000000000e+00;
	v5 =	vadd.f32 v7, v5;
	v7 =	vmov s11  }
0x1f6: {  	v7 =	vshll.u32 v7, $0x4;
	v6 =	vsel vm14, v6, v9;
	v10 =	vsub.f32 v63, v12  }
0x1f7: {  	s31 =	simm.s32 $0x1A10;
	v4 =	vadd.f32 v11, v4;
	v7 =	vor.u32 v2, v7;
	v9 =	vnsel vm15, $0x0, v6;
	v6 =	vld.idx.msk [tilespmem:v8+s14+$0x0], $0xffff  }
0x1f8: {  	s0 =	simm.s32 $0x200;
	v5 =	vadd.f32 v9, v5;
	v9 =	vld [tilespmem:s31+$0x0];
	v8 =	vand.u32 $0x7FFFFFFF, v10;
	v10 =	vor.u32 v0, v7  }
0x1f9: {  	v11 =	vsel vm15, $0x3F800000, v3;
	v7 =	vld [tilespmem:s0+$0x0]  }
0x1fa: {  	s1 =	simm.s32 $0x30;
	v4 =	vadd.f32 v11, v4;
	v11 =	vmul.f32 $5.000000000e-01, v8  }
.LBB2_38:
0x1fb: {  	v12 =	vmov s1;
	p0 =	sne.s32 s1, $0x70;
	s1 =	sadd.s32 $0x10, s1  }
.Ltmp18:
0x1fc: {  	v13 =	vadd.f32 $-5.000000000e-01, v8;
	v12 =	vshll.u32 v12, $0x4;
	v11 =	vmul.f32 v11, v8;
	(pc) =	sbr.rel @p0 .LBB2_38-.Ltmp18, $4  }
0x1fd: {  	s31 =	sadd.s32 $0x10, s31;
	vm0 =	vlt.f32 v8, $1.000000000e+00;
	v12 =	vor.u32 v2, v12;
	v14 =	vsub.f32 v9, v6;
	v6 =	vld.idx.msk [tilespmem:v10+s14+$0x0], $0xffff  }
0x1fe: {  	s0 =	sadd.s32 $0x10, s0;
	v10 =	vor.u32 v0, v12;
	v9 =	vld [tilespmem:s31+$0x0];
	v11 =	vsel vm0, v11, v13;
	vm0 =	vgt.s32 v7, $0x0  }
0x1ff: {  	v7 =	vld [tilespmem:s0+$0x0];
	v8 =	vand.u32 $0x7FFFFFFF, v14;
	v12 =	vnsel vm0, $0x0, v11;
	v13 =	vsel vm0, $0x3F800000, v3  }
0x200: {  	v11 =	vmul.f32 $5.000000000e-01, v8;
	v5 =	vadd.f32 v12, v5;
	v4 =	vadd.f32 v13, v4  }
0x201: {  	_ =	sdelay $0x2  }
0x202: {  	s1 =	simm.s32 $0x0  }
0x203: {  	v10 =	vld.idx.msk [tilespmem:v10+s14+$0x0], $0xffff;
	s9 =	sadd.s32 $0x10, s31;
	v12 =	vmov s1  }
0x204: {  	s0 =	sadd.s32 $0x10, s0;
	v14 =	vadd.f32 $-5.000000000e-01, v8;
	v13 =	vld [tilespmem:s9+$0x0];
	v11 =	vmul.f32 v11, v8;
	v12 =	vshll.u32 v12, $0x4  }
0x205: {  	vm0 =	vlt.f32 v8, $1.000000000e+00;
	s11 =	simm.s32 $0xD80;
	v6 =	vsub.f32 v9, v6;
	v9 =	vld [tilespmem:s0+$0x0];
	s0 =	sadd.s32 $0x10, s0;
	v12 =	vor.u32 v2, v12  }
0x206: {  	v15 =	vld [tilespmem:s0+$0x0];
	[tilespmem:s14], [sflag:$0x2] =	stream.indirect.gather [hbm4b:s3+s10], $0x10, s11, s10, $0xb8;
	v8 =	vsel vm0, v11, v14;
	vm11 =	vgt.s32 v7, $0x0;
	v12 =	vor.u32 v0, v12  }
0x207: {  	v6 =	vand.u32 $0x7FFFFFFF, v6;
	_ =	swait.ge [sflag:s15], $0x800;
	v8 =	vnsel vm11, $0x0, v8  }
0x208: {  	s1 =	simm.s32 $0x10;
	v11 =	vsel vm11, $0x3F800000, v3;
	v7 =	vmul.f32 $5.000000000e-01, v6;
	[sflag:s15] =	ssyncset.done $0x0;
	v5 =	vadd.f32 v8, v5  }
0x209: {  	s9 =	simm.s32 $0x1E00;
	v8 =	vmov s1;
	v62 =	vadd.f32 $-5.000000000e-01, v6;
	v10 =	vsub.f32 v13, v10;
	[sflag:s15] =	ssyncadd.s32 $0xFFFFF800  }
0x20a: {  	vm12 =	vlt.f32 v6, $1.000000000e+00;
	v4 =	vadd.f32 v11, v4;
	v8 =	vshll.u32 v8, $0x4;
	v63 =	vld [tilespmem:s9+$0x0]  }
0x20b: {  	v7 =	vmul.f32 v7, v6;
	v8 =	vor.u32 v2, v8;
	v10 =	vand.u32 $0x7FFFFFFF, v10;
	v12 =	vld.idx.msk [tilespmem:v12+s12+$0x0], $0xffff  }
0x20c: {  	vm13 =	vgt.s32 v9, $0x0;
	v8 =	vor.u32 v0, v8;
	v6 =	vmul.f32 $5.000000000e-01, v10  }
0x20d: {  	v11 =	vsel vm13, $0x3F800000, v3;
	vm15 =	vgt.s32 v15, $0x0;
	v7 =	vsel vm12, v7, v62  }
0x20e: {  	s11 =	simm.s32 $0x20;
	v9 =	vadd.f32 $-5.000000000e-01, v10;
	v7 =	vnsel vm13, $0x0, v7;
	v6 =	vmul.f32 v6, v10  }
0x20f: {  	vm14 =	vlt.f32 v10, $1.000000000e+00;
	v5 =	vadd.f32 v7, v5;
	v7 =	vmov s11  }
0x210: {  	v7 =	vshll.u32 v7, $0x4;
	v6 =	vsel vm14, v6, v9;
	v10 =	vsub.f32 v63, v12  }
0x211: {  	s31 =	simm.s32 $0x1E10;
	v4 =	vadd.f32 v11, v4;
	v7 =	vor.u32 v2, v7;
	v9 =	vnsel vm15, $0x0, v6;
	v6 =	vld.idx.msk [tilespmem:v8+s12+$0x0], $0xffff  }
0x212: {  	s0 =	simm.s32 $0x200;
	v5 =	vadd.f32 v9, v5;
	v9 =	vld [tilespmem:s31+$0x0];
	v8 =	vand.u32 $0x7FFFFFFF, v10;
	v10 =	vor.u32 v0, v7  }
0x213: {  	v11 =	vsel vm15, $0x3F800000, v3;
	v7 =	vld [tilespmem:s0+$0x0]  }
0x214: {  	s1 =	simm.s32 $0x30;
	v4 =	vadd.f32 v11, v4;
	v11 =	vmul.f32 $5.000000000e-01, v8  }
.LBB2_40:
0x215: {  	v12 =	vmov s1;
	p0 =	sne.s32 s1, $0x70;
	s1 =	sadd.s32 $0x10, s1  }
.Ltmp19:
0x216: {  	v13 =	vadd.f32 $-5.000000000e-01, v8;
	v12 =	vshll.u32 v12, $0x4;
	v11 =	vmul.f32 v11, v8;
	(pc) =	sbr.rel @p0 .LBB2_40-.Ltmp19, $4  }
0x217: {  	s31 =	sadd.s32 $0x10, s31;
	vm0 =	vlt.f32 v8, $1.000000000e+00;
	v12 =	vor.u32 v2, v12;
	v14 =	vsub.f32 v9, v6;
	v6 =	vld.idx.msk [tilespmem:v10+s12+$0x0], $0xffff  }
0x218: {  	s0 =	sadd.s32 $0x10, s0;
	v10 =	vor.u32 v0, v12;
	v9 =	vld [tilespmem:s31+$0x0];
	v11 =	vsel vm0, v11, v13;
	vm0 =	vgt.s32 v7, $0x0  }
0x219: {  	v7 =	vld [tilespmem:s0+$0x0];
	v8 =	vand.u32 $0x7FFFFFFF, v14;
	v12 =	vnsel vm0, $0x0, v11;
	v13 =	vsel vm0, $0x3F800000, v3  }
0x21a: {  	v11 =	vmul.f32 $5.000000000e-01, v8;
	v5 =	vadd.f32 v12, v5;
	v4 =	vadd.f32 v13, v4  }
0x21b: {  	_ =	sdelay $0x2  }
0x21c: {  	s1 =	simm.s32 $0x0  }
0x21d: {  	v10 =	vld.idx.msk [tilespmem:v10+s12+$0x0], $0xffff;
	s9 =	sadd.s32 $0x10, s31;
	v12 =	vmov s1  }
0x21e: {  	s0 =	sadd.s32 $0x10, s0;
	v14 =	vadd.f32 $-5.000000000e-01, v8;
	v13 =	vld [tilespmem:s9+$0x0];
	v11 =	vmul.f32 v11, v8;
	v12 =	vshll.u32 v12, $0x4  }
0x21f: {  	vm0 =	vlt.f32 v8, $1.000000000e+00;
	v6 =	vsub.f32 v9, v6;
	v9 =	vld [tilespmem:s0+$0x0];
	s0 =	sadd.s32 $0x10, s0;
	v12 =	vor.u32 v2, v12  }
0x220: {  	v15 =	vld [tilespmem:s0+$0x0];
	[tilespmem:s12], [sflag:$0x1] =	stream.indirect.gather [hbm4b:s3+s10], $0x10, s13, s10, $0xb8;
	v8 =	vsel vm0, v11, v14;
	vm11 =	vgt.s32 v7, $0x0;
	v12 =	vor.u32 v0, v12  }
0x221: {  	v6 =	vand.u32 $0x7FFFFFFF, v6;
	_ =	swait.ge [sflag:s17], $0x800;
	v8 =	vnsel vm11, $0x0, v8  }
0x222: {  	s1 =	simm.s32 $0x10;
	v11 =	vsel vm11, $0x3F800000, v3;
	v7 =	vmul.f32 $5.000000000e-01, v6;
	[sflag:s17] =	ssyncset.done $0x0;
	v5 =	vadd.f32 v8, v5  }
0x223: {  	s9 =	simm.s32 $0x2200;
	v8 =	vmov s1;
	v62 =	vadd.f32 $-5.000000000e-01, v6;
	v10 =	vsub.f32 v13, v10;
	[sflag:s17] =	ssyncadd.s32 $0xFFFFF800  }
0x224: {  	vm12 =	vlt.f32 v6, $1.000000000e+00;
	v4 =	vadd.f32 v11, v4;
	v8 =	vshll.u32 v8, $0x4;
	v63 =	vld [tilespmem:s9+$0x0]  }
0x225: {  	v7 =	vmul.f32 v7, v6;
	v8 =	vor.u32 v2, v8;
	v10 =	vand.u32 $0x7FFFFFFF, v10;
	v12 =	vld.idx.msk [tilespmem:v12+s14+$0x0], $0xffff  }
0x226: {  	vm13 =	vgt.s32 v9, $0x0;
	v8 =	vor.u32 v0, v8;
	v6 =	vmul.f32 $5.000000000e-01, v10  }
0x227: {  	v11 =	vsel vm13, $0x3F800000, v3;
	vm15 =	vgt.s32 v15, $0x0;
	v7 =	vsel vm12, v7, v62  }
0x228: {  	s11 =	simm.s32 $0x20;
	v9 =	vadd.f32 $-5.000000000e-01, v10;
	v7 =	vnsel vm13, $0x0, v7;
	v6 =	vmul.f32 v6, v10  }
0x229: {  	vm14 =	vlt.f32 v10, $1.000000000e+00;
	v5 =	vadd.f32 v7, v5;
	v7 =	vmov s11  }
0x22a: {  	v7 =	vshll.u32 v7, $0x4;
	v6 =	vsel vm14, v6, v9;
	v10 =	vsub.f32 v63, v12  }
0x22b: {  	s31 =	simm.s32 $0x2210;
	v4 =	vadd.f32 v11, v4;
	v7 =	vor.u32 v2, v7;
	v9 =	vnsel vm15, $0x0, v6;
	v6 =	vld.idx.msk [tilespmem:v8+s14+$0x0], $0xffff  }
0x22c: {  	s0 =	simm.s32 $0x200;
	v5 =	vadd.f32 v9, v5;
	v9 =	vld [tilespmem:s31+$0x0];
	v8 =	vand.u32 $0x7FFFFFFF, v10;
	v10 =	vor.u32 v0, v7  }
0x22d: {  	v11 =	vsel vm15, $0x3F800000, v3;
	v7 =	vld [tilespmem:s0+$0x0]  }
0x22e: {  	s1 =	simm.s32 $0x30;
	v4 =	vadd.f32 v11, v4;
	v11 =	vmul.f32 $5.000000000e-01, v8  }
.LBB2_42:
0x22f: {  	v12 =	vmov s1;
	p0 =	sne.s32 s1, $0x70;
	s1 =	sadd.s32 $0x10, s1  }
.Ltmp20:
0x230: {  	v13 =	vadd.f32 $-5.000000000e-01, v8;
	v12 =	vshll.u32 v12, $0x4;
	v11 =	vmul.f32 v11, v8;
	(pc) =	sbr.rel @p0 .LBB2_42-.Ltmp20, $4  }
0x231: {  	s31 =	sadd.s32 $0x10, s31;
	vm0 =	vlt.f32 v8, $1.000000000e+00;
	v12 =	vor.u32 v2, v12;
	v14 =	vsub.f32 v9, v6;
	v6 =	vld.idx.msk [tilespmem:v10+s14+$0x0], $0xffff  }
0x232: {  	s0 =	sadd.s32 $0x10, s0;
	v10 =	vor.u32 v0, v12;
	v9 =	vld [tilespmem:s31+$0x0];
	v11 =	vsel vm0, v11, v13;
	vm0 =	vgt.s32 v7, $0x0  }
0x233: {  	v7 =	vld [tilespmem:s0+$0x0];
	v8 =	vand.u32 $0x7FFFFFFF, v14;
	v12 =	vnsel vm0, $0x0, v11;
	v13 =	vsel vm0, $0x3F800000, v3  }
0x234: {  	v11 =	vmul.f32 $5.000000000e-01, v8;
	v5 =	vadd.f32 v12, v5;
	v4 =	vadd.f32 v13, v4  }
0x235: {  	_ =	sdelay $0x2  }
0x236: {  	s1 =	simm.s32 $0x0  }
0x237: {  	v10 =	vld.idx.msk [tilespmem:v10+s14+$0x0], $0xffff;
	s9 =	sadd.s32 $0x10, s31;
	v12 =	vmov s1  }
0x238: {  	s0 =	sadd.s32 $0x10, s0;
	v14 =	vadd.f32 $-5.000000000e-01, v8;
	v13 =	vld [tilespmem:s9+$0x0];
	v11 =	vmul.f32 v11, v8;
	v12 =	vshll.u32 v12, $0x4  }
0x239: {  	vm0 =	vlt.f32 v8, $1.000000000e+00;
	v6 =	vsub.f32 v9, v6;
	v9 =	vld [tilespmem:s0+$0x0];
	s0 =	sadd.s32 $0x10, s0;
	v12 =	vor.u32 v2, v12  }
0x23a: {  	v15 =	vld [tilespmem:s0+$0x0];
	[tilespmem:s14], [sflag:$0x2] =	stream.indirect.gather [hbm4b:s3+s10], $0x10, s16, s10, $0xb8;
	v8 =	vsel vm0, v11, v14;
	vm11 =	vgt.s32 v7, $0x0;
	v12 =	vor.u32 v0, v12  }
0x23b: {  	v6 =	vand.u32 $0x7FFFFFFF, v6;
	_ =	swait.ge [sflag:s15], $0x800;
	v8 =	vnsel vm11, $0x0, v8  }
0x23c: {  	s1 =	simm.s32 $0x10;
	v11 =	vsel vm11, $0x3F800000, v3;
	v7 =	vmul.f32 $5.000000000e-01, v6;
	[sflag:s15] =	ssyncset.done $0x0;
	v5 =	vadd.f32 v8, v5  }
0x23d: {  	s9 =	simm.s32 $0x1680;
	v8 =	vmov s1;
	v62 =	vadd.f32 $-5.000000000e-01, v6;
	v10 =	vsub.f32 v13, v10;
	[sflag:s15] =	ssyncadd.s32 $0xFFFFF800  }
0x23e: {  	vm12 =	vlt.f32 v6, $1.000000000e+00;
	v4 =	vadd.f32 v11, v4;
	v8 =	vshll.u32 v8, $0x4;
	v63 =	vld [tilespmem:s9+$0x0]  }
0x23f: {  	v7 =	vmul.f32 v7, v6;
	v8 =	vor.u32 v2, v8;
	v10 =	vand.u32 $0x7FFFFFFF, v10;
	v12 =	vld.idx.msk [tilespmem:v12+s12+$0x0], $0xffff  }
0x240: {  	vm13 =	vgt.s32 v9, $0x0;
	v8 =	vor.u32 v0, v8;
	v6 =	vmul.f32 $5.000000000e-01, v10  }
0x241: {  	v11 =	vsel vm13, $0x3F800000, v3;
	vm15 =	vgt.s32 v15, $0x0;
	v7 =	vsel vm12, v7, v62  }
0x242: {  	s11 =	simm.s32 $0x20;
	v9 =	vadd.f32 $-5.000000000e-01, v10;
	v7 =	vnsel vm13, $0x0, v7;
	v6 =	vmul.f32 v6, v10  }
0x243: {  	vm14 =	vlt.f32 v10, $1.000000000e+00;
	v5 =	vadd.f32 v7, v5;
	v7 =	vmov s11  }
0x244: {  	v7 =	vshll.u32 v7, $0x4;
	v6 =	vsel vm14, v6, v9;
	v10 =	vsub.f32 v63, v12  }
0x245: {  	s31 =	simm.s32 $0x1690;
	v4 =	vadd.f32 v11, v4;
	v7 =	vor.u32 v2, v7;
	v9 =	vnsel vm15, $0x0, v6;
	v6 =	vld.idx.msk [tilespmem:v8+s12+$0x0], $0xffff  }
0x246: {  	s0 =	simm.s32 $0x280;
	v5 =	vadd.f32 v9, v5;
	v9 =	vld [tilespmem:s31+$0x0];
	v8 =	vand.u32 $0x7FFFFFFF, v10;
	v10 =	vor.u32 v0, v7  }
0x247: {  	v11 =	vsel vm15, $0x3F800000, v3;
	v7 =	vld [tilespmem:s0+$0x0]  }
0x248: {  	s1 =	simm.s32 $0x30;
	v4 =	vadd.f32 v11, v4;
	v11 =	vmul.f32 $5.000000000e-01, v8  }
.LBB2_44:
0x249: {  	v12 =	vmov s1;
	p0 =	sne.s32 s1, $0x70;
	s1 =	sadd.s32 $0x10, s1  }
.Ltmp21:
0x24a: {  	v13 =	vadd.f32 $-5.000000000e-01, v8;
	v12 =	vshll.u32 v12, $0x4;
	v11 =	vmul.f32 v11, v8;
	(pc) =	sbr.rel @p0 .LBB2_44-.Ltmp21, $4  }
0x24b: {  	s31 =	sadd.s32 $0x10, s31;
	vm0 =	vlt.f32 v8, $1.000000000e+00;
	v12 =	vor.u32 v2, v12;
	v14 =	vsub.f32 v9, v6;
	v6 =	vld.idx.msk [tilespmem:v10+s12+$0x0], $0xffff  }
0x24c: {  	s0 =	sadd.s32 $0x10, s0;
	v10 =	vor.u32 v0, v12;
	v9 =	vld [tilespmem:s31+$0x0];
	v11 =	vsel vm0, v11, v13;
	vm0 =	vgt.s32 v7, $0x0  }
0x24d: {  	v7 =	vld [tilespmem:s0+$0x0];
	v8 =	vand.u32 $0x7FFFFFFF, v14;
	v12 =	vnsel vm0, $0x0, v11;
	v13 =	vsel vm0, $0x3F800000, v3  }
0x24e: {  	v11 =	vmul.f32 $5.000000000e-01, v8;
	v5 =	vadd.f32 v12, v5;
	v4 =	vadd.f32 v13, v4  }
0x24f: {  	_ =	sdelay $0x2  }
0x250: {  	s1 =	simm.s32 $0x0  }
0x251: {  	v10 =	vld.idx.msk [tilespmem:v10+s12+$0x0], $0xffff;
	s9 =	sadd.s32 $0x10, s31;
	v12 =	vmov s1  }
0x252: {  	s0 =	sadd.s32 $0x10, s0;
	v14 =	vadd.f32 $-5.000000000e-01, v8;
	v13 =	vld [tilespmem:s9+$0x0];
	v11 =	vmul.f32 v11, v8;
	v12 =	vshll.u32 v12, $0x4  }
0x253: {  	vm0 =	vlt.f32 v8, $1.000000000e+00;
	v6 =	vsub.f32 v9, v6;
	v9 =	vld [tilespmem:s0+$0x0];
	s0 =	sadd.s32 $0x10, s0;
	v12 =	vor.u32 v2, v12  }
0x254: {  	v15 =	vld [tilespmem:s0+$0x0];
	[tilespmem:s12], [sflag:$0x1] =	stream.indirect.gather [hbm4b:s3+s10], $0x10, s18, s10, $0xb8;
	v8 =	vsel vm0, v11, v14;
	vm11 =	vgt.s32 v7, $0x0;
	v12 =	vor.u32 v0, v12  }
0x255: {  	v6 =	vand.u32 $0x7FFFFFFF, v6;
	_ =	swait.ge [sflag:s17], $0x800;
	v8 =	vnsel vm11, $0x0, v8  }
0x256: {  	s1 =	simm.s32 $0x10;
	v11 =	vsel vm11, $0x3F800000, v3;
	v7 =	vmul.f32 $5.000000000e-01, v6;
	[sflag:s17] =	ssyncset.done $0x0;
	v5 =	vadd.f32 v8, v5  }
0x257: {  	s9 =	simm.s32 $0x1A80;
	v8 =	vmov s1;
	v62 =	vadd.f32 $-5.000000000e-01, v6;
	v10 =	vsub.f32 v13, v10;
	[sflag:s17] =	ssyncadd.s32 $0xFFFFF800  }
0x258: {  	vm12 =	vlt.f32 v6, $1.000000000e+00;
	v4 =	vadd.f32 v11, v4;
	v8 =	vshll.u32 v8, $0x4;
	v63 =	vld [tilespmem:s9+$0x0]  }
0x259: {  	v7 =	vmul.f32 v7, v6;
	v8 =	vor.u32 v2, v8;
	v10 =	vand.u32 $0x7FFFFFFF, v10;
	v12 =	vld.idx.msk [tilespmem:v12+s14+$0x0], $0xffff  }
0x25a: {  	vm13 =	vgt.s32 v9, $0x0;
	v8 =	vor.u32 v0, v8;
	v6 =	vmul.f32 $5.000000000e-01, v10  }
0x25b: {  	v11 =	vsel vm13, $0x3F800000, v3;
	vm15 =	vgt.s32 v15, $0x0;
	v7 =	vsel vm12, v7, v62  }
0x25c: {  	s11 =	simm.s32 $0x20;
	v9 =	vadd.f32 $-5.000000000e-01, v10;
	v7 =	vnsel vm13, $0x0, v7;
	v6 =	vmul.f32 v6, v10  }
0x25d: {  	vm14 =	vlt.f32 v10, $1.000000000e+00;
	v5 =	vadd.f32 v7, v5;
	v7 =	vmov s11  }
0x25e: {  	v7 =	vshll.u32 v7, $0x4;
	v6 =	vsel vm14, v6, v9;
	v10 =	vsub.f32 v63, v12  }
0x25f: {  	s31 =	simm.s32 $0x1A90;
	v4 =	vadd.f32 v11, v4;
	v7 =	vor.u32 v2, v7;
	v9 =	vnsel vm15, $0x0, v6;
	v6 =	vld.idx.msk [tilespmem:v8+s14+$0x0], $0xffff  }
0x260: {  	s0 =	simm.s32 $0x280;
	v5 =	vadd.f32 v9, v5;
	v9 =	vld [tilespmem:s31+$0x0];
	v8 =	vand.u32 $0x7FFFFFFF, v10;
	v10 =	vor.u32 v0, v7  }
0x261: {  	v11 =	vsel vm15, $0x3F800000, v3;
	v7 =	vld [tilespmem:s0+$0x0]  }
0x262: {  	s1 =	simm.s32 $0x30;
	v4 =	vadd.f32 v11, v4;
	v11 =	vmul.f32 $5.000000000e-01, v8  }
.LBB2_46:
0x263: {  	v12 =	vmov s1;
	p0 =	sne.s32 s1, $0x70;
	s1 =	sadd.s32 $0x10, s1  }
.Ltmp22:
0x264: {  	v13 =	vadd.f32 $-5.000000000e-01, v8;
	v12 =	vshll.u32 v12, $0x4;
	v11 =	vmul.f32 v11, v8;
	(pc) =	sbr.rel @p0 .LBB2_46-.Ltmp22, $4  }
0x265: {  	s31 =	sadd.s32 $0x10, s31;
	vm0 =	vlt.f32 v8, $1.000000000e+00;
	v12 =	vor.u32 v2, v12;
	v14 =	vsub.f32 v9, v6;
	v6 =	vld.idx.msk [tilespmem:v10+s14+$0x0], $0xffff  }
0x266: {  	s0 =	sadd.s32 $0x10, s0;
	v10 =	vor.u32 v0, v12;
	v9 =	vld [tilespmem:s31+$0x0];
	v11 =	vsel vm0, v11, v13;
	vm0 =	vgt.s32 v7, $0x0  }
0x267: {  	v7 =	vld [tilespmem:s0+$0x0];
	v8 =	vand.u32 $0x7FFFFFFF, v14;
	v12 =	vnsel vm0, $0x0, v11;
	v13 =	vsel vm0, $0x3F800000, v3  }
0x268: {  	v11 =	vmul.f32 $5.000000000e-01, v8;
	v5 =	vadd.f32 v12, v5;
	v4 =	vadd.f32 v13, v4  }
0x269: {  	_ =	sdelay $0x2  }
0x26a: {  	s1 =	simm.s32 $0x0  }
0x26b: {  	v10 =	vld.idx.msk [tilespmem:v10+s14+$0x0], $0xffff;
	s9 =	sadd.s32 $0x10, s31;
	v12 =	vmov s1  }
0x26c: {  	s0 =	sadd.s32 $0x10, s0;
	v14 =	vadd.f32 $-5.000000000e-01, v8;
	v13 =	vld [tilespmem:s9+$0x0];
	v11 =	vmul.f32 v11, v8;
	v12 =	vshll.u32 v12, $0x4  }
0x26d: {  	vm0 =	vlt.f32 v8, $1.000000000e+00;
	v6 =	vsub.f32 v9, v6;
	v9 =	vld [tilespmem:s0+$0x0];
	s0 =	sadd.s32 $0x10, s0;
	v12 =	vor.u32 v2, v12  }
0x26e: {  	v15 =	vld [tilespmem:s0+$0x0];
	[tilespmem:s14], [sflag:$0x2] =	stream.indirect.gather [hbm4b:s3+s10], $0x10, s19, s10, $0xb8;
	v8 =	vsel vm0, v11, v14;
	vm11 =	vgt.s32 v7, $0x0;
	v12 =	vor.u32 v0, v12  }
0x26f: {  	v6 =	vand.u32 $0x7FFFFFFF, v6;
	_ =	swait.ge [sflag:s15], $0x800;
	v8 =	vnsel vm11, $0x0, v8  }
0x270: {  	s1 =	simm.s32 $0x10;
	v11 =	vsel vm11, $0x3F800000, v3;
	v7 =	vmul.f32 $5.000000000e-01, v6;
	[sflag:s15] =	ssyncset.done $0x0;
	v5 =	vadd.f32 v8, v5  }
0x271: {  	s9 =	simm.s32 $0x1E80;
	v8 =	vmov s1;
	v62 =	vadd.f32 $-5.000000000e-01, v6;
	v10 =	vsub.f32 v13, v10;
	[sflag:s15] =	ssyncadd.s32 $0xFFFFF800  }
0x272: {  	vm12 =	vlt.f32 v6, $1.000000000e+00;
	v4 =	vadd.f32 v11, v4;
	v8 =	vshll.u32 v8, $0x4;
	v63 =	vld [tilespmem:s9+$0x0]  }
0x273: {  	v7 =	vmul.f32 v7, v6;
	v8 =	vor.u32 v2, v8;
	v10 =	vand.u32 $0x7FFFFFFF, v10;
	v12 =	vld.idx.msk [tilespmem:v12+s12+$0x0], $0xffff  }
0x274: {  	vm13 =	vgt.s32 v9, $0x0;
	v8 =	vor.u32 v0, v8;
	v6 =	vmul.f32 $5.000000000e-01, v10  }
0x275: {  	v11 =	vsel vm13, $0x3F800000, v3;
	vm15 =	vgt.s32 v15, $0x0;
	v7 =	vsel vm12, v7, v62  }
0x276: {  	s11 =	simm.s32 $0x20;
	v9 =	vadd.f32 $-5.000000000e-01, v10;
	v7 =	vnsel vm13, $0x0, v7;
	v6 =	vmul.f32 v6, v10  }
0x277: {  	vm14 =	vlt.f32 v10, $1.000000000e+00;
	v5 =	vadd.f32 v7, v5;
	v7 =	vmov s11  }
0x278: {  	v7 =	vshll.u32 v7, $0x4;
	v6 =	vsel vm14, v6, v9;
	v10 =	vsub.f32 v63, v12  }
0x279: {  	s31 =	simm.s32 $0x1E90;
	v4 =	vadd.f32 v11, v4;
	v7 =	vor.u32 v2, v7;
	v9 =	vnsel vm15, $0x0, v6;
	v6 =	vld.idx.msk [tilespmem:v8+s12+$0x0], $0xffff  }
0x27a: {  	s0 =	simm.s32 $0x280;
	v5 =	vadd.f32 v9, v5;
	v9 =	vld [tilespmem:s31+$0x0];
	v8 =	vand.u32 $0x7FFFFFFF, v10;
	v10 =	vor.u32 v0, v7  }
0x27b: {  	v11 =	vsel vm15, $0x3F800000, v3;
	v7 =	vld [tilespmem:s0+$0x0]  }
0x27c: {  	s1 =	simm.s32 $0x30;
	v4 =	vadd.f32 v11, v4;
	v11 =	vmul.f32 $5.000000000e-01, v8  }
.LBB2_48:
0x27d: {  	v12 =	vmov s1;
	p0 =	sne.s32 s1, $0x70;
	s1 =	sadd.s32 $0x10, s1  }
.Ltmp23:
0x27e: {  	v13 =	vadd.f32 $-5.000000000e-01, v8;
	v12 =	vshll.u32 v12, $0x4;
	v11 =	vmul.f32 v11, v8;
	(pc) =	sbr.rel @p0 .LBB2_48-.Ltmp23, $4  }
0x27f: {  	s31 =	sadd.s32 $0x10, s31;
	vm0 =	vlt.f32 v8, $1.000000000e+00;
	v12 =	vor.u32 v2, v12;
	v14 =	vsub.f32 v9, v6;
	v6 =	vld.idx.msk [tilespmem:v10+s12+$0x0], $0xffff  }
0x280: {  	s0 =	sadd.s32 $0x10, s0;
	v10 =	vor.u32 v0, v12;
	v9 =	vld [tilespmem:s31+$0x0];
	v11 =	vsel vm0, v11, v13;
	vm0 =	vgt.s32 v7, $0x0  }
0x281: {  	v7 =	vld [tilespmem:s0+$0x0];
	v8 =	vand.u32 $0x7FFFFFFF, v14;
	v12 =	vnsel vm0, $0x0, v11;
	v13 =	vsel vm0, $0x3F800000, v3  }
0x282: {  	v11 =	vmul.f32 $5.000000000e-01, v8;
	v5 =	vadd.f32 v12, v5;
	v4 =	vadd.f32 v13, v4  }
0x283: {  	_ =	sdelay $0x2  }
0x284: {  	s1 =	simm.s32 $0x0  }
0x285: {  	v10 =	vld.idx.msk [tilespmem:v10+s12+$0x0], $0xffff;
	s9 =	sadd.s32 $0x10, s31;
	v12 =	vmov s1  }
0x286: {  	s0 =	sadd.s32 $0x10, s0;
	v14 =	vadd.f32 $-5.000000000e-01, v8;
	v13 =	vld [tilespmem:s9+$0x0];
	v11 =	vmul.f32 v11, v8;
	v12 =	vshll.u32 v12, $0x4  }
0x287: {  	vm0 =	vlt.f32 v8, $1.000000000e+00;
	v6 =	vsub.f32 v9, v6;
	v9 =	vld [tilespmem:s0+$0x0];
	s0 =	sadd.s32 $0x10, s0;
	v12 =	vor.u32 v2, v12  }
0x288: {  	v15 =	vld [tilespmem:s0+$0x0];
	[tilespmem:s12], [sflag:$0x1] =	stream.indirect.gather [hbm4b:s3+s10], $0x10, s20, s10, $0xb8;
	v8 =	vsel vm0, v11, v14;
	vm11 =	vgt.s32 v7, $0x0;
	v12 =	vor.u32 v0, v12  }
0x289: {  	v6 =	vand.u32 $0x7FFFFFFF, v6;
	_ =	swait.ge [sflag:s17], $0x800;
	v8 =	vnsel vm11, $0x0, v8  }
0x28a: {  	s1 =	simm.s32 $0x10;
	v11 =	vsel vm11, $0x3F800000, v3;
	v7 =	vmul.f32 $5.000000000e-01, v6;
	[sflag:s17] =	ssyncset.done $0x0;
	v5 =	vadd.f32 v8, v5  }
0x28b: {  	s9 =	simm.s32 $0x2280;
	v8 =	vmov s1;
	v62 =	vadd.f32 $-5.000000000e-01, v6;
	v10 =	vsub.f32 v13, v10;
	[sflag:s17] =	ssyncadd.s32 $0xFFFFF800  }
0x28c: {  	vm12 =	vlt.f32 v6, $1.000000000e+00;
	v4 =	vadd.f32 v11, v4;
	v8 =	vshll.u32 v8, $0x4;
	v63 =	vld [tilespmem:s9+$0x0]  }
0x28d: {  	v7 =	vmul.f32 v7, v6;
	v8 =	vor.u32 v2, v8;
	v10 =	vand.u32 $0x7FFFFFFF, v10;
	v12 =	vld.idx.msk [tilespmem:v12+s14+$0x0], $0xffff  }
0x28e: {  	vm13 =	vgt.s32 v9, $0x0;
	v8 =	vor.u32 v0, v8;
	v6 =	vmul.f32 $5.000000000e-01, v10  }
0x28f: {  	v11 =	vsel vm13, $0x3F800000, v3;
	vm15 =	vgt.s32 v15, $0x0;
	v7 =	vsel vm12, v7, v62  }
0x290: {  	s11 =	simm.s32 $0x20;
	v9 =	vadd.f32 $-5.000000000e-01, v10;
	v7 =	vnsel vm13, $0x0, v7;
	v6 =	vmul.f32 v6, v10  }
0x291: {  	vm14 =	vlt.f32 v10, $1.000000000e+00;
	v5 =	vadd.f32 v7, v5;
	v7 =	vmov s11  }
0x292: {  	v7 =	vshll.u32 v7, $0x4;
	v6 =	vsel vm14, v6, v9;
	v10 =	vsub.f32 v63, v12  }
0x293: {  	s31 =	simm.s32 $0x2290;
	v4 =	vadd.f32 v11, v4;
	v7 =	vor.u32 v2, v7;
	v9 =	vnsel vm15, $0x0, v6;
	v6 =	vld.idx.msk [tilespmem:v8+s14+$0x0], $0xffff  }
0x294: {  	s0 =	simm.s32 $0x280;
	v5 =	vadd.f32 v9, v5;
	v9 =	vld [tilespmem:s31+$0x0];
	v8 =	vand.u32 $0x7FFFFFFF, v10;
	v10 =	vor.u32 v0, v7  }
0x295: {  	v11 =	vsel vm15, $0x3F800000, v3;
	v7 =	vld [tilespmem:s0+$0x0]  }
0x296: {  	s1 =	simm.s32 $0x30;
	v4 =	vadd.f32 v11, v4;
	v11 =	vmul.f32 $5.000000000e-01, v8  }
.LBB2_50:
0x297: {  	v12 =	vmov s1;
	p0 =	sne.s32 s1, $0x70;
	s1 =	sadd.s32 $0x10, s1  }
.Ltmp24:
0x298: {  	v13 =	vadd.f32 $-5.000000000e-01, v8;
	v12 =	vshll.u32 v12, $0x4;
	v11 =	vmul.f32 v11, v8;
	(pc) =	sbr.rel @p0 .LBB2_50-.Ltmp24, $4  }
0x299: {  	s31 =	sadd.s32 $0x10, s31;
	vm0 =	vlt.f32 v8, $1.000000000e+00;
	v12 =	vor.u32 v2, v12;
	v14 =	vsub.f32 v9, v6;
	v6 =	vld.idx.msk [tilespmem:v10+s14+$0x0], $0xffff  }
0x29a: {  	s0 =	sadd.s32 $0x10, s0;
	v10 =	vor.u32 v0, v12;
	v9 =	vld [tilespmem:s31+$0x0];
	v11 =	vsel vm0, v11, v13;
	vm0 =	vgt.s32 v7, $0x0  }
0x29b: {  	v7 =	vld [tilespmem:s0+$0x0];
	v8 =	vand.u32 $0x7FFFFFFF, v14;
	v12 =	vnsel vm0, $0x0, v11;
	v13 =	vsel vm0, $0x3F800000, v3  }
0x29c: {  	v11 =	vmul.f32 $5.000000000e-01, v8;
	v5 =	vadd.f32 v12, v5;
	v4 =	vadd.f32 v13, v4  }
0x29d: {  	_ =	sdelay $0x2  }
0x29e: {  	s1 =	simm.s32 $0x0  }
0x29f: {  	v10 =	vld.idx.msk [tilespmem:v10+s14+$0x0], $0xffff;
	s9 =	sadd.s32 $0x10, s31;
	v12 =	vmov s1  }
0x2a0: {  	s0 =	sadd.s32 $0x10, s0;
	v14 =	vadd.f32 $-5.000000000e-01, v8;
	v13 =	vld [tilespmem:s9+$0x0];
	v11 =	vmul.f32 v11, v8;
	v12 =	vshll.u32 v12, $0x4  }
0x2a1: {  	vm0 =	vlt.f32 v8, $1.000000000e+00;
	v6 =	vsub.f32 v9, v6;
	v9 =	vld [tilespmem:s0+$0x0];
	s0 =	sadd.s32 $0x10, s0;
	v12 =	vor.u32 v2, v12  }
0x2a2: {  	v15 =	vld [tilespmem:s0+$0x0];
	[tilespmem:s14], [sflag:$0x2] =	stream.indirect.gather [hbm4b:s3+s10], $0x10, s21, s10, $0xb8;
	v8 =	vsel vm0, v11, v14;
	vm11 =	vgt.s32 v7, $0x0;
	v12 =	vor.u32 v0, v12  }
0x2a3: {  	v6 =	vand.u32 $0x7FFFFFFF, v6;
	_ =	swait.ge [sflag:s15], $0x800;
	v8 =	vnsel vm11, $0x0, v8  }
0x2a4: {  	s1 =	simm.s32 $0x10;
	v11 =	vsel vm11, $0x3F800000, v3;
	v7 =	vmul.f32 $5.000000000e-01, v6;
	[sflag:s15] =	ssyncset.done $0x0;
	v5 =	vadd.f32 v8, v5  }
0x2a5: {  	s9 =	simm.s32 $0x1700;
	v8 =	vmov s1;
	v62 =	vadd.f32 $-5.000000000e-01, v6;
	v10 =	vsub.f32 v13, v10;
	[sflag:s15] =	ssyncadd.s32 $0xFFFFF800  }
0x2a6: {  	vm12 =	vlt.f32 v6, $1.000000000e+00;
	v4 =	vadd.f32 v11, v4;
	v8 =	vshll.u32 v8, $0x4;
	v63 =	vld [tilespmem:s9+$0x0]  }
0x2a7: {  	v7 =	vmul.f32 v7, v6;
	v8 =	vor.u32 v2, v8;
	v10 =	vand.u32 $0x7FFFFFFF, v10;
	v12 =	vld.idx.msk [tilespmem:v12+s12+$0x0], $0xffff  }
0x2a8: {  	vm13 =	vgt.s32 v9, $0x0;
	v8 =	vor.u32 v0, v8;
	v6 =	vmul.f32 $5.000000000e-01, v10  }
0x2a9: {  	v11 =	vsel vm13, $0x3F800000, v3;
	vm15 =	vgt.s32 v15, $0x0;
	v7 =	vsel vm12, v7, v62  }
0x2aa: {  	s11 =	simm.s32 $0x20;
	v9 =	vadd.f32 $-5.000000000e-01, v10;
	v7 =	vnsel vm13, $0x0, v7;
	v6 =	vmul.f32 v6, v10  }
0x2ab: {  	vm14 =	vlt.f32 v10, $1.000000000e+00;
	v5 =	vadd.f32 v7, v5;
	v7 =	vmov s11  }
0x2ac: {  	v7 =	vshll.u32 v7, $0x4;
	v6 =	vsel vm14, v6, v9;
	v10 =	vsub.f32 v63, v12  }
0x2ad: {  	s31 =	simm.s32 $0x1710;
	v4 =	vadd.f32 v11, v4;
	v7 =	vor.u32 v2, v7;
	v9 =	vnsel vm15, $0x0, v6;
	v6 =	vld.idx.msk [tilespmem:v8+s12+$0x0], $0xffff  }
0x2ae: {  	s0 =	simm.s32 $0x300;
	v5 =	vadd.f32 v9, v5;
	v9 =	vld [tilespmem:s31+$0x0];
	v8 =	vand.u32 $0x7FFFFFFF, v10;
	v10 =	vor.u32 v0, v7  }
0x2af: {  	v11 =	vsel vm15, $0x3F800000, v3;
	v7 =	vld [tilespmem:s0+$0x0]  }
0x2b0: {  	s1 =	simm.s32 $0x30;
	v4 =	vadd.f32 v11, v4;
	v11 =	vmul.f32 $5.000000000e-01, v8  }
.LBB2_52:
0x2b1: {  	v12 =	vmov s1;
	p0 =	sne.s32 s1, $0x70;
	s1 =	sadd.s32 $0x10, s1  }
.Ltmp25:
0x2b2: {  	v13 =	vadd.f32 $-5.000000000e-01, v8;
	v12 =	vshll.u32 v12, $0x4;
	v11 =	vmul.f32 v11, v8;
	(pc) =	sbr.rel @p0 .LBB2_52-.Ltmp25, $4  }
0x2b3: {  	s31 =	sadd.s32 $0x10, s31;
	vm0 =	vlt.f32 v8, $1.000000000e+00;
	v12 =	vor.u32 v2, v12;
	v14 =	vsub.f32 v9, v6;
	v6 =	vld.idx.msk [tilespmem:v10+s12+$0x0], $0xffff  }
0x2b4: {  	s0 =	sadd.s32 $0x10, s0;
	v10 =	vor.u32 v0, v12;
	v9 =	vld [tilespmem:s31+$0x0];
	v11 =	vsel vm0, v11, v13;
	vm0 =	vgt.s32 v7, $0x0  }
0x2b5: {  	v7 =	vld [tilespmem:s0+$0x0];
	v8 =	vand.u32 $0x7FFFFFFF, v14;
	v12 =	vnsel vm0, $0x0, v11;
	v13 =	vsel vm0, $0x3F800000, v3  }
0x2b6: {  	v11 =	vmul.f32 $5.000000000e-01, v8;
	v5 =	vadd.f32 v12, v5;
	v4 =	vadd.f32 v13, v4  }
0x2b7: {  	_ =	sdelay $0x2  }
0x2b8: {  	s1 =	simm.s32 $0x0  }
0x2b9: {  	v10 =	vld.idx.msk [tilespmem:v10+s12+$0x0], $0xffff;
	s9 =	sadd.s32 $0x10, s31;
	v12 =	vmov s1  }
0x2ba: {  	s0 =	sadd.s32 $0x10, s0;
	v14 =	vadd.f32 $-5.000000000e-01, v8;
	v13 =	vld [tilespmem:s9+$0x0];
	v11 =	vmul.f32 v11, v8;
	v12 =	vshll.u32 v12, $0x4  }
0x2bb: {  	vm0 =	vlt.f32 v8, $1.000000000e+00;
	v6 =	vsub.f32 v9, v6;
	v9 =	vld [tilespmem:s0+$0x0];
	s0 =	sadd.s32 $0x10, s0;
	v12 =	vor.u32 v2, v12  }
0x2bc: {  	v15 =	vld [tilespmem:s0+$0x0];
	[tilespmem:s12], [sflag:$0x1] =	stream.indirect.gather [hbm4b:s3+s10], $0x10, s22, s10, $0xb8;
	v8 =	vsel vm0, v11, v14;
	vm11 =	vgt.s32 v7, $0x0;
	v12 =	vor.u32 v0, v12  }
0x2bd: {  	v6 =	vand.u32 $0x7FFFFFFF, v6;
	_ =	swait.ge [sflag:s17], $0x800;
	v8 =	vnsel vm11, $0x0, v8  }
0x2be: {  	s1 =	simm.s32 $0x10;
	v11 =	vsel vm11, $0x3F800000, v3;
	v7 =	vmul.f32 $5.000000000e-01, v6;
	[sflag:s17] =	ssyncset.done $0x0;
	v5 =	vadd.f32 v8, v5  }
0x2bf: {  	s9 =	simm.s32 $0x1B00;
	v8 =	vmov s1;
	v62 =	vadd.f32 $-5.000000000e-01, v6;
	v10 =	vsub.f32 v13, v10;
	[sflag:s17] =	ssyncadd.s32 $0xFFFFF800  }
0x2c0: {  	vm12 =	vlt.f32 v6, $1.000000000e+00;
	v4 =	vadd.f32 v11, v4;
	v8 =	vshll.u32 v8, $0x4;
	v63 =	vld [tilespmem:s9+$0x0]  }
0x2c1: {  	v7 =	vmul.f32 v7, v6;
	v8 =	vor.u32 v2, v8;
	v10 =	vand.u32 $0x7FFFFFFF, v10;
	v12 =	vld.idx.msk [tilespmem:v12+s14+$0x0], $0xffff  }
0x2c2: {  	vm13 =	vgt.s32 v9, $0x0;
	v8 =	vor.u32 v0, v8;
	v6 =	vmul.f32 $5.000000000e-01, v10  }
0x2c3: {  	v11 =	vsel vm13, $0x3F800000, v3;
	vm15 =	vgt.s32 v15, $0x0;
	v7 =	vsel vm12, v7, v62  }
0x2c4: {  	s11 =	simm.s32 $0x20;
	v9 =	vadd.f32 $-5.000000000e-01, v10;
	v7 =	vnsel vm13, $0x0, v7;
	v6 =	vmul.f32 v6, v10  }
0x2c5: {  	vm14 =	vlt.f32 v10, $1.000000000e+00;
	v5 =	vadd.f32 v7, v5;
	v7 =	vmov s11  }
0x2c6: {  	v7 =	vshll.u32 v7, $0x4;
	v6 =	vsel vm14, v6, v9;
	v10 =	vsub.f32 v63, v12  }
0x2c7: {  	s31 =	simm.s32 $0x1B10;
	v4 =	vadd.f32 v11, v4;
	v7 =	vor.u32 v2, v7;
	v9 =	vnsel vm15, $0x0, v6;
	v6 =	vld.idx.msk [tilespmem:v8+s14+$0x0], $0xffff  }
0x2c8: {  	s0 =	simm.s32 $0x300;
	v5 =	vadd.f32 v9, v5;
	v9 =	vld [tilespmem:s31+$0x0];
	v8 =	vand.u32 $0x7FFFFFFF, v10;
	v10 =	vor.u32 v0, v7  }
0x2c9: {  	v11 =	vsel vm15, $0x3F800000, v3;
	v7 =	vld [tilespmem:s0+$0x0]  }
0x2ca: {  	s1 =	simm.s32 $0x30;
	v4 =	vadd.f32 v11, v4;
	v11 =	vmul.f32 $5.000000000e-01, v8  }
.LBB2_54:
0x2cb: {  	v12 =	vmov s1;
	p0 =	sne.s32 s1, $0x70;
	s1 =	sadd.s32 $0x10, s1  }
.Ltmp26:
0x2cc: {  	v13 =	vadd.f32 $-5.000000000e-01, v8;
	v12 =	vshll.u32 v12, $0x4;
	v11 =	vmul.f32 v11, v8;
	(pc) =	sbr.rel @p0 .LBB2_54-.Ltmp26, $4  }
0x2cd: {  	s31 =	sadd.s32 $0x10, s31;
	vm0 =	vlt.f32 v8, $1.000000000e+00;
	v12 =	vor.u32 v2, v12;
	v14 =	vsub.f32 v9, v6;
	v6 =	vld.idx.msk [tilespmem:v10+s14+$0x0], $0xffff  }
0x2ce: {  	s0 =	sadd.s32 $0x10, s0;
	v10 =	vor.u32 v0, v12;
	v9 =	vld [tilespmem:s31+$0x0];
	v11 =	vsel vm0, v11, v13;
	vm0 =	vgt.s32 v7, $0x0  }
0x2cf: {  	v7 =	vld [tilespmem:s0+$0x0];
	v8 =	vand.u32 $0x7FFFFFFF, v14;
	v12 =	vnsel vm0, $0x0, v11;
	v13 =	vsel vm0, $0x3F800000, v3  }
0x2d0: {  	v11 =	vmul.f32 $5.000000000e-01, v8;
	v5 =	vadd.f32 v12, v5;
	v4 =	vadd.f32 v13, v4  }
0x2d1: {  	_ =	sdelay $0x2  }
0x2d2: {  	s1 =	simm.s32 $0x0  }
0x2d3: {  	v10 =	vld.idx.msk [tilespmem:v10+s14+$0x0], $0xffff;
	s9 =	sadd.s32 $0x10, s31;
	v12 =	vmov s1  }
0x2d4: {  	s0 =	sadd.s32 $0x10, s0;
	v14 =	vadd.f32 $-5.000000000e-01, v8;
	v13 =	vld [tilespmem:s9+$0x0];
	v11 =	vmul.f32 v11, v8;
	v12 =	vshll.u32 v12, $0x4  }
0x2d5: {  	vm0 =	vlt.f32 v8, $1.000000000e+00;
	v6 =	vsub.f32 v9, v6;
	v9 =	vld [tilespmem:s0+$0x0];
	s0 =	sadd.s32 $0x10, s0;
	v12 =	vor.u32 v2, v12  }
0x2d6: {  	v15 =	vld [tilespmem:s0+$0x0];
	[tilespmem:s14], [sflag:$0x2] =	stream.indirect.gather [hbm4b:s3+s10], $0x10, s23, s10, $0xb8;
	v8 =	vsel vm0, v11, v14;
	vm11 =	vgt.s32 v7, $0x0;
	v12 =	vor.u32 v0, v12  }
0x2d7: {  	v6 =	vand.u32 $0x7FFFFFFF, v6;
	_ =	swait.ge [sflag:s15], $0x800;
	v8 =	vnsel vm11, $0x0, v8  }
0x2d8: {  	s1 =	simm.s32 $0x10;
	v11 =	vsel vm11, $0x3F800000, v3;
	v7 =	vmul.f32 $5.000000000e-01, v6;
	[sflag:s15] =	ssyncset.done $0x0;
	v5 =	vadd.f32 v8, v5  }
0x2d9: {  	s9 =	simm.s32 $0x1F00;
	v8 =	vmov s1;
	v62 =	vadd.f32 $-5.000000000e-01, v6;
	v10 =	vsub.f32 v13, v10;
	[sflag:s15] =	ssyncadd.s32 $0xFFFFF800  }
0x2da: {  	vm12 =	vlt.f32 v6, $1.000000000e+00;
	v4 =	vadd.f32 v11, v4;
	v8 =	vshll.u32 v8, $0x4;
	v63 =	vld [tilespmem:s9+$0x0]  }
0x2db: {  	v7 =	vmul.f32 v7, v6;
	v8 =	vor.u32 v2, v8;
	v10 =	vand.u32 $0x7FFFFFFF, v10;
	v12 =	vld.idx.msk [tilespmem:v12+s12+$0x0], $0xffff  }
0x2dc: {  	vm13 =	vgt.s32 v9, $0x0;
	v8 =	vor.u32 v0, v8;
	v6 =	vmul.f32 $5.000000000e-01, v10  }
0x2dd: {  	v11 =	vsel vm13, $0x3F800000, v3;
	vm15 =	vgt.s32 v15, $0x0;
	v7 =	vsel vm12, v7, v62  }
0x2de: {  	s11 =	simm.s32 $0x20;
	v9 =	vadd.f32 $-5.000000000e-01, v10;
	v7 =	vnsel vm13, $0x0, v7;
	v6 =	vmul.f32 v6, v10  }
0x2df: {  	vm14 =	vlt.f32 v10, $1.000000000e+00;
	v5 =	vadd.f32 v7, v5;
	v7 =	vmov s11  }
0x2e0: {  	v7 =	vshll.u32 v7, $0x4;
	v6 =	vsel vm14, v6, v9;
	v10 =	vsub.f32 v63, v12  }
0x2e1: {  	s31 =	simm.s32 $0x1F10;
	v4 =	vadd.f32 v11, v4;
	v7 =	vor.u32 v2, v7;
	v9 =	vnsel vm15, $0x0, v6;
	v6 =	vld.idx.msk [tilespmem:v8+s12+$0x0], $0xffff  }
0x2e2: {  	s0 =	simm.s32 $0x300;
	v5 =	vadd.f32 v9, v5;
	v9 =	vld [tilespmem:s31+$0x0];
	v8 =	vand.u32 $0x7FFFFFFF, v10;
	v10 =	vor.u32 v0, v7  }
0x2e3: {  	v11 =	vsel vm15, $0x3F800000, v3;
	v7 =	vld [tilespmem:s0+$0x0]  }
0x2e4: {  	s1 =	simm.s32 $0x30;
	v4 =	vadd.f32 v11, v4;
	v11 =	vmul.f32 $5.000000000e-01, v8  }
.LBB2_56:
0x2e5: {  	v12 =	vmov s1;
	p0 =	sne.s32 s1, $0x70;
	s1 =	sadd.s32 $0x10, s1  }
.Ltmp27:
0x2e6: {  	v13 =	vadd.f32 $-5.000000000e-01, v8;
	v12 =	vshll.u32 v12, $0x4;
	v11 =	vmul.f32 v11, v8;
	(pc) =	sbr.rel @p0 .LBB2_56-.Ltmp27, $4  }
0x2e7: {  	s31 =	sadd.s32 $0x10, s31;
	vm0 =	vlt.f32 v8, $1.000000000e+00;
	v12 =	vor.u32 v2, v12;
	v14 =	vsub.f32 v9, v6;
	v6 =	vld.idx.msk [tilespmem:v10+s12+$0x0], $0xffff  }
0x2e8: {  	s0 =	sadd.s32 $0x10, s0;
	v10 =	vor.u32 v0, v12;
	v9 =	vld [tilespmem:s31+$0x0];
	v11 =	vsel vm0, v11, v13;
	vm0 =	vgt.s32 v7, $0x0  }
0x2e9: {  	v7 =	vld [tilespmem:s0+$0x0];
	v8 =	vand.u32 $0x7FFFFFFF, v14;
	v12 =	vnsel vm0, $0x0, v11;
	v13 =	vsel vm0, $0x3F800000, v3  }
0x2ea: {  	v11 =	vmul.f32 $5.000000000e-01, v8;
	v5 =	vadd.f32 v12, v5;
	v4 =	vadd.f32 v13, v4  }
0x2eb: {  	_ =	sdelay $0x2  }
0x2ec: {  	s1 =	simm.s32 $0x0  }
0x2ed: {  	v10 =	vld.idx.msk [tilespmem:v10+s12+$0x0], $0xffff;
	s9 =	sadd.s32 $0x10, s31;
	v12 =	vmov s1  }
0x2ee: {  	s0 =	sadd.s32 $0x10, s0;
	v14 =	vadd.f32 $-5.000000000e-01, v8;
	v13 =	vld [tilespmem:s9+$0x0];
	v11 =	vmul.f32 v11, v8;
	v12 =	vshll.u32 v12, $0x4  }
0x2ef: {  	vm0 =	vlt.f32 v8, $1.000000000e+00;
	v6 =	vsub.f32 v9, v6;
	v9 =	vld [tilespmem:s0+$0x0];
	s0 =	sadd.s32 $0x10, s0;
	v12 =	vor.u32 v2, v12  }
0x2f0: {  	v15 =	vld [tilespmem:s0+$0x0];
	[tilespmem:s12], [sflag:$0x1] =	stream.indirect.gather [hbm4b:s3+s10], $0x10, s24, s10, $0xb8;
	v8 =	vsel vm0, v11, v14;
	vm11 =	vgt.s32 v7, $0x0;
	v12 =	vor.u32 v0, v12  }
0x2f1: {  	v6 =	vand.u32 $0x7FFFFFFF, v6;
	_ =	swait.ge [sflag:s17], $0x800;
	v8 =	vnsel vm11, $0x0, v8  }
0x2f2: {  	s1 =	simm.s32 $0x10;
	v11 =	vsel vm11, $0x3F800000, v3;
	v7 =	vmul.f32 $5.000000000e-01, v6;
	[sflag:s17] =	ssyncset.done $0x0;
	v5 =	vadd.f32 v8, v5  }
0x2f3: {  	s9 =	simm.s32 $0x2300;
	v8 =	vmov s1;
	v62 =	vadd.f32 $-5.000000000e-01, v6;
	v10 =	vsub.f32 v13, v10;
	[sflag:s17] =	ssyncadd.s32 $0xFFFFF800  }
0x2f4: {  	vm12 =	vlt.f32 v6, $1.000000000e+00;
	v4 =	vadd.f32 v11, v4;
	v8 =	vshll.u32 v8, $0x4;
	v63 =	vld [tilespmem:s9+$0x0]  }
0x2f5: {  	v7 =	vmul.f32 v7, v6;
	v8 =	vor.u32 v2, v8;
	v10 =	vand.u32 $0x7FFFFFFF, v10;
	v12 =	vld.idx.msk [tilespmem:v12+s14+$0x0], $0xffff  }
0x2f6: {  	vm13 =	vgt.s32 v9, $0x0;
	v8 =	vor.u32 v0, v8;
	v6 =	vmul.f32 $5.000000000e-01, v10  }
0x2f7: {  	v11 =	vsel vm13, $0x3F800000, v3;
	vm15 =	vgt.s32 v15, $0x0;
	v7 =	vsel vm12, v7, v62  }
0x2f8: {  	s11 =	simm.s32 $0x20;
	v9 =	vadd.f32 $-5.000000000e-01, v10;
	v7 =	vnsel vm13, $0x0, v7;
	v6 =	vmul.f32 v6, v10  }
0x2f9: {  	vm14 =	vlt.f32 v10, $1.000000000e+00;
	v5 =	vadd.f32 v7, v5;
	v7 =	vmov s11  }
0x2fa: {  	v7 =	vshll.u32 v7, $0x4;
	v6 =	vsel vm14, v6, v9;
	v10 =	vsub.f32 v63, v12  }
0x2fb: {  	s31 =	simm.s32 $0x2310;
	v4 =	vadd.f32 v11, v4;
	v7 =	vor.u32 v2, v7;
	v9 =	vnsel vm15, $0x0, v6;
	v6 =	vld.idx.msk [tilespmem:v8+s14+$0x0], $0xffff  }
0x2fc: {  	s0 =	simm.s32 $0x300;
	v5 =	vadd.f32 v9, v5;
	v9 =	vld [tilespmem:s31+$0x0];
	v8 =	vand.u32 $0x7FFFFFFF, v10;
	v10 =	vor.u32 v0, v7  }
0x2fd: {  	v11 =	vsel vm15, $0x3F800000, v3;
	v7 =	vld [tilespmem:s0+$0x0]  }
0x2fe: {  	s1 =	simm.s32 $0x30;
	v4 =	vadd.f32 v11, v4;
	v11 =	vmul.f32 $5.000000000e-01, v8  }
.LBB2_58:
0x2ff: {  	v12 =	vmov s1;
	p0 =	sne.s32 s1, $0x70;
	s1 =	sadd.s32 $0x10, s1  }
.Ltmp28:
0x300: {  	v13 =	vadd.f32 $-5.000000000e-01, v8;
	v12 =	vshll.u32 v12, $0x4;
	v11 =	vmul.f32 v11, v8;
	(pc) =	sbr.rel @p0 .LBB2_58-.Ltmp28, $4  }
0x301: {  	s31 =	sadd.s32 $0x10, s31;
	vm0 =	vlt.f32 v8, $1.000000000e+00;
	v12 =	vor.u32 v2, v12;
	v14 =	vsub.f32 v9, v6;
	v6 =	vld.idx.msk [tilespmem:v10+s14+$0x0], $0xffff  }
0x302: {  	s0 =	sadd.s32 $0x10, s0;
	v10 =	vor.u32 v0, v12;
	v9 =	vld [tilespmem:s31+$0x0];
	v11 =	vsel vm0, v11, v13;
	vm0 =	vgt.s32 v7, $0x0  }
0x303: {  	v7 =	vld [tilespmem:s0+$0x0];
	v8 =	vand.u32 $0x7FFFFFFF, v14;
	v12 =	vnsel vm0, $0x0, v11;
	v13 =	vsel vm0, $0x3F800000, v3  }
0x304: {  	v11 =	vmul.f32 $5.000000000e-01, v8;
	v5 =	vadd.f32 v12, v5;
	v4 =	vadd.f32 v13, v4  }
0x305: {  	_ =	sdelay $0x2  }
0x306: {  	s1 =	simm.s32 $0x0  }
0x307: {  	v10 =	vld.idx.msk [tilespmem:v10+s14+$0x0], $0xffff;
	s9 =	sadd.s32 $0x10, s31;
	v12 =	vmov s1  }
0x308: {  	s0 =	sadd.s32 $0x10, s0;
	v14 =	vadd.f32 $-5.000000000e-01, v8;
	v13 =	vld [tilespmem:s9+$0x0];
	v11 =	vmul.f32 v11, v8;
	v12 =	vshll.u32 v12, $0x4  }
0x309: {  	vm0 =	vlt.f32 v8, $1.000000000e+00;
	v6 =	vsub.f32 v9, v6;
	v9 =	vld [tilespmem:s0+$0x0];
	s0 =	sadd.s32 $0x10, s0;
	v12 =	vor.u32 v2, v12  }
0x30a: {  	v15 =	vld [tilespmem:s0+$0x0];
	[tilespmem:s14], [sflag:$0x2] =	stream.indirect.gather [hbm4b:s3+s10], $0x10, s25, s10, $0xb8;
	v8 =	vsel vm0, v11, v14;
	vm11 =	vgt.s32 v7, $0x0;
	v12 =	vor.u32 v0, v12  }
0x30b: {  	v6 =	vand.u32 $0x7FFFFFFF, v6;
	_ =	swait.ge [sflag:s15], $0x800;
	v8 =	vnsel vm11, $0x0, v8  }
0x30c: {  	s1 =	simm.s32 $0x10;
	v11 =	vsel vm11, $0x3F800000, v3;
	v7 =	vmul.f32 $5.000000000e-01, v6;
	[sflag:s15] =	ssyncset.done $0x0;
	v5 =	vadd.f32 v8, v5  }
0x30d: {  	s9 =	simm.s32 $0x1780;
	v8 =	vmov s1;
	v62 =	vadd.f32 $-5.000000000e-01, v6;
	v10 =	vsub.f32 v13, v10;
	[sflag:s15] =	ssyncadd.s32 $0xFFFFF800  }
0x30e: {  	vm12 =	vlt.f32 v6, $1.000000000e+00;
	v4 =	vadd.f32 v11, v4;
	v8 =	vshll.u32 v8, $0x4;
	v63 =	vld [tilespmem:s9+$0x0]  }
0x30f: {  	v7 =	vmul.f32 v7, v6;
	v8 =	vor.u32 v2, v8;
	v10 =	vand.u32 $0x7FFFFFFF, v10;
	v12 =	vld.idx.msk [tilespmem:v12+s12+$0x0], $0xffff  }
0x310: {  	vm13 =	vgt.s32 v9, $0x0;
	v8 =	vor.u32 v0, v8;
	v6 =	vmul.f32 $5.000000000e-01, v10  }
0x311: {  	v11 =	vsel vm13, $0x3F800000, v3;
	vm15 =	vgt.s32 v15, $0x0;
	v7 =	vsel vm12, v7, v62  }
0x312: {  	s11 =	simm.s32 $0x20;
	v9 =	vadd.f32 $-5.000000000e-01, v10;
	v7 =	vnsel vm13, $0x0, v7;
	v6 =	vmul.f32 v6, v10  }
0x313: {  	vm14 =	vlt.f32 v10, $1.000000000e+00;
	v5 =	vadd.f32 v7, v5;
	v7 =	vmov s11  }
0x314: {  	v7 =	vshll.u32 v7, $0x4;
	v6 =	vsel vm14, v6, v9;
	v10 =	vsub.f32 v63, v12  }
0x315: {  	s31 =	simm.s32 $0x1790;
	v4 =	vadd.f32 v11, v4;
	v7 =	vor.u32 v2, v7;
	v9 =	vnsel vm15, $0x0, v6;
	v6 =	vld.idx.msk [tilespmem:v8+s12+$0x0], $0xffff  }
0x316: {  	s0 =	simm.s32 $0x380;
	v5 =	vadd.f32 v9, v5;
	v9 =	vld [tilespmem:s31+$0x0];
	v8 =	vand.u32 $0x7FFFFFFF, v10;
	v10 =	vor.u32 v0, v7  }
0x317: {  	v11 =	vsel vm15, $0x3F800000, v3;
	v7 =	vld [tilespmem:s0+$0x0]  }
0x318: {  	s1 =	simm.s32 $0x30;
	v4 =	vadd.f32 v11, v4;
	v11 =	vmul.f32 $5.000000000e-01, v8  }
.LBB2_60:
0x319: {  	v12 =	vmov s1;
	p0 =	sne.s32 s1, $0x70;
	s1 =	sadd.s32 $0x10, s1  }
.Ltmp29:
0x31a: {  	v13 =	vadd.f32 $-5.000000000e-01, v8;
	v12 =	vshll.u32 v12, $0x4;
	v11 =	vmul.f32 v11, v8;
	(pc) =	sbr.rel @p0 .LBB2_60-.Ltmp29, $4  }
0x31b: {  	s31 =	sadd.s32 $0x10, s31;
	vm0 =	vlt.f32 v8, $1.000000000e+00;
	v12 =	vor.u32 v2, v12;
	v14 =	vsub.f32 v9, v6;
	v6 =	vld.idx.msk [tilespmem:v10+s12+$0x0], $0xffff  }
0x31c: {  	s0 =	sadd.s32 $0x10, s0;
	v10 =	vor.u32 v0, v12;
	v9 =	vld [tilespmem:s31+$0x0];
	v11 =	vsel vm0, v11, v13;
	vm0 =	vgt.s32 v7, $0x0  }
0x31d: {  	v7 =	vld [tilespmem:s0+$0x0];
	v8 =	vand.u32 $0x7FFFFFFF, v14;
	v12 =	vnsel vm0, $0x0, v11;
	v13 =	vsel vm0, $0x3F800000, v3  }
0x31e: {  	v11 =	vmul.f32 $5.000000000e-01, v8;
	v5 =	vadd.f32 v12, v5;
	v4 =	vadd.f32 v13, v4  }
0x31f: {  	_ =	sdelay $0x2  }
0x320: {  	s1 =	simm.s32 $0x0  }
0x321: {  	v10 =	vld.idx.msk [tilespmem:v10+s12+$0x0], $0xffff;
	s9 =	sadd.s32 $0x10, s31;
	v12 =	vmov s1  }
0x322: {  	s0 =	sadd.s32 $0x10, s0;
	v14 =	vadd.f32 $-5.000000000e-01, v8;
	v13 =	vld [tilespmem:s9+$0x0];
	v11 =	vmul.f32 v11, v8;
	v12 =	vshll.u32 v12, $0x4  }
0x323: {  	vm0 =	vlt.f32 v8, $1.000000000e+00;
	v6 =	vsub.f32 v9, v6;
	v9 =	vld [tilespmem:s0+$0x0];
	s0 =	sadd.s32 $0x10, s0;
	v12 =	vor.u32 v2, v12  }
0x324: {  	v15 =	vld [tilespmem:s0+$0x0];
	[tilespmem:s12], [sflag:$0x1] =	stream.indirect.gather [hbm4b:s3+s10], $0x10, s26, s10, $0xb8;
	v8 =	vsel vm0, v11, v14;
	vm11 =	vgt.s32 v7, $0x0;
	v12 =	vor.u32 v0, v12  }
0x325: {  	v6 =	vand.u32 $0x7FFFFFFF, v6;
	_ =	swait.ge [sflag:s17], $0x800;
	v8 =	vnsel vm11, $0x0, v8  }
0x326: {  	s1 =	simm.s32 $0x10;
	v11 =	vsel vm11, $0x3F800000, v3;
	v7 =	vmul.f32 $5.000000000e-01, v6;
	[sflag:s17] =	ssyncset.done $0x0;
	v5 =	vadd.f32 v8, v5  }
0x327: {  	s9 =	simm.s32 $0x1B80;
	v8 =	vmov s1;
	v62 =	vadd.f32 $-5.000000000e-01, v6;
	v10 =	vsub.f32 v13, v10;
	[sflag:s17] =	ssyncadd.s32 $0xFFFFF800  }
0x328: {  	vm12 =	vlt.f32 v6, $1.000000000e+00;
	v4 =	vadd.f32 v11, v4;
	v8 =	vshll.u32 v8, $0x4;
	v63 =	vld [tilespmem:s9+$0x0]  }
0x329: {  	v7 =	vmul.f32 v7, v6;
	v8 =	vor.u32 v2, v8;
	v10 =	vand.u32 $0x7FFFFFFF, v10;
	v12 =	vld.idx.msk [tilespmem:v12+s14+$0x0], $0xffff  }
0x32a: {  	vm13 =	vgt.s32 v9, $0x0;
	v8 =	vor.u32 v0, v8;
	v6 =	vmul.f32 $5.000000000e-01, v10  }
0x32b: {  	v11 =	vsel vm13, $0x3F800000, v3;
	vm15 =	vgt.s32 v15, $0x0;
	v7 =	vsel vm12, v7, v62  }
0x32c: {  	s11 =	simm.s32 $0x20;
	v9 =	vadd.f32 $-5.000000000e-01, v10;
	v7 =	vnsel vm13, $0x0, v7;
	v6 =	vmul.f32 v6, v10  }
0x32d: {  	vm14 =	vlt.f32 v10, $1.000000000e+00;
	v5 =	vadd.f32 v7, v5;
	v7 =	vmov s11  }
0x32e: {  	v7 =	vshll.u32 v7, $0x4;
	v6 =	vsel vm14, v6, v9;
	v10 =	vsub.f32 v63, v12  }
0x32f: {  	s31 =	simm.s32 $0x1B90;
	v4 =	vadd.f32 v11, v4;
	v7 =	vor.u32 v2, v7;
	v9 =	vnsel vm15, $0x0, v6;
	v6 =	vld.idx.msk [tilespmem:v8+s14+$0x0], $0xffff  }
0x330: {  	s0 =	simm.s32 $0x380;
	v5 =	vadd.f32 v9, v5;
	v9 =	vld [tilespmem:s31+$0x0];
	v8 =	vand.u32 $0x7FFFFFFF, v10;
	v10 =	vor.u32 v0, v7  }
0x331: {  	v11 =	vsel vm15, $0x3F800000, v3;
	v7 =	vld [tilespmem:s0+$0x0]  }
0x332: {  	s1 =	simm.s32 $0x30;
	v4 =	vadd.f32 v11, v4;
	v11 =	vmul.f32 $5.000000000e-01, v8  }
.LBB2_62:
0x333: {  	v12 =	vmov s1;
	p0 =	sne.s32 s1, $0x70;
	s1 =	sadd.s32 $0x10, s1  }
.Ltmp30:
0x334: {  	v13 =	vadd.f32 $-5.000000000e-01, v8;
	v12 =	vshll.u32 v12, $0x4;
	v11 =	vmul.f32 v11, v8;
	(pc) =	sbr.rel @p0 .LBB2_62-.Ltmp30, $4  }
0x335: {  	s31 =	sadd.s32 $0x10, s31;
	vm0 =	vlt.f32 v8, $1.000000000e+00;
	v12 =	vor.u32 v2, v12;
	v14 =	vsub.f32 v9, v6;
	v6 =	vld.idx.msk [tilespmem:v10+s14+$0x0], $0xffff  }
0x336: {  	s0 =	sadd.s32 $0x10, s0;
	v10 =	vor.u32 v0, v12;
	v9 =	vld [tilespmem:s31+$0x0];
	v11 =	vsel vm0, v11, v13;
	vm0 =	vgt.s32 v7, $0x0  }
0x337: {  	v7 =	vld [tilespmem:s0+$0x0];
	v8 =	vand.u32 $0x7FFFFFFF, v14;
	v12 =	vnsel vm0, $0x0, v11;
	v13 =	vsel vm0, $0x3F800000, v3  }
0x338: {  	v11 =	vmul.f32 $5.000000000e-01, v8;
	v5 =	vadd.f32 v12, v5;
	v4 =	vadd.f32 v13, v4  }
0x339: {  	_ =	sdelay $0x2  }
0x33a: {  	s1 =	simm.s32 $0x0  }
0x33b: {  	v10 =	vld.idx.msk [tilespmem:v10+s14+$0x0], $0xffff;
	s9 =	sadd.s32 $0x10, s31;
	v12 =	vmov s1  }
0x33c: {  	s0 =	sadd.s32 $0x10, s0;
	v14 =	vadd.f32 $-5.000000000e-01, v8;
	v13 =	vld [tilespmem:s9+$0x0];
	v11 =	vmul.f32 v11, v8;
	v12 =	vshll.u32 v12, $0x4  }
0x33d: {  	vm0 =	vlt.f32 v8, $1.000000000e+00;
	v6 =	vsub.f32 v9, v6;
	v9 =	vld [tilespmem:s0+$0x0];
	s0 =	sadd.s32 $0x10, s0;
	v12 =	vor.u32 v2, v12  }
0x33e: {  	v15 =	vld [tilespmem:s0+$0x0];
	[tilespmem:s14], [sflag:$0x2] =	stream.indirect.gather [hbm4b:s3+s10], $0x10, s28, s10, $0xb8;
	v8 =	vsel vm0, v11, v14;
	vm11 =	vgt.s32 v7, $0x0;
	v12 =	vor.u32 v0, v12  }
0x33f: {  	v6 =	vand.u32 $0x7FFFFFFF, v6;
	_ =	swait.ge [sflag:s15], $0x800;
	v8 =	vnsel vm11, $0x0, v8  }
0x340: {  	s1 =	simm.s32 $0x10;
	v11 =	vsel vm11, $0x3F800000, v3;
	v7 =	vmul.f32 $5.000000000e-01, v6;
	[sflag:s15] =	ssyncset.done $0x0;
	v5 =	vadd.f32 v8, v5  }
0x341: {  	s9 =	simm.s32 $0x1F80;
	v8 =	vmov s1;
	v62 =	vadd.f32 $-5.000000000e-01, v6;
	v10 =	vsub.f32 v13, v10;
	[sflag:s15] =	ssyncadd.s32 $0xFFFFF800  }
0x342: {  	vm12 =	vlt.f32 v6, $1.000000000e+00;
	v4 =	vadd.f32 v11, v4;
	v8 =	vshll.u32 v8, $0x4;
	v63 =	vld [tilespmem:s9+$0x0]  }
0x343: {  	v7 =	vmul.f32 v7, v6;
	v8 =	vor.u32 v2, v8;
	v10 =	vand.u32 $0x7FFFFFFF, v10;
	v12 =	vld.idx.msk [tilespmem:v12+s12+$0x0], $0xffff  }
0x344: {  	vm13 =	vgt.s32 v9, $0x0;
	v8 =	vor.u32 v0, v8;
	v6 =	vmul.f32 $5.000000000e-01, v10  }
0x345: {  	v11 =	vsel vm13, $0x3F800000, v3;
	vm15 =	vgt.s32 v15, $0x0;
	v7 =	vsel vm12, v7, v62  }
0x346: {  	s11 =	simm.s32 $0x20;
	v9 =	vadd.f32 $-5.000000000e-01, v10;
	v7 =	vnsel vm13, $0x0, v7;
	v6 =	vmul.f32 v6, v10  }
0x347: {  	vm14 =	vlt.f32 v10, $1.000000000e+00;
	v5 =	vadd.f32 v7, v5;
	v7 =	vmov s11  }
0x348: {  	v7 =	vshll.u32 v7, $0x4;
	v6 =	vsel vm14, v6, v9;
	v10 =	vsub.f32 v63, v12  }
0x349: {  	s31 =	simm.s32 $0x1F90;
	v4 =	vadd.f32 v11, v4;
	v7 =	vor.u32 v2, v7;
	v9 =	vnsel vm15, $0x0, v6;
	v6 =	vld.idx.msk [tilespmem:v8+s12+$0x0], $0xffff  }
0x34a: {  	s0 =	simm.s32 $0x380;
	v5 =	vadd.f32 v9, v5;
	v9 =	vld [tilespmem:s31+$0x0];
	v8 =	vand.u32 $0x7FFFFFFF, v10;
	v10 =	vor.u32 v0, v7  }
0x34b: {  	v11 =	vsel vm15, $0x3F800000, v3;
	v7 =	vld [tilespmem:s0+$0x0]  }
0x34c: {  	s1 =	simm.s32 $0x30;
	v4 =	vadd.f32 v11, v4;
	v11 =	vmul.f32 $5.000000000e-01, v8  }
.LBB2_64:
0x34d: {  	v12 =	vmov s1;
	p0 =	sne.s32 s1, $0x70;
	s1 =	sadd.s32 $0x10, s1  }
.Ltmp31:
0x34e: {  	v13 =	vadd.f32 $-5.000000000e-01, v8;
	v12 =	vshll.u32 v12, $0x4;
	v11 =	vmul.f32 v11, v8;
	(pc) =	sbr.rel @p0 .LBB2_64-.Ltmp31, $4  }
0x34f: {  	s31 =	sadd.s32 $0x10, s31;
	vm0 =	vlt.f32 v8, $1.000000000e+00;
	v12 =	vor.u32 v2, v12;
	v14 =	vsub.f32 v9, v6;
	v6 =	vld.idx.msk [tilespmem:v10+s12+$0x0], $0xffff  }
0x350: {  	s0 =	sadd.s32 $0x10, s0;
	v10 =	vor.u32 v0, v12;
	v9 =	vld [tilespmem:s31+$0x0];
	v11 =	vsel vm0, v11, v13;
	vm0 =	vgt.s32 v7, $0x0  }
0x351: {  	v7 =	vld [tilespmem:s0+$0x0];
	v8 =	vand.u32 $0x7FFFFFFF, v14;
	v12 =	vnsel vm0, $0x0, v11;
	v13 =	vsel vm0, $0x3F800000, v3  }
0x352: {  	v11 =	vmul.f32 $5.000000000e-01, v8;
	v5 =	vadd.f32 v12, v5;
	v4 =	vadd.f32 v13, v4  }
0x353: {  	_ =	sdelay $0x3  }
0x354: {  	s1 =	simm.s32 $0x0;
	v10 =	vld.idx.msk [tilespmem:v10+s12+$0x0], $0xffff;
	s9 =	sadd.s32 $0x10, s31  }
0x355: {  	v59 =	vadd.f32 $-5.000000000e-01, v8;
	v12 =	vmov s1;
	v13 =	vld [tilespmem:s9+$0x0];
	v11 =	vmul.f32 v11, v8  }
0x356: {  	vm0 =	vlt.f32 v8, $1.000000000e+00;
	v12 =	vshll.u32 v12, $0x4;
	v6 =	vsub.f32 v9, v6  }
0x357: {  	s0 =	sadd.s32 $0x10, s0;
	v9 =	vor.u32 v2, v12;
	v11 =	vsel vm0, v11, v59  }
0x358: {  	v14 =	vld [tilespmem:s0+$0x0];
	vm11 =	vgt.s32 v7, $0x0;
	v9 =	vor.u32 v0, v9;
	v6 =	vand.u32 $0x7FFFFFFF, v6  }
0x359: {  	s0 =	sadd.s32 $0x10, s0;
	s1 =	simm.s32 $0x10;
	v11 =	vnsel vm11, $0x0, v11;
	v60 =	vsel vm11, $0x3F800000, v3;
	v7 =	vmul.f32 $5.000000000e-01, v6  }
0x35a: {  	v8 =	vld [tilespmem:s0+$0x0];
	_ =	swait.ge [sflag:s17], $0x800;
	v5 =	vadd.f32 v11, v5;
	v11 =	vmov s1;
	v10 =	vsub.f32 v13, v10  }
0x35b: {  	[sflag:s17] =	ssyncset.done $0x0;
	v61 =	vadd.f32 $-5.000000000e-01, v6;
	vm12 =	vlt.f32 v6, $1.000000000e+00;
	v4 =	vadd.f32 v60, v4  }
0x35c: {  	s9 =	simm.s32 $0x2380;
	[sflag:s17] =	ssyncadd.s32 $0xFFFFF800;
	v11 =	vshll.u32 v11, $0x4;
	v7 =	vmul.f32 v7, v6;
	v10 =	vand.u32 $0x7FFFFFFF, v10  }
0x35d: {  	v15 =	vld [tilespmem:s9+$0x0];
	vm13 =	vgt.s32 v14, $0x0;
	v11 =	vor.u32 v2, v11;
	v6 =	vmul.f32 $5.000000000e-01, v10  }
0x35e: {  	v63 =	vsel vm13, $0x3F800000, v3;
	v11 =	vor.u32 v0, v11;
	v9 =	vld.idx.msk [tilespmem:v9+s14+$0x0], $0xffff;
	v7 =	vsel vm12, v7, v61  }
0x35f: {  	v62 =	vadd.f32 $-5.000000000e-01, v10;
	v7 =	vnsel vm13, $0x0, v7;
	v6 =	vmul.f32 v6, v10  }
0x360: {  	s11 =	simm.s32 $0x20;
	vm15 =	vgt.s32 v8, $0x0;
	vm14 =	vlt.f32 v10, $1.000000000e+00;
	v5 =	vadd.f32 v7, v5  }
0x361: {  	v7 =	vadd.f32 v63, v4;
	v4 =	vsel vm14, v6, v62;
	v6 =	vmov s11  }
0x362: {  	v10 =	vsel vm15, $0x3F800000, v3;
	v8 =	vshll.u32 v6, $0x4  }
0x363: {  	s1 =	simm.s32 $0x2390;
	v9 =	vsub.f32 v15, v9;
	v4 =	vnsel vm15, $0x0, v4;
	v6 =	vld.idx.msk [tilespmem:v11+s14+$0x0], $0xffff;
	v11 =	vor.u32 v2, v8  }
0x364: {  	s0 =	simm.s32 $0x380;
	v4 =	vadd.f32 v4, v5;
	v8 =	vld [tilespmem:s1+$0x0];
	v5 =	vadd.f32 v10, v7;
	v10 =	vor.u32 v0, v11  }
0x365: {  	v7 =	vld [tilespmem:s0+$0x0];
	v9 =	vand.u32 $0x7FFFFFFF, v9  }
0x366: {  	s31 =	simm.s32 $0x30;
	v11 =	vmul.f32 $5.000000000e-01, v9  }
.LBB2_66:
0x367: {  	v12 =	vmov s31;
	p0 =	sne.s32 s31, $0x70;
	s31 =	sadd.s32 $0x10, s31  }
.Ltmp32:
0x368: {  	v13 =	vadd.f32 $-5.000000000e-01, v9;
	v12 =	vshll.u32 v12, $0x4;
	v11 =	vmul.f32 v11, v9;
	(pc) =	sbr.rel @p0 .LBB2_66-.Ltmp32, $4  }
0x369: {  	s1 =	sadd.s32 $0x10, s1;
	vm0 =	vlt.f32 v9, $1.000000000e+00;
	v12 =	vor.u32 v2, v12;
	v14 =	vsub.f32 v8, v6;
	v6 =	vld.idx.msk [tilespmem:v10+s14+$0x0], $0xffff  }
0x36a: {  	s0 =	sadd.s32 $0x10, s0;
	v10 =	vor.u32 v0, v12;
	v8 =	vld [tilespmem:s1+$0x0];
	v11 =	vsel vm0, v11, v13;
	vm0 =	vgt.s32 v7, $0x0  }
0x36b: {  	v7 =	vld [tilespmem:s0+$0x0];
	v9 =	vand.u32 $0x7FFFFFFF, v14;
	v12 =	vnsel vm0, $0x0, v11;
	v13 =	vsel vm0, $0x3F800000, v3  }
0x36c: {  	v11 =	vmul.f32 $5.000000000e-01, v9;
	v4 =	vadd.f32 v12, v4;
	v5 =	vadd.f32 v13, v5  }
0x36d: {  	_ =	sdelay $0x3  }
0x36e: {  	v10 =	vld.idx.msk [tilespmem:v10+s14+$0x0], $0xffff;
	s1 =	sadd.s32 $0x10, s1  }
0x36f: {  	v12 =	vld [tilespmem:s1+$0x0];
	_ =	sdelay $0x1  }
0x370: {  	v13 =	vadd.f32 $-5.000000000e-01, v9;
	s0 =	sadd.s32 $0x10, s0;
	v11 =	vmul.f32 v11, v9  }
0x371: {  	vm0 =	vlt.f32 v9, $1.000000000e+00;
	v54 =	vld [tilespmem:s0+$0x0];
	s0 =	sadd.s32 $0x10, s0;
	v6 =	vsub.f32 v8, v6  }
0x372: {  	v57 =	vld [tilespmem:s0+$0x0];
	v53 =	vsel vm0, v11, v13;
	vm11 =	vgt.s32 v7, $0x0  }
0x373: {  	v6 =	vand.u32 $0x7FFFFFFF, v6;
	v8 =	vnsel vm11, $0x0, v53;
	v10 =	vsub.f32 v12, v10  }
0x374: {  	v58 =	vsel vm11, $0x3F800000, v3;
	v55 =	vmul.f32 $5.000000000e-01, v6;
	v56 =	vadd.f32 $-5.000000000e-01, v6  }
0x375: {  	vm12 =	vlt.f32 v6, $1.000000000e+00;
	v4 =	vadd.f32 v8, v4;
	v10 =	vand.u32 $0x7FFFFFFF, v10  }
0x376: {  	vm13 =	vgt.s32 v54, $0x0;
	v9 =	vmul.f32 v55, v6;
	v59 =	vmul.f32 $5.000000000e-01, v10  }
0x377: {  	v5 =	vadd.f32 v58, v5;
	v62 =	vsel vm13, $0x3F800000, v3;
	vm15 =	vgt.s32 v57, $0x0  }
0x378: {  	v60 =	vsel vm12, v9, v56;
	v61 =	vadd.f32 $-5.000000000e-01, v10;
	v6 =	vmul.f32 v59, v10  }
0x379: {  	v5 =	vadd.f32 v62, v5;
	vm14 =	vlt.f32 v10, $1.000000000e+00;
	v8 =	vnsel vm13, $0x0, v60  }
0x37a: {  	v63 =	vsel vm15, $0x3F800000, v3;
	v4 =	vadd.f32 v8, v4;
	v6 =	vsel vm14, v6, v61  }
0x37b: {  	v5 =	vadd.f32 v63, v5;
	v6 =	vnsel vm15, $0x0, v6  }
0x37c: {  	s30 =	sadd.s32 $0x1, s30;
	v4 =	vadd.f32 v6, v4  }
0x37d: {  	p0 =	sne.s32 s30, s7;
	[tilespmem:$0x3410] =	vst v5  }
.Ltmp33:
0x37e: {  	[tilespmem:$0x3400] =	vst v4;
	(pc) =	sbr.rel @p0 .LBB2_1-.Ltmp33, $4  }
0x37f: {  	[hbm4b:s6+s2] =	stream.linear.scatter [tilespmem:s29], [sflag:$0x3], $0x20, $0x38;
	[tilespmem:$0x3420] =	vst v63  }
0x380: {  	_ =	swait.ge [sflag:s8], $0x20  }
0x381: {  	[sflag:s8] =	ssyncset.done $0x0  }
0x382: {  	[sflag:s8] =	ssyncadd.s32 $0xFFFFFFE0  }
0x383: {  	_ =	sfence.sel $0x180000  }
0x384: {  	[bflag:$0x0] =	sbarrier.arrive $0xFFFF  }
0x385: {  	_ =	strace $0x90000047  }
0x386: {  	s0 =	stileid.u32;
	[bflag:$0x2] =	sbarrier.arrive $0xFFFF  }
0x387: {  	p0 =	sne.s32 s0, $0x0;
	s0 =	rddreg [dreg:$0x1]  }
0x388: {  	s0 =	sadd.s32 @!p0 $0x100000, s0  }
0x389: {  	[sflag:s0] =	ssyncadd.tile.s32 @!p0 $0x1;
	_ =	shalt  }
.Lfunc_end2:
_tile_overlayer_lowered:
.L_overlay_start_2:
0x38a: {  	(tag) =	ssettag $0x2  }
0x38b: {  	s0 =	rddreg [dreg:$0x0];
	s2 =	stileid.u32  }
0x38c: {  	s1 =	rddreg [dreg:$0x1];
	p0 =	sne.s32 s2, $0x0  }
0x38d: {  	s3 =	rddreg [dreg:$0x2];
	[bflag:$0x3] =	sbarrier.arrive $0xFFFF;
	s2 =	simm.s32 @!p0 $0x1C03  }
0x38e: {  	[timem:s3], [sflag:s2] =	dma.local @!p0 [hbm:s0], s1  }
0x38f: {  	s0 =	simm.s32 @!p0 $0x3  }
0x390: {  	_ =	swait.ge @!p0 [sflag:s0], s1  }
0x391: {  	s1 =	ssub.s32 @!p0 $0x0, s1;
	[sflag:s0] =	ssyncset.done @!p0 $0x0  }
0x392: {  	[sflag:s0] =	ssyncadd.s32 @!p0 s1  }
0x393: {  	[bflag:$0x3] =	sbarrier.arrive $0xFFFF  }
0x394: {  	_ =	shalt  }

// kernel: _sc_loss.7.cloned.1.call-start
scs
__scs_entry_jumppad:
0x0: {  	(pc) =	sbr.rel $0x88, $3  }
0x1: {  	(tag) =	ssettag $0x0;
	lr =	simm.s32 $0x1  }
0x2: {  	[smem:$0x3F9E] =	sst lr;
	_ =	strace $0xD0000000  }
0x3: {  	_ = 	snop  }
0x4: {  	_ = 	snop  }
0x5: {  	_ = 	snop  }
0x6: {  	_ = 	snop  }
0x7: {  	_ = 	snop  }
__scs_overlays_trampoline_lowered:
0x8: {  	[smem:$0x3FAD] =	sst s0  }
0x9: {  	[smem:$0x3FAE] =	sst s1  }
0xa: {  	[smem:$0x3FAF] =	sst s2  }
0xb: {  	[smem:$0x3FB0] =	sst s3  }
0xc: {  	[smem:$0x3FB1] =	sst s4  }
0xd: {  	[smem:$0x3FB2] =	sst s5  }
0xe: {  	[smem:$0x3FB3] =	sst s6  }
0xf: {  	[smem:$0x3FB4] =	sst s7  }
0x10: {  	[smem:$0x3FB5] =	sst s8  }
0x11: {  	[smem:$0x3FB6] =	sst s9;
	s0 =	simm.s32 @!p0 $0x0  }
0x12: {  	s1 =	sld [smem:$0x3F9C];
	s0 =	simm.s32 @p0 $0x1  }
0x13: {  	[smem:$0x3FB7] =	sst s0;
	s0 =	simm.s32 @!p1 $0x0  }
0x14: {  	s2 =	sld [smem:$0x3F9B];
	s0 =	simm.s32 @p1 $0x1  }
0x15: {  	[smem:$0x3FB8] =	sst s0;
	s0 =	simm.s32 @!p2 $0x0  }
0x16: {  	s3 =	sld [smem:$0x3FDB];
	s0 =	simm.s32 @p2 $0x1  }
0x17: {  	s4 =	simm.s32 $0x1BF5;
	[smem:$0x3FBA] =	sst s0  }
0x18: {  	s0 =	sld [smem:$0x3F9D];
	_ =	swait.ge [sflag:s4], $0x0  }
0x19: {  	s7 =	sld [smem:$0x3F9E]  }
0x1a: {  	s8 =	sadd.s32 $0xFFFFE003, lr  }
0x1b: {  	s9 =	sadd.s32 $0xFFFFFEF7, lr;
	s5 =	simm.s32 $0xFFFFFFFF;
	p2 =	slt.u32 s8, $0xFFFFF086  }
0x1c: {  	p1 =	slt.u32 s9, $0xF7A;
	s5 =	simm.s32 @!p2 $0x0  }
0x1d: {  	s5 =	simm.s32 @p1 $0x1;
	p0 =	seq.s32 s7, s2  }
0x1e: {  	s7 =	smul.u32 @!p0 $0xF7A, s2;
	p2 =	seq.s32 @!p0 s5, $0x0  }
0x1f: {  	s9 =	smul.u32 $0xF7A, s1;
	s8 =	simm.s32 @!p0 $0x1BF5;
	p2 =	por !p2, p0  }
0x20: {  	[sflag:s8] =	ssyncset.s32 @!p0 $0xFFFFF086;
	s6 =	sadd.s32 @!p0 s3, s7;
	s7 =	simm.s32 @!p0 $0x108  }
0x21: {  	s3 =	sadd.s32 s3, s9;
	s6 =	sadd.s32 @!p0 $0x88, s6;
	s7 =	simm.s32 @p2 $0x1082  }
0x22: {  	[simem:s7], [sflag:s8] =	dma.local @!p0 [hbm:s6], $0xF7A  }
0x23: {  	s9 =	sor.u32 $0xD0000000, s2;
	s6 =	simm.s32 $0x108;
	_ =	swait.ge @!p0 [sflag:s8], $0x0  }
0x24: {  	s3 =	sadd.s32 $0x88, s3;
	s6 =	simm.s32 @!p1 $0x1082;
	[sflag:s4] =	ssyncset.s32 $0xFFFFF086  }
0x25: {  	[simem:s6], [sflag:s4] =	dma.local [hbm:s3], $0xF7A  }
0x26: {  	[smem:$0x3F9E] =	sst s1;
	(tag) =	ssettag s2;
	_ =	strace s9  }
0x27: {  	s1 =	sld [smem:$0x3FAE]  }
0x28: {  	s2 =	sld [smem:$0x3FAF]  }
0x29: {  	s4 =	sld [smem:$0x3FB1]  }
0x2a: {  	p0 =	seq.s32 s5, $0x0;
	s5 =	sld [smem:$0x3FB2]  }
0x2b: {  	s6 =	sld [smem:$0x3FB3]  }
0x2c: {  	s7 =	sld [smem:$0x3FB4]  }
0x2d: {  	s3 =	simm.s32 $0x108;
	s8 =	sld [smem:$0x3FB5]  }
0x2e: {  	s3 =	simm.s32 @!p0 $0x1082;
	s9 =	sld [smem:$0x3FB6]  }
0x2f: {  	lr =	sadd.s32 s0, s3;
	s0 =	sld [smem:$0x3FAD]  }
0x30: {  	s3 =	sld [smem:$0x3FB0]  }
0x31: {  	[smem:$0x3FB9] =	sst s10  }
0x32: {  	s10 =	sld [smem:$0x3FB7];
	_ =	sdelay $0x3  }
0x33: {  	p0 =	seq.s32 s10, $0x1;
	s10 =	sld [smem:$0x3FB9];
	_ =	sdelay $0x3  }
0x34: {  	[smem:$0x3FB9] =	sst s10  }
0x35: {  	s10 =	sld [smem:$0x3FB8];
	_ =	sdelay $0x3  }
0x36: {  	p1 =	seq.s32 s10, $0x1;
	s10 =	sld [smem:$0x3FB9];
	_ =	sdelay $0x3  }
0x37: {  	[smem:$0x3FB9] =	sst s10  }
0x38: {  	s10 =	sld [smem:$0x3FBA]  }
0x39: {  	_ = 	snop;
	(pc) =	sbr.ind lr, $3  }
0x3a: {  	_ = 	snop  }
0x3b: {  	_ = 	snop  }
0x3c: {  	p2 =	seq.s32 s10, $0x1;
	s10 =	sld [smem:$0x3FB9]  }
0x3d: {  	_ =	shalt  }
0x3e: {  	_ =	shalt  }
0x3f: {  	_ =	shalt  }
0x40: {  	_ =	shalt  }
0x41: {  	_ =	shalt  }
0x42: {  	_ =	shalt  }
0x43: {  	_ =	shalt  }
0x44: {  	_ =	shalt  }
0x45: {  	_ =	shalt  }
0x46: {  	_ =	shalt  }
0x47: {  	_ =	shalt  }
0x48: {  	_ =	shalt  }
0x49: {  	_ =	shalt  }
0x4a: {  	_ =	shalt  }
0x4b: {  	_ =	shalt  }
0x4c: {  	_ =	shalt  }
0x4d: {  	_ =	shalt  }
0x4e: {  	_ =	shalt  }
0x4f: {  	_ =	shalt  }
0x50: {  	_ =	shalt  }
0x51: {  	_ =	shalt  }
0x52: {  	_ =	shalt  }
0x53: {  	_ =	shalt  }
0x54: {  	_ =	shalt  }
0x55: {  	_ =	shalt  }
0x56: {  	_ =	shalt  }
0x57: {  	_ =	shalt  }
0x58: {  	_ =	shalt  }
0x59: {  	_ =	shalt  }
0x5a: {  	_ =	shalt  }
0x5b: {  	_ =	shalt  }
0x5c: {  	_ =	shalt  }
0x5d: {  	_ =	shalt  }
0x5e: {  	_ =	shalt  }
0x5f: {  	_ =	shalt  }
0x60: {  	_ =	shalt  }
0x61: {  	_ =	shalt  }
0x62: {  	_ =	shalt  }
0x63: {  	_ =	shalt  }
0x64: {  	_ =	shalt  }
0x65: {  	_ =	shalt  }
0x66: {  	_ =	shalt  }
0x67: {  	_ =	shalt  }
0x68: {  	_ =	shalt  }
0x69: {  	_ =	shalt  }
0x6a: {  	_ =	shalt  }
0x6b: {  	_ =	shalt  }
0x6c: {  	_ =	shalt  }
0x6d: {  	_ =	shalt  }
0x6e: {  	_ =	shalt  }
0x6f: {  	_ =	shalt  }
0x70: {  	_ =	shalt  }
0x71: {  	_ =	shalt  }
0x72: {  	_ =	shalt  }
0x73: {  	_ =	shalt  }
0x74: {  	_ =	shalt  }
0x75: {  	_ =	shalt  }
0x76: {  	_ =	shalt  }
0x77: {  	_ =	shalt  }
0x78: {  	_ =	shalt  }
0x79: {  	_ =	shalt  }
0x7a: {  	_ =	shalt  }
0x7b: {  	_ =	shalt  }
0x7c: {  	_ =	shalt  }
0x7d: {  	_ =	shalt  }
0x7e: {  	_ =	shalt  }
0x7f: {  	_ =	shalt  }
0x80: {  	_ =	shalt  }
0x81: {  	_ =	shalt  }
0x82: {  	_ =	shalt  }
0x83: {  	_ =	shalt  }
0x84: {  	_ =	shalt  }
0x85: {  	_ =	shalt  }
0x86: {  	_ =	shalt  }
0x87: {  	_ =	shalt  }
.Lfunc_end0:
.L_simem_size_0:
called_computation.1_lowered:
.L_overlay_start_0:
0x88: {  	s2 =	sld [smem:$0x3FD9]  }
0x89: {  	s3 =	sld [smem:$0x3FFE];
	_ =	sdelay $0x1  }
0x8a: {  	s1 =	srdreg.scid  }
0x8b: {  	s0 =	sand.u32 $0x1, s1  }
0x8c: {  	s17 =	sshll.u32 s0, $0xA;
	s2 =	sadd.s32 s3, s2  }
0x8d: {  	s2 =	sadd.s32 s2, s17  }
0x8e: {  	[smem:$0x3FC5] =	sst s2  }
0x8f: {  	_ = 	snop  }
0x90: {  	s2 =	sld [smem:$0x3FD0];
	(tm) =	ssettm $0x1  }
0x91: {  	s18 =	sld [smem:$0x3FFB];
	_ =	sdelay $0x3  }
0x92: {  	_ =	strace s18  }
0x93: {  	s3 =	sld [smem:$0x3FFC];
	_ =	sdelay $0x3  }
0x94: {  	_ =	strace s3  }
0x95: {  	s3 =	sld [smem:$0x3FFD];
	_ =	sdelay $0x3  }
0x96: {  	_ =	strace s3  }
0x97: {  	_ =	strace $0x8FFFFFFF  }
0x98: {  	s19 =	sld [smem:$0x3FDB];
	_ =	sdelay $0x1  }
0x99: {  	s4 =	simm.s32 $_scs_section_size  }
0x9a: {  	s5 =	simm.s32 $_size__tile_overlayer_lowered;
	s6 =	simm.s32 $_tile_overlayer_lowered  }
0x9b: {  	s22 =	simm.s32 $0x1BFF;
	s21 =	sshll.u32 s6, $0x1;
	s3 =	sadd.s32 s4, s19  }
0x9c: {  	s7 =	simm.s32 $0x0;
	s20 =	sshll.u32 s5, $0x1;
	s5 =	sadd.s32 s21, s3  }
0x9d: {  	[timem:s7], [sflag:s22] =	dma.local [hbm:s5], s20  }
0x9e: {  	_ =	swait.ge [sflag:s22], s20  }
0x9f: {  	s4 =	ssub.s32 $0x0, s20;
	[sflag:s22] =	ssyncset.done $0x0  }
0xa0: {  	[sflag:s22] =	ssyncadd.s32 s4;
	_ =	sdelay $0x1  }
0xa1: {  	s23 =	simm.s32 $0x1B8B  }
0xa2: {  	_ =	swait.ge [sflag:s23], $0x1  }
0xa3: {  	[sflag:s23] =	ssyncset.done $0x0  }
0xa4: {  	s25 =	simm.s32 $0x1B8E;
	s24 =	sld [smem:$0x3FFE];
	[sflag:s23] =	ssyncadd.s32 $0xFFFFFFFF  }
0xa5: {  	s26 =	simm.s32 $execute0_lowered;
	[smem:$0x3FD2] =	sst s25  }
0xa6: {  	s5 =	sshll.u32 s26, $0x1;
	_ =	strace $0x80000049;
	[dreg:$0x1] =	wrdreg $0xFFFFFFFF  }
0xa7: {  	s28 =	simm.s32 $_size_execute0_lowered;
	s3 =	sadd.s32 s3, s5;
	[dreg:$0x0] =	wrdreg $0x0  }
0xa8: {  	s5 =	sshll.u32 s28, $0x1;
	[dreg:$0x2] =	wrdreg s3  }
0xa9: {  	[dreg:$0x3] =	wrdreg s5  }
0xaa: {  	[dreg:$0x4] =	wrdreg $0xC0  }
0xab: {  	_ =	task [dreg:s7], $0x5FFFF  }
0xac: {  	[dreg:$0x1] =	wrdreg $0xFFFFFFFF  }
0xad: {  	[dreg:$0x0] =	wrdreg $0x60  }
0xae: {  	[dreg:$0x2] =	wrdreg s24  }
0xaf: {  	[dreg:$0x3] =	wrdreg s2  }
0xb0: {  	[dreg:$0x4] =	wrdreg $0x9  }
0xb1: {  	_ =	task.clear_ibuf [dreg:s7], $0x5FFFF;
	_ =	strace $0x90000049  }
0xb2: {  	s29 =	simm.s32 $0x9;
	_ =	strace $0x8000004B  }
0xb3: {  	_ =	swait.ge [sflag:s29], $0x1  }
0xb4: {  	[sflag:s29] =	ssyncadd.s32 $0xFFFFFFFF  }
0xb5: {  	_ =	strace $0x9000004B  }
0xb6: {  	_ =	sfence  }
0xb7: {  	s30 =	sld [smem:$0x0];
	_ =	sdelay $0x2  }
0xb8: {  	s31 =	sshll.u32 s1, $0xD;
	s1 =	sshrl.u32 s1, $0x2  }
0xb9: {  	s3 =	sand.u32 $0x4000, s31;
	s1 =	sadd.s32 s1, s30  }
0xba: {  	s0 =	sor.u32 s3, s0;
	s1 =	sshll.u32 s1, $0x11  }
0xbb: {  	s0 =	sor.u32 s1, s0  }
0xbc: {  	s0 =	sadd.s32 $0x8F2B, s0  }
0xbd: {  	[sflag:s0] =	ssyncadd.remote.s32 $0x1  }
0xbe: {  	_ =	sfence.sel $0xFFFF  }
0xbf: {  	[dreg:$0x0] =	wrdreg $0xFFFFFFFF;
	(pc) =	sbr.abs _section_cstart, $3  }
0xc0: {  	[dreg:$0x1] =	wrdreg $0xFFFFFFFF  }
0xc1: {  	_ =	task.clear_ibuf [dreg:s7], $0x2FFFF;
	_ =	strace $0x9FFFFFFF  }
0xc2: {  	(tm) =	ssettm $0x7FFFFFFF  }
0xc3: {  	_ =	shalt  }
tec
execute0_lowered:
.L_overlay_start_1:
0x0: {  	(tag) =	ssettag $0x1  }
0x1: {  	s0 =	srdreg.scid  }
0x2: {  	s4 =	sand.u32 $0x1, s0;
	s0 =	stileid.u32  }
0x3: {  	s5 =	sor.u32 s4, s0  }
0x4: {  	p0 =	sne.s32 s5, $0x0  }
.Ltmp0:
0x5: {  	_ = 	snop;
	(pc) =	sbr.rel @p0 .LBB2_5-.Ltmp0, $4  }
0x6: {  	_ = 	snop  }
0x7: {  	s3 =	rddreg [dreg:$0x0]  }
0x8: {  	s2 =	rddreg [dreg:$0x1]  }
0x9: {  	s1 =	rddreg [dreg:$0x2];
	_ =	strace $0x8000004A  }
0xa: {  	s4 =	ssub.s32 $0x2, s4;
	s3 =	sadd.s32 $0x5C00, s3  }
0xb: {  	s6 =	simm.s32 $0x1;
	s7 =	simm.s32 $0x400;
	s5 =	sshrl.u32 s4, $0x1  }
0xc: {  	s8 =	simm.s32 $0x0;
	s4 =	ssub.s32 s4, s5;
	s5 =	simm.s32 $0x0  }
.LBB2_2:
0xd: {  	[tilespmem:s5], [sflag:$0x1] =	stream.linear.gather [hbm4b:s3+s5], $0x400, $0x38;
	[tilespmem:$0x410] =	vst v63  }
0xe: {  	_ =	swait.ge [sflag:s6], $0x400  }
0xf: {  	[sflag:s6] =	ssyncset.done $0x0  }
0x10: {  	s10 =	simm.s32 $0x0;
	[sflag:s6] =	ssyncadd.s32 $0xFFFFFC00  }
0x11: {  	v1 =	vld [tilespmem:s10+$0x10]  }
0x12: {  	v0 =	vimm.f32 $0.0e+00;
	s9 =	simm.s32 $0x80;
	v2 =	vimm.f32 $0.0e+00;
	v3 =	vld [tilespmem:s10+$0x0]  }
.LBB2_3:
0x13: {  	p0 =	sne.s32 s9, $0xF80  }
.Ltmp1:
0x14: {  	_ = 	snop;
	(pc) =	sbr.rel @p0 .LBB2_3-.Ltmp1, $4  }
0x15: {  	_ = 	snop  }
0x16: {  	s10 =	sshra.s32 s9, $0x2;
	s9 =	sadd.s32 $0x80, s9;
	v0 =	vadd.f32 v1, v0  }
0x17: {  	v1 =	vld [tilespmem:s10+$0x10];
	v2 =	vadd.f32 v3, v2  }
0x18: {  	v3 =	vld [tilespmem:s10+$0x0]  }
0x19: {  	_ =	sdelay $0x3  }
0x1a: {  	v2 =	vadd.f32 v3, v2  }
0x1b: {  	v0 =	vadd.f32 v1, v0  }
0x1c: {  	(xrf2) =	vadd.scan.msk.f32 $0xffff, v2  }
0x1d: {  	(xrf2) =	vadd.scan.msk.f32 $0xffff, v0;
	_ =	sdelay $0x8  }
0x1e: {  	v61, _, _ =	vpop (xrf2)  }
0x1f: {  	v62, _, _ =	vpop (xrf2)  }
0x20: {  	v1 =	vadd.f32 $0.0e+00, v62;
	_ =	sdelay $0x1  }
0x21: {  	v1 =	vbroadcast v1, $0xF;
	_ =	sdelay $0x1  }
0x22: {  	v63 =	vmax.f32 v1, $1.000000000e+00  }
0x23: {  	(erf) = vrcp.f32 v63;
	_ =	sdelay $0x5  }
0x24: {  	v0 =	vadd.f32 $0.0e+00, v61;
	_ =	sdelay $0x1  }
0x25: {  	v0 =	vbroadcast v0, $0xF  }
0x26: {  	v2 =	vpop (erf)  }
0x27: {  	v0 =	vmul.f32 v2, v0  }
0x28: {  	s8 =	sadd.s32 $0x1, s8;
	vm0 =	vgt.f32 v1, $0.0e+00  }
0x29: {  	p0 =	sne.s32 s8, s4;
	v0 =	vnsel vm0, $0x0, v0  }
.Ltmp2:
0x2a: {  	[tilespmem:$0x400] =	vst v0;
	(pc) =	sbr.rel @p0 .LBB2_2-.Ltmp2, $4  }
0x2b: {  	[hbm4b:s2+s5] =	stream.linear.scatter [tilespmem:s7], [sflag:$0x1], $0x10, $0x38;
	[tilespmem:$0x410] =	vst v63  }
0x2c: {  	_ =	swait.ge [sflag:s6], $0x10  }
0x2d: {  	[sflag:s6] =	ssyncset.done $0x0  }
0x2e: {  	[sflag:s6] =	ssyncadd.s32 $0xFFFFFFF0  }
.LBB2_5:
0x2f: {  	_ =	sfence.sel $0x180000  }
0x30: {  	[bflag:$0x0] =	sbarrier.arrive $0xFFFF  }
0x31: {  	p0 =	sne.s32 s0, $0x0;
	_ =	strace $0x9000004A  }
0x32: {  	s0 =	sadd.s32 @!p0 $0x100000, s1;
	[bflag:$0x2] =	sbarrier.arrive $0xFFFF  }
0x33: {  	[sflag:s0] =	ssyncadd.tile.s32 @!p0 $0x1;
	_ =	shalt  }
.Lfunc_end2:
_tile_overlayer_lowered:
.L_overlay_start_2:
0x34: {  	(tag) =	ssettag $0x2  }
0x35: {  	s0 =	rddreg [dreg:$0x0];
	s2 =	stileid.u32  }
0x36: {  	s1 =	rddreg [dreg:$0x1];
	p0 =	sne.s32 s2, $0x0  }
0x37: {  	s3 =	rddreg [dreg:$0x2];
	[bflag:$0x3] =	sbarrier.arrive $0xFFFF;
	s2 =	simm.s32 @!p0 $0x1C01  }
0x38: {  	[timem:s3], [sflag:s2] =	dma.local @!p0 [hbm:s0], s1  }
0x39: {  	s0 =	simm.s32 @!p0 $0x1  }
0x3a: {  	_ =	swait.ge @!p0 [sflag:s0], s1  }
0x3b: {  	s1 =	ssub.s32 @!p0 $0x0, s1;
	[sflag:s0] =	ssyncset.done @!p0 $0x0  }
0x3c: {  	[sflag:s0] =	ssyncadd.s32 @!p0 s1  }
0x3d: {  	[bflag:$0x3] =	sbarrier.arrive $0xFFFF  }
0x3e: {  	_ =	shalt  }

</sc_bundles>
